<compile_context>
chip_gen: v7x
topology: tpu7x:2x2x1
jax: 0.10.2.dev20260603
libtpu: 0.0.44.dev20260713+nightly
codegen_flags: <defaults>
</compile_context>

<pallas_src>
import functools

import jax
import jax.numpy as jnp
from jax import lax
from jax.experimental import pallas as pl
from jax.experimental.pallas import tpu as pltpu
from jax.experimental.pallas import tpu_sc as plsc

NC, NS, L = 2, 16, 16
NW = NC * NS

N = 200000
NP = 200704
B_, H_, W_ = 4, 256, 256
PIX = B_ * H_ * W_
SENT = PIX
PIX_PER_W = PIX // NW
CHUNK = 4096
GCH = 128
CIN, CHID, COUT = 128, 32, 128
TILE = 8192


def _project_body(x_ref, y_ref, z_ref, bat_ref, cam_ref, pix_ref):
    x = x_ref[...]
    y = y_ref[...]
    z = z_ref[...]
    bat = bat_ref[...]
    u0 = jnp.zeros_like(x)
    v0 = jnp.zeros_like(x)
    w0 = jnp.zeros_like(x)
    for b in range(B_):
        c = [cam_ref[b * 12 + k] for k in range(12)]
        ub = x * c[0] + y * c[1] + z * c[2] + c[3]
        vb = x * c[4] + y * c[5] + z * c[6] + c[7]
        wb = x * c[8] + y * c[9] + z * c[10] + c[11]
        sel = bat == b
        u0 = jnp.where(sel, ub, u0)
        v0 = jnp.where(sel, vb, v0)
        w0 = jnp.where(sel, wb, w0)
    zz = jnp.abs(w0) + 1e-6
    u = jnp.tanh(u0 / zz)
    v = jnp.tanh(v0 / zz)
    up = jnp.clip(jnp.floor((u * 0.5 + 0.5) * W_), 0, W_ - 1).astype(jnp.int32)
    vp = jnp.clip(jnp.floor((v * 0.5 + 0.5) * H_), 0, H_ - 1).astype(jnp.int32)
    pix = bat * (H_ * W_) + vp * W_ + up
    pix_ref[...] = jnp.where(bat >= B_, SENT, pix)


def _project(x, y, z, bat, cam_flat):
    return pl.pallas_call(
        _project_body,
        out_shape=jax.ShapeDtypeStruct((NP // 128, 128), jnp.int32),
        in_specs=[
            pl.BlockSpec(memory_space=pltpu.VMEM),
            pl.BlockSpec(memory_space=pltpu.VMEM),
            pl.BlockSpec(memory_space=pltpu.VMEM),
            pl.BlockSpec(memory_space=pltpu.VMEM),
            pl.BlockSpec(memory_space=pltpu.SMEM),
        ],
        out_specs=pl.BlockSpec(memory_space=pltpu.VMEM),
    )(x, y, z, bat, cam_flat)


NCHUNKS = NP // CHUNK


def _winner_body(pix_hbm, winner_hbm, buf_v, map_v, cbuf_v, nbuf_v,
                 sem_a, sem_b):
    wid = lax.axis_index("s") * NC + lax.axis_index("c")
    base_pix = wid * PIX_PER_W
    lane = lax.iota(jnp.int32, L)
    shift_idx = jnp.minimum(lane + 1, L - 1)
    dnums = lax.GatherDimensionNumbers(
        offset_dims=(), collapsed_slice_dims=(0,), start_index_map=(0,))

    def init_body(i, _):
        map_v[pl.ds(i * L, L)] = jnp.full((L,), -1, jnp.int32)
        return 0
    lax.fori_loop(0, PIX_PER_W // L, init_body, 0)

    def stage(ci, slot, sem):
        return pltpu.make_async_copy(
            pix_hbm.at[pl.ds(ci * CHUNK, CHUNK)],
            buf_v.at[slot], sem)

    def process_chunk(ci, slot):
        def filter_body(j, off):
            pix = buf_v[slot, pl.ds(j * L, L)]
            inr = (pix >= base_pix) & (pix < base_pix + PIX_PER_W)
            cum = plsc.cumsum(inr.astype(jnp.int32))
            cnt = plsc.all_reduce_population_count(inr)
            dest = off + cum - 1
            n = ci * CHUNK + j * L + lane
            plsc.store_scatter(cbuf_v, [dest], pix, mask=inr)
            plsc.store_scatter(nbuf_v, [dest], n, mask=inr)
            return off + cnt

        off = plsc.parallel_loop(0, CHUNK // L, 1, unroll=8,
                                 carry=jnp.zeros((L,), jnp.int32))(filter_body)
        cnt_total = lax.reduce_max(off, axes=(0,))

        def dedup_body(t, _):
            pix_c = cbuf_v[pl.ds(t * L, L)]
            n_c = nbuf_v[pl.ds(t * L, L)]
            valid = (t * L + lane) < cnt_total
            pixx = jnp.where(valid, pix_c, SENT)
            key = pixx * L + lane
            skey, sn = plsc.sort_key_val(key, n_c)
            pix_s = lax.shift_right_logical(skey, 4)
            nxt = lax.gather(pix_s, shift_idx[:, None], dnums,
                             slice_sizes=(1,),
                             mode=lax.GatherScatterMode.PROMISE_IN_BOUNDS)
            run_last = (pix_s != nxt) | (lane == L - 1)
            valid_s = pix_s < SENT
            plsc.store_scatter(map_v, [pix_s - base_pix], sn,
                               mask=run_last & valid_s)
            return 0
        lax.fori_loop(0, (cnt_total + L - 1) // L, dedup_body, 0)

    stage(0, 0, sem_a).start()

    def pair_body(p, _):
        ca = 2 * p
        stage(ca, 0, sem_a).wait()
        stage(ca + 1, 1, sem_b).start()
        process_chunk(ca, 0)
        stage(ca + 1, 1, sem_b).wait()
        stage(ca + 2, 0, sem_a).start()
        process_chunk(ca + 1, 1)
        return 0
    lax.fori_loop(0, (NCHUNKS - 1) // 2, pair_body, 0)

    stage(NCHUNKS - 1, 0, sem_a).wait()
    process_chunk(NCHUNKS - 1, 0)

    pltpu.sync_copy(map_v, winner_hbm.at[pl.ds(base_pix, PIX_PER_W)])


@functools.cache
def _winner():
    return pl.kernel(
        _winner_body,
        out_type=jax.ShapeDtypeStruct((PIX,), jnp.int32),
        mesh=plsc.VectorSubcoreMesh(core_axis_name="c", subcore_axis_name="s"),
        scratch_types=[
            pltpu.VMEM((2, CHUNK), jnp.int32),
            pltpu.VMEM((PIX_PER_W,), jnp.int32),
            pltpu.VMEM((CHUNK,), jnp.int32),
            pltpu.VMEM((CHUNK,), jnp.int32),
            pltpu.SemaphoreType.DMA,
            pltpu.SemaphoreType.DMA,
        ],
        compiler_params=pltpu.CompilerParams(needs_layout_passes=False),
    )


SLAB = H_ * W_
ROWS_W = SLAB // NW
NCH = ROWS_W // GCH
RBUF = 4


def _gather_body(feat_hbm, win_hbm, g_hbm, idx_v, rows_v, sem_out, *sems):
    wid = lax.axis_index("s") * NC + lax.axis_index("c")
    base = wid * ROWS_W
    L_ = L

    pltpu.sync_copy(win_hbm.at[pl.ds(base, ROWS_W)], idx_v)
    lane = lax.iota(jnp.int32, L_)

    def clamp_body(i, _):
        v = idx_v[pl.ds(i * L_, L_)]
        dummy = (base + i * L_ + lane) & 0x1FFFF
        idx_v[pl.ds(i * L_, L_)] = jnp.where(v < 0, dummy, v)
        return 0
    lax.fori_loop(0, ROWS_W // L_, clamp_body, 0)

    def start_gather(g, b):
        pltpu.make_async_copy(
            feat_hbm.at[idx_v.at[pl.ds(g * GCH, GCH)]],
            rows_v.at[b], sems[b]).start()

    def finish_chunk(g, b):
        pltpu.make_async_copy(
            feat_hbm.at[idx_v.at[pl.ds(g * GCH, GCH)]],
            rows_v.at[b], sems[b]).wait()
        pltpu.async_copy(rows_v.at[b],
                         g_hbm.at[pl.ds(base + g * GCH, GCH)],
                         sem_out).wait()

    for b in range(RBUF):
        start_gather(b, b)

    def loop_body(ci, _):
        for b in range(RBUF):
            g = ci * RBUF + b
            finish_chunk(g, b)
            start_gather(g + RBUF, b)
        return 0
    lax.fori_loop(0, NCH // RBUF - 1, loop_body, 0)

    for b in range(RBUF):
        finish_chunk(NCH - RBUF + b, b)


@functools.cache
def _gather():
    return pl.kernel(
        _gather_body,
        out_type=jax.ShapeDtypeStruct((SLAB, CIN), jnp.float32),
        mesh=plsc.VectorSubcoreMesh(core_axis_name="c", subcore_axis_name="s"),
        scratch_types=[
            pltpu.VMEM((ROWS_W,), jnp.int32),
            pltpu.VMEM((RBUF, GCH, CIN), jnp.float32),
            pltpu.SemaphoreType.DMA,
        ] + [pltpu.SemaphoreType.DMA] * RBUF,
    )


def _mlp_body(g_ref, win_ref, w1_ref, b1_ref, w2_ref, b2_ref, w3_ref, b3_ref,
              zet_ref, *rest):
    out_ref = rest[-1]
    x = g_ref[...]
    h = jnp.dot(x, w1_ref[...], preferred_element_type=jnp.float32)
    h = jnp.maximum(h + b1_ref[...], 0.0)
    h = jnp.dot(h, w2_ref[...], preferred_element_type=jnp.float32)
    h = jnp.maximum(h + b2_ref[...], 0.0)
    o = jnp.dot(h, w3_ref[...], preferred_element_type=jnp.float32)
    o = o + b3_ref[...]
    ot = o.T
    has = win_ref[0] >= 0
    res = jnp.where(has, ot, zet_ref[...])
    out_ref[0] = res.reshape(COUT, TILE // W_, W_)


@functools.cache
def _mlp_slab(s):
    nsteps = SLAB // TILE
    rows = TILE // W_
    in_specs = [
        pl.BlockSpec((TILE, CIN), lambda i: (i, 0)),
        pl.BlockSpec((1, 1, TILE), lambda i: (i, 0, 0)),
        pl.BlockSpec((CIN, CHID), lambda i: (0, 0)),
        pl.BlockSpec((1, CHID), lambda i: (0, 0)),
        pl.BlockSpec((CHID, COUT), lambda i: (0, 0)),
        pl.BlockSpec((1, COUT), lambda i: (0, 0)),
        pl.BlockSpec((COUT, COUT), lambda i: (0, 0)),
        pl.BlockSpec((1, COUT), lambda i: (0, 0)),
        pl.BlockSpec((COUT, 1), lambda i: (0, 0)),
    ]
    kwargs = {}
    if s > 0:
        in_specs = in_specs + [pl.BlockSpec(memory_space=pl.ANY)]
        kwargs["input_output_aliases"] = {9: 0}
    return pl.pallas_call(
        _mlp_body,
        grid=(nsteps,),
        out_shape=jax.ShapeDtypeStruct((B_, COUT, H_, W_), jnp.float32),
        in_specs=in_specs,
        out_specs=pl.BlockSpec(
            (1, COUT, rows, W_), lambda i, s=s: (s, 0, i, 0)),
        compiler_params=pltpu.CompilerParams(
            dimension_semantics=("arbitrary",)),
        **kwargs,
    )


def kernel(pc_features, pc_pos, pc_batch, cam, W1, b1, W2, b2, W3, b3,
           zero_encoding, B, H, W):
    pad = NP - N
    x = jnp.pad(pc_pos[:, 0], (0, pad)).reshape(NP // 128, 128)
    y = jnp.pad(pc_pos[:, 1], (0, pad)).reshape(NP // 128, 128)
    z = jnp.pad(pc_pos[:, 2], (0, pad)).reshape(NP // 128, 128)
    bat = jnp.pad(jnp.clip(pc_batch, 0, B - 1).astype(jnp.int32), (0, pad),
                  constant_values=B_).reshape(NP // 128, 128)
    cam_flat = cam.reshape(-1)

    pix = _project(x, y, z, bat, cam_flat).reshape(NP)
    winner = _winner()(pix)
    win4d = winner.reshape(B_, SLAB // TILE, 1, TILE)
    weights = (W1, b1.reshape(1, CHID), W2, b2.reshape(1, COUT), W3,
               b3.reshape(1, COUT), zero_encoding.reshape(COUT, 1))
    gs = [_gather()(pc_features, lax.slice(winner, (s * SLAB,),
                                           ((s + 1) * SLAB,)))
          for s in range(B_)]
    out = _mlp_slab(0)(gs[0], win4d[0], *weights)
    for s in range(1, B_):
        out = _mlp_slab(s)(gs[s], win4d[s], *weights, out)
    return out

# --- scband reference (transcript-rebuilt; emitter-appended) ---
"""Pipeline reference for scband-projector-67233418052010 (READ-ONLY COPY).

The authoritative reference and input builder live on the scoring server;
editing this copy changes nothing except your own understanding.
"""

import jax, jax.numpy as jnp
import numpy as np

N = 200000
B_, H_, W_ = 4, 256, 256
CIN, CHID, COUT = 128, 32, 128


def setup_inputs(seed: int = 0) -> dict:
    key = jax.random.key(seed)
    ks = jax.random.split(key, 12)
    pc_features = jax.random.normal(ks[0], (N, CIN), dtype=jnp.float32)
    pc_pos = jax.random.uniform(ks[1], (N, 3), dtype=jnp.float32, minval=-1.0, maxval=1.0)
    pc_batch = jnp.sort(jax.random.randint(ks[2], (N,), 0, B_).astype(jnp.int32))
    cam = jax.random.normal(ks[3], (B_, 3, 4), dtype=jnp.float32)
    W1 = jax.random.normal(ks[4], (CIN, CHID), dtype=jnp.float32) * 0.02
    b1 = jnp.zeros((CHID,), jnp.float32)
    W2 = jax.random.normal(ks[5], (CHID, COUT), dtype=jnp.float32) * 0.02
    b2 = jnp.zeros((COUT,), jnp.float32)
    W3 = jax.random.normal(ks[6], (COUT, COUT), dtype=jnp.float32) * 0.02
    b3 = jnp.zeros((COUT,), jnp.float32)
    zero_encoding = jax.random.normal(ks[7], (1, COUT), dtype=jnp.float32) * 0.02
    return {"pc_features": pc_features, "pc_pos": pc_pos, "pc_batch": pc_batch,
            "cam": cam, "W1": W1, "b1": b1, "W2": W2, "b2": b2, "W3": W3, "b3": b3,
            "zero_encoding": zero_encoding, "B": B_, "H": H_, "W": W_}


def project_pc(cam, pc_features, pc_pos, pc_batch, B, H, W):
    n = pc_pos.shape[0]
    B_static = cam.shape[0]
    batch_idx = jnp.clip(pc_batch, 0, B - 1).astype(jnp.int32)
    pos_h = jnp.concatenate([pc_pos, jnp.ones((n, 1), pc_pos.dtype)], axis=1)
    uvw = jnp.einsum('nij,nj->ni', cam[batch_idx], pos_h)
    z = jnp.abs(uvw[:, 2]) + 1e-6
    u = jnp.tanh(uvw[:, 0] / z)
    v = jnp.tanh(uvw[:, 1] / z)
    u_pix = jnp.clip(jnp.floor((u * 0.5 + 0.5) * W), 0, W - 1).astype(jnp.int32)
    v_pix = jnp.clip(jnp.floor((v * 0.5 + 0.5) * H), 0, H - 1).astype(jnp.int32)
    img = jnp.zeros((B_static, pc_features.shape[1], H_, W_), pc_features.dtype)
    img = img.at[batch_idx, :, v_pix, u_pix].set(pc_features)
    uv_map = jnp.stack([u_pix, v_pix], axis=1)
    return img, uv_map, batch_idx


def reference(pc_features, pc_pos, pc_batch, cam, W1, b1, W2, b2, W3, b3, zero_encoding, B, H, W):
    # MLP([in_chans, in_chans//4, out_chans]) -> Linear,ReLU,Linear; then ReLU + Linear (linear_mapping)
    h = jax.nn.relu(pc_features @ W1 + b1)
    h = h @ W2 + b2
    h = jax.nn.relu(h)
    h = h @ W3 + b3
    img, uv_map, batch_idx = project_pc(cam, h, pc_pos, pc_batch, B, H, W)
    # zero_encoding fill for pixels with no lidar hit
    no_lidar = jnp.ones((cam.shape[0], H_, W_), img.dtype)
    no_lidar = no_lidar.at[batch_idx, uv_map[:, 1], uv_map[:, 0]].set(0.0)
    ze = zero_encoding.reshape(1, -1, 1, 1)
    out = jnp.where(no_lidar[:, None, :, :] > 0.5, ze, img)
    return out

if __name__ == "__main__":
    import jax
    _d = setup_inputs()
    print(jax.jit(kernel)(*tuple(_d.values())))

</pallas_src>

<mosaic_0001>
#map = affine_map<(d0, d1) -> (0, 0)>
#map1 = affine_map<(d0, d1) -> (0)>
module attributes {stable_mosaic.version = 14 : i64} {
  func.func @_gather_body(%arg0: i32, %arg1: i32, %arg2: memref<200000x128xf32, #tpu.memory_space<hbm>>, %arg3: memref<65536xi32, #tpu.memory_space<hbm>>, %arg4: memref<65536x128xf32, #tpu.memory_space<hbm>>, %arg5: memref<2048xi32, #tpu.memory_space<vmem>>, %arg6: memref<4x128x128xf32, #tpu.memory_space<vmem>>, %arg7: memref<!tpu.dma_semaphore, #tpu.memory_space<semaphore_mem>>, %arg8: memref<!tpu.dma_semaphore, #tpu.memory_space<semaphore_mem>>, %arg9: memref<!tpu.dma_semaphore, #tpu.memory_space<semaphore_mem>>, %arg10: memref<!tpu.dma_semaphore, #tpu.memory_space<semaphore_mem>>, %arg11: memref<!tpu.dma_semaphore, #tpu.memory_space<semaphore_mem>>) attributes {dimension_semantics = [#tpu.dimension_semantics<core_parallel>, #tpu.dimension_semantics<subcore_parallel>], iteration_bounds = array<i64: 2, 16>, scalar_prefetch = 0 : i64, scratch_operands = 7 : i64, tpu.core_type = #tpu.core_type<sc_vector_subcore>, window_params = [{transform_indices = #map}, {transform_indices = #map1}, {transform_indices = #map}]} {
    %mul3A = arith.constant 2 : i32
    %mul3A_0 = arith.muli %arg1, %mul3A : i32
    %add3A = arith.addi %mul3A_0, %arg0 : i32
    %mul3A_1 = arith.constant 2048 : i32
    %mul3A_2 = arith.muli %add3A, %mul3A_1 : i32
    "tpu.region"() ({
      %run_scoped3A = tpu.sem_alloc : memref<!tpu.dma_semaphore, #tpu.memory_space<semaphore_mem>>
      %dma_start3A_206 = tpu.memref_slice %arg3[%mul3A_2] : memref<65536xi32, #tpu.memory_space<hbm>> -> memref<2048xi32, #tpu.memory_space<hbm>>
      %dma_start3A_207 = tpu.memref_slice %arg3[%mul3A_2] : memref<65536xi32, #tpu.memory_space<hbm>> -> memref<2048xi32, #tpu.memory_space<hbm>>
      tpu.enqueue_dma source(%dma_start3A_207 : memref<2048xi32, #tpu.memory_space<hbm>>) target(%arg5 : memref<2048xi32, #tpu.memory_space<vmem>>) target_semaphore(%run_scoped3A : memref<!tpu.dma_semaphore, #tpu.memory_space<semaphore_mem>>)
      %dma_wait3A_208 = tpu.memref_slice %arg3[%mul3A_2] : memref<65536xi32, #tpu.memory_space<hbm>> -> memref<2048xi32, #tpu.memory_space<hbm>>
      %dma_wait3A_209 = tpu.memref_slice %arg3[%mul3A_2] : memref<65536xi32, #tpu.memory_space<hbm>> -> memref<2048xi32, #tpu.memory_space<hbm>>
      tpu.wait_dma2 semaphore(%run_scoped3A : memref<!tpu.dma_semaphore, #tpu.memory_space<semaphore_mem>>) src(%dma_wait3A_209 : memref<2048xi32, #tpu.memory_space<hbm>>) dst(%arg5 : memref<2048xi32, #tpu.memory_space<vmem>>)
      tpu.yield
    }) : () -> ()
    %iota3A = tpu.iota {dimensions = array<i32: 0>} : vector<16xi32>
    %scan3A = arith.constant 0 : i32
    %scan3A_3 = arith.constant 0 : i32
    %scan3A_4 = arith.constant 128 : i32
    %scan3A_5 = arith.addi %scan3A_3, %scan3A_4 : i32
    %scan3A_6 = arith.constant 1 : i32
    %scan3A_7 = scf.for %scan3A_206 = %scan3A_3 to %scan3A_5 step %scan3A_6 iter_args(%scan3A_207 = %scan3A) -> (i32)  : i32 {
      %mul3A_208 = arith.constant 16 : i32
      %mul3A_209 = arith.muli %scan3A_206, %mul3A_208 : i32
      %get3A = arith.index_cast %mul3A_209 : i32 to index
      %get3A_210 = tpu.vector_load %arg5[%get3A] {strides = array<i32>} : memref<2048xi32, #tpu.memory_space<vmem>>, vector<16xi32>,
      %get3A_211 = vector.shape_cast %get3A_210 : vector<16xi32> to vector<16xi32>
      %mul3A_212 = arith.constant 16 : i32
      %mul3A_213 = arith.muli %scan3A_206, %mul3A_212 : i32
      %add3A_214 = arith.addi %mul3A_2, %mul3A_213 : i32
      %add3A_215 = vector.broadcast %add3A_214 : i32 to vector<16xi32>
      %add3A_216 = arith.addi %add3A_215, %iota3A : vector<16xi32>
      %and3A = arith.constant 131071 : i32
      %and3A_217 = vector.broadcast %and3A : i32 to vector<16xi32>
      %and3A_218 = arith.andi %add3A_216, %and3A_217 : vector<16xi32>
      %lt3A = arith.constant 0 : i32
      %lt3A_219 = vector.broadcast %lt3A : i32 to vector<16xi32>
      %lt3A_220 = arith.cmpi slt, %get3A_211, %lt3A_219 : vector<16xi32>
      %select_n3A = arith.select %lt3A_220, %and3A_218, %get3A_211 : vector<16xi1>, vector<16xi32>
      %mul3A_221 = arith.constant 16 : i32
      %mul3A_222 = arith.muli %scan3A_206, %mul3A_221 : i32
      %swap3A = arith.index_cast %mul3A_222 : i32 to index
      %swap3A_223 = tpu.vector_load %arg5[%swap3A] {strides = array<i32>} : memref<2048xi32, #tpu.memory_space<vmem>>, vector<16xi32>,
      %swap3A_224 = vector.shape_cast %swap3A_223 : vector<16xi32> to vector<16xi32>
      %swap3A_225 = vector.shape_cast %select_n3A : vector<16xi32> to vector<16xi32>
      tpu.vector_store %arg5[%swap3A], %swap3A_225 {strides = array<i32>} : memref<2048xi32, #tpu.memory_space<vmem>>, vector<16xi32>,
      %scan3A_226 = arith.constant 0 : i32
      scf.yield %scan3A_226 : i32
    }
    %scan3A_8 = arith.constant 128 : i32
    %dma_start3A = arith.constant 0 : i32
    %dma_start3A_9 = arith.constant 0 : i32
    %dma_start3A_10 = arith.constant 0 : i32
    %dma_start3A_11 = tpu.memref_slice %arg6[%dma_start3A, %dma_start3A_9, %dma_start3A_10] : memref<4x128x128xf32, #tpu.memory_space<vmem>> -> memref<1x128x128xf32, #tpu.memory_space<vmem>>
    %dma_start3A_12 = tpu.memref_squeeze %dma_start3A_11 : memref<1x128x128xf32, #tpu.memory_space<vmem>> -> memref<128x128xf32, #tpu.memory_space<vmem>>
    %dma_start3A_13 = arith.constant 0 : i32
    %dma_start3A_14 = tpu.memref_slice %arg5[%dma_start3A_13] : memref<2048xi32, #tpu.memory_space<vmem>> -> memref<128xi32, #tpu.memory_space<vmem>>
    %dma_start3A_15 = arith.constant 0 : i32
    %dma_start3A_16 = arith.constant 0 : i32
    %dma_start3A_17 = tpu.memref_slice %arg2[%dma_start3A_15, %dma_start3A_16] : memref<200000x128xf32, #tpu.memory_space<hbm>> -> memref<200000x128xf32, #tpu.memory_space<hbm>>
    tpu.enqueue_indirect_dma source(%dma_start3A_17 : memref<200000x128xf32, #tpu.memory_space<hbm>>) target(%dma_start3A_12 : memref<128x128xf32, #tpu.memory_space<vmem>>) offsets(%dma_start3A_14 : memref<128xi32, #tpu.memory_space<vmem>>) semaphore(%arg8 : memref<!tpu.dma_semaphore, #tpu.memory_space<semaphore_mem>>)
    %dma_start3A_18 = arith.constant 1 : i32
    %dma_start3A_19 = arith.constant 0 : i32
    %dma_start3A_20 = arith.constant 0 : i32
    %dma_start3A_21 = tpu.memref_slice %arg6[%dma_start3A_18, %dma_start3A_19, %dma_start3A_20] : memref<4x128x128xf32, #tpu.memory_space<vmem>> -> memref<1x128x128xf32, #tpu.memory_space<vmem>>
    %dma_start3A_22 = tpu.memref_squeeze %dma_start3A_21 : memref<1x128x128xf32, #tpu.memory_space<vmem>> -> memref<128x128xf32, #tpu.memory_space<vmem>>
    %dma_start3A_23 = arith.constant 128 : i32
    %dma_start3A_24 = tpu.memref_slice %arg5[%dma_start3A_23] : memref<2048xi32, #tpu.memory_space<vmem>> -> memref<128xi32, #tpu.memory_space<vmem>>
    %dma_start3A_25 = arith.constant 0 : i32
    %dma_start3A_26 = arith.constant 0 : i32
    %dma_start3A_27 = tpu.memref_slice %arg2[%dma_start3A_25, %dma_start3A_26] : memref<200000x128xf32, #tpu.memory_space<hbm>> -> memref<200000x128xf32, #tpu.memory_space<hbm>>
    tpu.enqueue_indirect_dma source(%dma_start3A_27 : memref<200000x128xf32, #tpu.memory_space<hbm>>) target(%dma_start3A_22 : memref<128x128xf32, #tpu.memory_space<vmem>>) offsets(%dma_start3A_24 : memref<128xi32, #tpu.memory_space<vmem>>) semaphore(%arg9 : memref<!tpu.dma_semaphore, #tpu.memory_space<semaphore_mem>>)
    %dma_start3A_28 = arith.constant 2 : i32
    %dma_start3A_29 = arith.constant 0 : i32
    %dma_start3A_30 = arith.constant 0 : i32
    %dma_start3A_31 = tpu.memref_slice %arg6[%dma_start3A_28, %dma_start3A_29, %dma_start3A_30] : memref<4x128x128xf32, #tpu.memory_space<vmem>> -> memref<1x128x128xf32, #tpu.memory_space<vmem>>
    %dma_start3A_32 = tpu.memref_squeeze %dma_start3A_31 : memref<1x128x128xf32, #tpu.memory_space<vmem>> -> memref<128x128xf32, #tpu.memory_space<vmem>>
    %dma_start3A_33 = arith.constant 256 : i32
    %dma_start3A_34 = tpu.memref_slice %arg5[%dma_start3A_33] : memref<2048xi32, #tpu.memory_space<vmem>> -> memref<128xi32, #tpu.memory_space<vmem>>
    %dma_start3A_35 = arith.constant 0 : i32
    %dma_start3A_36 = arith.constant 0 : i32
    %dma_start3A_37 = tpu.memref_slice %arg2[%dma_start3A_35, %dma_start3A_36] : memref<200000x128xf32, #tpu.memory_space<hbm>> -> memref<200000x128xf32, #tpu.memory_space<hbm>>
    tpu.enqueue_indirect_dma source(%dma_start3A_37 : memref<200000x128xf32, #tpu.memory_space<hbm>>) target(%dma_start3A_32 : memref<128x128xf32, #tpu.memory_space<vmem>>) offsets(%dma_start3A_34 : memref<128xi32, #tpu.memory_space<vmem>>) semaphore(%arg10 : memref<!tpu.dma_semaphore, #tpu.memory_space<semaphore_mem>>)
    %dma_start3A_38 = arith.constant 3 : i32
    %dma_start3A_39 = arith.constant 0 : i32
    %dma_start3A_40 = arith.constant 0 : i32
    %dma_start3A_41 = tpu.memref_slice %arg6[%dma_start3A_38, %dma_start3A_39, %dma_start3A_40] : memref<4x128x128xf32, #tpu.memory_space<vmem>> -> memref<1x128x128xf32, #tpu.memory_space<vmem>>
    %dma_start3A_42 = tpu.memref_squeeze %dma_start3A_41 : memref<1x128x128xf32, #tpu.memory_space<vmem>> -> memref<128x128xf32, #tpu.memory_space<vmem>>
    %dma_start3A_43 = arith.constant 384 : i32
    %dma_start3A_44 = tpu.memref_slice %arg5[%dma_start3A_43] : memref<2048xi32, #tpu.memory_space<vmem>> -> memref<128xi32, #tpu.memory_space<vmem>>
    %dma_start3A_45 = arith.constant 0 : i32
    %dma_start3A_46 = arith.constant 0 : i32
    %dma_start3A_47 = tpu.memref_slice %arg2[%dma_start3A_45, %dma_start3A_46] : memref<200000x128xf32, #tpu.memory_space<hbm>> -> memref<200000x128xf32, #tpu.memory_space<hbm>>
    tpu.enqueue_indirect_dma source(%dma_start3A_47 : memref<200000x128xf32, #tpu.memory_space<hbm>>) target(%dma_start3A_42 : memref<128x128xf32, #tpu.memory_space<vmem>>) offsets(%dma_start3A_44 : memref<128xi32, #tpu.memory_space<vmem>>) semaphore(%arg11 : memref<!tpu.dma_semaphore, #tpu.memory_space<semaphore_mem>>)
    %scan3A_48 = arith.constant 0 : i32
    %scan3A_49 = arith.constant 0 : i32
    %scan3A_50 = arith.constant 3 : i32
    %scan3A_51 = arith.addi %scan3A_49, %scan3A_50 : i32
    %scan3A_52 = arith.constant 1 : i32
    %scan3A_53 = scf.for %scan3A_206 = %scan3A_49 to %scan3A_51 step %scan3A_52 iter_args(%scan3A_207 = %scan3A_48) -> (i32)  : i32 {
      %mul3A_208 = arith.constant 4 : i32
      %mul3A_209 = arith.muli %scan3A_206, %mul3A_208 : i32
      %add3A_210 = arith.constant 0 : i32
      %add3A_211 = arith.addi %mul3A_209, %add3A_210 : i32
      %mul3A_212 = arith.constant 128 : i32
      %mul3A_213 = arith.muli %add3A_211, %mul3A_212 : i32
      %dma_wait3A_214 = arith.constant 0 : i32
      %dma_wait3A_215 = arith.constant 0 : i32
      %dma_wait3A_216 = arith.constant 0 : i32
      %dma_wait3A_217 = tpu.memref_slice %arg6[%dma_wait3A_214, %dma_wait3A_215, %dma_wait3A_216] : memref<4x128x128xf32, #tpu.memory_space<vmem>> -> memref<1x128x128xf32, #tpu.memory_space<vmem>>
      %dma_wait3A_218 = tpu.memref_squeeze %dma_wait3A_217 : memref<1x128x128xf32, #tpu.memory_space<vmem>> -> memref<128x128xf32, #tpu.memory_space<vmem>>
      %dma_wait3A_219 = tpu.memref_slice %arg5[%mul3A_213] : memref<2048xi32, #tpu.memory_space<vmem>> -> memref<128xi32, #tpu.memory_space<vmem>>
      %dma_wait3A_220 = arith.constant 0 : i32
      %dma_wait3A_221 = arith.constant 0 : i32
      %dma_wait3A_222 = tpu.memref_slice %arg2[%dma_wait3A_220, %dma_wait3A_221] : memref<200000x128xf32, #tpu.memory_space<hbm>> -> memref<200000x128xf32, #tpu.memory_space<hbm>>
      tpu.wait_indirect_dma semaphore(%arg8 : memref<!tpu.dma_semaphore, #tpu.memory_space<semaphore_mem>>) src(%dma_wait3A_222 : memref<200000x128xf32, #tpu.memory_space<hbm>>) dst(%dma_wait3A_218 : memref<128x128xf32, #tpu.memory_space<vmem>>)
      %mul3A_223 = arith.constant 128 : i32
      %mul3A_224 = arith.muli %add3A_211, %mul3A_223 : i32
      %add3A_225 = arith.addi %mul3A_2, %mul3A_224 : i32
      %dma_start3A_226 = arith.constant 0 : i32
      %dma_start3A_227 = arith.constant 0 : i32
      %dma_start3A_228 = arith.constant 0 : i32
      %dma_start3A_229 = tpu.memref_slice %arg6[%dma_start3A_226, %dma_start3A_227, %dma_start3A_228] : memref<4x128x128xf32, #tpu.memory_space<vmem>> -> memref<1x128x128xf32, #tpu.memory_space<vmem>>
      %dma_start3A_230 = tpu.memref_squeeze %dma_start3A_229 : memref<1x128x128xf32, #tpu.memory_space<vmem>> -> memref<128x128xf32, #tpu.memory_space<vmem>>
      %dma_start3A_231 = arith.constant 0 : i32
      %dma_start3A_232 = tpu.memref_slice %arg4[%add3A_225, %dma_start3A_231] : memref<65536x128xf32, #tpu.memory_space<hbm>> -> memref<128x128xf32, #tpu.memory_space<hbm>>
      %dma_start3A_233 = arith.constant 0 : i32
      %dma_start3A_234 = tpu.memref_slice %arg4[%add3A_225, %dma_start3A_233] : memref<65536x128xf32, #tpu.memory_space<hbm>> -> memref<128x128xf32, #tpu.memory_space<hbm>>
      %dma_start3A_235 = arith.constant 0 : i32
      %dma_start3A_236 = arith.constant 0 : i32
      %dma_start3A_237 = tpu.memref_slice %arg6[%dma_start3A_226, %dma_start3A_235, %dma_start3A_236] : memref<4x128x128xf32, #tpu.memory_space<vmem>> -> memref<1x128x128xf32, #tpu.memory_space<vmem>>
      %dma_start3A_238 = tpu.memref_squeeze %dma_start3A_237 : memref<1x128x128xf32, #tpu.memory_space<vmem>> -> memref<128x128xf32, #tpu.memory_space<vmem>>
      tpu.enqueue_dma source(%dma_start3A_238 : memref<128x128xf32, #tpu.memory_space<vmem>>) target(%dma_start3A_234 : memref<128x128xf32, #tpu.memory_space<hbm>>) target_semaphore(%arg7 : memref<!tpu.dma_semaphore, #tpu.memory_space<semaphore_mem>>)
      %dma_wait3A_239 = arith.constant 0 : i32
      %dma_wait3A_240 = arith.constant 0 : i32
      %dma_wait3A_241 = arith.constant 0 : i32
      %dma_wait3A_242 = tpu.memref_slice %arg6[%dma_wait3A_239, %dma_wait3A_240, %dma_wait3A_241] : memref<4x128x128xf32, #tpu.memory_space<vmem>> -> memref<1x128x128xf32, #tpu.memory_space<vmem>>
      %dma_wait3A_243 = tpu.memref_squeeze %dma_wait3A_242 : memref<1x128x128xf32, #tpu.memory_space<vmem>> -> memref<128x128xf32, #tpu.memory_space<vmem>>
      %dma_wait3A_244 = arith.constant 0 : i32
      %dma_wait3A_245 = tpu.memref_slice %arg4[%add3A_225, %dma_wait3A_244] : memref<65536x128xf32, #tpu.memory_space<hbm>> -> memref<128x128xf32, #tpu.memory_space<hbm>>
      %dma_wait3A_246 = arith.constant 0 : i32
      %dma_wait3A_247 = tpu.memref_slice %arg4[%add3A_225, %dma_wait3A_246] : memref<65536x128xf32, #tpu.memory_space<hbm>> -> memref<128x128xf32, #tpu.memory_space<hbm>>
      %dma_wait3A_248 = arith.constant 0 : i32
      %dma_wait3A_249 = arith.constant 0 : i32
      %dma_wait3A_250 = tpu.memref_slice %arg6[%dma_wait3A_239, %dma_wait3A_248, %dma_wait3A_249] : memref<4x128x128xf32, #tpu.memory_space<vmem>> -> memref<1x128x128xf32, #tpu.memory_space<vmem>>
      %dma_wait3A_251 = tpu.memref_squeeze %dma_wait3A_250 : memref<1x128x128xf32, #tpu.memory_space<vmem>> -> memref<128x128xf32, #tpu.memory_space<vmem>>
      tpu.wait_dma2 semaphore(%arg7 : memref<!tpu.dma_semaphore, #tpu.memory_space<semaphore_mem>>) src(%dma_wait3A_251 : memref<128x128xf32, #tpu.memory_space<vmem>>) dst(%dma_wait3A_247 : memref<128x128xf32, #tpu.memory_space<hbm>>)
      %add3A_252 = arith.constant 4 : i32
      %add3A_253 = arith.addi %add3A_211, %add3A_252 : i32
      %mul3A_254 = arith.constant 128 : i32
      %mul3A_255 = arith.muli %add3A_253, %mul3A_254 : i32
      %dma_start3A_256 = arith.constant 0 : i32
      %dma_start3A_257 = arith.constant 0 : i32
      %dma_start3A_258 = arith.constant 0 : i32
      %dma_start3A_259 = tpu.memref_slice %arg6[%dma_start3A_256, %dma_start3A_257, %dma_start3A_258] : memref<4x128x128xf32, #tpu.memory_space<vmem>> -> memref<1x128x128xf32, #tpu.memory_space<vmem>>
      %dma_start3A_260 = tpu.memref_squeeze %dma_start3A_259 : memref<1x128x128xf32, #tpu.memory_space<vmem>> -> memref<128x128xf32, #tpu.memory_space<vmem>>
      %dma_start3A_261 = tpu.memref_slice %arg5[%mul3A_255] : memref<2048xi32, #tpu.memory_space<vmem>> -> memref<128xi32, #tpu.memory_space<vmem>>
      %dma_start3A_262 = arith.constant 0 : i32
      %dma_start3A_263 = arith.constant 0 : i32
      %dma_start3A_264 = tpu.memref_slice %arg2[%dma_start3A_262, %dma_start3A_263] : memref<200000x128xf32, #tpu.memory_space<hbm>> -> memref<200000x128xf32, #tpu.memory_space<hbm>>
      tpu.enqueue_indirect_dma source(%dma_start3A_264 : memref<200000x128xf32, #tpu.memory_space<hbm>>) target(%dma_start3A_260 : memref<128x128xf32, #tpu.memory_space<vmem>>) offsets(%dma_start3A_261 : memref<128xi32, #tpu.memory_space<vmem>>) semaphore(%arg8 : memref<!tpu.dma_semaphore, #tpu.memory_space<semaphore_mem>>)
      %mul3A_265 = arith.constant 4 : i32
      %mul3A_266 = arith.muli %scan3A_206, %mul3A_265 : i32
      %add3A_267 = arith.constant 1 : i32
      %add3A_268 = arith.addi %mul3A_266, %add3A_267 : i32
      %mul3A_269 = arith.constant 128 : i32
      %mul3A_270 = arith.muli %add3A_268, %mul3A_269 : i32
      %dma_wait3A_271 = arith.constant 1 : i32
      %dma_wait3A_272 = arith.constant 0 : i32
      %dma_wait3A_273 = arith.constant 0 : i32
      %dma_wait3A_274 = tpu.memref_slice %arg6[%dma_wait3A_271, %dma_wait3A_272, %dma_wait3A_273] : memref<4x128x128xf32, #tpu.memory_space<vmem>> -> memref<1x128x128xf32, #tpu.memory_space<vmem>>
      %dma_wait3A_275 = tpu.memref_squeeze %dma_wait3A_274 : memref<1x128x128xf32, #tpu.memory_space<vmem>> -> memref<128x128xf32, #tpu.memory_space<vmem>>
      %dma_wait3A_276 = tpu.memref_slice %arg5[%mul3A_270] : memref<2048xi32, #tpu.memory_space<vmem>> -> memref<128xi32, #tpu.memory_space<vmem>>
      %dma_wait3A_277 = arith.constant 0 : i32
      %dma_wait3A_278 = arith.constant 0 : i32
      %dma_wait3A_279 = tpu.memref_slice %arg2[%dma_wait3A_277, %dma_wait3A_278] : memref<200000x128xf32, #tpu.memory_space<hbm>> -> memref<200000x128xf32, #tpu.memory_space<hbm>>
      tpu.wait_indirect_dma semaphore(%arg9 : memref<!tpu.dma_semaphore, #tpu.memory_space<semaphore_mem>>) src(%dma_wait3A_279 : memref<200000x128xf32, #tpu.memory_space<hbm>>) dst(%dma_wait3A_275 : memref<128x128xf32, #tpu.memory_space<vmem>>)
      %mul3A_280 = arith.constant 128 : i32
      %mul3A_281 = arith.muli %add3A_268, %mul3A_280 : i32
      %add3A_282 = arith.addi %mul3A_2, %mul3A_281 : i32
      %dma_start3A_283 = arith.constant 1 : i32
      %dma_start3A_284 = arith.constant 0 : i32
      %dma_start3A_285 = arith.constant 0 : i32
      %dma_start3A_286 = tpu.memref_slice %arg6[%dma_start3A_283, %dma_start3A_284, %dma_start3A_285] : memref<4x128x128xf32, #tpu.memory_space<vmem>> -> memref<1x128x128xf32, #tpu.memory_space<vmem>>
      %dma_start3A_287 = tpu.memref_squeeze %dma_start3A_286 : memref<1x128x128xf32, #tpu.memory_space<vmem>> -> memref<128x128xf32, #tpu.memory_space<vmem>>
      %dma_start3A_288 = arith.constant 0 : i32
      %dma_start3A_289 = tpu.memref_slice %arg4[%add3A_282, %dma_start3A_288] : memref<65536x128xf32, #tpu.memory_space<hbm>> -> memref<128x128xf32, #tpu.memory_space<hbm>>
      %dma_start3A_290 = arith.constant 0 : i32
      %dma_start3A_291 = tpu.memref_slice %arg4[%add3A_282, %dma_start3A_290] : memref<65536x128xf32, #tpu.memory_space<hbm>> -> memref<128x128xf32, #tpu.memory_space<hbm>>
      %dma_start3A_292 = arith.constant 0 : i32
      %dma_start3A_293 = arith.constant 0 : i32
      %dma_start3A_294 = tpu.memref_slice %arg6[%dma_start3A_283, %dma_start3A_292, %dma_start3A_293] : memref<4x128x128xf32, #tpu.memory_space<vmem>> -> memref<1x128x128xf32, #tpu.memory_space<vmem>>
      %dma_start3A_295 = tpu.memref_squeeze %dma_start3A_294 : memref<1x128x128xf32, #tpu.memory_space<vmem>> -> memref<128x128xf32, #tpu.memory_space<vmem>>
      tpu.enqueue_dma source(%dma_start3A_295 : memref<128x128xf32, #tpu.memory_space<vmem>>) target(%dma_start3A_291 : memref<128x128xf32, #tpu.memory_space<hbm>>) target_semaphore(%arg7 : memref<!tpu.dma_semaphore, #tpu.memory_space<semaphore_mem>>)
      %dma_wait3A_296 = arith.constant 1 : i32
      %dma_wait3A_297 = arith.constant 0 : i32
      %dma_wait3A_298 = arith.constant 0 : i32
      %dma_wait3A_299 = tpu.memref_slice %arg6[%dma_wait3A_296, %dma_wait3A_297, %dma_wait3A_298] : memref<4x128x128xf32, #tpu.memory_space<vmem>> -> memref<1x128x128xf32, #tpu.memory_space<vmem>>
      %dma_wait3A_300 = tpu.memref_squeeze %dma_wait3A_299 : memref<1x128x128xf32, #tpu.memory_space<vmem>> -> memref<128x128xf32, #tpu.memory_space<vmem>>
      %dma_wait3A_301 = arith.constant 0 : i32
      %dma_wait3A_302 = tpu.memref_slice %arg4[%add3A_282, %dma_wait3A_301] : memref<65536x128xf32, #tpu.memory_space<hbm>> -> memref<128x128xf32, #tpu.memory_space<hbm>>
      %dma_wait3A_303 = arith.constant 0 : i32
      %dma_wait3A_304 = tpu.memref_slice %arg4[%add3A_282, %dma_wait3A_303] : memref<65536x128xf32, #tpu.memory_space<hbm>> -> memref<128x128xf32, #tpu.memory_space<hbm>>
      %dma_wait3A_305 = arith.constant 0 : i32
      %dma_wait3A_306 = arith.constant 0 : i32
      %dma_wait3A_307 = tpu.memref_slice %arg6[%dma_wait3A_296, %dma_wait3A_305, %dma_wait3A_306] : memref<4x128x128xf32, #tpu.memory_space<vmem>> -> memref<1x128x128xf32, #tpu.memory_space<vmem>>
      %dma_wait3A_308 = tpu.memref_squeeze %dma_wait3A_307 : memref<1x128x128xf32, #tpu.memory_space<vmem>> -> memref<128x128xf32, #tpu.memory_space<vmem>>
      tpu.wait_dma2 semaphore(%arg7 : memref<!tpu.dma_semaphore, #tpu.memory_space<semaphore_mem>>) src(%dma_wait3A_308 : memref<128x128xf32, #tpu.memory_space<vmem>>) dst(%dma_wait3A_304 : memref<128x128xf32, #tpu.memory_space<hbm>>)
      %add3A_309 = arith.constant 4 : i32
      %add3A_310 = arith.addi %add3A_268, %add3A_309 : i32
      %mul3A_311 = arith.constant 128 : i32
      %mul3A_312 = arith.muli %add3A_310, %mul3A_311 : i32
      %dma_start3A_313 = arith.constant 1 : i32
      %dma_start3A_314 = arith.constant 0 : i32
      %dma_start3A_315 = arith.constant 0 : i32
      %dma_start3A_316 = tpu.memref_slice %arg6[%dma_start3A_313, %dma_start3A_314, %dma_start3A_315] : memref<4x128x128xf32, #tpu.memory_space<vmem>> -> memref<1x128x128xf32, #tpu.memory_space<vmem>>
      %dma_start3A_317 = tpu.memref_squeeze %dma_start3A_316 : memref<1x128x128xf32, #tpu.memory_space<vmem>> -> memref<128x128xf32, #tpu.memory_space<vmem>>
      %dma_start3A_318 = tpu.memref_slice %arg5[%mul3A_312] : memref<2048xi32, #tpu.memory_space<vmem>> -> memref<128xi32, #tpu.memory_space<vmem>>
      %dma_start3A_319 = arith.constant 0 : i32
      %dma_start3A_320 = arith.constant 0 : i32
      %dma_start3A_321 = tpu.memref_slice %arg2[%dma_start3A_319, %dma_start3A_320] : memref<200000x128xf32, #tpu.memory_space<hbm>> -> memref<200000x128xf32, #tpu.memory_space<hbm>>
      tpu.enqueue_indirect_dma source(%dma_start3A_321 : memref<200000x128xf32, #tpu.memory_space<hbm>>) target(%dma_start3A_317 : memref<128x128xf32, #tpu.memory_space<vmem>>) offsets(%dma_start3A_318 : memref<128xi32, #tpu.memory_space<vmem>>) semaphore(%arg9 : memref<!tpu.dma_semaphore, #tpu.memory_space<semaphore_mem>>)
      %mul3A_322 = arith.constant 4 : i32
      %mul3A_323 = arith.muli %scan3A_206, %mul3A_322 : i32
      %add3A_324 = arith.constant 2 : i32
      %add3A_325 = arith.addi %mul3A_323, %add3A_324 : i32
      %mul3A_326 = arith.constant 128 : i32
      %mul3A_327 = arith.muli %add3A_325, %mul3A_326 : i32
      %dma_wait3A_328 = arith.constant 2 : i32
      %dma_wait3A_329 = arith.constant 0 : i32
      %dma_wait3A_330 = arith.constant 0 : i32
      %dma_wait3A_331 = tpu.memref_slice %arg6[%dma_wait3A_328, %dma_wait3A_329, %dma_wait3A_330] : memref<4x128x128xf32, #tpu.memory_space<vmem>> -> memref<1x128x128xf32, #tpu.memory_space<vmem>>
      %dma_wait3A_332 = tpu.memref_squeeze %dma_wait3A_331 : memref<1x128x128xf32, #tpu.memory_space<vmem>> -> memref<128x128xf32, #tpu.memory_space<vmem>>
      %dma_wait3A_333 = tpu.memref_slice %arg5[%mul3A_327] : memref<2048xi32, #tpu.memory_space<vmem>> -> memref<128xi32, #tpu.memory_space<vmem>>
      %dma_wait3A_334 = arith.constant 0 : i32
      %dma_wait3A_335 = arith.constant 0 : i32
      %dma_wait3A_336 = tpu.memref_slice %arg2[%dma_wait3A_334, %dma_wait3A_335] : memref<200000x128xf32, #tpu.memory_space<hbm>> -> memref<200000x128xf32, #tpu.memory_space<hbm>>
      tpu.wait_indirect_dma semaphore(%arg10 : memref<!tpu.dma_semaphore, #tpu.memory_space<semaphore_mem>>) src(%dma_wait3A_336 : memref<200000x128xf32, #tpu.memory_space<hbm>>) dst(%dma_wait3A_332 : memref<128x128xf32, #tpu.memory_space<vmem>>)
      %mul3A_337 = arith.constant 128 : i32
      %mul3A_338 = arith.muli %add3A_325, %mul3A_337 : i32
      %add3A_339 = arith.addi %mul3A_2, %mul3A_338 : i32
      %dma_start3A_340 = arith.constant 2 : i32
      %dma_start3A_341 = arith.constant 0 : i32
      %dma_start3A_342 = arith.constant 0 : i32
      %dma_start3A_343 = tpu.memref_slice %arg6[%dma_start3A_340, %dma_start3A_341, %dma_start3A_342] : memref<4x128x128xf32, #tpu.memory_space<vmem>> -> memref<1x128x128xf32, #tpu.memory_space<vmem>>
      %dma_start3A_344 = tpu.memref_squeeze %dma_start3A_343 : memref<1x128x128xf32, #tpu.memory_space<vmem>> -> memref<128x128xf32, #tpu.memory_space<vmem>>
      %dma_start3A_345 = arith.constant 0 : i32
      %dma_start3A_346 = tpu.memref_slice %arg4[%add3A_339, %dma_start3A_345] : memref<65536x128xf32, #tpu.memory_space<hbm>> -> memref<128x128xf32, #tpu.memory_space<hbm>>
      %dma_start3A_347 = arith.constant 0 : i32
      %dma_start3A_348 = tpu.memref_slice %arg4[%add3A_339, %dma_start3A_347] : memref<65536x128xf32, #tpu.memory_space<hbm>> -> memref<128x128xf32, #tpu.memory_space<hbm>>
      %dma_start3A_349 = arith.constant 0 : i32
      %dma_start3A_350 = arith.constant 0 : i32
      %dma_start3A_351 = tpu.memref_slice %arg6[%dma_start3A_340, %dma_start3A_349, %dma_start3A_350] : memref<4x128x128xf32, #tpu.memory_space<vmem>> -> memref<1x128x128xf32, #tpu.memory_space<vmem>>
      %dma_start3A_352 = tpu.memref_squeeze %dma_start3A_351 : memref<1x128x128xf32, #tpu.memory_space<vmem>> -> memref<128x128xf32, #tpu.memory_space<vmem>>
      tpu.enqueue_dma source(%dma_start3A_352 : memref<128x128xf32, #tpu.memory_space<vmem>>) target(%dma_start3A_348 : memref<128x128xf32, #tpu.memory_space<hbm>>) target_semaphore(%arg7 : memref<!tpu.dma_semaphore, #tpu.memory_space<semaphore_mem>>)
      %dma_wait3A_353 = arith.constant 2 : i32
      %dma_wait3A_354 = arith.constant 0 : i32
      %dma_wait3A_355 = arith.constant 0 : i32
      %dma_wait3A_356 = tpu.memref_slice %arg6[%dma_wait3A_353, %dma_wait3A_354, %dma_wait3A_355] : memref<4x128x128xf32, #tpu.memory_space<vmem>> -> memref<1x128x128xf32, #tpu.memory_space<vmem>>
      %dma_wait3A_357 = tpu.memref_squeeze %dma_wait3A_356 : memref<1x128x128xf32, #tpu.memory_space<vmem>> -> memref<128x128xf32, #tpu.memory_space<vmem>>
      %dma_wait3A_358 = arith.constant 0 : i32
      %dma_wait3A_359 = tpu.memref_slice %arg4[%add3A_339, %dma_wait3A_358] : memref<65536x128xf32, #tpu.memory_space<hbm>> -> memref<128x128xf32, #tpu.memory_space<hbm>>
      %dma_wait3A_360 = arith.constant 0 : i32
      %dma_wait3A_361 = tpu.memref_slice %arg4[%add3A_339, %dma_wait3A_360] : memref<65536x128xf32, #tpu.memory_space<hbm>> -> memref<128x128xf32, #tpu.memory_space<hbm>>
      %dma_wait3A_362 = arith.constant 0 : i32
      %dma_wait3A_363 = arith.constant 0 : i32
      %dma_wait3A_364 = tpu.memref_slice %arg6[%dma_wait3A_353, %dma_wait3A_362, %dma_wait3A_363] : memref<4x128x128xf32, #tpu.memory_space<vmem>> -> memref<1x128x128xf32, #tpu.memory_space<vmem>>
      %dma_wait3A_365 = tpu.memref_squeeze %dma_wait3A_364 : memref<1x128x128xf32, #tpu.memory_space<vmem>> -> memref<128x128xf32, #tpu.memory_space<vmem>>
      tpu.wait_dma2 semaphore(%arg7 : memref<!tpu.dma_semaphore, #tpu.memory_space<semaphore_mem>>) src(%dma_wait3A_365 : memref<128x128xf32, #tpu.memory_space<vmem>>) dst(%dma_wait3A_361 : memref<128x128xf32, #tpu.memory_space<hbm>>)
      %add3A_366 = arith.constant 4 : i32
      %add3A_367 = arith.addi %add3A_325, %add3A_366 : i32
      %mul3A_368 = arith.constant 128 : i32
      %mul3A_369 = arith.muli %add3A_367, %mul3A_368 : i32
      %dma_start3A_370 = arith.constant 2 : i32
      %dma_start3A_371 = arith.constant 0 : i32
      %dma_start3A_372 = arith.constant 0 : i32
      %dma_start3A_373 = tpu.memref_slice %arg6[%dma_start3A_370, %dma_start3A_371, %dma_start3A_372] : memref<4x128x128xf32, #tpu.memory_space<vmem>> -> memref<1x128x128xf32, #tpu.memory_space<vmem>>
      %dma_start3A_374 = tpu.memref_squeeze %dma_start3A_373 : memref<1x128x128xf32, #tpu.memory_space<vmem>> -> memref<128x128xf32, #tpu.memory_space<vmem>>
      %dma_start3A_375 = tpu.memref_slice %arg5[%mul3A_369] : memref<2048xi32, #tpu.memory_space<vmem>> -> memref<128xi32, #tpu.memory_space<vmem>>
      %dma_start3A_376 = arith.constant 0 : i32
      %dma_start3A_377 = arith.constant 0 : i32
      %dma_start3A_378 = tpu.memref_slice %arg2[%dma_start3A_376, %dma_start3A_377] : memref<200000x128xf32, #tpu.memory_space<hbm>> -> memref<200000x128xf32, #tpu.memory_space<hbm>>
      tpu.enqueue_indirect_dma source(%dma_start3A_378 : memref<200000x128xf32, #tpu.memory_space<hbm>>) target(%dma_start3A_374 : memref<128x128xf32, #tpu.memory_space<vmem>>) offsets(%dma_start3A_375 : memref<128xi32, #tpu.memory_space<vmem>>) semaphore(%arg10 : memref<!tpu.dma_semaphore, #tpu.memory_space<semaphore_mem>>)
      %mul3A_379 = arith.constant 4 : i32
      %mul3A_380 = arith.muli %scan3A_206, %mul3A_379 : i32
      %add3A_381 = arith.constant 3 : i32
      %add3A_382 = arith.addi %mul3A_380, %add3A_381 : i32
      %mul3A_383 = arith.constant 128 : i32
      %mul3A_384 = arith.muli %add3A_382, %mul3A_383 : i32
      %dma_wait3A_385 = arith.constant 3 : i32
      %dma_wait3A_386 = arith.constant 0 : i32
      %dma_wait3A_387 = arith.constant 0 : i32
      %dma_wait3A_388 = tpu.memref_slice %arg6[%dma_wait3A_385, %dma_wait3A_386, %dma_wait3A_387] : memref<4x128x128xf32, #tpu.memory_space<vmem>> -> memref<1x128x128xf32, #tpu.memory_space<vmem>>
      %dma_wait3A_389 = tpu.memref_squeeze %dma_wait3A_388 : memref<1x128x128xf32, #tpu.memory_space<vmem>> -> memref<128x128xf32, #tpu.memory_space<vmem>>
      %dma_wait3A_390 = tpu.memref_slice %arg5[%mul3A_384] : memref<2048xi32, #tpu.memory_space<vmem>> -> memref<128xi32, #tpu.memory_space<vmem>>
      %dma_wait3A_391 = arith.constant 0 : i32
      %dma_wait3A_392 = arith.constant 0 : i32
      %dma_wait3A_393 = tpu.memref_slice %arg2[%dma_wait3A_391, %dma_wait3A_392] : memref<200000x128xf32, #tpu.memory_space<hbm>> -> memref<200000x128xf32, #tpu.memory_space<hbm>>
      tpu.wait_indirect_dma semaphore(%arg11 : memref<!tpu.dma_semaphore, #tpu.memory_space<semaphore_mem>>) src(%dma_wait3A_393 : memref<200000x128xf32, #tpu.memory_space<hbm>>) dst(%dma_wait3A_389 : memref<128x128xf32, #tpu.memory_space<vmem>>)
      %mul3A_394 = arith.constant 128 : i32
      %mul3A_395 = arith.muli %add3A_382, %mul3A_394 : i32
      %add3A_396 = arith.addi %mul3A_2, %mul3A_395 : i32
      %dma_start3A_397 = arith.constant 3 : i32
      %dma_start3A_398 = arith.constant 0 : i32
      %dma_start3A_399 = arith.constant 0 : i32
      %dma_start3A_400 = tpu.memref_slice %arg6[%dma_start3A_397, %dma_start3A_398, %dma_start3A_399] : memref<4x128x128xf32, #tpu.memory_space<vmem>> -> memref<1x128x128xf32, #tpu.memory_space<vmem>>
      %dma_start3A_401 = tpu.memref_squeeze %dma_start3A_400 : memref<1x128x128xf32, #tpu.memory_space<vmem>> -> memref<128x128xf32, #tpu.memory_space<vmem>>
      %dma_start3A_402 = arith.constant 0 : i32
      %dma_start3A_403 = tpu.memref_slice %arg4[%add3A_396, %dma_start3A_402] : memref<65536x128xf32, #tpu.memory_space<hbm>> -> memref<128x128xf32, #tpu.memory_space<hbm>>
      %dma_start3A_404 = arith.constant 0 : i32
      %dma_start3A_405 = tpu.memref_slice %arg4[%add3A_396, %dma_start3A_404] : memref<65536x128xf32, #tpu.memory_space<hbm>> -> memref<128x128xf32, #tpu.memory_space<hbm>>
      %dma_start3A_406 = arith.constant 0 : i32
      %dma_start3A_407 = arith.constant 0 : i32
      %dma_start3A_408 = tpu.memref_slice %arg6[%dma_start3A_397, %dma_start3A_406, %dma_start3A_407] : memref<4x128x128xf32, #tpu.memory_space<vmem>> -> memref<1x128x128xf32, #tpu.memory_space<vmem>>
      %dma_start3A_409 = tpu.memref_squeeze %dma_start3A_408 : memref<1x128x128xf32, #tpu.memory_space<vmem>> -> memref<128x128xf32, #tpu.memory_space<vmem>>
      tpu.enqueue_dma source(%dma_start3A_409 : memref<128x128xf32, #tpu.memory_space<vmem>>) target(%dma_start3A_405 : memref<128x128xf32, #tpu.memory_space<hbm>>) target_semaphore(%arg7 : memref<!tpu.dma_semaphore, #tpu.memory_space<semaphore_mem>>)
      %dma_wait3A_410 = arith.constant 3 : i32
      %dma_wait3A_411 = arith.constant 0 : i32
      %dma_wait3A_412 = arith.constant 0 : i32
      %dma_wait3A_413 = tpu.memref_slice %arg6[%dma_wait3A_410, %dma_wait3A_411, %dma_wait3A_412] : memref<4x128x128xf32, #tpu.memory_space<vmem>> -> memref<1x128x128xf32, #tpu.memory_space<vmem>>
      %dma_wait3A_414 = tpu.memref_squeeze %dma_wait3A_413 : memref<1x128x128xf32, #tpu.memory_space<vmem>> -> memref<128x128xf32, #tpu.memory_space<vmem>>
      %dma_wait3A_415 = arith.constant 0 : i32
      %dma_wait3A_416 = tpu.memref_slice %arg4[%add3A_396, %dma_wait3A_415] : memref<65536x128xf32, #tpu.memory_space<hbm>> -> memref<128x128xf32, #tpu.memory_space<hbm>>
      %dma_wait3A_417 = arith.constant 0 : i32
      %dma_wait3A_418 = tpu.memref_slice %arg4[%add3A_396, %dma_wait3A_417] : memref<65536x128xf32, #tpu.memory_space<hbm>> -> memref<128x128xf32, #tpu.memory_space<hbm>>
      %dma_wait3A_419 = arith.constant 0 : i32
      %dma_wait3A_420 = arith.constant 0 : i32
      %dma_wait3A_421 = tpu.memref_slice %arg6[%dma_wait3A_410, %dma_wait3A_419, %dma_wait3A_420] : memref<4x128x128xf32, #tpu.memory_space<vmem>> -> memref<1x128x128xf32, #tpu.memory_space<vmem>>
      %dma_wait3A_422 = tpu.memref_squeeze %dma_wait3A_421 : memref<1x128x128xf32, #tpu.memory_space<vmem>> -> memref<128x128xf32, #tpu.memory_space<vmem>>
      tpu.wait_dma2 semaphore(%arg7 : memref<!tpu.dma_semaphore, #tpu.memory_space<semaphore_mem>>) src(%dma_wait3A_422 : memref<128x128xf32, #tpu.memory_space<vmem>>) dst(%dma_wait3A_418 : memref<128x128xf32, #tpu.memory_space<hbm>>)
      %add3A_423 = arith.constant 4 : i32
      %add3A_424 = arith.addi %add3A_382, %add3A_423 : i32
      %mul3A_425 = arith.constant 128 : i32
      %mul3A_426 = arith.muli %add3A_424, %mul3A_425 : i32
      %dma_start3A_427 = arith.constant 3 : i32
      %dma_start3A_428 = arith.constant 0 : i32
      %dma_start3A_429 = arith.constant 0 : i32
      %dma_start3A_430 = tpu.memref_slice %arg6[%dma_start3A_427, %dma_start3A_428, %dma_start3A_429] : memref<4x128x128xf32, #tpu.memory_space<vmem>> -> memref<1x128x128xf32, #tpu.memory_space<vmem>>
      %dma_start3A_431 = tpu.memref_squeeze %dma_start3A_430 : memref<1x128x128xf32, #tpu.memory_space<vmem>> -> memref<128x128xf32, #tpu.memory_space<vmem>>
      %dma_start3A_432 = tpu.memref_slice %arg5[%mul3A_426] : memref<2048xi32, #tpu.memory_space<vmem>> -> memref<128xi32, #tpu.memory_space<vmem>>
      %dma_start3A_433 = arith.constant 0 : i32
      %dma_start3A_434 = arith.constant 0 : i32
      %dma_start3A_435 = tpu.memref_slice %arg2[%dma_start3A_433, %dma_start3A_434] : memref<200000x128xf32, #tpu.memory_space<hbm>> -> memref<200000x128xf32, #tpu.memory_space<hbm>>
      tpu.enqueue_indirect_dma source(%dma_start3A_435 : memref<200000x128xf32, #tpu.memory_space<hbm>>) target(%dma_start3A_431 : memref<128x128xf32, #tpu.memory_space<vmem>>) offsets(%dma_start3A_432 : memref<128xi32, #tpu.memory_space<vmem>>) semaphore(%arg11 : memref<!tpu.dma_semaphore, #tpu.memory_space<semaphore_mem>>)
      %scan3A_436 = arith.constant 0 : i32
      scf.yield %scan3A_436 : i32
    }
    %scan3A_54 = arith.constant 3 : i32
    %dma_wait3A = arith.constant 0 : i32
    %dma_wait3A_55 = arith.constant 0 : i32
    %dma_wait3A_56 = arith.constant 0 : i32
    %dma_wait3A_57 = tpu.memref_slice %arg6[%dma_wait3A, %dma_wait3A_55, %dma_wait3A_56] : memref<4x128x128xf32, #tpu.memory_space<vmem>> -> memref<1x128x128xf32, #tpu.memory_space<vmem>>
    %dma_wait3A_58 = tpu.memref_squeeze %dma_wait3A_57 : memref<1x128x128xf32, #tpu.memory_space<vmem>> -> memref<128x128xf32, #tpu.memory_space<vmem>>
    %dma_wait3A_59 = arith.constant 1536 : i32
    %dma_wait3A_60 = tpu.memref_slice %arg5[%dma_wait3A_59] : memref<2048xi32, #tpu.memory_space<vmem>> -> memref<128xi32, #tpu.memory_space<vmem>>
    %dma_wait3A_61 = arith.constant 0 : i32
    %dma_wait3A_62 = arith.constant 0 : i32
    %dma_wait3A_63 = tpu.memref_slice %arg2[%dma_wait3A_61, %dma_wait3A_62] : memref<200000x128xf32, #tpu.memory_space<hbm>> -> memref<200000x128xf32, #tpu.memory_space<hbm>>
    tpu.wait_indirect_dma semaphore(%arg8 : memref<!tpu.dma_semaphore, #tpu.memory_space<semaphore_mem>>) src(%dma_wait3A_63 : memref<200000x128xf32, #tpu.memory_space<hbm>>) dst(%dma_wait3A_58 : memref<128x128xf32, #tpu.memory_space<vmem>>)
    %add3A_64 = arith.constant 1536 : i32
    %add3A_65 = arith.addi %mul3A_2, %add3A_64 : i32
    %dma_start3A_66 = arith.constant 0 : i32
    %dma_start3A_67 = arith.constant 0 : i32
    %dma_start3A_68 = arith.constant 0 : i32
    %dma_start3A_69 = tpu.memref_slice %arg6[%dma_start3A_66, %dma_start3A_67, %dma_start3A_68] : memref<4x128x128xf32, #tpu.memory_space<vmem>> -> memref<1x128x128xf32, #tpu.memory_space<vmem>>
    %dma_start3A_70 = tpu.memref_squeeze %dma_start3A_69 : memref<1x128x128xf32, #tpu.memory_space<vmem>> -> memref<128x128xf32, #tpu.memory_space<vmem>>
    %dma_start3A_71 = arith.constant 0 : i32
    %dma_start3A_72 = tpu.memref_slice %arg4[%add3A_65, %dma_start3A_71] : memref<65536x128xf32, #tpu.memory_space<hbm>> -> memref<128x128xf32, #tpu.memory_space<hbm>>
    %dma_start3A_73 = arith.constant 0 : i32
    %dma_start3A_74 = tpu.memref_slice %arg4[%add3A_65, %dma_start3A_73] : memref<65536x128xf32, #tpu.memory_space<hbm>> -> memref<128x128xf32, #tpu.memory_space<hbm>>
    %dma_start3A_75 = arith.constant 0 : i32
    %dma_start3A_76 = arith.constant 0 : i32
    %dma_start3A_77 = tpu.memref_slice %arg6[%dma_start3A_66, %dma_start3A_75, %dma_start3A_76] : memref<4x128x128xf32, #tpu.memory_space<vmem>> -> memref<1x128x128xf32, #tpu.memory_space<vmem>>
    %dma_start3A_78 = tpu.memref_squeeze %dma_start3A_77 : memref<1x128x128xf32, #tpu.memory_space<vmem>> -> memref<128x128xf32, #tpu.memory_space<vmem>>
    tpu.enqueue_dma source(%dma_start3A_78 : memref<128x128xf32, #tpu.memory_space<vmem>>) target(%dma_start3A_74 : memref<128x128xf32, #tpu.memory_space<hbm>>) target_semaphore(%arg7 : memref<!tpu.dma_semaphore, #tpu.memory_space<semaphore_mem>>)
    %dma_wait3A_79 = arith.constant 0 : i32
    %dma_wait3A_80 = arith.constant 0 : i32
    %dma_wait3A_81 = arith.constant 0 : i32
    %dma_wait3A_82 = tpu.memref_slice %arg6[%dma_wait3A_79, %dma_wait3A_80, %dma_wait3A_81] : memref<4x128x128xf32, #tpu.memory_space<vmem>> -> memref<1x128x128xf32, #tpu.memory_space<vmem>>
    %dma_wait3A_83 = tpu.memref_squeeze %dma_wait3A_82 : memref<1x128x128xf32, #tpu.memory_space<vmem>> -> memref<128x128xf32, #tpu.memory_space<vmem>>
    %dma_wait3A_84 = arith.constant 0 : i32
    %dma_wait3A_85 = tpu.memref_slice %arg4[%add3A_65, %dma_wait3A_84] : memref<65536x128xf32, #tpu.memory_space<hbm>> -> memref<128x128xf32, #tpu.memory_space<hbm>>
    %dma_wait3A_86 = arith.constant 0 : i32
    %dma_wait3A_87 = tpu.memref_slice %arg4[%add3A_65, %dma_wait3A_86] : memref<65536x128xf32, #tpu.memory_space<hbm>> -> memref<128x128xf32, #tpu.memory_space<hbm>>
    %dma_wait3A_88 = arith.constant 0 : i32
    %dma_wait3A_89 = arith.constant 0 : i32
    %dma_wait3A_90 = tpu.memref_slice %arg6[%dma_wait3A_79, %dma_wait3A_88, %dma_wait3A_89] : memref<4x128x128xf32, #tpu.memory_space<vmem>> -> memref<1x128x128xf32, #tpu.memory_space<vmem>>
    %dma_wait3A_91 = tpu.memref_squeeze %dma_wait3A_90 : memref<1x128x128xf32, #tpu.memory_space<vmem>> -> memref<128x128xf32, #tpu.memory_space<vmem>>
    tpu.wait_dma2 semaphore(%arg7 : memref<!tpu.dma_semaphore, #tpu.memory_space<semaphore_mem>>) src(%dma_wait3A_91 : memref<128x128xf32, #tpu.memory_space<vmem>>) dst(%dma_wait3A_87 : memref<128x128xf32, #tpu.memory_space<hbm>>)
    %dma_wait3A_92 = arith.constant 1 : i32
    %dma_wait3A_93 = arith.constant 0 : i32
    %dma_wait3A_94 = arith.constant 0 : i32
    %dma_wait3A_95 = tpu.memref_slice %arg6[%dma_wait3A_92, %dma_wait3A_93, %dma_wait3A_94] : memref<4x128x128xf32, #tpu.memory_space<vmem>> -> memref<1x128x128xf32, #tpu.memory_space<vmem>>
    %dma_wait3A_96 = tpu.memref_squeeze %dma_wait3A_95 : memref<1x128x128xf32, #tpu.memory_space<vmem>> -> memref<128x128xf32, #tpu.memory_space<vmem>>
    %dma_wait3A_97 = arith.constant 1664 : i32
    %dma_wait3A_98 = tpu.memref_slice %arg5[%dma_wait3A_97] : memref<2048xi32, #tpu.memory_space<vmem>> -> memref<128xi32, #tpu.memory_space<vmem>>
    %dma_wait3A_99 = arith.constant 0 : i32
    %dma_wait3A_100 = arith.constant 0 : i32
    %dma_wait3A_101 = tpu.memref_slice %arg2[%dma_wait3A_99, %dma_wait3A_100] : memref<200000x128xf32, #tpu.memory_space<hbm>> -> memref<200000x128xf32, #tpu.memory_space<hbm>>
    tpu.wait_indirect_dma semaphore(%arg9 : memref<!tpu.dma_semaphore, #tpu.memory_space<semaphore_mem>>) src(%dma_wait3A_101 : memref<200000x128xf32, #tpu.memory_space<hbm>>) dst(%dma_wait3A_96 : memref<128x128xf32, #tpu.memory_space<vmem>>)
    %add3A_102 = arith.constant 1664 : i32
    %add3A_103 = arith.addi %mul3A_2, %add3A_102 : i32
    %dma_start3A_104 = arith.constant 1 : i32
    %dma_start3A_105 = arith.constant 0 : i32
    %dma_start3A_106 = arith.constant 0 : i32
    %dma_start3A_107 = tpu.memref_slice %arg6[%dma_start3A_104, %dma_start3A_105, %dma_start3A_106] : memref<4x128x128xf32, #tpu.memory_space<vmem>> -> memref<1x128x128xf32, #tpu.memory_space<vmem>>
    %dma_start3A_108 = tpu.memref_squeeze %dma_start3A_107 : memref<1x128x128xf32, #tpu.memory_space<vmem>> -> memref<128x128xf32, #tpu.memory_space<vmem>>
    %dma_start3A_109 = arith.constant 0 : i32
    %dma_start3A_110 = tpu.memref_slice %arg4[%add3A_103, %dma_start3A_109] : memref<65536x128xf32, #tpu.memory_space<hbm>> -> memref<128x128xf32, #tpu.memory_space<hbm>>
    %dma_start3A_111 = arith.constant 0 : i32
    %dma_start3A_112 = tpu.memref_slice %arg4[%add3A_103, %dma_start3A_111] : memref<65536x128xf32, #tpu.memory_space<hbm>> -> memref<128x128xf32, #tpu.memory_space<hbm>>
    %dma_start3A_113 = arith.constant 0 : i32
    %dma_start3A_114 = arith.constant 0 : i32
    %dma_start3A_115 = tpu.memref_slice %arg6[%dma_start3A_104, %dma_start3A_113, %dma_start3A_114] : memref<4x128x128xf32, #tpu.memory_space<vmem>> -> memref<1x128x128xf32, #tpu.memory_space<vmem>>
    %dma_start3A_116 = tpu.memref_squeeze %dma_start3A_115 : memref<1x128x128xf32, #tpu.memory_space<vmem>> -> memref<128x128xf32, #tpu.memory_space<vmem>>
    tpu.enqueue_dma source(%dma_start3A_116 : memref<128x128xf32, #tpu.memory_space<vmem>>) target(%dma_start3A_112 : memref<128x128xf32, #tpu.memory_space<hbm>>) target_semaphore(%arg7 : memref<!tpu.dma_semaphore, #tpu.memory_space<semaphore_mem>>)
    %dma_wait3A_117 = arith.constant 1 : i32
    %dma_wait3A_118 = arith.constant 0 : i32
    %dma_wait3A_119 = arith.constant 0 : i32
    %dma_wait3A_120 = tpu.memref_slice %arg6[%dma_wait3A_117, %dma_wait3A_118, %dma_wait3A_119] : memref<4x128x128xf32, #tpu.memory_space<vmem>> -> memref<1x128x128xf32, #tpu.memory_space<vmem>>
    %dma_wait3A_121 = tpu.memref_squeeze %dma_wait3A_120 : memref<1x128x128xf32, #tpu.memory_space<vmem>> -> memref<128x128xf32, #tpu.memory_space<vmem>>
    %dma_wait3A_122 = arith.constant 0 : i32
    %dma_wait3A_123 = tpu.memref_slice %arg4[%add3A_103, %dma_wait3A_122] : memref<65536x128xf32, #tpu.memory_space<hbm>> -> memref<128x128xf32, #tpu.memory_space<hbm>>
    %dma_wait3A_124 = arith.constant 0 : i32
    %dma_wait3A_125 = tpu.memref_slice %arg4[%add3A_103, %dma_wait3A_124] : memref<65536x128xf32, #tpu.memory_space<hbm>> -> memref<128x128xf32, #tpu.memory_space<hbm>>
    %dma_wait3A_126 = arith.constant 0 : i32
    %dma_wait3A_127 = arith.constant 0 : i32
    %dma_wait3A_128 = tpu.memref_slice %arg6[%dma_wait3A_117, %dma_wait3A_126, %dma_wait3A_127] : memref<4x128x128xf32, #tpu.memory_space<vmem>> -> memref<1x128x128xf32, #tpu.memory_space<vmem>>
    %dma_wait3A_129 = tpu.memref_squeeze %dma_wait3A_128 : memref<1x128x128xf32, #tpu.memory_space<vmem>> -> memref<128x128xf32, #tpu.memory_space<vmem>>
    tpu.wait_dma2 semaphore(%arg7 : memref<!tpu.dma_semaphore, #tpu.memory_space<semaphore_mem>>) src(%dma_wait3A_129 : memref<128x128xf32, #tpu.memory_space<vmem>>) dst(%dma_wait3A_125 : memref<128x128xf32, #tpu.memory_space<hbm>>)
    %dma_wait3A_130 = arith.constant 2 : i32
    %dma_wait3A_131 = arith.constant 0 : i32
    %dma_wait3A_132 = arith.constant 0 : i32
    %dma_wait3A_133 = tpu.memref_slice %arg6[%dma_wait3A_130, %dma_wait3A_131, %dma_wait3A_132] : memref<4x128x128xf32, #tpu.memory_space<vmem>> -> memref<1x128x128xf32, #tpu.memory_space<vmem>>
    %dma_wait3A_134 = tpu.memref_squeeze %dma_wait3A_133 : memref<1x128x128xf32, #tpu.memory_space<vmem>> -> memref<128x128xf32, #tpu.memory_space<vmem>>
    %dma_wait3A_135 = arith.constant 1792 : i32
    %dma_wait3A_136 = tpu.memref_slice %arg5[%dma_wait3A_135] : memref<2048xi32, #tpu.memory_space<vmem>> -> memref<128xi32, #tpu.memory_space<vmem>>
    %dma_wait3A_137 = arith.constant 0 : i32
    %dma_wait3A_138 = arith.constant 0 : i32
    %dma_wait3A_139 = tpu.memref_slice %arg2[%dma_wait3A_137, %dma_wait3A_138] : memref<200000x128xf32, #tpu.memory_space<hbm>> -> memref<200000x128xf32, #tpu.memory_space<hbm>>
    tpu.wait_indirect_dma semaphore(%arg10 : memref<!tpu.dma_semaphore, #tpu.memory_space<semaphore_mem>>) src(%dma_wait3A_139 : memref<200000x128xf32, #tpu.memory_space<hbm>>) dst(%dma_wait3A_134 : memref<128x128xf32, #tpu.memory_space<vmem>>)
    %add3A_140 = arith.constant 1792 : i32
    %add3A_141 = arith.addi %mul3A_2, %add3A_140 : i32
    %dma_start3A_142 = arith.constant 2 : i32
    %dma_start3A_143 = arith.constant 0 : i32
    %dma_start3A_144 = arith.constant 0 : i32
    %dma_start3A_145 = tpu.memref_slice %arg6[%dma_start3A_142, %dma_start3A_143, %dma_start3A_144] : memref<4x128x128xf32, #tpu.memory_space<vmem>> -> memref<1x128x128xf32, #tpu.memory_space<vmem>>
    %dma_start3A_146 = tpu.memref_squeeze %dma_start3A_145 : memref<1x128x128xf32, #tpu.memory_space<vmem>> -> memref<128x128xf32, #tpu.memory_space<vmem>>
    %dma_start3A_147 = arith.constant 0 : i32
    %dma_start3A_148 = tpu.memref_slice %arg4[%add3A_141, %dma_start3A_147] : memref<65536x128xf32, #tpu.memory_space<hbm>> -> memref<128x128xf32, #tpu.memory_space<hbm>>
    %dma_start3A_149 = arith.constant 0 : i32
    %dma_start3A_150 = tpu.memref_slice %arg4[%add3A_141, %dma_start3A_149] : memref<65536x128xf32, #tpu.memory_space<hbm>> -> memref<128x128xf32, #tpu.memory_space<hbm>>
    %dma_start3A_151 = arith.constant 0 : i32
    %dma_start3A_152 = arith.constant 0 : i32
    %dma_start3A_153 = tpu.memref_slice %arg6[%dma_start3A_142, %dma_start3A_151, %dma_start3A_152] : memref<4x128x128xf32, #tpu.memory_space<vmem>> -> memref<1x128x128xf32, #tpu.memory_space<vmem>>
    %dma_start3A_154 = tpu.memref_squeeze %dma_start3A_153 : memref<1x128x128xf32, #tpu.memory_space<vmem>> -> memref<128x128xf32, #tpu.memory_space<vmem>>
    tpu.enqueue_dma source(%dma_start3A_154 : memref<128x128xf32, #tpu.memory_space<vmem>>) target(%dma_start3A_150 : memref<128x128xf32, #tpu.memory_space<hbm>>) target_semaphore(%arg7 : memref<!tpu.dma_semaphore, #tpu.memory_space<semaphore_mem>>)
    %dma_wait3A_155 = arith.constant 2 : i32
    %dma_wait3A_156 = arith.constant 0 : i32
    %dma_wait3A_157 = arith.constant 0 : i32
    %dma_wait3A_158 = tpu.memref_slice %arg6[%dma_wait3A_155, %dma_wait3A_156, %dma_wait3A_157] : memref<4x128x128xf32, #tpu.memory_space<vmem>> -> memref<1x128x128xf32, #tpu.memory_space<vmem>>
    %dma_wait3A_159 = tpu.memref_squeeze %dma_wait3A_158 : memref<1x128x128xf32, #tpu.memory_space<vmem>> -> memref<128x128xf32, #tpu.memory_space<vmem>>
    %dma_wait3A_160 = arith.constant 0 : i32
    %dma_wait3A_161 = tpu.memref_slice %arg4[%add3A_141, %dma_wait3A_160] : memref<65536x128xf32, #tpu.memory_space<hbm>> -> memref<128x128xf32, #tpu.memory_space<hbm>>
    %dma_wait3A_162 = arith.constant 0 : i32
    %dma_wait3A_163 = tpu.memref_slice %arg4[%add3A_141, %dma_wait3A_162] : memref<65536x128xf32, #tpu.memory_space<hbm>> -> memref<128x128xf32, #tpu.memory_space<hbm>>
    %dma_wait3A_164 = arith.constant 0 : i32
    %dma_wait3A_165 = arith.constant 0 : i32
    %dma_wait3A_166 = tpu.memref_slice %arg6[%dma_wait3A_155, %dma_wait3A_164, %dma_wait3A_165] : memref<4x128x128xf32, #tpu.memory_space<vmem>> -> memref<1x128x128xf32, #tpu.memory_space<vmem>>
    %dma_wait3A_167 = tpu.memref_squeeze %dma_wait3A_166 : memref<1x128x128xf32, #tpu.memory_space<vmem>> -> memref<128x128xf32, #tpu.memory_space<vmem>>
    tpu.wait_dma2 semaphore(%arg7 : memref<!tpu.dma_semaphore, #tpu.memory_space<semaphore_mem>>) src(%dma_wait3A_167 : memref<128x128xf32, #tpu.memory_space<vmem>>) dst(%dma_wait3A_163 : memref<128x128xf32, #tpu.memory_space<hbm>>)
    %dma_wait3A_168 = arith.constant 3 : i32
    %dma_wait3A_169 = arith.constant 0 : i32
    %dma_wait3A_170 = arith.constant 0 : i32
    %dma_wait3A_171 = tpu.memref_slice %arg6[%dma_wait3A_168, %dma_wait3A_169, %dma_wait3A_170] : memref<4x128x128xf32, #tpu.memory_space<vmem>> -> memref<1x128x128xf32, #tpu.memory_space<vmem>>
    %dma_wait3A_172 = tpu.memref_squeeze %dma_wait3A_171 : memref<1x128x128xf32, #tpu.memory_space<vmem>> -> memref<128x128xf32, #tpu.memory_space<vmem>>
    %dma_wait3A_173 = arith.constant 1920 : i32
    %dma_wait3A_174 = tpu.memref_slice %arg5[%dma_wait3A_173] : memref<2048xi32, #tpu.memory_space<vmem>> -> memref<128xi32, #tpu.memory_space<vmem>>
    %dma_wait3A_175 = arith.constant 0 : i32
    %dma_wait3A_176 = arith.constant 0 : i32
    %dma_wait3A_177 = tpu.memref_slice %arg2[%dma_wait3A_175, %dma_wait3A_176] : memref<200000x128xf32, #tpu.memory_space<hbm>> -> memref<200000x128xf32, #tpu.memory_space<hbm>>
    tpu.wait_indirect_dma semaphore(%arg11 : memref<!tpu.dma_semaphore, #tpu.memory_space<semaphore_mem>>) src(%dma_wait3A_177 : memref<200000x128xf32, #tpu.memory_space<hbm>>) dst(%dma_wait3A_172 : memref<128x128xf32, #tpu.memory_space<vmem>>)
    %add3A_178 = arith.constant 1920 : i32
    %add3A_179 = arith.addi %mul3A_2, %add3A_178 : i32
    %dma_start3A_180 = arith.constant 3 : i32
    %dma_start3A_181 = arith.constant 0 : i32
    %dma_start3A_182 = arith.constant 0 : i32
    %dma_start3A_183 = tpu.memref_slice %arg6[%dma_start3A_180, %dma_start3A_181, %dma_start3A_182] : memref<4x128x128xf32, #tpu.memory_space<vmem>> -> memref<1x128x128xf32, #tpu.memory_space<vmem>>
    %dma_start3A_184 = tpu.memref_squeeze %dma_start3A_183 : memref<1x128x128xf32, #tpu.memory_space<vmem>> -> memref<128x128xf32, #tpu.memory_space<vmem>>
    %dma_start3A_185 = arith.constant 0 : i32
    %dma_start3A_186 = tpu.memref_slice %arg4[%add3A_179, %dma_start3A_185] : memref<65536x128xf32, #tpu.memory_space<hbm>> -> memref<128x128xf32, #tpu.memory_space<hbm>>
    %dma_start3A_187 = arith.constant 0 : i32
    %dma_start3A_188 = tpu.memref_slice %arg4[%add3A_179, %dma_start3A_187] : memref<65536x128xf32, #tpu.memory_space<hbm>> -> memref<128x128xf32, #tpu.memory_space<hbm>>
    %dma_start3A_189 = arith.constant 0 : i32
    %dma_start3A_190 = arith.constant 0 : i32
    %dma_start3A_191 = tpu.memref_slice %arg6[%dma_start3A_180, %dma_start3A_189, %dma_start3A_190] : memref<4x128x128xf32, #tpu.memory_space<vmem>> -> memref<1x128x128xf32, #tpu.memory_space<vmem>>
    %dma_start3A_192 = tpu.memref_squeeze %dma_start3A_191 : memref<1x128x128xf32, #tpu.memory_space<vmem>> -> memref<128x128xf32, #tpu.memory_space<vmem>>
    tpu.enqueue_dma source(%dma_start3A_192 : memref<128x128xf32, #tpu.memory_space<vmem>>) target(%dma_start3A_188 : memref<128x128xf32, #tpu.memory_space<hbm>>) target_semaphore(%arg7 : memref<!tpu.dma_semaphore, #tpu.memory_space<semaphore_mem>>)
    %dma_wait3A_193 = arith.constant 3 : i32
    %dma_wait3A_194 = arith.constant 0 : i32
    %dma_wait3A_195 = arith.constant 0 : i32
    %dma_wait3A_196 = tpu.memref_slice %arg6[%dma_wait3A_193, %dma_wait3A_194, %dma_wait3A_195] : memref<4x128x128xf32, #tpu.memory_space<vmem>> -> memref<1x128x128xf32, #tpu.memory_space<vmem>>
    %dma_wait3A_197 = tpu.memref_squeeze %dma_wait3A_196 : memref<1x128x128xf32, #tpu.memory_space<vmem>> -> memref<128x128xf32, #tpu.memory_space<vmem>>
    %dma_wait3A_198 = arith.constant 0 : i32
    %dma_wait3A_199 = tpu.memref_slice %arg4[%add3A_179, %dma_wait3A_198] : memref<65536x128xf32, #tpu.memory_space<hbm>> -> memref<128x128xf32, #tpu.memory_space<hbm>>
    %dma_wait3A_200 = arith.constant 0 : i32
    %dma_wait3A_201 = tpu.memref_slice %arg4[%add3A_179, %dma_wait3A_200] : memref<65536x128xf32, #tpu.memory_space<hbm>> -> memref<128x128xf32, #tpu.memory_space<hbm>>
    %dma_wait3A_202 = arith.constant 0 : i32
    %dma_wait3A_203 = arith.constant 0 : i32
    %dma_wait3A_204 = tpu.memref_slice %arg6[%dma_wait3A_193, %dma_wait3A_202, %dma_wait3A_203] : memref<4x128x128xf32, #tpu.memory_space<vmem>> -> memref<1x128x128xf32, #tpu.memory_space<vmem>>
    %dma_wait3A_205 = tpu.memref_squeeze %dma_wait3A_204 : memref<1x128x128xf32, #tpu.memory_space<vmem>> -> memref<128x128xf32, #tpu.memory_space<vmem>>
    tpu.wait_dma2 semaphore(%arg7 : memref<!tpu.dma_semaphore, #tpu.memory_space<semaphore_mem>>) src(%dma_wait3A_205 : memref<128x128xf32, #tpu.memory_space<vmem>>) dst(%dma_wait3A_201 : memref<128x128xf32, #tpu.memory_space<hbm>>)
    return
  }
}

#map = affine_map<(d0, d1) -> (0, 0)>
#map1 = affine_map<(d0, d1) -> (0)>
module attributes {stable_mosaic.version = 14 : i64} {
  func.func @_gather_body(%arg0: i32, %arg1: i32, %arg2: memref<200000x128xf32, #tpu.memory_space<hbm>>, %arg3: memref<65536xi32, #tpu.memory_space<hbm>>, %arg4: memref<65536x128xf32, #tpu.memory_space<hbm>>, %arg5: memref<2048xi32, #tpu.memory_space<vmem>>, %arg6: memref<4x128x128xf32, #tpu.memory_space<vmem>>, %arg7: memref<!tpu.dma_semaphore, #tpu.memory_space<semaphore_mem>>, %arg8: memref<!tpu.dma_semaphore, #tpu.memory_space<semaphore_mem>>, %arg9: memref<!tpu.dma_semaphore, #tpu.memory_space<semaphore_mem>>, %arg10: memref<!tpu.dma_semaphore, #tpu.memory_space<semaphore_mem>>, %arg11: memref<!tpu.dma_semaphore, #tpu.memory_space<semaphore_mem>>) attributes {dimension_semantics = [#tpu.dimension_semantics<core_parallel>, #tpu.dimension_semantics<subcore_parallel>], iteration_bounds = array<i64: 2, 16>, scalar_prefetch = 0 : i64, scratch_operands = 7 : i64, tpu.core_type = #tpu.core_type<sc_vector_subcore>, window_params = [{transform_indices = #map}, {transform_indices = #map1}, {transform_indices = #map}]} {
    %mul3A = arith.constant 2 : i32
    %mul3A_0 = arith.muli %arg1, %mul3A : i32
    %add3A = arith.addi %mul3A_0, %arg0 : i32
    %mul3A_1 = arith.constant 2048 : i32
    %mul3A_2 = arith.muli %add3A, %mul3A_1 : i32
    "tpu.region"() ({
      %run_scoped3A = tpu.sem_alloc : memref<!tpu.dma_semaphore, #tpu.memory_space<semaphore_mem>>
      %dma_start3A_206 = tpu.memref_slice %arg3[%mul3A_2] : memref<65536xi32, #tpu.memory_space<hbm>> -> memref<2048xi32, #tpu.memory_space<hbm>>
      %dma_start3A_207 = tpu.memref_slice %arg3[%mul3A_2] : memref<65536xi32, #tpu.memory_space<hbm>> -> memref<2048xi32, #tpu.memory_space<hbm>>
      tpu.enqueue_dma source(%dma_start3A_207 : memref<2048xi32, #tpu.memory_space<hbm>>) target(%arg5 : memref<2048xi32, #tpu.memory_space<vmem>>) target_semaphore(%run_scoped3A : memref<!tpu.dma_semaphore, #tpu.memory_space<semaphore_mem>>)
      %dma_wait3A_208 = tpu.memref_slice %arg3[%mul3A_2] : memref<65536xi32, #tpu.memory_space<hbm>> -> memref<2048xi32, #tpu.memory_space<hbm>>
      %dma_wait3A_209 = tpu.memref_slice %arg3[%mul3A_2] : memref<65536xi32, #tpu.memory_space<hbm>> -> memref<2048xi32, #tpu.memory_space<hbm>>
      tpu.wait_dma2 semaphore(%run_scoped3A : memref<!tpu.dma_semaphore, #tpu.memory_space<semaphore_mem>>) src(%dma_wait3A_209 : memref<2048xi32, #tpu.memory_space<hbm>>) dst(%arg5 : memref<2048xi32, #tpu.memory_space<vmem>>)
      tpu.yield
    }) : () -> ()
    %iota3A = tpu.iota {dimensions = array<i32: 0>} : vector<16xi32>
    %scan3A = arith.constant 0 : i32
    %scan3A_3 = arith.constant 0 : i32
    %scan3A_4 = arith.constant 128 : i32
    %scan3A_5 = arith.addi %scan3A_3, %scan3A_4 : i32
    %scan3A_6 = arith.constant 1 : i32
    %scan3A_7 = scf.for %scan3A_206 = %scan3A_3 to %scan3A_5 step %scan3A_6 iter_args(%scan3A_207 = %scan3A) -> (i32)  : i32 {
      %mul3A_208 = arith.constant 16 : i32
      %mul3A_209 = arith.muli %scan3A_206, %mul3A_208 : i32
      %get3A = arith.index_cast %mul3A_209 : i32 to index
      %get3A_210 = tpu.vector_load %arg5[%get3A] {strides = array<i32>} : memref<2048xi32, #tpu.memory_space<vmem>>, vector<16xi32>,
      %get3A_211 = vector.shape_cast %get3A_210 : vector<16xi32> to vector<16xi32>
      %mul3A_212 = arith.constant 16 : i32
      %mul3A_213 = arith.muli %scan3A_206, %mul3A_212 : i32
      %add3A_214 = arith.addi %mul3A_2, %mul3A_213 : i32
      %add3A_215 = vector.broadcast %add3A_214 : i32 to vector<16xi32>
      %add3A_216 = arith.addi %add3A_215, %iota3A : vector<16xi32>
      %and3A = arith.constant 131071 : i32
      %and3A_217 = vector.broadcast %and3A : i32 to vector<16xi32>
      %and3A_218 = arith.andi %add3A_216, %and3A_217 : vector<16xi32>
      %lt3A = arith.constant 0 : i32
      %lt3A_219 = vector.broadcast %lt3A : i32 to vector<16xi32>
      %lt3A_220 = arith.cmpi slt, %get3A_211, %lt3A_219 : vector<16xi32>
      %select_n3A = arith.select %lt3A_220, %and3A_218, %get3A_211 : vector<16xi1>, vector<16xi32>
      %mul3A_221 = arith.constant 16 : i32
      %mul3A_222 = arith.muli %scan3A_206, %mul3A_221 : i32
      %swap3A = arith.index_cast %mul3A_222 : i32 to index
      %swap3A_223 = tpu.vector_load %arg5[%swap3A] {strides = array<i32>} : memref<2048xi32, #tpu.memory_space<vmem>>, vector<16xi32>,
      %swap3A_224 = vector.shape_cast %swap3A_223 : vector<16xi32> to vector<16xi32>
      %swap3A_225 = vector.shape_cast %select_n3A : vector<16xi32> to vector<16xi32>
      tpu.vector_store %arg5[%swap3A], %swap3A_225 {strides = array<i32>} : memref<2048xi32, #tpu.memory_space<vmem>>, vector<16xi32>,
      %scan3A_226 = arith.constant 0 : i32
      scf.yield %scan3A_226 : i32
    }
    %scan3A_8 = arith.constant 128 : i32
    %dma_start3A = arith.constant 0 : i32
    %dma_start3A_9 = arith.constant 0 : i32
    %dma_start3A_10 = arith.constant 0 : i32
    %dma_start3A_11 = tpu.memref_slice %arg6[%dma_start3A, %dma_start3A_9, %dma_start3A_10] : memref<4x128x128xf32, #tpu.memory_space<vmem>> -> memref<1x128x128xf32, #tpu.memory_space<vmem>>
    %dma_start3A_12 = tpu.memref_squeeze %dma_start3A_11 : memref<1x128x128xf32, #tpu.memory_space<vmem>> -> memref<128x128xf32, #tpu.memory_space<vmem>>
    %dma_start3A_13 = arith.constant 0 : i32
    %dma_start3A_14 = tpu.memref_slice %arg5[%dma_start3A_13] : memref<2048xi32, #tpu.memory_space<vmem>> -> memref<128xi32, #tpu.memory_space<vmem>>
    %dma_start3A_15 = arith.constant 0 : i32
    %dma_start3A_16 = arith.constant 0 : i32
    %dma_start3A_17 = tpu.memref_slice %arg2[%dma_start3A_15, %dma_start3A_16] : memref<200000x128xf32, #tpu.memory_space<hbm>> -> memref<200000x128xf32, #tpu.memory_space<hbm>>
    tpu.enqueue_indirect_dma source(%dma_start3A_17 : memref<200000x128xf32, #tpu.memory_space<hbm>>) target(%dma_start3A_12 : memref<128x128xf32, #tpu.memory_space<vmem>>) offsets(%dma_start3A_14 : memref<128xi32, #tpu.memory_space<vmem>>) semaphore(%arg8 : memref<!tpu.dma_semaphore, #tpu.memory_space<semaphore_mem>>)
    %dma_start3A_18 = arith.constant 1 : i32
    %dma_start3A_19 = arith.constant 0 : i32
    %dma_start3A_20 = arith.constant 0 : i32
    %dma_start3A_21 = tpu.memref_slice %arg6[%dma_start3A_18, %dma_start3A_19, %dma_start3A_20] : memref<4x128x128xf32, #tpu.memory_space<vmem>> -> memref<1x128x128xf32, #tpu.memory_space<vmem>>
    %dma_start3A_22 = tpu.memref_squeeze %dma_start3A_21 : memref<1x128x128xf32, #tpu.memory_space<vmem>> -> memref<128x128xf32, #tpu.memory_space<vmem>>
    %dma_start3A_23 = arith.constant 128 : i32
    %dma_start3A_24 = tpu.memref_slice %arg5[%dma_start3A_23] : memref<2048xi32, #tpu.memory_space<vmem>> -> memref<128xi32, #tpu.memory_space<vmem>>
    %dma_start3A_25 = arith.constant 0 : i32
    %dma_start3A_26 = arith.constant 0 : i32
    %dma_start3A_27 = tpu.memref_slice %arg2[%dma_start3A_25, %dma_start3A_26] : memref<200000x128xf32, #tpu.memory_space<hbm>> -> memref<200000x128xf32, #tpu.memory_space<hbm>>
    tpu.enqueue_indirect_dma source(%dma_start3A_27 : memref<200000x128xf32, #tpu.memory_space<hbm>>) target(%dma_start3A_22 : memref<128x128xf32, #tpu.memory_space<vmem>>) offsets(%dma_start3A_24 : memref<128xi32, #tpu.memory_space<vmem>>) semaphore(%arg9 : memref<!tpu.dma_semaphore, #tpu.memory_space<semaphore_mem>>)
    %dma_start3A_28 = arith.constant 2 : i32
    %dma_start3A_29 = arith.constant 0 : i32
    %dma_start3A_30 = arith.constant 0 : i32
    %dma_start3A_31 = tpu.memref_slice %arg6[%dma_start3A_28, %dma_start3A_29, %dma_start3A_30] : memref<4x128x128xf32, #tpu.memory_space<vmem>> -> memref<1x128x128xf32, #tpu.memory_space<vmem>>
    %dma_start3A_32 = tpu.memref_squeeze %dma_start3A_31 : memref<1x128x128xf32, #tpu.memory_space<vmem>> -> memref<128x128xf32, #tpu.memory_space<vmem>>
    %dma_start3A_33 = arith.constant 256 : i32
    %dma_start3A_34 = tpu.memref_slice %arg5[%dma_start3A_33] : memref<2048xi32, #tpu.memory_space<vmem>> -> memref<128xi32, #tpu.memory_space<vmem>>
    %dma_start3A_35 = arith.constant 0 : i32
    %dma_start3A_36 = arith.constant 0 : i32
    %dma_start3A_37 = tpu.memref_slice %arg2[%dma_start3A_35, %dma_start3A_36] : memref<200000x128xf32, #tpu.memory_space<hbm>> -> memref<200000x128xf32, #tpu.memory_space<hbm>>
    tpu.enqueue_indirect_dma source(%dma_start3A_37 : memref<200000x128xf32, #tpu.memory_space<hbm>>) target(%dma_start3A_32 : memref<128x128xf32, #tpu.memory_space<vmem>>) offsets(%dma_start3A_34 : memref<128xi32, #tpu.memory_space<vmem>>) semaphore(%arg10 : memref<!tpu.dma_semaphore, #tpu.memory_space<semaphore_mem>>)
    %dma_start3A_38 = arith.constant 3 : i32
    %dma_start3A_39 = arith.constant 0 : i32
    %dma_start3A_40 = arith.constant 0 : i32
    %dma_start3A_41 = tpu.memref_slice %arg6[%dma_start3A_38, %dma_start3A_39, %dma_start3A_40] : memref<4x128x128xf32, #tpu.memory_space<vmem>> -> memref<1x128x128xf32, #tpu.memory_space<vmem>>
    %dma_start3A_42 = tpu.memref_squeeze %dma_start3A_41 : memref<1x128x128xf32, #tpu.memory_space<vmem>> -> memref<128x128xf32, #tpu.memory_space<vmem>>
    %dma_start3A_43 = arith.constant 384 : i32
    %dma_start3A_44 = tpu.memref_slice %arg5[%dma_start3A_43] : memref<2048xi32, #tpu.memory_space<vmem>> -> memref<128xi32, #tpu.memory_space<vmem>>
    %dma_start3A_45 = arith.constant 0 : i32
    %dma_start3A_46 = arith.constant 0 : i32
    %dma_start3A_47 = tpu.memref_slice %arg2[%dma_start3A_45, %dma_start3A_46] : memref<200000x128xf32, #tpu.memory_space<hbm>> -> memref<200000x128xf32, #tpu.memory_space<hbm>>
    tpu.enqueue_indirect_dma source(%dma_start3A_47 : memref<200000x128xf32, #tpu.memory_space<hbm>>) target(%dma_start3A_42 : memref<128x128xf32, #tpu.memory_space<vmem>>) offsets(%dma_start3A_44 : memref<128xi32, #tpu.memory_space<vmem>>) semaphore(%arg11 : memref<!tpu.dma_semaphore, #tpu.memory_space<semaphore_mem>>)
    %scan3A_48 = arith.constant 0 : i32
    %scan3A_49 = arith.constant 0 : i32
    %scan3A_50 = arith.constant 3 : i32
    %scan3A_51 = arith.addi %scan3A_49, %scan3A_50 : i32
    %scan3A_52 = arith.constant 1 : i32
    %scan3A_53 = scf.for %scan3A_206 = %scan3A_49 to %scan3A_51 step %scan3A_52 iter_args(%scan3A_207 = %scan3A_48) -> (i32)  : i32 {
      %mul3A_208 = arith.constant 4 : i32
      %mul3A_209 = arith.muli %scan3A_206, %mul3A_208 : i32
      %add3A_210 = arith.constant 0 : i32
      %add3A_211 = arith.addi %mul3A_209, %add3A_210 : i32
      %mul3A_212 = arith.constant 128 : i32
      %mul3A_213 = arith.muli %add3A_211, %mul3A_212 : i32
      %dma_wait3A_214 = arith.constant 0 : i32
      %dma_wait3A_215 = arith.constant 0 : i32
      %dma_wait3A_216 = arith.constant 0 : i32
      %dma_wait3A_217 = tpu.memref_slice %arg6[%dma_wait3A_214, %dma_wait3A_215, %dma_wait3A_216] : memref<4x128x128xf32, #tpu.memory_space<vmem>> -> memref<1x128x128xf32, #tpu.memory_space<vmem>>
      %dma_wait3A_218 = tpu.memref_squeeze %dma_wait3A_217 : memref<1x128x128xf32, #tpu.memory_space<vmem>> -> memref<128x128xf32, #tpu.memory_space<vmem>>
      %dma_wait3A_219 = tpu.memref_slice %arg5[%mul3A_213] : memref<2048xi32, #tpu.memory_space<vmem>> -> memref<128xi32, #tpu.memory_space<vmem>>
      %dma_wait3A_220 = arith.constant 0 : i32
      %dma_wait3A_221 = arith.constant 0 : i32
      %dma_wait3A_222 = tpu.memref_slice %arg2[%dma_wait3A_220, %dma_wait3A_221] : memref<200000x128xf32, #tpu.memory_space<hbm>> -> memref<200000x128xf32, #tpu.memory_space<hbm>>
      tpu.wait_indirect_dma semaphore(%arg8 : memref<!tpu.dma_semaphore, #tpu.memory_space<semaphore_mem>>) src(%dma_wait3A_222 : memref<200000x128xf32, #tpu.memory_space<hbm>>) dst(%dma_wait3A_218 : memref<128x128xf32, #tpu.memory_space<vmem>>)
      %mul3A_223 = arith.constant 128 : i32
      %mul3A_224 = arith.muli %add3A_211, %mul3A_223 : i32
      %add3A_225 = arith.addi %mul3A_2, %mul3A_224 : i32
      %dma_start3A_226 = arith.constant 0 : i32
      %dma_start3A_227 = arith.constant 0 : i32
      %dma_start3A_228 = arith.constant 0 : i32
      %dma_start3A_229 = tpu.memref_slice %arg6[%dma_start3A_226, %dma_start3A_227, %dma_start3A_228] : memref<4x128x128xf32, #tpu.memory_space<vmem>> -> memref<1x128x128xf32, #tpu.memory_space<vmem>>
      %dma_start3A_230 = tpu.memref_squeeze %dma_start3A_229 : memref<1x128x128xf32, #tpu.memory_space<vmem>> -> memref<128x128xf32, #tpu.memory_space<vmem>>
      %dma_start3A_231 = arith.constant 0 : i32
      %dma_start3A_232 = tpu.memref_slice %arg4[%add3A_225, %dma_start3A_231] : memref<65536x128xf32, #tpu.memory_space<hbm>> -> memref<128x128xf32, #tpu.memory_space<hbm>>
      %dma_start3A_233 = arith.constant 0 : i32
      %dma_start3A_234 = tpu.memref_slice %arg4[%add3A_225, %dma_start3A_233] : memref<65536x128xf32, #tpu.memory_space<hbm>> -> memref<128x128xf32, #tpu.memory_space<hbm>>
      %dma_start3A_235 = arith.constant 0 : i32
      %dma_start3A_236 = arith.constant 0 : i32
      %dma_start3A_237 = tpu.memref_slice %arg6[%dma_start3A_226, %dma_start3A_235, %dma_start3A_236] : memref<4x128x128xf32, #tpu.memory_space<vmem>> -> memref<1x128x128xf32, #tpu.memory_space<vmem>>
      %dma_start3A_238 = tpu.memref_squeeze %dma_start3A_237 : memref<1x128x128xf32, #tpu.memory_space<vmem>> -> memref<128x128xf32, #tpu.memory_space<vmem>>
      tpu.enqueue_dma source(%dma_start3A_238 : memref<128x128xf32, #tpu.memory_space<vmem>>) target(%dma_start3A_234 : memref<128x128xf32, #tpu.memory_space<hbm>>) target_semaphore(%arg7 : memref<!tpu.dma_semaphore, #tpu.memory_space<semaphore_mem>>)
      %dma_wait3A_239 = arith.constant 0 : i32
      %dma_wait3A_240 = arith.constant 0 : i32
      %dma_wait3A_241 = arith.constant 0 : i32
      %dma_wait3A_242 = tpu.memref_slice %arg6[%dma_wait3A_239, %dma_wait3A_240, %dma_wait3A_241] : memref<4x128x128xf32, #tpu.memory_space<vmem>> -> memref<1x128x128xf32, #tpu.memory_space<vmem>>
      %dma_wait3A_243 = tpu.memref_squeeze %dma_wait3A_242 : memref<1x128x128xf32, #tpu.memory_space<vmem>> -> memref<128x128xf32, #tpu.memory_space<vmem>>
      %dma_wait3A_244 = arith.constant 0 : i32
      %dma_wait3A_245 = tpu.memref_slice %arg4[%add3A_225, %dma_wait3A_244] : memref<65536x128xf32, #tpu.memory_space<hbm>> -> memref<128x128xf32, #tpu.memory_space<hbm>>
      %dma_wait3A_246 = arith.constant 0 : i32
      %dma_wait3A_247 = tpu.memref_slice %arg4[%add3A_225, %dma_wait3A_246] : memref<65536x128xf32, #tpu.memory_space<hbm>> -> memref<128x128xf32, #tpu.memory_space<hbm>>
      %dma_wait3A_248 = arith.constant 0 : i32
      %dma_wait3A_249 = arith.constant 0 : i32
      %dma_wait3A_250 = tpu.memref_slice %arg6[%dma_wait3A_239, %dma_wait3A_248, %dma_wait3A_249] : memref<4x128x128xf32, #tpu.memory_space<vmem>> -> memref<1x128x128xf32, #tpu.memory_space<vmem>>
      %dma_wait3A_251 = tpu.memref_squeeze %dma_wait3A_250 : memref<1x128x128xf32, #tpu.memory_space<vmem>> -> memref<128x128xf32, #tpu.memory_space<vmem>>
      tpu.wait_dma2 semaphore(%arg7 : memref<!tpu.dma_semaphore, #tpu.memory_space<semaphore_mem>>) src(%dma_wait3A_251 : memref<128x128xf32, #tpu.memory_space<vmem>>) dst(%dma_wait3A_247 : memref<128x128xf32, #tpu.memory_space<hbm>>)
      %add3A_252 = arith.constant 4 : i32
      %add3A_253 = arith.addi %add3A_211, %add3A_252 : i32
      %mul3A_254 = arith.constant 128 : i32
      %mul3A_255 = arith.muli %add3A_253, %mul3A_254 : i32
      %dma_start3A_256 = arith.constant 0 : i32
      %dma_start3A_257 = arith.constant 0 : i32
      %dma_start3A_258 = arith.constant 0 : i32
      %dma_start3A_259 = tpu.memref_slice %arg6[%dma_start3A_256, %dma_start3A_257, %dma_start3A_258] : memref<4x128x128xf32, #tpu.memory_space<vmem>> -> memref<1x128x128xf32, #tpu.memory_space<vmem>>
      %dma_start3A_260 = tpu.memref_squeeze %dma_start3A_259 : memref<1x128x128xf32, #tpu.memory_space<vmem>> -> memref<128x128xf32, #tpu.memory_space<vmem>>
      %dma_start3A_261 = tpu.memref_slice %arg5[%mul3A_255] : memref<2048xi32, #tpu.memory_space<vmem>> -> memref<128xi32, #tpu.memory_space<vmem>>
      %dma_start3A_262 = arith.constant 0 : i32
      %dma_start3A_263 = arith.constant 0 : i32
      %dma_start3A_264 = tpu.memref_slice %arg2[%dma_start3A_262, %dma_start3A_263] : memref<200000x128xf32, #tpu.memory_space<hbm>> -> memref<200000x128xf32, #tpu.memory_space<hbm>>
      tpu.enqueue_indirect_dma source(%dma_start3A_264 : memref<200000x128xf32, #tpu.memory_space<hbm>>) target(%dma_start3A_260 : memref<128x128xf32, #tpu.memory_space<vmem>>) offsets(%dma_start3A_261 : memref<128xi32, #tpu.memory_space<vmem>>) semaphore(%arg8 : memref<!tpu.dma_semaphore, #tpu.memory_space<semaphore_mem>>)
      %mul3A_265 = arith.constant 4 : i32
      %mul3A_266 = arith.muli %scan3A_206, %mul3A_265 : i32
      %add3A_267 = arith.constant 1 : i32
      %add3A_268 = arith.addi %mul3A_266, %add3A_267 : i32
      %mul3A_269 = arith.constant 128 : i32
      %mul3A_270 = arith.muli %add3A_268, %mul3A_269 : i32
      %dma_wait3A_271 = arith.constant 1 : i32
      %dma_wait3A_272 = arith.constant 0 : i32
      %dma_wait3A_273 = arith.constant 0 : i32
      %dma_wait3A_274 = tpu.memref_slice %arg6[%dma_wait3A_271, %dma_wait3A_272, %dma_wait3A_273] : memref<4x128x128xf32, #tpu.memory_space<vmem>> -> memref<1x128x128xf32, #tpu.memory_space<vmem>>
      %dma_wait3A_275 = tpu.memref_squeeze %dma_wait3A_274 : memref<1x128x128xf32, #tpu.memory_space<vmem>> -> memref<128x128xf32, #tpu.memory_space<vmem>>
      %dma_wait3A_276 = tpu.memref_slice %arg5[%mul3A_270] : memref<2048xi32, #tpu.memory_space<vmem>> -> memref<128xi32, #tpu.memory_space<vmem>>
      %dma_wait3A_277 = arith.constant 0 : i32
      %dma_wait3A_278 = arith.constant 0 : i32
      %dma_wait3A_279 = tpu.memref_slice %arg2[%dma_wait3A_277, %dma_wait3A_278] : memref<200000x128xf32, #tpu.memory_space<hbm>> -> memref<200000x128xf32, #tpu.memory_space<hbm>>
      tpu.wait_indirect_dma semaphore(%arg9 : memref<!tpu.dma_semaphore, #tpu.memory_space<semaphore_mem>>) src(%dma_wait3A_279 : memref<200000x128xf32, #tpu.memory_space<hbm>>) dst(%dma_wait3A_275 : memref<128x128xf32, #tpu.memory_space<vmem>>)
      %mul3A_280 = arith.constant 128 : i32
      %mul3A_281 = arith.muli %add3A_268, %mul3A_280 : i32
      %add3A_282 = arith.addi %mul3A_2, %mul3A_281 : i32
      %dma_start3A_283 = arith.constant 1 : i32
      %dma_start3A_284 = arith.constant 0 : i32
      %dma_start3A_285 = arith.constant 0 : i32
      %dma_start3A_286 = tpu.memref_slice %arg6[%dma_start3A_283, %dma_start3A_284, %dma_start3A_285] : memref<4x128x128xf32, #tpu.memory_space<vmem>> -> memref<1x128x128xf32, #tpu.memory_space<vmem>>
      %dma_start3A_287 = tpu.memref_squeeze %dma_start3A_286 : memref<1x128x128xf32, #tpu.memory_space<vmem>> -> memref<128x128xf32, #tpu.memory_space<vmem>>
      %dma_start3A_288 = arith.constant 0 : i32
      %dma_start3A_289 = tpu.memref_slice %arg4[%add3A_282, %dma_start3A_288] : memref<65536x128xf32, #tpu.memory_space<hbm>> -> memref<128x128xf32, #tpu.memory_space<hbm>>
      %dma_start3A_290 = arith.constant 0 : i32
      %dma_start3A_291 = tpu.memref_slice %arg4[%add3A_282, %dma_start3A_290] : memref<65536x128xf32, #tpu.memory_space<hbm>> -> memref<128x128xf32, #tpu.memory_space<hbm>>
      %dma_start3A_292 = arith.constant 0 : i32
      %dma_start3A_293 = arith.constant 0 : i32
      %dma_start3A_294 = tpu.memref_slice %arg6[%dma_start3A_283, %dma_start3A_292, %dma_start3A_293] : memref<4x128x128xf32, #tpu.memory_space<vmem>> -> memref<1x128x128xf32, #tpu.memory_space<vmem>>
      %dma_start3A_295 = tpu.memref_squeeze %dma_start3A_294 : memref<1x128x128xf32, #tpu.memory_space<vmem>> -> memref<128x128xf32, #tpu.memory_space<vmem>>
      tpu.enqueue_dma source(%dma_start3A_295 : memref<128x128xf32, #tpu.memory_space<vmem>>) target(%dma_start3A_291 : memref<128x128xf32, #tpu.memory_space<hbm>>) target_semaphore(%arg7 : memref<!tpu.dma_semaphore, #tpu.memory_space<semaphore_mem>>)
      %dma_wait3A_296 = arith.constant 1 : i32
      %dma_wait3A_297 = arith.constant 0 : i32
      %dma_wait3A_298 = arith.constant 0 : i32
      %dma_wait3A_299 = tpu.memref_slice %arg6[%dma_wait3A_296, %dma_wait3A_297, %dma_wait3A_298] : memref<4x128x128xf32, #tpu.memory_space<vmem>> -> memref<1x128x128xf32, #tpu.memory_space<vmem>>
      %dma_wait3A_300 = tpu.memref_squeeze %dma_wait3A_299 : memref<1x128x128xf32, #tpu.memory_space<vmem>> -> memref<128x128xf32, #tpu.memory_space<vmem>>
      %dma_wait3A_301 = arith.constant 0 : i32
      %dma_wait3A_302 = tpu.memref_slice %arg4[%add3A_282, %dma_wait3A_301] : memref<65536x128xf32, #tpu.memory_space<hbm>> -> memref<128x128xf32, #tpu.memory_space<hbm>>
      %dma_wait3A_303 = arith.constant 0 : i32
      %dma_wait3A_304 = tpu.memref_slice %arg4[%add3A_282, %dma_wait3A_303] : memref<65536x128xf32, #tpu.memory_space<hbm>> -> memref<128x128xf32, #tpu.memory_space<hbm>>
      %dma_wait3A_305 = arith.constant 0 : i32
      %dma_wait3A_306 = arith.constant 0 : i32
      %dma_wait3A_307 = tpu.memref_slice %arg6[%dma_wait3A_296, %dma_wait3A_305, %dma_wait3A_306] : memref<4x128x128xf32, #tpu.memory_space<vmem>> -> memref<1x128x128xf32, #tpu.memory_space<vmem>>
      %dma_wait3A_308 = tpu.memref_squeeze %dma_wait3A_307 : memref<1x128x128xf32, #tpu.memory_space<vmem>> -> memref<128x128xf32, #tpu.memory_space<vmem>>
      tpu.wait_dma2 semaphore(%arg7 : memref<!tpu.dma_semaphore, #tpu.memory_space<semaphore_mem>>) src(%dma_wait3A_308 : memref<128x128xf32, #tpu.memory_space<vmem>>) dst(%dma_wait3A_304 : memref<128x128xf32, #tpu.memory_space<hbm>>)
      %add3A_309 = arith.constant 4 : i32
      %add3A_310 = arith.addi %add3A_268, %add3A_309 : i32
      %mul3A_311 = arith.constant 128 : i32
      %mul3A_312 = arith.muli %add3A_310, %mul3A_311 : i32
      %dma_start3A_313 = arith.constant 1 : i32
      %dma_start3A_314 = arith.constant 0 : i32
      %dma_start3A_315 = arith.constant 0 : i32
      %dma_start3A_316 = tpu.memref_slice %arg6[%dma_start3A_313, %dma_start3A_314, %dma_start3A_315] : memref<4x128x128xf32, #tpu.memory_space<vmem>> -> memref<1x128x128xf32, #tpu.memory_space<vmem>>
      %dma_start3A_317 = tpu.memref_squeeze %dma_start3A_316 : memref<1x128x128xf32, #tpu.memory_space<vmem>> -> memref<128x128xf32, #tpu.memory_space<vmem>>
      %dma_start3A_318 = tpu.memref_slice %arg5[%mul3A_312] : memref<2048xi32, #tpu.memory_space<vmem>> -> memref<128xi32, #tpu.memory_space<vmem>>
      %dma_start3A_319 = arith.constant 0 : i32
      %dma_start3A_320 = arith.constant 0 : i32
      %dma_start3A_321 = tpu.memref_slice %arg2[%dma_start3A_319, %dma_start3A_320] : memref<200000x128xf32, #tpu.memory_space<hbm>> -> memref<200000x128xf32, #tpu.memory_space<hbm>>
      tpu.enqueue_indirect_dma source(%dma_start3A_321 : memref<200000x128xf32, #tpu.memory_space<hbm>>) target(%dma_start3A_317 : memref<128x128xf32, #tpu.memory_space<vmem>>) offsets(%dma_start3A_318 : memref<128xi32, #tpu.memory_space<vmem>>) semaphore(%arg9 : memref<!tpu.dma_semaphore, #tpu.memory_space<semaphore_mem>>)
      %mul3A_322 = arith.constant 4 : i32
      %mul3A_323 = arith.muli %scan3A_206, %mul3A_322 : i32
      %add3A_324 = arith.constant 2 : i32
      %add3A_325 = arith.addi %mul3A_323, %add3A_324 : i32
      %mul3A_326 = arith.constant 128 : i32
      %mul3A_327 = arith.muli %add3A_325, %mul3A_326 : i32
      %dma_wait3A_328 = arith.constant 2 : i32
      %dma_wait3A_329 = arith.constant 0 : i32
      %dma_wait3A_330 = arith.constant 0 : i32
      %dma_wait3A_331 = tpu.memref_slice %arg6[%dma_wait3A_328, %dma_wait3A_329, %dma_wait3A_330] : memref<4x128x128xf32, #tpu.memory_space<vmem>> -> memref<1x128x128xf32, #tpu.memory_space<vmem>>
      %dma_wait3A_332 = tpu.memref_squeeze %dma_wait3A_331 : memref<1x128x128xf32, #tpu.memory_space<vmem>> -> memref<128x128xf32, #tpu.memory_space<vmem>>
      %dma_wait3A_333 = tpu.memref_slice %arg5[%mul3A_327] : memref<2048xi32, #tpu.memory_space<vmem>> -> memref<128xi32, #tpu.memory_space<vmem>>
      %dma_wait3A_334 = arith.constant 0 : i32
      %dma_wait3A_335 = arith.constant 0 : i32
      %dma_wait3A_336 = tpu.memref_slice %arg2[%dma_wait3A_334, %dma_wait3A_335] : memref<200000x128xf32, #tpu.memory_space<hbm>> -> memref<200000x128xf32, #tpu.memory_space<hbm>>
      tpu.wait_indirect_dma semaphore(%arg10 : memref<!tpu.dma_semaphore, #tpu.memory_space<semaphore_mem>>) src(%dma_wait3A_336 : memref<200000x128xf32, #tpu.memory_space<hbm>>) dst(%dma_wait3A_332 : memref<128x128xf32, #tpu.memory_space<vmem>>)
      %mul3A_337 = arith.constant 128 : i32
      %mul3A_338 = arith.muli %add3A_325, %mul3A_337 : i32
      %add3A_339 = arith.addi %mul3A_2, %mul3A_338 : i32
      %dma_start3A_340 = arith.constant 2 : i32
      %dma_start3A_341 = arith.constant 0 : i32
      %dma_start3A_342 = arith.constant 0 : i32
      %dma_start3A_343 = tpu.memref_slice %arg6[%dma_start3A_340, %dma_start3A_341, %dma_start3A_342] : memref<4x128x128xf32, #tpu.memory_space<vmem>> -> memref<1x128x128xf32, #tpu.memory_space<vmem>>
      %dma_start3A_344 = tpu.memref_squeeze %dma_start3A_343 : memref<1x128x128xf32, #tpu.memory_space<vmem>> -> memref<128x128xf32, #tpu.memory_space<vmem>>
      %dma_start3A_345 = arith.constant 0 : i32
      %dma_start3A_346 = tpu.memref_slice %arg4[%add3A_339, %dma_start3A_345] : memref<65536x128xf32, #tpu.memory_space<hbm>> -> memref<128x128xf32, #tpu.memory_space<hbm>>
      %dma_start3A_347 = arith.constant 0 : i32
      %dma_start3A_348 = tpu.memref_slice %arg4[%add3A_339, %dma_start3A_347] : memref<65536x128xf32, #tpu.memory_space<hbm>> -> memref<128x128xf32, #tpu.memory_space<hbm>>
      %dma_start3A_349 = arith.constant 0 : i32
      %dma_start3A_350 = arith.constant 0 : i32
      %dma_start3A_351 = tpu.memref_slice %arg6[%dma_start3A_340, %dma_start3A_349, %dma_start3A_350] : memref<4x128x128xf32, #tpu.memory_space<vmem>> -> memref<1x128x128xf32, #tpu.memory_space<vmem>>
      %dma_start3A_352 = tpu.memref_squeeze %dma_start3A_351 : memref<1x128x128xf32, #tpu.memory_space<vmem>> -> memref<128x128xf32, #tpu.memory_space<vmem>>
      tpu.enqueue_dma source(%dma_start3A_352 : memref<128x128xf32, #tpu.memory_space<vmem>>) target(%dma_start3A_348 : memref<128x128xf32, #tpu.memory_space<hbm>>) target_semaphore(%arg7 : memref<!tpu.dma_semaphore, #tpu.memory_space<semaphore_mem>>)
      %dma_wait3A_353 = arith.constant 2 : i32
      %dma_wait3A_354 = arith.constant 0 : i32
      %dma_wait3A_355 = arith.constant 0 : i32
      %dma_wait3A_356 = tpu.memref_slice %arg6[%dma_wait3A_353, %dma_wait3A_354, %dma_wait3A_355] : memref<4x128x128xf32, #tpu.memory_space<vmem>> -> memref<1x128x128xf32, #tpu.memory_space<vmem>>
      %dma_wait3A_357 = tpu.memref_squeeze %dma_wait3A_356 : memref<1x128x128xf32, #tpu.memory_space<vmem>> -> memref<128x128xf32, #tpu.memory_space<vmem>>
      %dma_wait3A_358 = arith.constant 0 : i32
      %dma_wait3A_359 = tpu.memref_slice %arg4[%add3A_339, %dma_wait3A_358] : memref<65536x128xf32, #tpu.memory_space<hbm>> -> memref<128x128xf32, #tpu.memory_space<hbm>>
      %dma_wait3A_360 = arith.constant 0 : i32
      %dma_wait3A_361 = tpu.memref_slice %arg4[%add3A_339, %dma_wait3A_360] : memref<65536x128xf32, #tpu.memory_space<hbm>> -> memref<128x128xf32, #tpu.memory_space<hbm>>
      %dma_wait3A_362 = arith.constant 0 : i32
      %dma_wait3A_363 = arith.constant 0 : i32
      %dma_wait3A_364 = tpu.memref_slice %arg6[%dma_wait3A_353, %dma_wait3A_362, %dma_wait3A_363] : memref<4x128x128xf32, #tpu.memory_space<vmem>> -> memref<1x128x128xf32, #tpu.memory_space<vmem>>
      %dma_wait3A_365 = tpu.memref_squeeze %dma_wait3A_364 : memref<1x128x128xf32, #tpu.memory_space<vmem>> -> memref<128x128xf32, #tpu.memory_space<vmem>>
      tpu.wait_dma2 semaphore(%arg7 : memref<!tpu.dma_semaphore, #tpu.memory_space<semaphore_mem>>) src(%dma_wait3A_365 : memref<128x128xf32, #tpu.memory_space<vmem>>) dst(%dma_wait3A_361 : memref<128x128xf32, #tpu.memory_space<hbm>>)
      %add3A_366 = arith.constant 4 : i32
      %add3A_367 = arith.addi %add3A_325, %add3A_366 : i32
      %mul3A_368 = arith.constant 128 : i32
      %mul3A_369 = arith.muli %add3A_367, %mul3A_368 : i32
      %dma_start3A_370 = arith.constant 2 : i32
      %dma_start3A_371 = arith.constant 0 : i32
      %dma_start3A_372 = arith.constant 0 : i32
      %dma_start3A_373 = tpu.memref_slice %arg6[%dma_start3A_370, %dma_start3A_371, %dma_start3A_372] : memref<4x128x128xf32, #tpu.memory_space<vmem>> -> memref<1x128x128xf32, #tpu.memory_space<vmem>>
      %dma_start3A_374 = tpu.memref_squeeze %dma_start3A_373 : memref<1x128x128xf32, #tpu.memory_space<vmem>> -> memref<128x128xf32, #tpu.memory_space<vmem>>
      %dma_start3A_375 = tpu.memref_slice %arg5[%mul3A_369] : memref<2048xi32, #tpu.memory_space<vmem>> -> memref<128xi32, #tpu.memory_space<vmem>>
      %dma_start3A_376 = arith.constant 0 : i32
      %dma_start3A_377 = arith.constant 0 : i32
      %dma_start3A_378 = tpu.memref_slice %arg2[%dma_start3A_376, %dma_start3A_377] : memref<200000x128xf32, #tpu.memory_space<hbm>> -> memref<200000x128xf32, #tpu.memory_space<hbm>>
      tpu.enqueue_indirect_dma source(%dma_start3A_378 : memref<200000x128xf32, #tpu.memory_space<hbm>>) target(%dma_start3A_374 : memref<128x128xf32, #tpu.memory_space<vmem>>) offsets(%dma_start3A_375 : memref<128xi32, #tpu.memory_space<vmem>>) semaphore(%arg10 : memref<!tpu.dma_semaphore, #tpu.memory_space<semaphore_mem>>)
      %mul3A_379 = arith.constant 4 : i32
      %mul3A_380 = arith.muli %scan3A_206, %mul3A_379 : i32
      %add3A_381 = arith.constant 3 : i32
      %add3A_382 = arith.addi %mul3A_380, %add3A_381 : i32
      %mul3A_383 = arith.constant 128 : i32
      %mul3A_384 = arith.muli %add3A_382, %mul3A_383 : i32
      %dma_wait3A_385 = arith.constant 3 : i32
      %dma_wait3A_386 = arith.constant 0 : i32
      %dma_wait3A_387 = arith.constant 0 : i32
      %dma_wait3A_388 = tpu.memref_slice %arg6[%dma_wait3A_385, %dma_wait3A_386, %dma_wait3A_387] : memref<4x128x128xf32, #tpu.memory_space<vmem>> -> memref<1x128x128xf32, #tpu.memory_space<vmem>>
      %dma_wait3A_389 = tpu.memref_squeeze %dma_wait3A_388 : memref<1x128x128xf32, #tpu.memory_space<vmem>> -> memref<128x128xf32, #tpu.memory_space<vmem>>
      %dma_wait3A_390 = tpu.memref_slice %arg5[%mul3A_384] : memref<2048xi32, #tpu.memory_space<vmem>> -> memref<128xi32, #tpu.memory_space<vmem>>
      %dma_wait3A_391 = arith.constant 0 : i32
      %dma_wait3A_392 = arith.constant 0 : i32
      %dma_wait3A_393 = tpu.memref_slice %arg2[%dma_wait3A_391, %dma_wait3A_392] : memref<200000x128xf32, #tpu.memory_space<hbm>> -> memref<200000x128xf32, #tpu.memory_space<hbm>>
      tpu.wait_indirect_dma semaphore(%arg11 : memref<!tpu.dma_semaphore, #tpu.memory_space<semaphore_mem>>) src(%dma_wait3A_393 : memref<200000x128xf32, #tpu.memory_space<hbm>>) dst(%dma_wait3A_389 : memref<128x128xf32, #tpu.memory_space<vmem>>)
      %mul3A_394 = arith.constant 128 : i32
      %mul3A_395 = arith.muli %add3A_382, %mul3A_394 : i32
      %add3A_396 = arith.addi %mul3A_2, %mul3A_395 : i32
      %dma_start3A_397 = arith.constant 3 : i32
      %dma_start3A_398 = arith.constant 0 : i32
      %dma_start3A_399 = arith.constant 0 : i32
      %dma_start3A_400 = tpu.memref_slice %arg6[%dma_start3A_397, %dma_start3A_398, %dma_start3A_399] : memref<4x128x128xf32, #tpu.memory_space<vmem>> -> memref<1x128x128xf32, #tpu.memory_space<vmem>>
      %dma_start3A_401 = tpu.memref_squeeze %dma_start3A_400 : memref<1x128x128xf32, #tpu.memory_space<vmem>> -> memref<128x128xf32, #tpu.memory_space<vmem>>
      %dma_start3A_402 = arith.constant 0 : i32
      %dma_start3A_403 = tpu.memref_slice %arg4[%add3A_396, %dma_start3A_402] : memref<65536x128xf32, #tpu.memory_space<hbm>> -> memref<128x128xf32, #tpu.memory_space<hbm>>
      %dma_start3A_404 = arith.constant 0 : i32
      %dma_start3A_405 = tpu.memref_slice %arg4[%add3A_396, %dma_start3A_404] : memref<65536x128xf32, #tpu.memory_space<hbm>> -> memref<128x128xf32, #tpu.memory_space<hbm>>
      %dma_start3A_406 = arith.constant 0 : i32
      %dma_start3A_407 = arith.constant 0 : i32
      %dma_start3A_408 = tpu.memref_slice %arg6[%dma_start3A_397, %dma_start3A_406, %dma_start3A_407] : memref<4x128x128xf32, #tpu.memory_space<vmem>> -> memref<1x128x128xf32, #tpu.memory_space<vmem>>
      %dma_start3A_409 = tpu.memref_squeeze %dma_start3A_408 : memref<1x128x128xf32, #tpu.memory_space<vmem>> -> memref<128x128xf32, #tpu.memory_space<vmem>>
      tpu.enqueue_dma source(%dma_start3A_409 : memref<128x128xf32, #tpu.memory_space<vmem>>) target(%dma_start3A_405 : memref<128x128xf32, #tpu.memory_space<hbm>>) target_semaphore(%arg7 : memref<!tpu.dma_semaphore, #tpu.memory_space<semaphore_mem>>)
      %dma_wait3A_410 = arith.constant 3 : i32
      %dma_wait3A_411 = arith.constant 0 : i32
      %dma_wait3A_412 = arith.constant 0 : i32
      %dma_wait3A_413 = tpu.memref_slice %arg6[%dma_wait3A_410, %dma_wait3A_411, %dma_wait3A_412] : memref<4x128x128xf32, #tpu.memory_space<vmem>> -> memref<1x128x128xf32, #tpu.memory_space<vmem>>
      %dma_wait3A_414 = tpu.memref_squeeze %dma_wait3A_413 : memref<1x128x128xf32, #tpu.memory_space<vmem>> -> memref<128x128xf32, #tpu.memory_space<vmem>>
      %dma_wait3A_415 = arith.constant 0 : i32
      %dma_wait3A_416 = tpu.memref_slice %arg4[%add3A_396, %dma_wait3A_415] : memref<65536x128xf32, #tpu.memory_space<hbm>> -> memref<128x128xf32, #tpu.memory_space<hbm>>
      %dma_wait3A_417 = arith.constant 0 : i32
      %dma_wait3A_418 = tpu.memref_slice %arg4[%add3A_396, %dma_wait3A_417] : memref<65536x128xf32, #tpu.memory_space<hbm>> -> memref<128x128xf32, #tpu.memory_space<hbm>>
      %dma_wait3A_419 = arith.constant 0 : i32
      %dma_wait3A_420 = arith.constant 0 : i32
      %dma_wait3A_421 = tpu.memref_slice %arg6[%dma_wait3A_410, %dma_wait3A_419, %dma_wait3A_420] : memref<4x128x128xf32, #tpu.memory_space<vmem>> -> memref<1x128x128xf32, #tpu.memory_space<vmem>>
      %dma_wait3A_422 = tpu.memref_squeeze %dma_wait3A_421 : memref<1x128x128xf32, #tpu.memory_space<vmem>> -> memref<128x128xf32, #tpu.memory_space<vmem>>
      tpu.wait_dma2 semaphore(%arg7 : memref<!tpu.dma_semaphore, #tpu.memory_space<semaphore_mem>>) src(%dma_wait3A_422 : memref<128x128xf32, #tpu.memory_space<vmem>>) dst(%dma_wait3A_418 : memref<128x128xf32, #tpu.memory_space<hbm>>)
      %add3A_423 = arith.constant 4 : i32
      %add3A_424 = arith.addi %add3A_382, %add3A_423 : i32
      %mul3A_425 = arith.constant 128 : i32
      %mul3A_426 = arith.muli %add3A_424, %mul3A_425 : i32
      %dma_start3A_427 = arith.constant 3 : i32
      %dma_start3A_428 = arith.constant 0 : i32
      %dma_start3A_429 = arith.constant 0 : i32
      %dma_start3A_430 = tpu.memref_slice %arg6[%dma_start3A_427, %dma_start3A_428, %dma_start3A_429] : memref<4x128x128xf32, #tpu.memory_space<vmem>> -> memref<1x128x128xf32, #tpu.memory_space<vmem>>
      %dma_start3A_431 = tpu.memref_squeeze %dma_start3A_430 : memref<1x128x128xf32, #tpu.memory_space<vmem>> -> memref<128x128xf32, #tpu.memory_space<vmem>>
      %dma_start3A_432 = tpu.memref_slice %arg5[%mul3A_426] : memref<2048xi32, #tpu.memory_space<vmem>> -> memref<128xi32, #tpu.memory_space<vmem>>
      %dma_start3A_433 = arith.constant 0 : i32
      %dma_start3A_434 = arith.constant 0 : i32
      %dma_start3A_435 = tpu.memref_slice %arg2[%dma_start3A_433, %dma_start3A_434] : memref<200000x128xf32, #tpu.memory_space<hbm>> -> memref<200000x128xf32, #tpu.memory_space<hbm>>
      tpu.enqueue_indirect_dma source(%dma_start3A_435 : memref<200000x128xf32, #tpu.memory_space<hbm>>) target(%dma_start3A_431 : memref<128x128xf32, #tpu.memory_space<vmem>>) offsets(%dma_start3A_432 : memref<128xi32, #tpu.memory_space<vmem>>) semaphore(%arg11 : memref<!tpu.dma_semaphore, #tpu.memory_space<semaphore_mem>>)
      %scan3A_436 = arith.constant 0 : i32
      scf.yield %scan3A_436 : i32
    }
    %scan3A_54 = arith.constant 3 : i32
    %dma_wait3A = arith.constant 0 : i32
    %dma_wait3A_55 = arith.constant 0 : i32
    %dma_wait3A_56 = arith.constant 0 : i32
    %dma_wait3A_57 = tpu.memref_slice %arg6[%dma_wait3A, %dma_wait3A_55, %dma_wait3A_56] : memref<4x128x128xf32, #tpu.memory_space<vmem>> -> memref<1x128x128xf32, #tpu.memory_space<vmem>>
    %dma_wait3A_58 = tpu.memref_squeeze %dma_wait3A_57 : memref<1x128x128xf32, #tpu.memory_space<vmem>> -> memref<128x128xf32, #tpu.memory_space<vmem>>
    %dma_wait3A_59 = arith.constant 1536 : i32
    %dma_wait3A_60 = tpu.memref_slice %arg5[%dma_wait3A_59] : memref<2048xi32, #tpu.memory_space<vmem>> -> memref<128xi32, #tpu.memory_space<vmem>>
    %dma_wait3A_61 = arith.constant 0 : i32
    %dma_wait3A_62 = arith.constant 0 : i32
    %dma_wait3A_63 = tpu.memref_slice %arg2[%dma_wait3A_61, %dma_wait3A_62] : memref<200000x128xf32, #tpu.memory_space<hbm>> -> memref<200000x128xf32, #tpu.memory_space<hbm>>
    tpu.wait_indirect_dma semaphore(%arg8 : memref<!tpu.dma_semaphore, #tpu.memory_space<semaphore_mem>>) src(%dma_wait3A_63 : memref<200000x128xf32, #tpu.memory_space<hbm>>) dst(%dma_wait3A_58 : memref<128x128xf32, #tpu.memory_space<vmem>>)
    %add3A_64 = arith.constant 1536 : i32
    %add3A_65 = arith.addi %mul3A_2, %add3A_64 : i32
    %dma_start3A_66 = arith.constant 0 : i32
    %dma_start3A_67 = arith.constant 0 : i32
    %dma_start3A_68 = arith.constant 0 : i32
    %dma_start3A_69 = tpu.memref_slice %arg6[%dma_start3A_66, %dma_start3A_67, %dma_start3A_68] : memref<4x128x128xf32, #tpu.memory_space<vmem>> -> memref<1x128x128xf32, #tpu.memory_space<vmem>>
    %dma_start3A_70 = tpu.memref_squeeze %dma_start3A_69 : memref<1x128x128xf32, #tpu.memory_space<vmem>> -> memref<128x128xf32, #tpu.memory_space<vmem>>
    %dma_start3A_71 = arith.constant 0 : i32
    %dma_start3A_72 = tpu.memref_slice %arg4[%add3A_65, %dma_start3A_71] : memref<65536x128xf32, #tpu.memory_space<hbm>> -> memref<128x128xf32, #tpu.memory_space<hbm>>
    %dma_start3A_73 = arith.constant 0 : i32
    %dma_start3A_74 = tpu.memref_slice %arg4[%add3A_65, %dma_start3A_73] : memref<65536x128xf32, #tpu.memory_space<hbm>> -> memref<128x128xf32, #tpu.memory_space<hbm>>
    %dma_start3A_75 = arith.constant 0 : i32
    %dma_start3A_76 = arith.constant 0 : i32
    %dma_start3A_77 = tpu.memref_slice %arg6[%dma_start3A_66, %dma_start3A_75, %dma_start3A_76] : memref<4x128x128xf32, #tpu.memory_space<vmem>> -> memref<1x128x128xf32, #tpu.memory_space<vmem>>
    %dma_start3A_78 = tpu.memref_squeeze %dma_start3A_77 : memref<1x128x128xf32, #tpu.memory_space<vmem>> -> memref<128x128xf32, #tpu.memory_space<vmem>>
    tpu.enqueue_dma source(%dma_start3A_78 : memref<128x128xf32, #tpu.memory_space<vmem>>) target(%dma_start3A_74 : memref<128x128xf32, #tpu.memory_space<hbm>>) target_semaphore(%arg7 : memref<!tpu.dma_semaphore, #tpu.memory_space<semaphore_mem>>)
    %dma_wait3A_79 = arith.constant 0 : i32
    %dma_wait3A_80 = arith.constant 0 : i32
    %dma_wait3A_81 = arith.constant 0 : i32
    %dma_wait3A_82 = tpu.memref_slice %arg6[%dma_wait3A_79, %dma_wait3A_80, %dma_wait3A_81] : memref<4x128x128xf32, #tpu.memory_space<vmem>> -> memref<1x128x128xf32, #tpu.memory_space<vmem>>
    %dma_wait3A_83 = tpu.memref_squeeze %dma_wait3A_82 : memref<1x128x128xf32, #tpu.memory_space<vmem>> -> memref<128x128xf32, #tpu.memory_space<vmem>>
    %dma_wait3A_84 = arith.constant 0 : i32
    %dma_wait3A_85 = tpu.memref_slice %arg4[%add3A_65, %dma_wait3A_84] : memref<65536x128xf32, #tpu.memory_space<hbm>> -> memref<128x128xf32, #tpu.memory_space<hbm>>
    %dma_wait3A_86 = arith.constant 0 : i32
    %dma_wait3A_87 = tpu.memref_slice %arg4[%add3A_65, %dma_wait3A_86] : memref<65536x128xf32, #tpu.memory_space<hbm>> -> memref<128x128xf32, #tpu.memory_space<hbm>>
    %dma_wait3A_88 = arith.constant 0 : i32
    %dma_wait3A_89 = arith.constant 0 : i32
    %dma_wait3A_90 = tpu.memref_slice %arg6[%dma_wait3A_79, %dma_wait3A_88, %dma_wait3A_89] : memref<4x128x128xf32, #tpu.memory_space<vmem>> -> memref<1x128x128xf32, #tpu.memory_space<vmem>>
    %dma_wait3A_91 = tpu.memref_squeeze %dma_wait3A_90 : memref<1x128x128xf32, #tpu.memory_space<vmem>> -> memref<128x128xf32, #tpu.memory_space<vmem>>
    tpu.wait_dma2 semaphore(%arg7 : memref<!tpu.dma_semaphore, #tpu.memory_space<semaphore_mem>>) src(%dma_wait3A_91 : memref<128x128xf32, #tpu.memory_space<vmem>>) dst(%dma_wait3A_87 : memref<128x128xf32, #tpu.memory_space<hbm>>)
    %dma_wait3A_92 = arith.constant 1 : i32
    %dma_wait3A_93 = arith.constant 0 : i32
    %dma_wait3A_94 = arith.constant 0 : i32
    %dma_wait3A_95 = tpu.memref_slice %arg6[%dma_wait3A_92, %dma_wait3A_93, %dma_wait3A_94] : memref<4x128x128xf32, #tpu.memory_space<vmem>> -> memref<1x128x128xf32, #tpu.memory_space<vmem>>
    %dma_wait3A_96 = tpu.memref_squeeze %dma_wait3A_95 : memref<1x128x128xf32, #tpu.memory_space<vmem>> -> memref<128x128xf32, #tpu.memory_space<vmem>>
    %dma_wait3A_97 = arith.constant 1664 : i32
    %dma_wait3A_98 = tpu.memref_slice %arg5[%dma_wait3A_97] : memref<2048xi32, #tpu.memory_space<vmem>> -> memref<128xi32, #tpu.memory_space<vmem>>
    %dma_wait3A_99 = arith.constant 0 : i32
    %dma_wait3A_100 = arith.constant 0 : i32
    %dma_wait3A_101 = tpu.memref_slice %arg2[%dma_wait3A_99, %dma_wait3A_100] : memref<200000x128xf32, #tpu.memory_space<hbm>> -> memref<200000x128xf32, #tpu.memory_space<hbm>>
    tpu.wait_indirect_dma semaphore(%arg9 : memref<!tpu.dma_semaphore, #tpu.memory_space<semaphore_mem>>) src(%dma_wait3A_101 : memref<200000x128xf32, #tpu.memory_space<hbm>>) dst(%dma_wait3A_96 : memref<128x128xf32, #tpu.memory_space<vmem>>)
    %add3A_102 = arith.constant 1664 : i32
    %add3A_103 = arith.addi %mul3A_2, %add3A_102 : i32
    %dma_start3A_104 = arith.constant 1 : i32
    %dma_start3A_105 = arith.constant 0 : i32
    %dma_start3A_106 = arith.constant 0 : i32
    %dma_start3A_107 = tpu.memref_slice %arg6[%dma_start3A_104, %dma_start3A_105, %dma_start3A_106] : memref<4x128x128xf32, #tpu.memory_space<vmem>> -> memref<1x128x128xf32, #tpu.memory_space<vmem>>
    %dma_start3A_108 = tpu.memref_squeeze %dma_start3A_107 : memref<1x128x128xf32, #tpu.memory_space<vmem>> -> memref<128x128xf32, #tpu.memory_space<vmem>>
    %dma_start3A_109 = arith.constant 0 : i32
    %dma_start3A_110 = tpu.memref_slice %arg4[%add3A_103, %dma_start3A_109] : memref<65536x128xf32, #tpu.memory_space<hbm>> -> memref<128x128xf32, #tpu.memory_space<hbm>>
    %dma_start3A_111 = arith.constant 0 : i32
    %dma_start3A_112 = tpu.memref_slice %arg4[%add3A_103, %dma_start3A_111] : memref<65536x128xf32, #tpu.memory_space<hbm>> -> memref<128x128xf32, #tpu.memory_space<hbm>>
    %dma_start3A_113 = arith.constant 0 : i32
    %dma_start3A_114 = arith.constant 0 : i32
    %dma_start3A_115 = tpu.memref_slice %arg6[%dma_start3A_104, %dma_start3A_113, %dma_start3A_114] : memref<4x128x128xf32, #tpu.memory_space<vmem>> -> memref<1x128x128xf32, #tpu.memory_space<vmem>>
    %dma_start3A_116 = tpu.memref_squeeze %dma_start3A_115 : memref<1x128x128xf32, #tpu.memory_space<vmem>> -> memref<128x128xf32, #tpu.memory_space<vmem>>
    tpu.enqueue_dma source(%dma_start3A_116 : memref<128x128xf32, #tpu.memory_space<vmem>>) target(%dma_start3A_112 : memref<128x128xf32, #tpu.memory_space<hbm>>) target_semaphore(%arg7 : memref<!tpu.dma_semaphore, #tpu.memory_space<semaphore_mem>>)
    %dma_wait3A_117 = arith.constant 1 : i32
    %dma_wait3A_118 = arith.constant 0 : i32
    %dma_wait3A_119 = arith.constant 0 : i32
    %dma_wait3A_120 = tpu.memref_slice %arg6[%dma_wait3A_117, %dma_wait3A_118, %dma_wait3A_119] : memref<4x128x128xf32, #tpu.memory_space<vmem>> -> memref<1x128x128xf32, #tpu.memory_space<vmem>>
    %dma_wait3A_121 = tpu.memref_squeeze %dma_wait3A_120 : memref<1x128x128xf32, #tpu.memory_space<vmem>> -> memref<128x128xf32, #tpu.memory_space<vmem>>
    %dma_wait3A_122 = arith.constant 0 : i32
    %dma_wait3A_123 = tpu.memref_slice %arg4[%add3A_103, %dma_wait3A_122] : memref<65536x128xf32, #tpu.memory_space<hbm>> -> memref<128x128xf32, #tpu.memory_space<hbm>>
    %dma_wait3A_124 = arith.constant 0 : i32
    %dma_wait3A_125 = tpu.memref_slice %arg4[%add3A_103, %dma_wait3A_124] : memref<65536x128xf32, #tpu.memory_space<hbm>> -> memref<128x128xf32, #tpu.memory_space<hbm>>
    %dma_wait3A_126 = arith.constant 0 : i32
    %dma_wait3A_127 = arith.constant 0 : i32
    %dma_wait3A_128 = tpu.memref_slice %arg6[%dma_wait3A_117, %dma_wait3A_126, %dma_wait3A_127] : memref<4x128x128xf32, #tpu.memory_space<vmem>> -> memref<1x128x128xf32, #tpu.memory_space<vmem>>
    %dma_wait3A_129 = tpu.memref_squeeze %dma_wait3A_128 : memref<1x128x128xf32, #tpu.memory_space<vmem>> -> memref<128x128xf32, #tpu.memory_space<vmem>>
    tpu.wait_dma2 semaphore(%arg7 : memref<!tpu.dma_semaphore, #tpu.memory_space<semaphore_mem>>) src(%dma_wait3A_129 : memref<128x128xf32, #tpu.memory_space<vmem>>) dst(%dma_wait3A_125 : memref<128x128xf32, #tpu.memory_space<hbm>>)
    %dma_wait3A_130 = arith.constant 2 : i32
    %dma_wait3A_131 = arith.constant 0 : i32
    %dma_wait3A_132 = arith.constant 0 : i32
    %dma_wait3A_133 = tpu.memref_slice %arg6[%dma_wait3A_130, %dma_wait3A_131, %dma_wait3A_132] : memref<4x128x128xf32, #tpu.memory_space<vmem>> -> memref<1x128x128xf32, #tpu.memory_space<vmem>>
    %dma_wait3A_134 = tpu.memref_squeeze %dma_wait3A_133 : memref<1x128x128xf32, #tpu.memory_space<vmem>> -> memref<128x128xf32, #tpu.memory_space<vmem>>
    %dma_wait3A_135 = arith.constant 1792 : i32
    %dma_wait3A_136 = tpu.memref_slice %arg5[%dma_wait3A_135] : memref<2048xi32, #tpu.memory_space<vmem>> -> memref<128xi32, #tpu.memory_space<vmem>>
    %dma_wait3A_137 = arith.constant 0 : i32
    %dma_wait3A_138 = arith.constant 0 : i32
    %dma_wait3A_139 = tpu.memref_slice %arg2[%dma_wait3A_137, %dma_wait3A_138] : memref<200000x128xf32, #tpu.memory_space<hbm>> -> memref<200000x128xf32, #tpu.memory_space<hbm>>
    tpu.wait_indirect_dma semaphore(%arg10 : memref<!tpu.dma_semaphore, #tpu.memory_space<semaphore_mem>>) src(%dma_wait3A_139 : memref<200000x128xf32, #tpu.memory_space<hbm>>) dst(%dma_wait3A_134 : memref<128x128xf32, #tpu.memory_space<vmem>>)
    %add3A_140 = arith.constant 1792 : i32
    %add3A_141 = arith.addi %mul3A_2, %add3A_140 : i32
    %dma_start3A_142 = arith.constant 2 : i32
    %dma_start3A_143 = arith.constant 0 : i32
    %dma_start3A_144 = arith.constant 0 : i32
    %dma_start3A_145 = tpu.memref_slice %arg6[%dma_start3A_142, %dma_start3A_143, %dma_start3A_144] : memref<4x128x128xf32, #tpu.memory_space<vmem>> -> memref<1x128x128xf32, #tpu.memory_space<vmem>>
    %dma_start3A_146 = tpu.memref_squeeze %dma_start3A_145 : memref<1x128x128xf32, #tpu.memory_space<vmem>> -> memref<128x128xf32, #tpu.memory_space<vmem>>
    %dma_start3A_147 = arith.constant 0 : i32
    %dma_start3A_148 = tpu.memref_slice %arg4[%add3A_141, %dma_start3A_147] : memref<65536x128xf32, #tpu.memory_space<hbm>> -> memref<128x128xf32, #tpu.memory_space<hbm>>
    %dma_start3A_149 = arith.constant 0 : i32
    %dma_start3A_150 = tpu.memref_slice %arg4[%add3A_141, %dma_start3A_149] : memref<65536x128xf32, #tpu.memory_space<hbm>> -> memref<128x128xf32, #tpu.memory_space<hbm>>
    %dma_start3A_151 = arith.constant 0 : i32
    %dma_start3A_152 = arith.constant 0 : i32
    %dma_start3A_153 = tpu.memref_slice %arg6[%dma_start3A_142, %dma_start3A_151, %dma_start3A_152] : memref<4x128x128xf32, #tpu.memory_space<vmem>> -> memref<1x128x128xf32, #tpu.memory_space<vmem>>
    %dma_start3A_154 = tpu.memref_squeeze %dma_start3A_153 : memref<1x128x128xf32, #tpu.memory_space<vmem>> -> memref<128x128xf32, #tpu.memory_space<vmem>>
    tpu.enqueue_dma source(%dma_start3A_154 : memref<128x128xf32, #tpu.memory_space<vmem>>) target(%dma_start3A_150 : memref<128x128xf32, #tpu.memory_space<hbm>>) target_semaphore(%arg7 : memref<!tpu.dma_semaphore, #tpu.memory_space<semaphore_mem>>)
    %dma_wait3A_155 = arith.constant 2 : i32
    %dma_wait3A_156 = arith.constant 0 : i32
    %dma_wait3A_157 = arith.constant 0 : i32
    %dma_wait3A_158 = tpu.memref_slice %arg6[%dma_wait3A_155, %dma_wait3A_156, %dma_wait3A_157] : memref<4x128x128xf32, #tpu.memory_space<vmem>> -> memref<1x128x128xf32, #tpu.memory_space<vmem>>
    %dma_wait3A_159 = tpu.memref_squeeze %dma_wait3A_158 : memref<1x128x128xf32, #tpu.memory_space<vmem>> -> memref<128x128xf32, #tpu.memory_space<vmem>>
    %dma_wait3A_160 = arith.constant 0 : i32
    %dma_wait3A_161 = tpu.memref_slice %arg4[%add3A_141, %dma_wait3A_160] : memref<65536x128xf32, #tpu.memory_space<hbm>> -> memref<128x128xf32, #tpu.memory_space<hbm>>
    %dma_wait3A_162 = arith.constant 0 : i32
    %dma_wait3A_163 = tpu.memref_slice %arg4[%add3A_141, %dma_wait3A_162] : memref<65536x128xf32, #tpu.memory_space<hbm>> -> memref<128x128xf32, #tpu.memory_space<hbm>>
    %dma_wait3A_164 = arith.constant 0 : i32
    %dma_wait3A_165 = arith.constant 0 : i32
    %dma_wait3A_166 = tpu.memref_slice %arg6[%dma_wait3A_155, %dma_wait3A_164, %dma_wait3A_165] : memref<4x128x128xf32, #tpu.memory_space<vmem>> -> memref<1x128x128xf32, #tpu.memory_space<vmem>>
    %dma_wait3A_167 = tpu.memref_squeeze %dma_wait3A_166 : memref<1x128x128xf32, #tpu.memory_space<vmem>> -> memref<128x128xf32, #tpu.memory_space<vmem>>
    tpu.wait_dma2 semaphore(%arg7 : memref<!tpu.dma_semaphore, #tpu.memory_space<semaphore_mem>>) src(%dma_wait3A_167 : memref<128x128xf32, #tpu.memory_space<vmem>>) dst(%dma_wait3A_163 : memref<128x128xf32, #tpu.memory_space<hbm>>)
    %dma_wait3A_168 = arith.constant 3 : i32
    %dma_wait3A_169 = arith.constant 0 : i32
    %dma_wait3A_170 = arith.constant 0 : i32
    %dma_wait3A_171 = tpu.memref_slice %arg6[%dma_wait3A_168, %dma_wait3A_169, %dma_wait3A_170] : memref<4x128x128xf32, #tpu.memory_space<vmem>> -> memref<1x128x128xf32, #tpu.memory_space<vmem>>
    %dma_wait3A_172 = tpu.memref_squeeze %dma_wait3A_171 : memref<1x128x128xf32, #tpu.memory_space<vmem>> -> memref<128x128xf32, #tpu.memory_space<vmem>>
    %dma_wait3A_173 = arith.constant 1920 : i32
    %dma_wait3A_174 = tpu.memref_slice %arg5[%dma_wait3A_173] : memref<2048xi32, #tpu.memory_space<vmem>> -> memref<128xi32, #tpu.memory_space<vmem>>
    %dma_wait3A_175 = arith.constant 0 : i32
    %dma_wait3A_176 = arith.constant 0 : i32
    %dma_wait3A_177 = tpu.memref_slice %arg2[%dma_wait3A_175, %dma_wait3A_176] : memref<200000x128xf32, #tpu.memory_space<hbm>> -> memref<200000x128xf32, #tpu.memory_space<hbm>>
    tpu.wait_indirect_dma semaphore(%arg11 : memref<!tpu.dma_semaphore, #tpu.memory_space<semaphore_mem>>) src(%dma_wait3A_177 : memref<200000x128xf32, #tpu.memory_space<hbm>>) dst(%dma_wait3A_172 : memref<128x128xf32, #tpu.memory_space<vmem>>)
    %add3A_178 = arith.constant 1920 : i32
    %add3A_179 = arith.addi %mul3A_2, %add3A_178 : i32
    %dma_start3A_180 = arith.constant 3 : i32
    %dma_start3A_181 = arith.constant 0 : i32
    %dma_start3A_182 = arith.constant 0 : i32
    %dma_start3A_183 = tpu.memref_slice %arg6[%dma_start3A_180, %dma_start3A_181, %dma_start3A_182] : memref<4x128x128xf32, #tpu.memory_space<vmem>> -> memref<1x128x128xf32, #tpu.memory_space<vmem>>
    %dma_start3A_184 = tpu.memref_squeeze %dma_start3A_183 : memref<1x128x128xf32, #tpu.memory_space<vmem>> -> memref<128x128xf32, #tpu.memory_space<vmem>>
    %dma_start3A_185 = arith.constant 0 : i32
    %dma_start3A_186 = tpu.memref_slice %arg4[%add3A_179, %dma_start3A_185] : memref<65536x128xf32, #tpu.memory_space<hbm>> -> memref<128x128xf32, #tpu.memory_space<hbm>>
    %dma_start3A_187 = arith.constant 0 : i32
    %dma_start3A_188 = tpu.memref_slice %arg4[%add3A_179, %dma_start3A_187] : memref<65536x128xf32, #tpu.memory_space<hbm>> -> memref<128x128xf32, #tpu.memory_space<hbm>>
    %dma_start3A_189 = arith.constant 0 : i32
    %dma_start3A_190 = arith.constant 0 : i32
    %dma_start3A_191 = tpu.memref_slice %arg6[%dma_start3A_180, %dma_start3A_189, %dma_start3A_190] : memref<4x128x128xf32, #tpu.memory_space<vmem>> -> memref<1x128x128xf32, #tpu.memory_space<vmem>>
    %dma_start3A_192 = tpu.memref_squeeze %dma_start3A_191 : memref<1x128x128xf32, #tpu.memory_space<vmem>> -> memref<128x128xf32, #tpu.memory_space<vmem>>
    tpu.enqueue_dma source(%dma_start3A_192 : memref<128x128xf32, #tpu.memory_space<vmem>>) target(%dma_start3A_188 : memref<128x128xf32, #tpu.memory_space<hbm>>) target_semaphore(%arg7 : memref<!tpu.dma_semaphore, #tpu.memory_space<semaphore_mem>>)
    %dma_wait3A_193 = arith.constant 3 : i32
    %dma_wait3A_194 = arith.constant 0 : i32
    %dma_wait3A_195 = arith.constant 0 : i32
    %dma_wait3A_196 = tpu.memref_slice %arg6[%dma_wait3A_193, %dma_wait3A_194, %dma_wait3A_195] : memref<4x128x128xf32, #tpu.memory_space<vmem>> -> memref<1x128x128xf32, #tpu.memory_space<vmem>>
    %dma_wait3A_197 = tpu.memref_squeeze %dma_wait3A_196 : memref<1x128x128xf32, #tpu.memory_space<vmem>> -> memref<128x128xf32, #tpu.memory_space<vmem>>
    %dma_wait3A_198 = arith.constant 0 : i32
    %dma_wait3A_199 = tpu.memref_slice %arg4[%add3A_179, %dma_wait3A_198] : memref<65536x128xf32, #tpu.memory_space<hbm>> -> memref<128x128xf32, #tpu.memory_space<hbm>>
    %dma_wait3A_200 = arith.constant 0 : i32
    %dma_wait3A_201 = tpu.memref_slice %arg4[%add3A_179, %dma_wait3A_200] : memref<65536x128xf32, #tpu.memory_space<hbm>> -> memref<128x128xf32, #tpu.memory_space<hbm>>
    %dma_wait3A_202 = arith.constant 0 : i32
    %dma_wait3A_203 = arith.constant 0 : i32
    %dma_wait3A_204 = tpu.memref_slice %arg6[%dma_wait3A_193, %dma_wait3A_202, %dma_wait3A_203] : memref<4x128x128xf32, #tpu.memory_space<vmem>> -> memref<1x128x128xf32, #tpu.memory_space<vmem>>
    %dma_wait3A_205 = tpu.memref_squeeze %dma_wait3A_204 : memref<1x128x128xf32, #tpu.memory_space<vmem>> -> memref<128x128xf32, #tpu.memory_space<vmem>>
    tpu.wait_dma2 semaphore(%arg7 : memref<!tpu.dma_semaphore, #tpu.memory_space<semaphore_mem>>) src(%dma_wait3A_205 : memref<128x128xf32, #tpu.memory_space<vmem>>) dst(%dma_wait3A_201 : memref<128x128xf32, #tpu.memory_space<hbm>>)
    return
  }
}

#map = affine_map<(d0, d1) -> (0, 0)>
#map1 = affine_map<(d0, d1) -> (0)>
module attributes {stable_mosaic.version = 14 : i64} {
  func.func @_gather_body(%arg0: i32, %arg1: i32, %arg2: memref<200000x128xf32, #tpu.memory_space<hbm>>, %arg3: memref<65536xi32, #tpu.memory_space<hbm>>, %arg4: memref<65536x128xf32, #tpu.memory_space<hbm>>, %arg5: memref<2048xi32, #tpu.memory_space<vmem>>, %arg6: memref<4x128x128xf32, #tpu.memory_space<vmem>>, %arg7: memref<!tpu.dma_semaphore, #tpu.memory_space<semaphore_mem>>, %arg8: memref<!tpu.dma_semaphore, #tpu.memory_space<semaphore_mem>>, %arg9: memref<!tpu.dma_semaphore, #tpu.memory_space<semaphore_mem>>, %arg10: memref<!tpu.dma_semaphore, #tpu.memory_space<semaphore_mem>>, %arg11: memref<!tpu.dma_semaphore, #tpu.memory_space<semaphore_mem>>) attributes {dimension_semantics = [#tpu.dimension_semantics<core_parallel>, #tpu.dimension_semantics<subcore_parallel>], iteration_bounds = array<i64: 2, 16>, scalar_prefetch = 0 : i64, scratch_operands = 7 : i64, tpu.core_type = #tpu.core_type<sc_vector_subcore>, window_params = [{transform_indices = #map}, {transform_indices = #map1}, {transform_indices = #map}]} {
    %mul3A = arith.constant 2 : i32
    %mul3A_0 = arith.muli %arg1, %mul3A : i32
    %add3A = arith.addi %mul3A_0, %arg0 : i32
    %mul3A_1 = arith.constant 2048 : i32
    %mul3A_2 = arith.muli %add3A, %mul3A_1 : i32
    "tpu.region"() ({
      %run_scoped3A = tpu.sem_alloc : memref<!tpu.dma_semaphore, #tpu.memory_space<semaphore_mem>>
      %dma_start3A_206 = tpu.memref_slice %arg3[%mul3A_2] : memref<65536xi32, #tpu.memory_space<hbm>> -> memref<2048xi32, #tpu.memory_space<hbm>>
      %dma_start3A_207 = tpu.memref_slice %arg3[%mul3A_2] : memref<65536xi32, #tpu.memory_space<hbm>> -> memref<2048xi32, #tpu.memory_space<hbm>>
      tpu.enqueue_dma source(%dma_start3A_207 : memref<2048xi32, #tpu.memory_space<hbm>>) target(%arg5 : memref<2048xi32, #tpu.memory_space<vmem>>) target_semaphore(%run_scoped3A : memref<!tpu.dma_semaphore, #tpu.memory_space<semaphore_mem>>)
      %dma_wait3A_208 = tpu.memref_slice %arg3[%mul3A_2] : memref<65536xi32, #tpu.memory_space<hbm>> -> memref<2048xi32, #tpu.memory_space<hbm>>
      %dma_wait3A_209 = tpu.memref_slice %arg3[%mul3A_2] : memref<65536xi32, #tpu.memory_space<hbm>> -> memref<2048xi32, #tpu.memory_space<hbm>>
      tpu.wait_dma2 semaphore(%run_scoped3A : memref<!tpu.dma_semaphore, #tpu.memory_space<semaphore_mem>>) src(%dma_wait3A_209 : memref<2048xi32, #tpu.memory_space<hbm>>) dst(%arg5 : memref<2048xi32, #tpu.memory_space<vmem>>)
      tpu.yield
    }) : () -> ()
    %iota3A = tpu.iota {dimensions = array<i32: 0>} : vector<16xi32>
    %scan3A = arith.constant 0 : i32
    %scan3A_3 = arith.constant 0 : i32
    %scan3A_4 = arith.constant 128 : i32
    %scan3A_5 = arith.addi %scan3A_3, %scan3A_4 : i32
    %scan3A_6 = arith.constant 1 : i32
    %scan3A_7 = scf.for %scan3A_206 = %scan3A_3 to %scan3A_5 step %scan3A_6 iter_args(%scan3A_207 = %scan3A) -> (i32)  : i32 {
      %mul3A_208 = arith.constant 16 : i32
      %mul3A_209 = arith.muli %scan3A_206, %mul3A_208 : i32
      %get3A = arith.index_cast %mul3A_209 : i32 to index
      %get3A_210 = tpu.vector_load %arg5[%get3A] {strides = array<i32>} : memref<2048xi32, #tpu.memory_space<vmem>>, vector<16xi32>,
      %get3A_211 = vector.shape_cast %get3A_210 : vector<16xi32> to vector<16xi32>
      %mul3A_212 = arith.constant 16 : i32
      %mul3A_213 = arith.muli %scan3A_206, %mul3A_212 : i32
      %add3A_214 = arith.addi %mul3A_2, %mul3A_213 : i32
      %add3A_215 = vector.broadcast %add3A_214 : i32 to vector<16xi32>
      %add3A_216 = arith.addi %add3A_215, %iota3A : vector<16xi32>
      %and3A = arith.constant 131071 : i32
      %and3A_217 = vector.broadcast %and3A : i32 to vector<16xi32>
      %and3A_218 = arith.andi %add3A_216, %and3A_217 : vector<16xi32>
      %lt3A = arith.constant 0 : i32
      %lt3A_219 = vector.broadcast %lt3A : i32 to vector<16xi32>
      %lt3A_220 = arith.cmpi slt, %get3A_211, %lt3A_219 : vector<16xi32>
      %select_n3A = arith.select %lt3A_220, %and3A_218, %get3A_211 : vector<16xi1>, vector<16xi32>
      %mul3A_221 = arith.constant 16 : i32
      %mul3A_222 = arith.muli %scan3A_206, %mul3A_221 : i32
      %swap3A = arith.index_cast %mul3A_222 : i32 to index
      %swap3A_223 = tpu.vector_load %arg5[%swap3A] {strides = array<i32>} : memref<2048xi32, #tpu.memory_space<vmem>>, vector<16xi32>,
      %swap3A_224 = vector.shape_cast %swap3A_223 : vector<16xi32> to vector<16xi32>
      %swap3A_225 = vector.shape_cast %select_n3A : vector<16xi32> to vector<16xi32>
      tpu.vector_store %arg5[%swap3A], %swap3A_225 {strides = array<i32>} : memref<2048xi32, #tpu.memory_space<vmem>>, vector<16xi32>,
      %scan3A_226 = arith.constant 0 : i32
      scf.yield %scan3A_226 : i32
    }
    %scan3A_8 = arith.constant 128 : i32
    %dma_start3A = arith.constant 0 : i32
    %dma_start3A_9 = arith.constant 0 : i32
    %dma_start3A_10 = arith.constant 0 : i32
    %dma_start3A_11 = tpu.memref_slice %arg6[%dma_start3A, %dma_start3A_9, %dma_start3A_10] : memref<4x128x128xf32, #tpu.memory_space<vmem>> -> memref<1x128x128xf32, #tpu.memory_space<vmem>>
    %dma_start3A_12 = tpu.memref_squeeze %dma_start3A_11 : memref<1x128x128xf32, #tpu.memory_space<vmem>> -> memref<128x128xf32, #tpu.memory_space<vmem>>
    %dma_start3A_13 = arith.constant 0 : i32
    %dma_start3A_14 = tpu.memref_slice %arg5[%dma_start3A_13] : memref<2048xi32, #tpu.memory_space<vmem>> -> memref<128xi32, #tpu.memory_space<vmem>>
    %dma_start3A_15 = arith.constant 0 : i32
    %dma_start3A_16 = arith.constant 0 : i32
    %dma_start3A_17 = tpu.memref_slice %arg2[%dma_start3A_15, %dma_start3A_16] : memref<200000x128xf32, #tpu.memory_space<hbm>> -> memref<200000x128xf32, #tpu.memory_space<hbm>>
    tpu.enqueue_indirect_dma source(%dma_start3A_17 : memref<200000x128xf32, #tpu.memory_space<hbm>>) target(%dma_start3A_12 : memref<128x128xf32, #tpu.memory_space<vmem>>) offsets(%dma_start3A_14 : memref<128xi32, #tpu.memory_space<vmem>>) semaphore(%arg8 : memref<!tpu.dma_semaphore, #tpu.memory_space<semaphore_mem>>)
    %dma_start3A_18 = arith.constant 1 : i32
    %dma_start3A_19 = arith.constant 0 : i32
    %dma_start3A_20 = arith.constant 0 : i32
    %dma_start3A_21 = tpu.memref_slice %arg6[%dma_start3A_18, %dma_start3A_19, %dma_start3A_20] : memref<4x128x128xf32, #tpu.memory_space<vmem>> -> memref<1x128x128xf32, #tpu.memory_space<vmem>>
    %dma_start3A_22 = tpu.memref_squeeze %dma_start3A_21 : memref<1x128x128xf32, #tpu.memory_space<vmem>> -> memref<128x128xf32, #tpu.memory_space<vmem>>
    %dma_start3A_23 = arith.constant 128 : i32
    %dma_start3A_24 = tpu.memref_slice %arg5[%dma_start3A_23] : memref<2048xi32, #tpu.memory_space<vmem>> -> memref<128xi32, #tpu.memory_space<vmem>>
    %dma_start3A_25 = arith.constant 0 : i32
    %dma_start3A_26 = arith.constant 0 : i32
    %dma_start3A_27 = tpu.memref_slice %arg2[%dma_start3A_25, %dma_start3A_26] : memref<200000x128xf32, #tpu.memory_space<hbm>> -> memref<200000x128xf32, #tpu.memory_space<hbm>>
    tpu.enqueue_indirect_dma source(%dma_start3A_27 : memref<200000x128xf32, #tpu.memory_space<hbm>>) target(%dma_start3A_22 : memref<128x128xf32, #tpu.memory_space<vmem>>) offsets(%dma_start3A_24 : memref<128xi32, #tpu.memory_space<vmem>>) semaphore(%arg9 : memref<!tpu.dma_semaphore, #tpu.memory_space<semaphore_mem>>)
    %dma_start3A_28 = arith.constant 2 : i32
    %dma_start3A_29 = arith.constant 0 : i32
    %dma_start3A_30 = arith.constant 0 : i32
    %dma_start3A_31 = tpu.memref_slice %arg6[%dma_start3A_28, %dma_start3A_29, %dma_start3A_30] : memref<4x128x128xf32, #tpu.memory_space<vmem>> -> memref<1x128x128xf32, #tpu.memory_space<vmem>>
    %dma_start3A_32 = tpu.memref_squeeze %dma_start3A_31 : memref<1x128x128xf32, #tpu.memory_space<vmem>> -> memref<128x128xf32, #tpu.memory_space<vmem>>
    %dma_start3A_33 = arith.constant 256 : i32
    %dma_start3A_34 = tpu.memref_slice %arg5[%dma_start3A_33] : memref<2048xi32, #tpu.memory_space<vmem>> -> memref<128xi32, #tpu.memory_space<vmem>>
    %dma_start3A_35 = arith.constant 0 : i32
    %dma_start3A_36 = arith.constant 0 : i32
    %dma_start3A_37 = tpu.memref_slice %arg2[%dma_start3A_35, %dma_start3A_36] : memref<200000x128xf32, #tpu.memory_space<hbm>> -> memref<200000x128xf32, #tpu.memory_space<hbm>>
    tpu.enqueue_indirect_dma source(%dma_start3A_37 : memref<200000x128xf32, #tpu.memory_space<hbm>>) target(%dma_start3A_32 : memref<128x128xf32, #tpu.memory_space<vmem>>) offsets(%dma_start3A_34 : memref<128xi32, #tpu.memory_space<vmem>>) semaphore(%arg10 : memref<!tpu.dma_semaphore, #tpu.memory_space<semaphore_mem>>)
    %dma_start3A_38 = arith.constant 3 : i32
    %dma_start3A_39 = arith.constant 0 : i32
    %dma_start3A_40 = arith.constant 0 : i32
    %dma_start3A_41 = tpu.memref_slice %arg6[%dma_start3A_38, %dma_start3A_39, %dma_start3A_40] : memref<4x128x128xf32, #tpu.memory_space<vmem>> -> memref<1x128x128xf32, #tpu.memory_space<vmem>>
    %dma_start3A_42 = tpu.memref_squeeze %dma_start3A_41 : memref<1x128x128xf32, #tpu.memory_space<vmem>> -> memref<128x128xf32, #tpu.memory_space<vmem>>
    %dma_start3A_43 = arith.constant 384 : i32
    %dma_start3A_44 = tpu.memref_slice %arg5[%dma_start3A_43] : memref<2048xi32, #tpu.memory_space<vmem>> -> memref<128xi32, #tpu.memory_space<vmem>>
    %dma_start3A_45 = arith.constant 0 : i32
    %dma_start3A_46 = arith.constant 0 : i32
    %dma_start3A_47 = tpu.memref_slice %arg2[%dma_start3A_45, %dma_start3A_46] : memref<200000x128xf32, #tpu.memory_space<hbm>> -> memref<200000x128xf32, #tpu.memory_space<hbm>>
    tpu.enqueue_indirect_dma source(%dma_start3A_47 : memref<200000x128xf32, #tpu.memory_space<hbm>>) target(%dma_start3A_42 : memref<128x128xf32, #tpu.memory_space<vmem>>) offsets(%dma_start3A_44 : memref<128xi32, #tpu.memory_space<vmem>>) semaphore(%arg11 : memref<!tpu.dma_semaphore, #tpu.memory_space<semaphore_mem>>)
    %scan3A_48 = arith.constant 0 : i32
    %scan3A_49 = arith.constant 0 : i32
    %scan3A_50 = arith.constant 3 : i32
    %scan3A_51 = arith.addi %scan3A_49, %scan3A_50 : i32
    %scan3A_52 = arith.constant 1 : i32
    %scan3A_53 = scf.for %scan3A_206 = %scan3A_49 to %scan3A_51 step %scan3A_52 iter_args(%scan3A_207 = %scan3A_48) -> (i32)  : i32 {
      %mul3A_208 = arith.constant 4 : i32
      %mul3A_209 = arith.muli %scan3A_206, %mul3A_208 : i32
      %add3A_210 = arith.constant 0 : i32
      %add3A_211 = arith.addi %mul3A_209, %add3A_210 : i32
      %mul3A_212 = arith.constant 128 : i32
      %mul3A_213 = arith.muli %add3A_211, %mul3A_212 : i32
      %dma_wait3A_214 = arith.constant 0 : i32
      %dma_wait3A_215 = arith.constant 0 : i32
      %dma_wait3A_216 = arith.constant 0 : i32
      %dma_wait3A_217 = tpu.memref_slice %arg6[%dma_wait3A_214, %dma_wait3A_215, %dma_wait3A_216] : memref<4x128x128xf32, #tpu.memory_space<vmem>> -> memref<1x128x128xf32, #tpu.memory_space<vmem>>
      %dma_wait3A_218 = tpu.memref_squeeze %dma_wait3A_217 : memref<1x128x128xf32, #tpu.memory_space<vmem>> -> memref<128x128xf32, #tpu.memory_space<vmem>>
      %dma_wait3A_219 = tpu.memref_slice %arg5[%mul3A_213] : memref<2048xi32, #tpu.memory_space<vmem>> -> memref<128xi32, #tpu.memory_space<vmem>>
      %dma_wait3A_220 = arith.constant 0 : i32
      %dma_wait3A_221 = arith.constant 0 : i32
      %dma_wait3A_222 = tpu.memref_slice %arg2[%dma_wait3A_220, %dma_wait3A_221] : memref<200000x128xf32, #tpu.memory_space<hbm>> -> memref<200000x128xf32, #tpu.memory_space<hbm>>
      tpu.wait_indirect_dma semaphore(%arg8 : memref<!tpu.dma_semaphore, #tpu.memory_space<semaphore_mem>>) src(%dma_wait3A_222 : memref<200000x128xf32, #tpu.memory_space<hbm>>) dst(%dma_wait3A_218 : memref<128x128xf32, #tpu.memory_space<vmem>>)
      %mul3A_223 = arith.constant 128 : i32
      %mul3A_224 = arith.muli %add3A_211, %mul3A_223 : i32
      %add3A_225 = arith.addi %mul3A_2, %mul3A_224 : i32
      %dma_start3A_226 = arith.constant 0 : i32
      %dma_start3A_227 = arith.constant 0 : i32
      %dma_start3A_228 = arith.constant 0 : i32
      %dma_start3A_229 = tpu.memref_slice %arg6[%dma_start3A_226, %dma_start3A_227, %dma_start3A_228] : memref<4x128x128xf32, #tpu.memory_space<vmem>> -> memref<1x128x128xf32, #tpu.memory_space<vmem>>
      %dma_start3A_230 = tpu.memref_squeeze %dma_start3A_229 : memref<1x128x128xf32, #tpu.memory_space<vmem>> -> memref<128x128xf32, #tpu.memory_space<vmem>>
      %dma_start3A_231 = arith.constant 0 : i32
      %dma_start3A_232 = tpu.memref_slice %arg4[%add3A_225, %dma_start3A_231] : memref<65536x128xf32, #tpu.memory_space<hbm>> -> memref<128x128xf32, #tpu.memory_space<hbm>>
      %dma_start3A_233 = arith.constant 0 : i32
      %dma_start3A_234 = tpu.memref_slice %arg4[%add3A_225, %dma_start3A_233] : memref<65536x128xf32, #tpu.memory_space<hbm>> -> memref<128x128xf32, #tpu.memory_space<hbm>>
      %dma_start3A_235 = arith.constant 0 : i32
      %dma_start3A_236 = arith.constant 0 : i32
      %dma_start3A_237 = tpu.memref_slice %arg6[%dma_start3A_226, %dma_start3A_235, %dma_start3A_236] : memref<4x128x128xf32, #tpu.memory_space<vmem>> -> memref<1x128x128xf32, #tpu.memory_space<vmem>>
      %dma_start3A_238 = tpu.memref_squeeze %dma_start3A_237 : memref<1x128x128xf32, #tpu.memory_space<vmem>> -> memref<128x128xf32, #tpu.memory_space<vmem>>
      tpu.enqueue_dma source(%dma_start3A_238 : memref<128x128xf32, #tpu.memory_space<vmem>>) target(%dma_start3A_234 : memref<128x128xf32, #tpu.memory_space<hbm>>) target_semaphore(%arg7 : memref<!tpu.dma_semaphore, #tpu.memory_space<semaphore_mem>>)
      %dma_wait3A_239 = arith.constant 0 : i32
      %dma_wait3A_240 = arith.constant 0 : i32
      %dma_wait3A_241 = arith.constant 0 : i32
      %dma_wait3A_242 = tpu.memref_slice %arg6[%dma_wait3A_239, %dma_wait3A_240, %dma_wait3A_241] : memref<4x128x128xf32, #tpu.memory_space<vmem>> -> memref<1x128x128xf32, #tpu.memory_space<vmem>>
      %dma_wait3A_243 = tpu.memref_squeeze %dma_wait3A_242 : memref<1x128x128xf32, #tpu.memory_space<vmem>> -> memref<128x128xf32, #tpu.memory_space<vmem>>
      %dma_wait3A_244 = arith.constant 0 : i32
      %dma_wait3A_245 = tpu.memref_slice %arg4[%add3A_225, %dma_wait3A_244] : memref<65536x128xf32, #tpu.memory_space<hbm>> -> memref<128x128xf32, #tpu.memory_space<hbm>>
      %dma_wait3A_246 = arith.constant 0 : i32
      %dma_wait3A_247 = tpu.memref_slice %arg4[%add3A_225, %dma_wait3A_246] : memref<65536x128xf32, #tpu.memory_space<hbm>> -> memref<128x128xf32, #tpu.memory_space<hbm>>
      %dma_wait3A_248 = arith.constant 0 : i32
      %dma_wait3A_249 = arith.constant 0 : i32
      %dma_wait3A_250 = tpu.memref_slice %arg6[%dma_wait3A_239, %dma_wait3A_248, %dma_wait3A_249] : memref<4x128x128xf32, #tpu.memory_space<vmem>> -> memref<1x128x128xf32, #tpu.memory_space<vmem>>
      %dma_wait3A_251 = tpu.memref_squeeze %dma_wait3A_250 : memref<1x128x128xf32, #tpu.memory_space<vmem>> -> memref<128x128xf32, #tpu.memory_space<vmem>>
      tpu.wait_dma2 semaphore(%arg7 : memref<!tpu.dma_semaphore, #tpu.memory_space<semaphore_mem>>) src(%dma_wait3A_251 : memref<128x128xf32, #tpu.memory_space<vmem>>) dst(%dma_wait3A_247 : memref<128x128xf32, #tpu.memory_space<hbm>>)
      %add3A_252 = arith.constant 4 : i32
      %add3A_253 = arith.addi %add3A_211, %add3A_252 : i32
      %mul3A_254 = arith.constant 128 : i32
      %mul3A_255 = arith.muli %add3A_253, %mul3A_254 : i32
      %dma_start3A_256 = arith.constant 0 : i32
      %dma_start3A_257 = arith.constant 0 : i32
      %dma_start3A_258 = arith.constant 0 : i32
      %dma_start3A_259 = tpu.memref_slice %arg6[%dma_start3A_256, %dma_start3A_257, %dma_start3A_258] : memref<4x128x128xf32, #tpu.memory_space<vmem>> -> memref<1x128x128xf32, #tpu.memory_space<vmem>>
      %dma_start3A_260 = tpu.memref_squeeze %dma_start3A_259 : memref<1x128x128xf32, #tpu.memory_space<vmem>> -> memref<128x128xf32, #tpu.memory_space<vmem>>
      %dma_start3A_261 = tpu.memref_slice %arg5[%mul3A_255] : memref<2048xi32, #tpu.memory_space<vmem>> -> memref<128xi32, #tpu.memory_space<vmem>>
      %dma_start3A_262 = arith.constant 0 : i32
      %dma_start3A_263 = arith.constant 0 : i32
      %dma_start3A_264 = tpu.memref_slice %arg2[%dma_start3A_262, %dma_start3A_263] : memref<200000x128xf32, #tpu.memory_space<hbm>> -> memref<200000x128xf32, #tpu.memory_space<hbm>>
      tpu.enqueue_indirect_dma source(%dma_start3A_264 : memref<200000x128xf32, #tpu.memory_space<hbm>>) target(%dma_start3A_260 : memref<128x128xf32, #tpu.memory_space<vmem>>) offsets(%dma_start3A_261 : memref<128xi32, #tpu.memory_space<vmem>>) semaphore(%arg8 : memref<!tpu.dma_semaphore, #tpu.memory_space<semaphore_mem>>)
      %mul3A_265 = arith.constant 4 : i32
      %mul3A_266 = arith.muli %scan3A_206, %mul3A_265 : i32
      %add3A_267 = arith.constant 1 : i32
      %add3A_268 = arith.addi %mul3A_266, %add3A_267 : i32
      %mul3A_269 = arith.constant 128 : i32
      %mul3A_270 = arith.muli %add3A_268, %mul3A_269 : i32
      %dma_wait3A_271 = arith.constant 1 : i32
      %dma_wait3A_272 = arith.constant 0 : i32
      %dma_wait3A_273 = arith.constant 0 : i32
      %dma_wait3A_274 = tpu.memref_slice %arg6[%dma_wait3A_271, %dma_wait3A_272, %dma_wait3A_273] : memref<4x128x128xf32, #tpu.memory_space<vmem>> -> memref<1x128x128xf32, #tpu.memory_space<vmem>>
      %dma_wait3A_275 = tpu.memref_squeeze %dma_wait3A_274 : memref<1x128x128xf32, #tpu.memory_space<vmem>> -> memref<128x128xf32, #tpu.memory_space<vmem>>
      %dma_wait3A_276 = tpu.memref_slice %arg5[%mul3A_270] : memref<2048xi32, #tpu.memory_space<vmem>> -> memref<128xi32, #tpu.memory_space<vmem>>
      %dma_wait3A_277 = arith.constant 0 : i32
      %dma_wait3A_278 = arith.constant 0 : i32
      %dma_wait3A_279 = tpu.memref_slice %arg2[%dma_wait3A_277, %dma_wait3A_278] : memref<200000x128xf32, #tpu.memory_space<hbm>> -> memref<200000x128xf32, #tpu.memory_space<hbm>>
      tpu.wait_indirect_dma semaphore(%arg9 : memref<!tpu.dma_semaphore, #tpu.memory_space<semaphore_mem>>) src(%dma_wait3A_279 : memref<200000x128xf32, #tpu.memory_space<hbm>>) dst(%dma_wait3A_275 : memref<128x128xf32, #tpu.memory_space<vmem>>)
      %mul3A_280 = arith.constant 128 : i32
      %mul3A_281 = arith.muli %add3A_268, %mul3A_280 : i32
      %add3A_282 = arith.addi %mul3A_2, %mul3A_281 : i32
      %dma_start3A_283 = arith.constant 1 : i32
      %dma_start3A_284 = arith.constant 0 : i32
      %dma_start3A_285 = arith.constant 0 : i32
      %dma_start3A_286 = tpu.memref_slice %arg6[%dma_start3A_283, %dma_start3A_284, %dma_start3A_285] : memref<4x128x128xf32, #tpu.memory_space<vmem>> -> memref<1x128x128xf32, #tpu.memory_space<vmem>>
      %dma_start3A_287 = tpu.memref_squeeze %dma_start3A_286 : memref<1x128x128xf32, #tpu.memory_space<vmem>> -> memref<128x128xf32, #tpu.memory_space<vmem>>
      %dma_start3A_288 = arith.constant 0 : i32
      %dma_start3A_289 = tpu.memref_slice %arg4[%add3A_282, %dma_start3A_288] : memref<65536x128xf32, #tpu.memory_space<hbm>> -> memref<128x128xf32, #tpu.memory_space<hbm>>
      %dma_start3A_290 = arith.constant 0 : i32
      %dma_start3A_291 = tpu.memref_slice %arg4[%add3A_282, %dma_start3A_290] : memref<65536x128xf32, #tpu.memory_space<hbm>> -> memref<128x128xf32, #tpu.memory_space<hbm>>
      %dma_start3A_292 = arith.constant 0 : i32
      %dma_start3A_293 = arith.constant 0 : i32
      %dma_start3A_294 = tpu.memref_slice %arg6[%dma_start3A_283, %dma_start3A_292, %dma_start3A_293] : memref<4x128x128xf32, #tpu.memory_space<vmem>> -> memref<1x128x128xf32, #tpu.memory_space<vmem>>
      %dma_start3A_295 = tpu.memref_squeeze %dma_start3A_294 : memref<1x128x128xf32, #tpu.memory_space<vmem>> -> memref<128x128xf32, #tpu.memory_space<vmem>>
      tpu.enqueue_dma source(%dma_start3A_295 : memref<128x128xf32, #tpu.memory_space<vmem>>) target(%dma_start3A_291 : memref<128x128xf32, #tpu.memory_space<hbm>>) target_semaphore(%arg7 : memref<!tpu.dma_semaphore, #tpu.memory_space<semaphore_mem>>)
      %dma_wait3A_296 = arith.constant 1 : i32
      %dma_wait3A_297 = arith.constant 0 : i32
      %dma_wait3A_298 = arith.constant 0 : i32
      %dma_wait3A_299 = tpu.memref_slice %arg6[%dma_wait3A_296, %dma_wait3A_297, %dma_wait3A_298] : memref<4x128x128xf32, #tpu.memory_space<vmem>> -> memref<1x128x128xf32, #tpu.memory_space<vmem>>
      %dma_wait3A_300 = tpu.memref_squeeze %dma_wait3A_299 : memref<1x128x128xf32, #tpu.memory_space<vmem>> -> memref<128x128xf32, #tpu.memory_space<vmem>>
      %dma_wait3A_301 = arith.constant 0 : i32
      %dma_wait3A_302 = tpu.memref_slice %arg4[%add3A_282, %dma_wait3A_301] : memref<65536x128xf32, #tpu.memory_space<hbm>> -> memref<128x128xf32, #tpu.memory_space<hbm>>
      %dma_wait3A_303 = arith.constant 0 : i32
      %dma_wait3A_304 = tpu.memref_slice %arg4[%add3A_282, %dma_wait3A_303] : memref<65536x128xf32, #tpu.memory_space<hbm>> -> memref<128x128xf32, #tpu.memory_space<hbm>>
      %dma_wait3A_305 = arith.constant 0 : i32
      %dma_wait3A_306 = arith.constant 0 : i32
      %dma_wait3A_307 = tpu.memref_slice %arg6[%dma_wait3A_296, %dma_wait3A_305, %dma_wait3A_306] : memref<4x128x128xf32, #tpu.memory_space<vmem>> -> memref<1x128x128xf32, #tpu.memory_space<vmem>>
      %dma_wait3A_308 = tpu.memref_squeeze %dma_wait3A_307 : memref<1x128x128xf32, #tpu.memory_space<vmem>> -> memref<128x128xf32, #tpu.memory_space<vmem>>
      tpu.wait_dma2 semaphore(%arg7 : memref<!tpu.dma_semaphore, #tpu.memory_space<semaphore_mem>>) src(%dma_wait3A_308 : memref<128x128xf32, #tpu.memory_space<vmem>>) dst(%dma_wait3A_304 : memref<128x128xf32, #tpu.memory_space<hbm>>)
      %add3A_309 = arith.constant 4 : i32
      %add3A_310 = arith.addi %add3A_268, %add3A_309 : i32
      %mul3A_311 = arith.constant 128 : i32
      %mul3A_312 = arith.muli %add3A_310, %mul3A_311 : i32
      %dma_start3A_313 = arith.constant 1 : i32
      %dma_start3A_314 = arith.constant 0 : i32
      %dma_start3A_315 = arith.constant 0 : i32
      %dma_start3A_316 = tpu.memref_slice %arg6[%dma_start3A_313, %dma_start3A_314, %dma_start3A_315] : memref<4x128x128xf32, #tpu.memory_space<vmem>> -> memref<1x128x128xf32, #tpu.memory_space<vmem>>
      %dma_start3A_317 = tpu.memref_squeeze %dma_start3A_316 : memref<1x128x128xf32, #tpu.memory_space<vmem>> -> memref<128x128xf32, #tpu.memory_space<vmem>>
      %dma_start3A_318 = tpu.memref_slice %arg5[%mul3A_312] : memref<2048xi32, #tpu.memory_space<vmem>> -> memref<128xi32, #tpu.memory_space<vmem>>
      %dma_start3A_319 = arith.constant 0 : i32
      %dma_start3A_320 = arith.constant 0 : i32
      %dma_start3A_321 = tpu.memref_slice %arg2[%dma_start3A_319, %dma_start3A_320] : memref<200000x128xf32, #tpu.memory_space<hbm>> -> memref<200000x128xf32, #tpu.memory_space<hbm>>
      tpu.enqueue_indirect_dma source(%dma_start3A_321 : memref<200000x128xf32, #tpu.memory_space<hbm>>) target(%dma_start3A_317 : memref<128x128xf32, #tpu.memory_space<vmem>>) offsets(%dma_start3A_318 : memref<128xi32, #tpu.memory_space<vmem>>) semaphore(%arg9 : memref<!tpu.dma_semaphore, #tpu.memory_space<semaphore_mem>>)
      %mul3A_322 = arith.constant 4 : i32
      %mul3A_323 = arith.muli %scan3A_206, %mul3A_322 : i32
      %add3A_324 = arith.constant 2 : i32
      %add3A_325 = arith.addi %mul3A_323, %add3A_324 : i32
      %mul3A_326 = arith.constant 128 : i32
      %mul3A_327 = arith.muli %add3A_325, %mul3A_326 : i32
      %dma_wait3A_328 = arith.constant 2 : i32
      %dma_wait3A_329 = arith.constant 0 : i32
      %dma_wait3A_330 = arith.constant 0 : i32
      %dma_wait3A_331 = tpu.memref_slice %arg6[%dma_wait3A_328, %dma_wait3A_329, %dma_wait3A_330] : memref<4x128x128xf32, #tpu.memory_space<vmem>> -> memref<1x128x128xf32, #tpu.memory_space<vmem>>
      %dma_wait3A_332 = tpu.memref_squeeze %dma_wait3A_331 : memref<1x128x128xf32, #tpu.memory_space<vmem>> -> memref<128x128xf32, #tpu.memory_space<vmem>>
      %dma_wait3A_333 = tpu.memref_slice %arg5[%mul3A_327] : memref<2048xi32, #tpu.memory_space<vmem>> -> memref<128xi32, #tpu.memory_space<vmem>>
      %dma_wait3A_334 = arith.constant 0 : i32
      %dma_wait3A_335 = arith.constant 0 : i32
      %dma_wait3A_336 = tpu.memref_slice %arg2[%dma_wait3A_334, %dma_wait3A_335] : memref<200000x128xf32, #tpu.memory_space<hbm>> -> memref<200000x128xf32, #tpu.memory_space<hbm>>
      tpu.wait_indirect_dma semaphore(%arg10 : memref<!tpu.dma_semaphore, #tpu.memory_space<semaphore_mem>>) src(%dma_wait3A_336 : memref<200000x128xf32, #tpu.memory_space<hbm>>) dst(%dma_wait3A_332 : memref<128x128xf32, #tpu.memory_space<vmem>>)
      %mul3A_337 = arith.constant 128 : i32
      %mul3A_338 = arith.muli %add3A_325, %mul3A_337 : i32
      %add3A_339 = arith.addi %mul3A_2, %mul3A_338 : i32
      %dma_start3A_340 = arith.constant 2 : i32
      %dma_start3A_341 = arith.constant 0 : i32
      %dma_start3A_342 = arith.constant 0 : i32
      %dma_start3A_343 = tpu.memref_slice %arg6[%dma_start3A_340, %dma_start3A_341, %dma_start3A_342] : memref<4x128x128xf32, #tpu.memory_space<vmem>> -> memref<1x128x128xf32, #tpu.memory_space<vmem>>
      %dma_start3A_344 = tpu.memref_squeeze %dma_start3A_343 : memref<1x128x128xf32, #tpu.memory_space<vmem>> -> memref<128x128xf32, #tpu.memory_space<vmem>>
      %dma_start3A_345 = arith.constant 0 : i32
      %dma_start3A_346 = tpu.memref_slice %arg4[%add3A_339, %dma_start3A_345] : memref<65536x128xf32, #tpu.memory_space<hbm>> -> memref<128x128xf32, #tpu.memory_space<hbm>>
      %dma_start3A_347 = arith.constant 0 : i32
      %dma_start3A_348 = tpu.memref_slice %arg4[%add3A_339, %dma_start3A_347] : memref<65536x128xf32, #tpu.memory_space<hbm>> -> memref<128x128xf32, #tpu.memory_space<hbm>>
      %dma_start3A_349 = arith.constant 0 : i32
      %dma_start3A_350 = arith.constant 0 : i32
      %dma_start3A_351 = tpu.memref_slice %arg6[%dma_start3A_340, %dma_start3A_349, %dma_start3A_350] : memref<4x128x128xf32, #tpu.memory_space<vmem>> -> memref<1x128x128xf32, #tpu.memory_space<vmem>>
      %dma_start3A_352 = tpu.memref_squeeze %dma_start3A_351 : memref<1x128x128xf32, #tpu.memory_space<vmem>> -> memref<128x128xf32, #tpu.memory_space<vmem>>
      tpu.enqueue_dma source(%dma_start3A_352 : memref<128x128xf32, #tpu.memory_space<vmem>>) target(%dma_start3A_348 : memref<128x128xf32, #tpu.memory_space<hbm>>) target_semaphore(%arg7 : memref<!tpu.dma_semaphore, #tpu.memory_space<semaphore_mem>>)
      %dma_wait3A_353 = arith.constant 2 : i32
      %dma_wait3A_354 = arith.constant 0 : i32
      %dma_wait3A_355 = arith.constant 0 : i32
      %dma_wait3A_356 = tpu.memref_slice %arg6[%dma_wait3A_353, %dma_wait3A_354, %dma_wait3A_355] : memref<4x128x128xf32, #tpu.memory_space<vmem>> -> memref<1x128x128xf32, #tpu.memory_space<vmem>>
      %dma_wait3A_357 = tpu.memref_squeeze %dma_wait3A_356 : memref<1x128x128xf32, #tpu.memory_space<vmem>> -> memref<128x128xf32, #tpu.memory_space<vmem>>
      %dma_wait3A_358 = arith.constant 0 : i32
      %dma_wait3A_359 = tpu.memref_slice %arg4[%add3A_339, %dma_wait3A_358] : memref<65536x128xf32, #tpu.memory_space<hbm>> -> memref<128x128xf32, #tpu.memory_space<hbm>>
      %dma_wait3A_360 = arith.constant 0 : i32
      %dma_wait3A_361 = tpu.memref_slice %arg4[%add3A_339, %dma_wait3A_360] : memref<65536x128xf32, #tpu.memory_space<hbm>> -> memref<128x128xf32, #tpu.memory_space<hbm>>
      %dma_wait3A_362 = arith.constant 0 : i32
      %dma_wait3A_363 = arith.constant 0 : i32
      %dma_wait3A_364 = tpu.memref_slice %arg6[%dma_wait3A_353, %dma_wait3A_362, %dma_wait3A_363] : memref<4x128x128xf32, #tpu.memory_space<vmem>> -> memref<1x128x128xf32, #tpu.memory_space<vmem>>
      %dma_wait3A_365 = tpu.memref_squeeze %dma_wait3A_364 : memref<1x128x128xf32, #tpu.memory_space<vmem>> -> memref<128x128xf32, #tpu.memory_space<vmem>>
      tpu.wait_dma2 semaphore(%arg7 : memref<!tpu.dma_semaphore, #tpu.memory_space<semaphore_mem>>) src(%dma_wait3A_365 : memref<128x128xf32, #tpu.memory_space<vmem>>) dst(%dma_wait3A_361 : memref<128x128xf32, #tpu.memory_space<hbm>>)
      %add3A_366 = arith.constant 4 : i32
      %add3A_367 = arith.addi %add3A_325, %add3A_366 : i32
      %mul3A_368 = arith.constant 128 : i32
      %mul3A_369 = arith.muli %add3A_367, %mul3A_368 : i32
      %dma_start3A_370 = arith.constant 2 : i32
      %dma_start3A_371 = arith.constant 0 : i32
      %dma_start3A_372 = arith.constant 0 : i32
      %dma_start3A_373 = tpu.memref_slice %arg6[%dma_start3A_370, %dma_start3A_371, %dma_start3A_372] : memref<4x128x128xf32, #tpu.memory_space<vmem>> -> memref<1x128x128xf32, #tpu.memory_space<vmem>>
      %dma_start3A_374 = tpu.memref_squeeze %dma_start3A_373 : memref<1x128x128xf32, #tpu.memory_space<vmem>> -> memref<128x128xf32, #tpu.memory_space<vmem>>
      %dma_start3A_375 = tpu.memref_slice %arg5[%mul3A_369] : memref<2048xi32, #tpu.memory_space<vmem>> -> memref<128xi32, #tpu.memory_space<vmem>>
      %dma_start3A_376 = arith.constant 0 : i32
      %dma_start3A_377 = arith.constant 0 : i32
      %dma_start3A_378 = tpu.memref_slice %arg2[%dma_start3A_376, %dma_start3A_377] : memref<200000x128xf32, #tpu.memory_space<hbm>> -> memref<200000x128xf32, #tpu.memory_space<hbm>>
      tpu.enqueue_indirect_dma source(%dma_start3A_378 : memref<200000x128xf32, #tpu.memory_space<hbm>>) target(%dma_start3A_374 : memref<128x128xf32, #tpu.memory_space<vmem>>) offsets(%dma_start3A_375 : memref<128xi32, #tpu.memory_space<vmem>>) semaphore(%arg10 : memref<!tpu.dma_semaphore, #tpu.memory_space<semaphore_mem>>)
      %mul3A_379 = arith.constant 4 : i32
      %mul3A_380 = arith.muli %scan3A_206, %mul3A_379 : i32
      %add3A_381 = arith.constant 3 : i32
      %add3A_382 = arith.addi %mul3A_380, %add3A_381 : i32
      %mul3A_383 = arith.constant 128 : i32
      %mul3A_384 = arith.muli %add3A_382, %mul3A_383 : i32
      %dma_wait3A_385 = arith.constant 3 : i32
      %dma_wait3A_386 = arith.constant 0 : i32
      %dma_wait3A_387 = arith.constant 0 : i32
      %dma_wait3A_388 = tpu.memref_slice %arg6[%dma_wait3A_385, %dma_wait3A_386, %dma_wait3A_387] : memref<4x128x128xf32, #tpu.memory_space<vmem>> -> memref<1x128x128xf32, #tpu.memory_space<vmem>>
      %dma_wait3A_389 = tpu.memref_squeeze %dma_wait3A_388 : memref<1x128x128xf32, #tpu.memory_space<vmem>> -> memref<128x128xf32, #tpu.memory_space<vmem>>
      %dma_wait3A_390 = tpu.memref_slice %arg5[%mul3A_384] : memref<2048xi32, #tpu.memory_space<vmem>> -> memref<128xi32, #tpu.memory_space<vmem>>
      %dma_wait3A_391 = arith.constant 0 : i32
      %dma_wait3A_392 = arith.constant 0 : i32
      %dma_wait3A_393 = tpu.memref_slice %arg2[%dma_wait3A_391, %dma_wait3A_392] : memref<200000x128xf32, #tpu.memory_space<hbm>> -> memref<200000x128xf32, #tpu.memory_space<hbm>>
      tpu.wait_indirect_dma semaphore(%arg11 : memref<!tpu.dma_semaphore, #tpu.memory_space<semaphore_mem>>) src(%dma_wait3A_393 : memref<200000x128xf32, #tpu.memory_space<hbm>>) dst(%dma_wait3A_389 : memref<128x128xf32, #tpu.memory_space<vmem>>)
      %mul3A_394 = arith.constant 128 : i32
      %mul3A_395 = arith.muli %add3A_382, %mul3A_394 : i32
      %add3A_396 = arith.addi %mul3A_2, %mul3A_395 : i32
      %dma_start3A_397 = arith.constant 3 : i32
      %dma_start3A_398 = arith.constant 0 : i32
      %dma_start3A_399 = arith.constant 0 : i32
      %dma_start3A_400 = tpu.memref_slice %arg6[%dma_start3A_397, %dma_start3A_398, %dma_start3A_399] : memref<4x128x128xf32, #tpu.memory_space<vmem>> -> memref<1x128x128xf32, #tpu.memory_space<vmem>>
      %dma_start3A_401 = tpu.memref_squeeze %dma_start3A_400 : memref<1x128x128xf32, #tpu.memory_space<vmem>> -> memref<128x128xf32, #tpu.memory_space<vmem>>
      %dma_start3A_402 = arith.constant 0 : i32
      %dma_start3A_403 = tpu.memref_slice %arg4[%add3A_396, %dma_start3A_402] : memref<65536x128xf32, #tpu.memory_space<hbm>> -> memref<128x128xf32, #tpu.memory_space<hbm>>
      %dma_start3A_404 = arith.constant 0 : i32
      %dma_start3A_405 = tpu.memref_slice %arg4[%add3A_396, %dma_start3A_404] : memref<65536x128xf32, #tpu.memory_space<hbm>> -> memref<128x128xf32, #tpu.memory_space<hbm>>
      %dma_start3A_406 = arith.constant 0 : i32
      %dma_start3A_407 = arith.constant 0 : i32
      %dma_start3A_408 = tpu.memref_slice %arg6[%dma_start3A_397, %dma_start3A_406, %dma_start3A_407] : memref<4x128x128xf32, #tpu.memory_space<vmem>> -> memref<1x128x128xf32, #tpu.memory_space<vmem>>
      %dma_start3A_409 = tpu.memref_squeeze %dma_start3A_408 : memref<1x128x128xf32, #tpu.memory_space<vmem>> -> memref<128x128xf32, #tpu.memory_space<vmem>>
      tpu.enqueue_dma source(%dma_start3A_409 : memref<128x128xf32, #tpu.memory_space<vmem>>) target(%dma_start3A_405 : memref<128x128xf32, #tpu.memory_space<hbm>>) target_semaphore(%arg7 : memref<!tpu.dma_semaphore, #tpu.memory_space<semaphore_mem>>)
      %dma_wait3A_410 = arith.constant 3 : i32
      %dma_wait3A_411 = arith.constant 0 : i32
      %dma_wait3A_412 = arith.constant 0 : i32
      %dma_wait3A_413 = tpu.memref_slice %arg6[%dma_wait3A_410, %dma_wait3A_411, %dma_wait3A_412] : memref<4x128x128xf32, #tpu.memory_space<vmem>> -> memref<1x128x128xf32, #tpu.memory_space<vmem>>
      %dma_wait3A_414 = tpu.memref_squeeze %dma_wait3A_413 : memref<1x128x128xf32, #tpu.memory_space<vmem>> -> memref<128x128xf32, #tpu.memory_space<vmem>>
      %dma_wait3A_415 = arith.constant 0 : i32
      %dma_wait3A_416 = tpu.memref_slice %arg4[%add3A_396, %dma_wait3A_415] : memref<65536x128xf32, #tpu.memory_space<hbm>> -> memref<128x128xf32, #tpu.memory_space<hbm>>
      %dma_wait3A_417 = arith.constant 0 : i32
      %dma_wait3A_418 = tpu.memref_slice %arg4[%add3A_396, %dma_wait3A_417] : memref<65536x128xf32, #tpu.memory_space<hbm>> -> memref<128x128xf32, #tpu.memory_space<hbm>>
      %dma_wait3A_419 = arith.constant 0 : i32
      %dma_wait3A_420 = arith.constant 0 : i32
      %dma_wait3A_421 = tpu.memref_slice %arg6[%dma_wait3A_410, %dma_wait3A_419, %dma_wait3A_420] : memref<4x128x128xf32, #tpu.memory_space<vmem>> -> memref<1x128x128xf32, #tpu.memory_space<vmem>>
      %dma_wait3A_422 = tpu.memref_squeeze %dma_wait3A_421 : memref<1x128x128xf32, #tpu.memory_space<vmem>> -> memref<128x128xf32, #tpu.memory_space<vmem>>
      tpu.wait_dma2 semaphore(%arg7 : memref<!tpu.dma_semaphore, #tpu.memory_space<semaphore_mem>>) src(%dma_wait3A_422 : memref<128x128xf32, #tpu.memory_space<vmem>>) dst(%dma_wait3A_418 : memref<128x128xf32, #tpu.memory_space<hbm>>)
      %add3A_423 = arith.constant 4 : i32
      %add3A_424 = arith.addi %add3A_382, %add3A_423 : i32
      %mul3A_425 = arith.constant 128 : i32
      %mul3A_426 = arith.muli %add3A_424, %mul3A_425 : i32
      %dma_start3A_427 = arith.constant 3 : i32
      %dma_start3A_428 = arith.constant 0 : i32
      %dma_start3A_429 = arith.constant 0 : i32
      %dma_start3A_430 = tpu.memref_slice %arg6[%dma_start3A_427, %dma_start3A_428, %dma_start3A_429] : memref<4x128x128xf32, #tpu.memory_space<vmem>> -> memref<1x128x128xf32, #tpu.memory_space<vmem>>
      %dma_start3A_431 = tpu.memref_squeeze %dma_start3A_430 : memref<1x128x128xf32, #tpu.memory_space<vmem>> -> memref<128x128xf32, #tpu.memory_space<vmem>>
      %dma_start3A_432 = tpu.memref_slice %arg5[%mul3A_426] : memref<2048xi32, #tpu.memory_space<vmem>> -> memref<128xi32, #tpu.memory_space<vmem>>
      %dma_start3A_433 = arith.constant 0 : i32
      %dma_start3A_434 = arith.constant 0 : i32
      %dma_start3A_435 = tpu.memref_slice %arg2[%dma_start3A_433, %dma_start3A_434] : memref<200000x128xf32, #tpu.memory_space<hbm>> -> memref<200000x128xf32, #tpu.memory_space<hbm>>
      tpu.enqueue_indirect_dma source(%dma_start3A_435 : memref<200000x128xf32, #tpu.memory_space<hbm>>) target(%dma_start3A_431 : memref<128x128xf32, #tpu.memory_space<vmem>>) offsets(%dma_start3A_432 : memref<128xi32, #tpu.memory_space<vmem>>) semaphore(%arg11 : memref<!tpu.dma_semaphore, #tpu.memory_space<semaphore_mem>>)
      %scan3A_436 = arith.constant 0 : i32
      scf.yield %scan3A_436 : i32
    }
    %scan3A_54 = arith.constant 3 : i32
    %dma_wait3A = arith.constant 0 : i32
    %dma_wait3A_55 = arith.constant 0 : i32
    %dma_wait3A_56 = arith.constant 0 : i32
    %dma_wait3A_57 = tpu.memref_slice %arg6[%dma_wait3A, %dma_wait3A_55, %dma_wait3A_56] : memref<4x128x128xf32, #tpu.memory_space<vmem>> -> memref<1x128x128xf32, #tpu.memory_space<vmem>>
    %dma_wait3A_58 = tpu.memref_squeeze %dma_wait3A_57 : memref<1x128x128xf32, #tpu.memory_space<vmem>> -> memref<128x128xf32, #tpu.memory_space<vmem>>
    %dma_wait3A_59 = arith.constant 1536 : i32
    %dma_wait3A_60 = tpu.memref_slice %arg5[%dma_wait3A_59] : memref<2048xi32, #tpu.memory_space<vmem>> -> memref<128xi32, #tpu.memory_space<vmem>>
    %dma_wait3A_61 = arith.constant 0 : i32
    %dma_wait3A_62 = arith.constant 0 : i32
    %dma_wait3A_63 = tpu.memref_slice %arg2[%dma_wait3A_61, %dma_wait3A_62] : memref<200000x128xf32, #tpu.memory_space<hbm>> -> memref<200000x128xf32, #tpu.memory_space<hbm>>
    tpu.wait_indirect_dma semaphore(%arg8 : memref<!tpu.dma_semaphore, #tpu.memory_space<semaphore_mem>>) src(%dma_wait3A_63 : memref<200000x128xf32, #tpu.memory_space<hbm>>) dst(%dma_wait3A_58 : memref<128x128xf32, #tpu.memory_space<vmem>>)
    %add3A_64 = arith.constant 1536 : i32
    %add3A_65 = arith.addi %mul3A_2, %add3A_64 : i32
    %dma_start3A_66 = arith.constant 0 : i32
    %dma_start3A_67 = arith.constant 0 : i32
    %dma_start3A_68 = arith.constant 0 : i32
    %dma_start3A_69 = tpu.memref_slice %arg6[%dma_start3A_66, %dma_start3A_67, %dma_start3A_68] : memref<4x128x128xf32, #tpu.memory_space<vmem>> -> memref<1x128x128xf32, #tpu.memory_space<vmem>>
    %dma_start3A_70 = tpu.memref_squeeze %dma_start3A_69 : memref<1x128x128xf32, #tpu.memory_space<vmem>> -> memref<128x128xf32, #tpu.memory_space<vmem>>
    %dma_start3A_71 = arith.constant 0 : i32
    %dma_start3A_72 = tpu.memref_slice %arg4[%add3A_65, %dma_start3A_71] : memref<65536x128xf32, #tpu.memory_space<hbm>> -> memref<128x128xf32, #tpu.memory_space<hbm>>
    %dma_start3A_73 = arith.constant 0 : i32
    %dma_start3A_74 = tpu.memref_slice %arg4[%add3A_65, %dma_start3A_73] : memref<65536x128xf32, #tpu.memory_space<hbm>> -> memref<128x128xf32, #tpu.memory_space<hbm>>
    %dma_start3A_75 = arith.constant 0 : i32
    %dma_start3A_76 = arith.constant 0 : i32
    %dma_start3A_77 = tpu.memref_slice %arg6[%dma_start3A_66, %dma_start3A_75, %dma_start3A_76] : memref<4x128x128xf32, #tpu.memory_space<vmem>> -> memref<1x128x128xf32, #tpu.memory_space<vmem>>
    %dma_start3A_78 = tpu.memref_squeeze %dma_start3A_77 : memref<1x128x128xf32, #tpu.memory_space<vmem>> -> memref<128x128xf32, #tpu.memory_space<vmem>>
    tpu.enqueue_dma source(%dma_start3A_78 : memref<128x128xf32, #tpu.memory_space<vmem>>) target(%dma_start3A_74 : memref<128x128xf32, #tpu.memory_space<hbm>>) target_semaphore(%arg7 : memref<!tpu.dma_semaphore, #tpu.memory_space<semaphore_mem>>)
    %dma_wait3A_79 = arith.constant 0 : i32
    %dma_wait3A_80 = arith.constant 0 : i32
    %dma_wait3A_81 = arith.constant 0 : i32
    %dma_wait3A_82 = tpu.memref_slice %arg6[%dma_wait3A_79, %dma_wait3A_80, %dma_wait3A_81] : memref<4x128x128xf32, #tpu.memory_space<vmem>> -> memref<1x128x128xf32, #tpu.memory_space<vmem>>
    %dma_wait3A_83 = tpu.memref_squeeze %dma_wait3A_82 : memref<1x128x128xf32, #tpu.memory_space<vmem>> -> memref<128x128xf32, #tpu.memory_space<vmem>>
    %dma_wait3A_84 = arith.constant 0 : i32
    %dma_wait3A_85 = tpu.memref_slice %arg4[%add3A_65, %dma_wait3A_84] : memref<65536x128xf32, #tpu.memory_space<hbm>> -> memref<128x128xf32, #tpu.memory_space<hbm>>
    %dma_wait3A_86 = arith.constant 0 : i32
    %dma_wait3A_87 = tpu.memref_slice %arg4[%add3A_65, %dma_wait3A_86] : memref<65536x128xf32, #tpu.memory_space<hbm>> -> memref<128x128xf32, #tpu.memory_space<hbm>>
    %dma_wait3A_88 = arith.constant 0 : i32
    %dma_wait3A_89 = arith.constant 0 : i32
    %dma_wait3A_90 = tpu.memref_slice %arg6[%dma_wait3A_79, %dma_wait3A_88, %dma_wait3A_89] : memref<4x128x128xf32, #tpu.memory_space<vmem>> -> memref<1x128x128xf32, #tpu.memory_space<vmem>>
    %dma_wait3A_91 = tpu.memref_squeeze %dma_wait3A_90 : memref<1x128x128xf32, #tpu.memory_space<vmem>> -> memref<128x128xf32, #tpu.memory_space<vmem>>
    tpu.wait_dma2 semaphore(%arg7 : memref<!tpu.dma_semaphore, #tpu.memory_space<semaphore_mem>>) src(%dma_wait3A_91 : memref<128x128xf32, #tpu.memory_space<vmem>>) dst(%dma_wait3A_87 : memref<128x128xf32, #tpu.memory_space<hbm>>)
    %dma_wait3A_92 = arith.constant 1 : i32
    %dma_wait3A_93 = arith.constant 0 : i32
    %dma_wait3A_94 = arith.constant 0 : i32
    %dma_wait3A_95 = tpu.memref_slice %arg6[%dma_wait3A_92, %dma_wait3A_93, %dma_wait3A_94] : memref<4x128x128xf32, #tpu.memory_space<vmem>> -> memref<1x128x128xf32, #tpu.memory_space<vmem>>
    %dma_wait3A_96 = tpu.memref_squeeze %dma_wait3A_95 : memref<1x128x128xf32, #tpu.memory_space<vmem>> -> memref<128x128xf32, #tpu.memory_space<vmem>>
    %dma_wait3A_97 = arith.constant 1664 : i32
    %dma_wait3A_98 = tpu.memref_slice %arg5[%dma_wait3A_97] : memref<2048xi32, #tpu.memory_space<vmem>> -> memref<128xi32, #tpu.memory_space<vmem>>
    %dma_wait3A_99 = arith.constant 0 : i32
    %dma_wait3A_100 = arith.constant 0 : i32
    %dma_wait3A_101 = tpu.memref_slice %arg2[%dma_wait3A_99, %dma_wait3A_100] : memref<200000x128xf32, #tpu.memory_space<hbm>> -> memref<200000x128xf32, #tpu.memory_space<hbm>>
    tpu.wait_indirect_dma semaphore(%arg9 : memref<!tpu.dma_semaphore, #tpu.memory_space<semaphore_mem>>) src(%dma_wait3A_101 : memref<200000x128xf32, #tpu.memory_space<hbm>>) dst(%dma_wait3A_96 : memref<128x128xf32, #tpu.memory_space<vmem>>)
    %add3A_102 = arith.constant 1664 : i32
    %add3A_103 = arith.addi %mul3A_2, %add3A_102 : i32
    %dma_start3A_104 = arith.constant 1 : i32
    %dma_start3A_105 = arith.constant 0 : i32
    %dma_start3A_106 = arith.constant 0 : i32
    %dma_start3A_107 = tpu.memref_slice %arg6[%dma_start3A_104, %dma_start3A_105, %dma_start3A_106] : memref<4x128x128xf32, #tpu.memory_space<vmem>> -> memref<1x128x128xf32, #tpu.memory_space<vmem>>
    %dma_start3A_108 = tpu.memref_squeeze %dma_start3A_107 : memref<1x128x128xf32, #tpu.memory_space<vmem>> -> memref<128x128xf32, #tpu.memory_space<vmem>>
    %dma_start3A_109 = arith.constant 0 : i32
    %dma_start3A_110 = tpu.memref_slice %arg4[%add3A_103, %dma_start3A_109] : memref<65536x128xf32, #tpu.memory_space<hbm>> -> memref<128x128xf32, #tpu.memory_space<hbm>>
    %dma_start3A_111 = arith.constant 0 : i32
    %dma_start3A_112 = tpu.memref_slice %arg4[%add3A_103, %dma_start3A_111] : memref<65536x128xf32, #tpu.memory_space<hbm>> -> memref<128x128xf32, #tpu.memory_space<hbm>>
    %dma_start3A_113 = arith.constant 0 : i32
    %dma_start3A_114 = arith.constant 0 : i32
    %dma_start3A_115 = tpu.memref_slice %arg6[%dma_start3A_104, %dma_start3A_113, %dma_start3A_114] : memref<4x128x128xf32, #tpu.memory_space<vmem>> -> memref<1x128x128xf32, #tpu.memory_space<vmem>>
    %dma_start3A_116 = tpu.memref_squeeze %dma_start3A_115 : memref<1x128x128xf32, #tpu.memory_space<vmem>> -> memref<128x128xf32, #tpu.memory_space<vmem>>
    tpu.enqueue_dma source(%dma_start3A_116 : memref<128x128xf32, #tpu.memory_space<vmem>>) target(%dma_start3A_112 : memref<128x128xf32, #tpu.memory_space<hbm>>) target_semaphore(%arg7 : memref<!tpu.dma_semaphore, #tpu.memory_space<semaphore_mem>>)
    %dma_wait3A_117 = arith.constant 1 : i32
    %dma_wait3A_118 = arith.constant 0 : i32
    %dma_wait3A_119 = arith.constant 0 : i32
    %dma_wait3A_120 = tpu.memref_slice %arg6[%dma_wait3A_117, %dma_wait3A_118, %dma_wait3A_119] : memref<4x128x128xf32, #tpu.memory_space<vmem>> -> memref<1x128x128xf32, #tpu.memory_space<vmem>>
    %dma_wait3A_121 = tpu.memref_squeeze %dma_wait3A_120 : memref<1x128x128xf32, #tpu.memory_space<vmem>> -> memref<128x128xf32, #tpu.memory_space<vmem>>
    %dma_wait3A_122 = arith.constant 0 : i32
    %dma_wait3A_123 = tpu.memref_slice %arg4[%add3A_103, %dma_wait3A_122] : memref<65536x128xf32, #tpu.memory_space<hbm>> -> memref<128x128xf32, #tpu.memory_space<hbm>>
    %dma_wait3A_124 = arith.constant 0 : i32
    %dma_wait3A_125 = tpu.memref_slice %arg4[%add3A_103, %dma_wait3A_124] : memref<65536x128xf32, #tpu.memory_space<hbm>> -> memref<128x128xf32, #tpu.memory_space<hbm>>
    %dma_wait3A_126 = arith.constant 0 : i32
    %dma_wait3A_127 = arith.constant 0 : i32
    %dma_wait3A_128 = tpu.memref_slice %arg6[%dma_wait3A_117, %dma_wait3A_126, %dma_wait3A_127] : memref<4x128x128xf32, #tpu.memory_space<vmem>> -> memref<1x128x128xf32, #tpu.memory_space<vmem>>
    %dma_wait3A_129 = tpu.memref_squeeze %dma_wait3A_128 : memref<1x128x128xf32, #tpu.memory_space<vmem>> -> memref<128x128xf32, #tpu.memory_space<vmem>>
    tpu.wait_dma2 semaphore(%arg7 : memref<!tpu.dma_semaphore, #tpu.memory_space<semaphore_mem>>) src(%dma_wait3A_129 : memref<128x128xf32, #tpu.memory_space<vmem>>) dst(%dma_wait3A_125 : memref<128x128xf32, #tpu.memory_space<hbm>>)
    %dma_wait3A_130 = arith.constant 2 : i32
    %dma_wait3A_131 = arith.constant 0 : i32
    %dma_wait3A_132 = arith.constant 0 : i32
    %dma_wait3A_133 = tpu.memref_slice %arg6[%dma_wait3A_130, %dma_wait3A_131, %dma_wait3A_132] : memref<4x128x128xf32, #tpu.memory_space<vmem>> -> memref<1x128x128xf32, #tpu.memory_space<vmem>>
    %dma_wait3A_134 = tpu.memref_squeeze %dma_wait3A_133 : memref<1x128x128xf32, #tpu.memory_space<vmem>> -> memref<128x128xf32, #tpu.memory_space<vmem>>
    %dma_wait3A_135 = arith.constant 1792 : i32
    %dma_wait3A_136 = tpu.memref_slice %arg5[%dma_wait3A_135] : memref<2048xi32, #tpu.memory_space<vmem>> -> memref<128xi32, #tpu.memory_space<vmem>>
    %dma_wait3A_137 = arith.constant 0 : i32
    %dma_wait3A_138 = arith.constant 0 : i32
    %dma_wait3A_139 = tpu.memref_slice %arg2[%dma_wait3A_137, %dma_wait3A_138] : memref<200000x128xf32, #tpu.memory_space<hbm>> -> memref<200000x128xf32, #tpu.memory_space<hbm>>
    tpu.wait_indirect_dma semaphore(%arg10 : memref<!tpu.dma_semaphore, #tpu.memory_space<semaphore_mem>>) src(%dma_wait3A_139 : memref<200000x128xf32, #tpu.memory_space<hbm>>) dst(%dma_wait3A_134 : memref<128x128xf32, #tpu.memory_space<vmem>>)
    %add3A_140 = arith.constant 1792 : i32
    %add3A_141 = arith.addi %mul3A_2, %add3A_140 : i32
    %dma_start3A_142 = arith.constant 2 : i32
    %dma_start3A_143 = arith.constant 0 : i32
    %dma_start3A_144 = arith.constant 0 : i32
    %dma_start3A_145 = tpu.memref_slice %arg6[%dma_start3A_142, %dma_start3A_143, %dma_start3A_144] : memref<4x128x128xf32, #tpu.memory_space<vmem>> -> memref<1x128x128xf32, #tpu.memory_space<vmem>>
    %dma_start3A_146 = tpu.memref_squeeze %dma_start3A_145 : memref<1x128x128xf32, #tpu.memory_space<vmem>> -> memref<128x128xf32, #tpu.memory_space<vmem>>
    %dma_start3A_147 = arith.constant 0 : i32
    %dma_start3A_148 = tpu.memref_slice %arg4[%add3A_141, %dma_start3A_147] : memref<65536x128xf32, #tpu.memory_space<hbm>> -> memref<128x128xf32, #tpu.memory_space<hbm>>
    %dma_start3A_149 = arith.constant 0 : i32
    %dma_start3A_150 = tpu.memref_slice %arg4[%add3A_141, %dma_start3A_149] : memref<65536x128xf32, #tpu.memory_space<hbm>> -> memref<128x128xf32, #tpu.memory_space<hbm>>
    %dma_start3A_151 = arith.constant 0 : i32
    %dma_start3A_152 = arith.constant 0 : i32
    %dma_start3A_153 = tpu.memref_slice %arg6[%dma_start3A_142, %dma_start3A_151, %dma_start3A_152] : memref<4x128x128xf32, #tpu.memory_space<vmem>> -> memref<1x128x128xf32, #tpu.memory_space<vmem>>
    %dma_start3A_154 = tpu.memref_squeeze %dma_start3A_153 : memref<1x128x128xf32, #tpu.memory_space<vmem>> -> memref<128x128xf32, #tpu.memory_space<vmem>>
    tpu.enqueue_dma source(%dma_start3A_154 : memref<128x128xf32, #tpu.memory_space<vmem>>) target(%dma_start3A_150 : memref<128x128xf32, #tpu.memory_space<hbm>>) target_semaphore(%arg7 : memref<!tpu.dma_semaphore, #tpu.memory_space<semaphore_mem>>)
    %dma_wait3A_155 = arith.constant 2 : i32
    %dma_wait3A_156 = arith.constant 0 : i32
    %dma_wait3A_157 = arith.constant 0 : i32
    %dma_wait3A_158 = tpu.memref_slice %arg6[%dma_wait3A_155, %dma_wait3A_156, %dma_wait3A_157] : memref<4x128x128xf32, #tpu.memory_space<vmem>> -> memref<1x128x128xf32, #tpu.memory_space<vmem>>
    %dma_wait3A_159 = tpu.memref_squeeze %dma_wait3A_158 : memref<1x128x128xf32, #tpu.memory_space<vmem>> -> memref<128x128xf32, #tpu.memory_space<vmem>>
    %dma_wait3A_160 = arith.constant 0 : i32
    %dma_wait3A_161 = tpu.memref_slice %arg4[%add3A_141, %dma_wait3A_160] : memref<65536x128xf32, #tpu.memory_space<hbm>> -> memref<128x128xf32, #tpu.memory_space<hbm>>
    %dma_wait3A_162 = arith.constant 0 : i32
    %dma_wait3A_163 = tpu.memref_slice %arg4[%add3A_141, %dma_wait3A_162] : memref<65536x128xf32, #tpu.memory_space<hbm>> -> memref<128x128xf32, #tpu.memory_space<hbm>>
    %dma_wait3A_164 = arith.constant 0 : i32
    %dma_wait3A_165 = arith.constant 0 : i32
    %dma_wait3A_166 = tpu.memref_slice %arg6[%dma_wait3A_155, %dma_wait3A_164, %dma_wait3A_165] : memref<4x128x128xf32, #tpu.memory_space<vmem>> -> memref<1x128x128xf32, #tpu.memory_space<vmem>>
    %dma_wait3A_167 = tpu.memref_squeeze %dma_wait3A_166 : memref<1x128x128xf32, #tpu.memory_space<vmem>> -> memref<128x128xf32, #tpu.memory_space<vmem>>
    tpu.wait_dma2 semaphore(%arg7 : memref<!tpu.dma_semaphore, #tpu.memory_space<semaphore_mem>>) src(%dma_wait3A_167 : memref<128x128xf32, #tpu.memory_space<vmem>>) dst(%dma_wait3A_163 : memref<128x128xf32, #tpu.memory_space<hbm>>)
    %dma_wait3A_168 = arith.constant 3 : i32
    %dma_wait3A_169 = arith.constant 0 : i32
    %dma_wait3A_170 = arith.constant 0 : i32
    %dma_wait3A_171 = tpu.memref_slice %arg6[%dma_wait3A_168, %dma_wait3A_169, %dma_wait3A_170] : memref<4x128x128xf32, #tpu.memory_space<vmem>> -> memref<1x128x128xf32, #tpu.memory_space<vmem>>
    %dma_wait3A_172 = tpu.memref_squeeze %dma_wait3A_171 : memref<1x128x128xf32, #tpu.memory_space<vmem>> -> memref<128x128xf32, #tpu.memory_space<vmem>>
    %dma_wait3A_173 = arith.constant 1920 : i32
    %dma_wait3A_174 = tpu.memref_slice %arg5[%dma_wait3A_173] : memref<2048xi32, #tpu.memory_space<vmem>> -> memref<128xi32, #tpu.memory_space<vmem>>
    %dma_wait3A_175 = arith.constant 0 : i32
    %dma_wait3A_176 = arith.constant 0 : i32
    %dma_wait3A_177 = tpu.memref_slice %arg2[%dma_wait3A_175, %dma_wait3A_176] : memref<200000x128xf32, #tpu.memory_space<hbm>> -> memref<200000x128xf32, #tpu.memory_space<hbm>>
    tpu.wait_indirect_dma semaphore(%arg11 : memref<!tpu.dma_semaphore, #tpu.memory_space<semaphore_mem>>) src(%dma_wait3A_177 : memref<200000x128xf32, #tpu.memory_space<hbm>>) dst(%dma_wait3A_172 : memref<128x128xf32, #tpu.memory_space<vmem>>)
    %add3A_178 = arith.constant 1920 : i32
    %add3A_179 = arith.addi %mul3A_2, %add3A_178 : i32
    %dma_start3A_180 = arith.constant 3 : i32
    %dma_start3A_181 = arith.constant 0 : i32
    %dma_start3A_182 = arith.constant 0 : i32
    %dma_start3A_183 = tpu.memref_slice %arg6[%dma_start3A_180, %dma_start3A_181, %dma_start3A_182] : memref<4x128x128xf32, #tpu.memory_space<vmem>> -> memref<1x128x128xf32, #tpu.memory_space<vmem>>
    %dma_start3A_184 = tpu.memref_squeeze %dma_start3A_183 : memref<1x128x128xf32, #tpu.memory_space<vmem>> -> memref<128x128xf32, #tpu.memory_space<vmem>>
    %dma_start3A_185 = arith.constant 0 : i32
    %dma_start3A_186 = tpu.memref_slice %arg4[%add3A_179, %dma_start3A_185] : memref<65536x128xf32, #tpu.memory_space<hbm>> -> memref<128x128xf32, #tpu.memory_space<hbm>>
    %dma_start3A_187 = arith.constant 0 : i32
    %dma_start3A_188 = tpu.memref_slice %arg4[%add3A_179, %dma_start3A_187] : memref<65536x128xf32, #tpu.memory_space<hbm>> -> memref<128x128xf32, #tpu.memory_space<hbm>>
    %dma_start3A_189 = arith.constant 0 : i32
    %dma_start3A_190 = arith.constant 0 : i32
    %dma_start3A_191 = tpu.memref_slice %arg6[%dma_start3A_180, %dma_start3A_189, %dma_start3A_190] : memref<4x128x128xf32, #tpu.memory_space<vmem>> -> memref<1x128x128xf32, #tpu.memory_space<vmem>>
    %dma_start3A_192 = tpu.memref_squeeze %dma_start3A_191 : memref<1x128x128xf32, #tpu.memory_space<vmem>> -> memref<128x128xf32, #tpu.memory_space<vmem>>
    tpu.enqueue_dma source(%dma_start3A_192 : memref<128x128xf32, #tpu.memory_space<vmem>>) target(%dma_start3A_188 : memref<128x128xf32, #tpu.memory_space<hbm>>) target_semaphore(%arg7 : memref<!tpu.dma_semaphore, #tpu.memory_space<semaphore_mem>>)
    %dma_wait3A_193 = arith.constant 3 : i32
    %dma_wait3A_194 = arith.constant 0 : i32
    %dma_wait3A_195 = arith.constant 0 : i32
    %dma_wait3A_196 = tpu.memref_slice %arg6[%dma_wait3A_193, %dma_wait3A_194, %dma_wait3A_195] : memref<4x128x128xf32, #tpu.memory_space<vmem>> -> memref<1x128x128xf32, #tpu.memory_space<vmem>>
    %dma_wait3A_197 = tpu.memref_squeeze %dma_wait3A_196 : memref<1x128x128xf32, #tpu.memory_space<vmem>> -> memref<128x128xf32, #tpu.memory_space<vmem>>
    %dma_wait3A_198 = arith.constant 0 : i32
    %dma_wait3A_199 = tpu.memref_slice %arg4[%add3A_179, %dma_wait3A_198] : memref<65536x128xf32, #tpu.memory_space<hbm>> -> memref<128x128xf32, #tpu.memory_space<hbm>>
    %dma_wait3A_200 = arith.constant 0 : i32
    %dma_wait3A_201 = tpu.memref_slice %arg4[%add3A_179, %dma_wait3A_200] : memref<65536x128xf32, #tpu.memory_space<hbm>> -> memref<128x128xf32, #tpu.memory_space<hbm>>
    %dma_wait3A_202 = arith.constant 0 : i32
    %dma_wait3A_203 = arith.constant 0 : i32
    %dma_wait3A_204 = tpu.memref_slice %arg6[%dma_wait3A_193, %dma_wait3A_202, %dma_wait3A_203] : memref<4x128x128xf32, #tpu.memory_space<vmem>> -> memref<1x128x128xf32, #tpu.memory_space<vmem>>
    %dma_wait3A_205 = tpu.memref_squeeze %dma_wait3A_204 : memref<1x128x128xf32, #tpu.memory_space<vmem>> -> memref<128x128xf32, #tpu.memory_space<vmem>>
    tpu.wait_dma2 semaphore(%arg7 : memref<!tpu.dma_semaphore, #tpu.memory_space<semaphore_mem>>) src(%dma_wait3A_205 : memref<128x128xf32, #tpu.memory_space<vmem>>) dst(%dma_wait3A_201 : memref<128x128xf32, #tpu.memory_space<hbm>>)
    return
  }
}

#map = affine_map<(d0, d1) -> (0)>
module attributes {stable_mosaic.version = 14 : i64} {
  func.func @_winner_body(%arg0: i32, %arg1: i32, %arg2: memref<200704xi32, #tpu.memory_space<hbm>>, %arg3: memref<262144xi32, #tpu.memory_space<hbm>>, %arg4: memref<2x4096xi32, #tpu.memory_space<vmem>>, %arg5: memref<8192xi32, #tpu.memory_space<vmem>>, %arg6: memref<4096xi32, #tpu.memory_space<vmem>>, %arg7: memref<4096xi32, #tpu.memory_space<vmem>>, %arg8: memref<!tpu.dma_semaphore, #tpu.memory_space<semaphore_mem>>, %arg9: memref<!tpu.dma_semaphore, #tpu.memory_space<semaphore_mem>>) attributes {dimension_semantics = [#tpu.dimension_semantics<core_parallel>, #tpu.dimension_semantics<subcore_parallel>], iteration_bounds = array<i64: 2, 16>, scalar_prefetch = 0 : i64, scratch_operands = 6 : i64, tpu.core_type = #tpu.core_type<sc_vector_subcore>, window_params = [{transform_indices = #map}, {transform_indices = #map}]} {
    %mul3A = arith.constant 2 : i32
    %mul3A_0 = arith.muli %arg1, %mul3A : i32
    %add3A = arith.addi %mul3A_0, %arg0 : i32
    %mul3A_1 = arith.constant 8192 : i32
    %mul3A_2 = arith.muli %add3A, %mul3A_1 : i32
    %iota3A = tpu.iota {dimensions = array<i32: 0>} : vector<16xi32>
    %add3A_3 = arith.constant 1 : i32
    %add3A_4 = vector.broadcast %add3A_3 : i32 to vector<16xi32>
    %add3A_5 = arith.addi %iota3A, %add3A_4 : vector<16xi32>
    %min3A = arith.constant 15 : i32
    %min3A_6 = vector.broadcast %min3A : i32 to vector<16xi32>
    %min3A_7 = arith.minsi %add3A_5, %min3A_6 : vector<16xi32>
    %scan3A = arith.constant 0 : i32
    %scan3A_8 = arith.constant 0 : i32
    %scan3A_9 = arith.constant 512 : i32
    %scan3A_10 = arith.addi %scan3A_8, %scan3A_9 : i32
    %scan3A_11 = arith.constant 1 : i32
    %scan3A_12 = scf.for %scan3A_83 = %scan3A_8 to %scan3A_10 step %scan3A_11 iter_args(%scan3A_84 = %scan3A) -> (i32)  : i32 {
      %broadcast_in_dim3A_85 = arith.constant -1 : i32
      %broadcast_in_dim3A_86 = vector.broadcast %broadcast_in_dim3A_85 : i32 to vector<16xi32>
      %mul3A_87 = arith.constant 16 : i32
      %mul3A_88 = arith.muli %scan3A_83, %mul3A_87 : i32
      %swap3A = arith.index_cast %mul3A_88 : i32 to index
      %swap3A_89 = tpu.vector_load %arg5[%swap3A] {strides = array<i32>} : memref<8192xi32, #tpu.memory_space<vmem>>, vector<16xi32>,
      tpu.vector_store %arg5[%swap3A], %broadcast_in_dim3A_86 {strides = array<i32>} : memref<8192xi32, #tpu.memory_space<vmem>>, vector<16xi32>,
      %scan3A_90 = arith.constant 0 : i32
      scf.yield %scan3A_90 : i32
    }
    %scan3A_13 = arith.constant 512 : i32
    %dma_start3A = arith.constant 0 : i32
    %dma_start3A_14 = arith.constant 0 : i32
    %dma_start3A_15 = tpu.memref_slice %arg4[%dma_start3A, %dma_start3A_14] : memref<2x4096xi32, #tpu.memory_space<vmem>> -> memref<1x4096xi32, #tpu.memory_space<vmem>>
    %dma_start3A_16 = tpu.memref_squeeze %dma_start3A_15 : memref<1x4096xi32, #tpu.memory_space<vmem>> -> memref<4096xi32, #tpu.memory_space<vmem>>
    %dma_start3A_17 = arith.constant 0 : i32
    %dma_start3A_18 = tpu.memref_slice %arg2[%dma_start3A_17] : memref<200704xi32, #tpu.memory_space<hbm>> -> memref<4096xi32, #tpu.memory_space<hbm>>
    %dma_start3A_19 = arith.constant 0 : i32
    %dma_start3A_20 = tpu.memref_slice %arg4[%dma_start3A, %dma_start3A_19] : memref<2x4096xi32, #tpu.memory_space<vmem>> -> memref<1x4096xi32, #tpu.memory_space<vmem>>
    %dma_start3A_21 = tpu.memref_squeeze %dma_start3A_20 : memref<1x4096xi32, #tpu.memory_space<vmem>> -> memref<4096xi32, #tpu.memory_space<vmem>>
    %dma_start3A_22 = arith.constant 0 : i32
    %dma_start3A_23 = tpu.memref_slice %arg2[%dma_start3A_22] : memref<200704xi32, #tpu.memory_space<hbm>> -> memref<4096xi32, #tpu.memory_space<hbm>>
    tpu.enqueue_dma source(%dma_start3A_23 : memref<4096xi32, #tpu.memory_space<hbm>>) target(%dma_start3A_21 : memref<4096xi32, #tpu.memory_space<vmem>>) target_semaphore(%arg8 : memref<!tpu.dma_semaphore, #tpu.memory_space<semaphore_mem>>)
    %scan3A_24 = arith.constant 0 : i32
    %scan3A_25 = arith.constant 0 : i32
    %scan3A_26 = arith.constant 24 : i32
    %scan3A_27 = arith.addi %scan3A_25, %scan3A_26 : i32
    %scan3A_28 = arith.constant 1 : i32
    %scan3A_29 = scf.for %scan3A_83 = %scan3A_25 to %scan3A_27 step %scan3A_28 iter_args(%scan3A_84 = %scan3A_24) -> (i32)  : i32 {
      %mul3A_85 = arith.constant 2 : i32
      %mul3A_86 = arith.muli %mul3A_85, %scan3A_83 : i32
      %mul3A_87 = arith.constant 4096 : i32
      %mul3A_88 = arith.muli %mul3A_86, %mul3A_87 : i32
      %dma_wait3A_89 = arith.constant 0 : i32
      %dma_wait3A_90 = arith.constant 0 : i32
      %dma_wait3A_91 = tpu.memref_slice %arg4[%dma_wait3A_89, %dma_wait3A_90] : memref<2x4096xi32, #tpu.memory_space<vmem>> -> memref<1x4096xi32, #tpu.memory_space<vmem>>
      %dma_wait3A_92 = tpu.memref_squeeze %dma_wait3A_91 : memref<1x4096xi32, #tpu.memory_space<vmem>> -> memref<4096xi32, #tpu.memory_space<vmem>>
      %dma_wait3A_93 = tpu.memref_slice %arg2[%mul3A_88] : memref<200704xi32, #tpu.memory_space<hbm>> -> memref<4096xi32, #tpu.memory_space<hbm>>
      %dma_wait3A_94 = arith.constant 0 : i32
      %dma_wait3A_95 = tpu.memref_slice %arg4[%dma_wait3A_89, %dma_wait3A_94] : memref<2x4096xi32, #tpu.memory_space<vmem>> -> memref<1x4096xi32, #tpu.memory_space<vmem>>
      %dma_wait3A_96 = tpu.memref_squeeze %dma_wait3A_95 : memref<1x4096xi32, #tpu.memory_space<vmem>> -> memref<4096xi32, #tpu.memory_space<vmem>>
      %dma_wait3A_97 = tpu.memref_slice %arg2[%mul3A_88] : memref<200704xi32, #tpu.memory_space<hbm>> -> memref<4096xi32, #tpu.memory_space<hbm>>
      tpu.wait_dma2 semaphore(%arg8 : memref<!tpu.dma_semaphore, #tpu.memory_space<semaphore_mem>>) src(%dma_wait3A_97 : memref<4096xi32, #tpu.memory_space<hbm>>) dst(%dma_wait3A_96 : memref<4096xi32, #tpu.memory_space<vmem>>)
      %add3A_98 = arith.constant 1 : i32
      %add3A_99 = arith.addi %mul3A_86, %add3A_98 : i32
      %mul3A_100 = arith.constant 4096 : i32
      %mul3A_101 = arith.muli %add3A_99, %mul3A_100 : i32
      %dma_start3A_102 = arith.constant 1 : i32
      %dma_start3A_103 = arith.constant 0 : i32
      %dma_start3A_104 = tpu.memref_slice %arg4[%dma_start3A_102, %dma_start3A_103] : memref<2x4096xi32, #tpu.memory_space<vmem>> -> memref<1x4096xi32, #tpu.memory_space<vmem>>
      %dma_start3A_105 = tpu.memref_squeeze %dma_start3A_104 : memref<1x4096xi32, #tpu.memory_space<vmem>> -> memref<4096xi32, #tpu.memory_space<vmem>>
      %dma_start3A_106 = tpu.memref_slice %arg2[%mul3A_101] : memref<200704xi32, #tpu.memory_space<hbm>> -> memref<4096xi32, #tpu.memory_space<hbm>>
      %dma_start3A_107 = arith.constant 0 : i32
      %dma_start3A_108 = tpu.memref_slice %arg4[%dma_start3A_102, %dma_start3A_107] : memref<2x4096xi32, #tpu.memory_space<vmem>> -> memref<1x4096xi32, #tpu.memory_space<vmem>>
      %dma_start3A_109 = tpu.memref_squeeze %dma_start3A_108 : memref<1x4096xi32, #tpu.memory_space<vmem>> -> memref<4096xi32, #tpu.memory_space<vmem>>
      %dma_start3A_110 = tpu.memref_slice %arg2[%mul3A_101] : memref<200704xi32, #tpu.memory_space<hbm>> -> memref<4096xi32, #tpu.memory_space<hbm>>
      tpu.enqueue_dma source(%dma_start3A_110 : memref<4096xi32, #tpu.memory_space<hbm>>) target(%dma_start3A_109 : memref<4096xi32, #tpu.memory_space<vmem>>) target_semaphore(%arg9 : memref<!tpu.dma_semaphore, #tpu.memory_space<semaphore_mem>>)
      %broadcast_in_dim3A_111 = arith.constant 0 : i32
      %broadcast_in_dim3A_112 = vector.broadcast %broadcast_in_dim3A_111 : i32 to vector<16xi32>
      %parallel_loop3A_113 = arith.constant 0 : i32
      %parallel_loop3A_114 = arith.constant 256 : i32
      %parallel_loop3A_115 = arith.constant 1 : i32
      %parallel_loop3A_116 = scf.for %parallel_loop3A_248 = %parallel_loop3A_113 to %parallel_loop3A_114 step %parallel_loop3A_115 iter_args(%parallel_loop3A_249 = %broadcast_in_dim3A_112) -> (vector<16xi32>)  : i32 {
        %parallel_loop3A_250 = arith.constant 16 : i32
        %parallel_loop3A_251 = arith.muli %parallel_loop3A_248, %parallel_loop3A_250 : i32
        %parallel_loop3A_252 = arith.constant 0 : i32
        %parallel_loop3A_253 = arith.index_cast %parallel_loop3A_252 : i32 to index
        %parallel_loop3A_254 = arith.index_cast %parallel_loop3A_251 : i32 to index
        %parallel_loop3A_255 = tpu.vector_load %arg4[%parallel_loop3A_253, %parallel_loop3A_254] {strides = array<i32>} : memref<2x4096xi32, #tpu.memory_space<vmem>>, vector<16xi32>,
        %parallel_loop3A_256 = vector.broadcast %mul3A_2 : i32 to vector<16xi32>
        %parallel_loop3A_257 = arith.cmpi sge, %parallel_loop3A_255, %parallel_loop3A_256 : vector<16xi32>
        %parallel_loop3A_258 = arith.constant 8192 : i32
        %parallel_loop3A_259 = arith.addi %mul3A_2, %parallel_loop3A_258 : i32
        %parallel_loop3A_260 = vector.broadcast %parallel_loop3A_259 : i32 to vector<16xi32>
        %parallel_loop3A_261 = arith.cmpi slt, %parallel_loop3A_255, %parallel_loop3A_260 : vector<16xi32>
        %parallel_loop3A_262 = arith.andi %parallel_loop3A_257, %parallel_loop3A_261 : vector<16xi1>
        %parallel_loop3A_263 = arith.extui %parallel_loop3A_262 : vector<16xi1> to vector<16xi32>
        %parallel_loop3A_264 = arith.constant true
        %parallel_loop3A_265 = vector.broadcast %parallel_loop3A_264 : i1 to vector<16xi1>
        %parallel_loop3A_266 = tpu.scan <sum>, %parallel_loop3A_263 masked %parallel_loop3A_265 : vector<16xi32>, vector<16xi1> -> vector<16xi32>
        %parallel_loop3A_267 = tpu.all_reduce %parallel_loop3A_262 {dim = 0 : i64, kind = #tpu.reduction_kind<sum>} : vector<16xi1> -> vector<16xi32>
        %parallel_loop3A_268 = arith.addi %parallel_loop3A_249, %parallel_loop3A_266 : vector<16xi32>
        %parallel_loop3A_269 = arith.constant 1 : i32
        %parallel_loop3A_270 = vector.broadcast %parallel_loop3A_269 : i32 to vector<16xi32>
        %parallel_loop3A_271 = arith.subi %parallel_loop3A_268, %parallel_loop3A_270 : vector<16xi32>
        %parallel_loop3A_272 = arith.constant 4096 : i32
        %parallel_loop3A_273 = arith.muli %mul3A_86, %parallel_loop3A_272 : i32
        %parallel_loop3A_274 = arith.constant 16 : i32
        %parallel_loop3A_275 = arith.muli %parallel_loop3A_248, %parallel_loop3A_274 : i32
        %parallel_loop3A_276 = arith.addi %parallel_loop3A_273, %parallel_loop3A_275 : i32
        %parallel_loop3A_277 = vector.broadcast %parallel_loop3A_276 : i32 to vector<16xi32>
        %parallel_loop3A_278 = arith.addi %parallel_loop3A_277, %iota3A : vector<16xi32>
        tpu.vector_store_idx %arg6[%parallel_loop3A_271], %parallel_loop3A_255 masked %parallel_loop3A_262 : memref<4096xi32, #tpu.memory_space<vmem>>[vector<16xi32>], vector<16xi32>, vector<16xi1>
        tpu.vector_store_idx %arg7[%parallel_loop3A_271], %parallel_loop3A_278 masked %parallel_loop3A_262 : memref<4096xi32, #tpu.memory_space<vmem>>[vector<16xi32>], vector<16xi32>, vector<16xi1>
        %parallel_loop3A_279 = arith.addi %parallel_loop3A_249, %parallel_loop3A_267 : vector<16xi32>
        scf.yield %parallel_loop3A_279 : vector<16xi32>
      } {sc.loop_unroll_factor = 8 : i64, sc.parallel_access}
      %reduce_max3A_117 = arith.constant true
      %reduce_max3A_118 = vector.broadcast %reduce_max3A_117 : i1 to vector<16xi1>
      %reduce_max3A_119 = arith.constant -2147483648 : i32
      %reduce_max3A_120 = vector.broadcast %reduce_max3A_119 : i32 to vector<16xi32>
      %reduce_max3A_121 = arith.xori %parallel_loop3A_116, %reduce_max3A_120 : vector<16xi32>
      %reduce_max3A_122 = tpu.scan <max>, %reduce_max3A_121 masked %reduce_max3A_118 : vector<16xi32>, vector<16xi1> -> vector<16xi32>
      %reduce_max3A_123 = arith.xori %reduce_max3A_122, %reduce_max3A_120 : vector<16xi32>
      %reduce_max3A_124 = vector.extract %reduce_max3A_123[15] : i32 from vector<16xi32>
      %add3A_125 = arith.constant 16 : i32
      %add3A_126 = arith.addi %reduce_max3A_124, %add3A_125 : i32
      %sub3A_127 = arith.constant 1 : i32
      %sub3A_128 = arith.subi %add3A_126, %sub3A_127 : i32
      %jit3A_129 = arith.constant 16 : i32
      %div3A_130 = arith.divsi %sub3A_128, %jit3A_129 : i32
      %sign3A_131 = arith.constant 0 : i32
      %sign3A_132 = arith.cmpi sgt, %sub3A_128, %sign3A_131 : i32
      %sign3A_133 = arith.extui %sign3A_132 : i1 to i32
      %sign3A_134 = arith.constant 0 : i32
      %sign3A_135 = arith.cmpi slt, %sub3A_128, %sign3A_134 : i32
      %sign3A_136 = arith.extui %sign3A_135 : i1 to i32
      %sign3A_137 = arith.subi %sign3A_133, %sign3A_136 : i32
      %sign3A_138 = arith.constant 0 : i32
      %sign3A_139 = arith.cmpi sgt, %jit3A_129, %sign3A_138 : i32
      %sign3A_140 = arith.extui %sign3A_139 : i1 to i32
      %sign3A_141 = arith.constant 0 : i32
      %sign3A_142 = arith.cmpi slt, %jit3A_129, %sign3A_141 : i32
      %sign3A_143 = arith.extui %sign3A_142 : i1 to i32
      %sign3A_144 = arith.subi %sign3A_140, %sign3A_143 : i32
      %ne3A_145 = arith.cmpi ne, %sign3A_137, %sign3A_144 : i32
      %rem3A_146 = arith.remsi %sub3A_128, %jit3A_129 : i32
      %ne3A_147 = arith.constant 0 : i32
      %ne3A_148 = arith.cmpi ne, %rem3A_146, %ne3A_147 : i32
      %and3A_149 = arith.andi %ne3A_145, %ne3A_148 : i1
      %sub3A_150 = arith.constant 1 : i32
      %sub3A_151 = arith.subi %div3A_130, %sub3A_150 : i32
      %select_n3A_152 = arith.select %and3A_149, %sub3A_151, %div3A_130 : i32
      %while3A_153 = arith.constant 0 : i32
      %while3A_154 = arith.constant 0 : i32
      %while3A_155 = arith.subi %select_n3A_152, %while3A_153 : i32
      %while3A_156 = arith.addi %while3A_153, %while3A_155 : i32
      %while3A_157 = arith.constant 1 : i32
      %while3A_158 = arith.divsi %while3A_155, %while3A_157 : i32
      %while3A_159 = arith.muli %while3A_158, %while3A_157 : i32
      %while3A_160 = arith.addi %while3A_153, %while3A_159 : i32
      %while3A_161 = arith.constant 1 : i32
      %while3A_162 = scf.for %while3A_248 = %while3A_153 to %while3A_160 step %while3A_161 iter_args(%while3A_249 = %while3A_154) -> (i32)  : i32 {
        %mul3A_250 = arith.constant 16 : i32
        %mul3A_251 = arith.muli %while3A_248, %mul3A_250 : i32
        %get3A = arith.index_cast %mul3A_251 : i32 to index
        %get3A_252 = tpu.vector_load %arg6[%get3A] {strides = array<i32>} : memref<4096xi32, #tpu.memory_space<vmem>>, vector<16xi32>,
        %mul3A_253 = arith.constant 16 : i32
        %mul3A_254 = arith.muli %while3A_248, %mul3A_253 : i32
        %get3A_255 = arith.index_cast %mul3A_254 : i32 to index
        %get3A_256 = tpu.vector_load %arg7[%get3A_255] {strides = array<i32>} : memref<4096xi32, #tpu.memory_space<vmem>>, vector<16xi32>,
        %mul3A_257 = arith.constant 16 : i32
        %mul3A_258 = arith.muli %while3A_248, %mul3A_257 : i32
        %add3A_259 = vector.broadcast %mul3A_258 : i32 to vector<16xi32>
        %add3A_260 = arith.addi %add3A_259, %iota3A : vector<16xi32>
        %lt3A = vector.broadcast %reduce_max3A_124 : i32 to vector<16xi32>
        %lt3A_261 = arith.cmpi slt, %add3A_260, %lt3A : vector<16xi32>
        %jit3A_262 = arith.constant 262144 : i32
        %broadcast_in_dim3A_263 = vector.broadcast %jit3A_262 : i32 to vector<16xi32>
        %select_n3A_264 = arith.select %lt3A_261, %get3A_252, %broadcast_in_dim3A_263 : vector<16xi1>, vector<16xi32>
        %mul3A_265 = arith.constant 16 : i32
        %mul3A_266 = vector.broadcast %mul3A_265 : i32 to vector<16xi32>
        %mul3A_267 = arith.muli %select_n3A_264, %mul3A_266 : vector<16xi32>
        %add3A_268 = arith.addi %mul3A_267, %iota3A : vector<16xi32>
        %masked_sort3A = arith.constant dense<true> : vector<16xi1>
        %masked_sort3A_269 = arith.constant -2147483648 : i32
        %masked_sort3A_270 = vector.broadcast %masked_sort3A_269 : i32 to vector<16xi32>
        %masked_sort3A_271 = arith.xori %add3A_268, %masked_sort3A_270 : vector<16xi32>
        %masked_sort3A_272, %masked_sort3A_273, %masked_sort3A_274 = tpu.sort %masked_sort3A_271, %get3A_256 masked %masked_sort3A : (vector<16xi32>, vector<16xi32>, vector<16xi1>) -> (vector<16xi1>, vector<16xi32>, vector<16xi32>)
        %masked_sort3A_275 = arith.xori %masked_sort3A_273, %masked_sort3A_270 : vector<16xi32>
        %shift_right_logical3A = arith.constant 4 : i32
        %shift_right_logical3A_276 = vector.broadcast %shift_right_logical3A : i32 to vector<16xi32>
        %shift_right_logical3A_277 = arith.shrui %masked_sort3A_275, %shift_right_logical3A_276 : vector<16xi32>
        %broadcast_in_dim3A_278 = vector.shape_cast %min3A_7 : vector<16xi32> to vector<16x1xi32>
        %gather3A = vector.shape_cast %broadcast_in_dim3A_278 : vector<16x1xi32> to vector<16xi32>
        %gather3A_279 = tpu.dynamic_gather %shift_right_logical3A_277[%gather3A] in [0] : vector<16xi32>, vector<16xi32> -> vector<16xi32>
        %ne3A_280 = arith.cmpi ne, %shift_right_logical3A_277, %gather3A_279 : vector<16xi32>
        %eq3A = arith.constant 15 : i32
        %eq3A_281 = vector.broadcast %eq3A : i32 to vector<16xi32>
        %eq3A_282 = arith.cmpi eq, %iota3A, %eq3A_281 : vector<16xi32>
        %or3A = arith.ori %ne3A_280, %eq3A_282 : vector<16xi1>
        %lt3A_283 = arith.constant 262144 : i32
        %lt3A_284 = vector.broadcast %lt3A_283 : i32 to vector<16xi32>
        %lt3A_285 = arith.cmpi slt, %shift_right_logical3A_277, %lt3A_284 : vector<16xi32>
        %sub3A_286 = vector.broadcast %mul3A_2 : i32 to vector<16xi32>
        %sub3A_287 = arith.subi %shift_right_logical3A_277, %sub3A_286 : vector<16xi32>
        %and3A_288 = arith.andi %or3A, %lt3A_285 : vector<16xi1>
        tpu.vector_store_idx %arg5[%sub3A_287], %masked_sort3A_274 masked %and3A_288 : memref<8192xi32, #tpu.memory_space<vmem>>[vector<16xi32>], vector<16xi32>, vector<16xi1>
        %while3A_289 = arith.constant 0 : i32
        scf.yield %while3A_289 : i32
      }
      %while3A_163 = arith.constant 1 : i32
      %while3A_164 = scf.for %while3A_248 = %while3A_160 to %while3A_156 step %while3A_163 iter_args(%while3A_249 = %while3A_162) -> (i32)  : i32 {
        %mul3A_250 = arith.constant 16 : i32
        %mul3A_251 = arith.muli %while3A_248, %mul3A_250 : i32
        %get3A = arith.index_cast %mul3A_251 : i32 to index
        %get3A_252 = tpu.vector_load %arg6[%get3A] {strides = array<i32>} : memref<4096xi32, #tpu.memory_space<vmem>>, vector<16xi32>,
        %mul3A_253 = arith.constant 16 : i32
        %mul3A_254 = arith.muli %while3A_248, %mul3A_253 : i32
        %get3A_255 = arith.index_cast %mul3A_254 : i32 to index
        %get3A_256 = tpu.vector_load %arg7[%get3A_255] {strides = array<i32>} : memref<4096xi32, #tpu.memory_space<vmem>>, vector<16xi32>,
        %mul3A_257 = arith.constant 16 : i32
        %mul3A_258 = arith.muli %while3A_248, %mul3A_257 : i32
        %add3A_259 = vector.broadcast %mul3A_258 : i32 to vector<16xi32>
        %add3A_260 = arith.addi %add3A_259, %iota3A : vector<16xi32>
        %lt3A = vector.broadcast %reduce_max3A_124 : i32 to vector<16xi32>
        %lt3A_261 = arith.cmpi slt, %add3A_260, %lt3A : vector<16xi32>
        %jit3A_262 = arith.constant 262144 : i32
        %broadcast_in_dim3A_263 = vector.broadcast %jit3A_262 : i32 to vector<16xi32>
        %select_n3A_264 = arith.select %lt3A_261, %get3A_252, %broadcast_in_dim3A_263 : vector<16xi1>, vector<16xi32>
        %mul3A_265 = arith.constant 16 : i32
        %mul3A_266 = vector.broadcast %mul3A_265 : i32 to vector<16xi32>
        %mul3A_267 = arith.muli %select_n3A_264, %mul3A_266 : vector<16xi32>
        %add3A_268 = arith.addi %mul3A_267, %iota3A : vector<16xi32>
        %masked_sort3A = arith.constant dense<true> : vector<16xi1>
        %masked_sort3A_269 = arith.constant -2147483648 : i32
        %masked_sort3A_270 = vector.broadcast %masked_sort3A_269 : i32 to vector<16xi32>
        %masked_sort3A_271 = arith.xori %add3A_268, %masked_sort3A_270 : vector<16xi32>
        %masked_sort3A_272, %masked_sort3A_273, %masked_sort3A_274 = tpu.sort %masked_sort3A_271, %get3A_256 masked %masked_sort3A : (vector<16xi32>, vector<16xi32>, vector<16xi1>) -> (vector<16xi1>, vector<16xi32>, vector<16xi32>)
        %masked_sort3A_275 = arith.xori %masked_sort3A_273, %masked_sort3A_270 : vector<16xi32>
        %shift_right_logical3A = arith.constant 4 : i32
        %shift_right_logical3A_276 = vector.broadcast %shift_right_logical3A : i32 to vector<16xi32>
        %shift_right_logical3A_277 = arith.shrui %masked_sort3A_275, %shift_right_logical3A_276 : vector<16xi32>
        %broadcast_in_dim3A_278 = vector.shape_cast %min3A_7 : vector<16xi32> to vector<16x1xi32>
        %gather3A = vector.shape_cast %broadcast_in_dim3A_278 : vector<16x1xi32> to vector<16xi32>
        %gather3A_279 = tpu.dynamic_gather %shift_right_logical3A_277[%gather3A] in [0] : vector<16xi32>, vector<16xi32> -> vector<16xi32>
        %ne3A_280 = arith.cmpi ne, %shift_right_logical3A_277, %gather3A_279 : vector<16xi32>
        %eq3A = arith.constant 15 : i32
        %eq3A_281 = vector.broadcast %eq3A : i32 to vector<16xi32>
        %eq3A_282 = arith.cmpi eq, %iota3A, %eq3A_281 : vector<16xi32>
        %or3A = arith.ori %ne3A_280, %eq3A_282 : vector<16xi1>
        %lt3A_283 = arith.constant 262144 : i32
        %lt3A_284 = vector.broadcast %lt3A_283 : i32 to vector<16xi32>
        %lt3A_285 = arith.cmpi slt, %shift_right_logical3A_277, %lt3A_284 : vector<16xi32>
        %sub3A_286 = vector.broadcast %mul3A_2 : i32 to vector<16xi32>
        %sub3A_287 = arith.subi %shift_right_logical3A_277, %sub3A_286 : vector<16xi32>
        %and3A_288 = arith.andi %or3A, %lt3A_285 : vector<16xi1>
        tpu.vector_store_idx %arg5[%sub3A_287], %masked_sort3A_274 masked %and3A_288 : memref<8192xi32, #tpu.memory_space<vmem>>[vector<16xi32>], vector<16xi32>, vector<16xi1>
        %while3A_289 = arith.constant 0 : i32
        scf.yield %while3A_289 : i32
      }
      %add3A_165 = arith.constant 1 : i32
      %add3A_166 = arith.addi %mul3A_86, %add3A_165 : i32
      %mul3A_167 = arith.constant 4096 : i32
      %mul3A_168 = arith.muli %add3A_166, %mul3A_167 : i32
      %dma_wait3A_169 = arith.constant 1 : i32
      %dma_wait3A_170 = arith.constant 0 : i32
      %dma_wait3A_171 = tpu.memref_slice %arg4[%dma_wait3A_169, %dma_wait3A_170] : memref<2x4096xi32, #tpu.memory_space<vmem>> -> memref<1x4096xi32, #tpu.memory_space<vmem>>
      %dma_wait3A_172 = tpu.memref_squeeze %dma_wait3A_171 : memref<1x4096xi32, #tpu.memory_space<vmem>> -> memref<4096xi32, #tpu.memory_space<vmem>>
      %dma_wait3A_173 = tpu.memref_slice %arg2[%mul3A_168] : memref<200704xi32, #tpu.memory_space<hbm>> -> memref<4096xi32, #tpu.memory_space<hbm>>
      %dma_wait3A_174 = arith.constant 0 : i32
      %dma_wait3A_175 = tpu.memref_slice %arg4[%dma_wait3A_169, %dma_wait3A_174] : memref<2x4096xi32, #tpu.memory_space<vmem>> -> memref<1x4096xi32, #tpu.memory_space<vmem>>
      %dma_wait3A_176 = tpu.memref_squeeze %dma_wait3A_175 : memref<1x4096xi32, #tpu.memory_space<vmem>> -> memref<4096xi32, #tpu.memory_space<vmem>>
      %dma_wait3A_177 = tpu.memref_slice %arg2[%mul3A_168] : memref<200704xi32, #tpu.memory_space<hbm>> -> memref<4096xi32, #tpu.memory_space<hbm>>
      tpu.wait_dma2 semaphore(%arg9 : memref<!tpu.dma_semaphore, #tpu.memory_space<semaphore_mem>>) src(%dma_wait3A_177 : memref<4096xi32, #tpu.memory_space<hbm>>) dst(%dma_wait3A_176 : memref<4096xi32, #tpu.memory_space<vmem>>)
      %add3A_178 = arith.constant 2 : i32
      %add3A_179 = arith.addi %mul3A_86, %add3A_178 : i32
      %mul3A_180 = arith.constant 4096 : i32
      %mul3A_181 = arith.muli %add3A_179, %mul3A_180 : i32
      %dma_start3A_182 = arith.constant 0 : i32
      %dma_start3A_183 = arith.constant 0 : i32
      %dma_start3A_184 = tpu.memref_slice %arg4[%dma_start3A_182, %dma_start3A_183] : memref<2x4096xi32, #tpu.memory_space<vmem>> -> memref<1x4096xi32, #tpu.memory_space<vmem>>
      %dma_start3A_185 = tpu.memref_squeeze %dma_start3A_184 : memref<1x4096xi32, #tpu.memory_space<vmem>> -> memref<4096xi32, #tpu.memory_space<vmem>>
      %dma_start3A_186 = tpu.memref_slice %arg2[%mul3A_181] : memref<200704xi32, #tpu.memory_space<hbm>> -> memref<4096xi32, #tpu.memory_space<hbm>>
      %dma_start3A_187 = arith.constant 0 : i32
      %dma_start3A_188 = tpu.memref_slice %arg4[%dma_start3A_182, %dma_start3A_187] : memref<2x4096xi32, #tpu.memory_space<vmem>> -> memref<1x4096xi32, #tpu.memory_space<vmem>>
      %dma_start3A_189 = tpu.memref_squeeze %dma_start3A_188 : memref<1x4096xi32, #tpu.memory_space<vmem>> -> memref<4096xi32, #tpu.memory_space<vmem>>
      %dma_start3A_190 = tpu.memref_slice %arg2[%mul3A_181] : memref<200704xi32, #tpu.memory_space<hbm>> -> memref<4096xi32, #tpu.memory_space<hbm>>
      tpu.enqueue_dma source(%dma_start3A_190 : memref<4096xi32, #tpu.memory_space<hbm>>) target(%dma_start3A_189 : memref<4096xi32, #tpu.memory_space<vmem>>) target_semaphore(%arg8 : memref<!tpu.dma_semaphore, #tpu.memory_space<semaphore_mem>>)
      %add3A_191 = arith.constant 1 : i32
      %add3A_192 = arith.addi %mul3A_86, %add3A_191 : i32
      %broadcast_in_dim3A_193 = arith.constant 0 : i32
      %broadcast_in_dim3A_194 = vector.broadcast %broadcast_in_dim3A_193 : i32 to vector<16xi32>
      %parallel_loop3A_195 = arith.constant 0 : i32
      %parallel_loop3A_196 = arith.constant 256 : i32
      %parallel_loop3A_197 = arith.constant 1 : i32
      %parallel_loop3A_198 = scf.for %parallel_loop3A_248 = %parallel_loop3A_195 to %parallel_loop3A_196 step %parallel_loop3A_197 iter_args(%parallel_loop3A_249 = %broadcast_in_dim3A_194) -> (vector<16xi32>)  : i32 {
        %parallel_loop3A_250 = arith.constant 16 : i32
        %parallel_loop3A_251 = arith.muli %parallel_loop3A_248, %parallel_loop3A_250 : i32
        %parallel_loop3A_252 = arith.constant 1 : i32
        %parallel_loop3A_253 = arith.index_cast %parallel_loop3A_252 : i32 to index
        %parallel_loop3A_254 = arith.index_cast %parallel_loop3A_251 : i32 to index
        %parallel_loop3A_255 = tpu.vector_load %arg4[%parallel_loop3A_253, %parallel_loop3A_254] {strides = array<i32>} : memref<2x4096xi32, #tpu.memory_space<vmem>>, vector<16xi32>,
        %parallel_loop3A_256 = vector.broadcast %mul3A_2 : i32 to vector<16xi32>
        %parallel_loop3A_257 = arith.cmpi sge, %parallel_loop3A_255, %parallel_loop3A_256 : vector<16xi32>
        %parallel_loop3A_258 = arith.constant 8192 : i32
        %parallel_loop3A_259 = arith.addi %mul3A_2, %parallel_loop3A_258 : i32
        %parallel_loop3A_260 = vector.broadcast %parallel_loop3A_259 : i32 to vector<16xi32>
        %parallel_loop3A_261 = arith.cmpi slt, %parallel_loop3A_255, %parallel_loop3A_260 : vector<16xi32>
        %parallel_loop3A_262 = arith.andi %parallel_loop3A_257, %parallel_loop3A_261 : vector<16xi1>
        %parallel_loop3A_263 = arith.extui %parallel_loop3A_262 : vector<16xi1> to vector<16xi32>
        %parallel_loop3A_264 = arith.constant true
        %parallel_loop3A_265 = vector.broadcast %parallel_loop3A_264 : i1 to vector<16xi1>
        %parallel_loop3A_266 = tpu.scan <sum>, %parallel_loop3A_263 masked %parallel_loop3A_265 : vector<16xi32>, vector<16xi1> -> vector<16xi32>
        %parallel_loop3A_267 = tpu.all_reduce %parallel_loop3A_262 {dim = 0 : i64, kind = #tpu.reduction_kind<sum>} : vector<16xi1> -> vector<16xi32>
        %parallel_loop3A_268 = arith.addi %parallel_loop3A_249, %parallel_loop3A_266 : vector<16xi32>
        %parallel_loop3A_269 = arith.constant 1 : i32
        %parallel_loop3A_270 = vector.broadcast %parallel_loop3A_269 : i32 to vector<16xi32>
        %parallel_loop3A_271 = arith.subi %parallel_loop3A_268, %parallel_loop3A_270 : vector<16xi32>
        %parallel_loop3A_272 = arith.constant 4096 : i32
        %parallel_loop3A_273 = arith.muli %add3A_192, %parallel_loop3A_272 : i32
        %parallel_loop3A_274 = arith.constant 16 : i32
        %parallel_loop3A_275 = arith.muli %parallel_loop3A_248, %parallel_loop3A_274 : i32
        %parallel_loop3A_276 = arith.addi %parallel_loop3A_273, %parallel_loop3A_275 : i32
        %parallel_loop3A_277 = vector.broadcast %parallel_loop3A_276 : i32 to vector<16xi32>
        %parallel_loop3A_278 = arith.addi %parallel_loop3A_277, %iota3A : vector<16xi32>
        tpu.vector_store_idx %arg6[%parallel_loop3A_271], %parallel_loop3A_255 masked %parallel_loop3A_262 : memref<4096xi32, #tpu.memory_space<vmem>>[vector<16xi32>], vector<16xi32>, vector<16xi1>
        tpu.vector_store_idx %arg7[%parallel_loop3A_271], %parallel_loop3A_278 masked %parallel_loop3A_262 : memref<4096xi32, #tpu.memory_space<vmem>>[vector<16xi32>], vector<16xi32>, vector<16xi1>
        %parallel_loop3A_279 = arith.addi %parallel_loop3A_249, %parallel_loop3A_267 : vector<16xi32>
        scf.yield %parallel_loop3A_279 : vector<16xi32>
      } {sc.loop_unroll_factor = 8 : i64, sc.parallel_access}
      %reduce_max3A_199 = arith.constant true
      %reduce_max3A_200 = vector.broadcast %reduce_max3A_199 : i1 to vector<16xi1>
      %reduce_max3A_201 = arith.constant -2147483648 : i32
      %reduce_max3A_202 = vector.broadcast %reduce_max3A_201 : i32 to vector<16xi32>
      %reduce_max3A_203 = arith.xori %parallel_loop3A_198, %reduce_max3A_202 : vector<16xi32>
      %reduce_max3A_204 = tpu.scan <max>, %reduce_max3A_203 masked %reduce_max3A_200 : vector<16xi32>, vector<16xi1> -> vector<16xi32>
      %reduce_max3A_205 = arith.xori %reduce_max3A_204, %reduce_max3A_202 : vector<16xi32>
      %reduce_max3A_206 = vector.extract %reduce_max3A_205[15] : i32 from vector<16xi32>
      %add3A_207 = arith.constant 16 : i32
      %add3A_208 = arith.addi %reduce_max3A_206, %add3A_207 : i32
      %sub3A_209 = arith.constant 1 : i32
      %sub3A_210 = arith.subi %add3A_208, %sub3A_209 : i32
      %jit3A_211 = arith.constant 16 : i32
      %div3A_212 = arith.divsi %sub3A_210, %jit3A_211 : i32
      %sign3A_213 = arith.constant 0 : i32
      %sign3A_214 = arith.cmpi sgt, %sub3A_210, %sign3A_213 : i32
      %sign3A_215 = arith.extui %sign3A_214 : i1 to i32
      %sign3A_216 = arith.constant 0 : i32
      %sign3A_217 = arith.cmpi slt, %sub3A_210, %sign3A_216 : i32
      %sign3A_218 = arith.extui %sign3A_217 : i1 to i32
      %sign3A_219 = arith.subi %sign3A_215, %sign3A_218 : i32
      %sign3A_220 = arith.constant 0 : i32
      %sign3A_221 = arith.cmpi sgt, %jit3A_211, %sign3A_220 : i32
      %sign3A_222 = arith.extui %sign3A_221 : i1 to i32
      %sign3A_223 = arith.constant 0 : i32
      %sign3A_224 = arith.cmpi slt, %jit3A_211, %sign3A_223 : i32
      %sign3A_225 = arith.extui %sign3A_224 : i1 to i32
      %sign3A_226 = arith.subi %sign3A_222, %sign3A_225 : i32
      %ne3A_227 = arith.cmpi ne, %sign3A_219, %sign3A_226 : i32
      %rem3A_228 = arith.remsi %sub3A_210, %jit3A_211 : i32
      %ne3A_229 = arith.constant 0 : i32
      %ne3A_230 = arith.cmpi ne, %rem3A_228, %ne3A_229 : i32
      %and3A_231 = arith.andi %ne3A_227, %ne3A_230 : i1
      %sub3A_232 = arith.constant 1 : i32
      %sub3A_233 = arith.subi %div3A_212, %sub3A_232 : i32
      %select_n3A_234 = arith.select %and3A_231, %sub3A_233, %div3A_212 : i32
      %while3A_235 = arith.constant 0 : i32
      %while3A_236 = arith.constant 0 : i32
      %while3A_237 = arith.subi %select_n3A_234, %while3A_235 : i32
      %while3A_238 = arith.addi %while3A_235, %while3A_237 : i32
      %while3A_239 = arith.constant 1 : i32
      %while3A_240 = arith.divsi %while3A_237, %while3A_239 : i32
      %while3A_241 = arith.muli %while3A_240, %while3A_239 : i32
      %while3A_242 = arith.addi %while3A_235, %while3A_241 : i32
      %while3A_243 = arith.constant 1 : i32
      %while3A_244 = scf.for %while3A_248 = %while3A_235 to %while3A_242 step %while3A_243 iter_args(%while3A_249 = %while3A_236) -> (i32)  : i32 {
        %mul3A_250 = arith.constant 16 : i32
        %mul3A_251 = arith.muli %while3A_248, %mul3A_250 : i32
        %get3A = arith.index_cast %mul3A_251 : i32 to index
        %get3A_252 = tpu.vector_load %arg6[%get3A] {strides = array<i32>} : memref<4096xi32, #tpu.memory_space<vmem>>, vector<16xi32>,
        %mul3A_253 = arith.constant 16 : i32
        %mul3A_254 = arith.muli %while3A_248, %mul3A_253 : i32
        %get3A_255 = arith.index_cast %mul3A_254 : i32 to index
        %get3A_256 = tpu.vector_load %arg7[%get3A_255] {strides = array<i32>} : memref<4096xi32, #tpu.memory_space<vmem>>, vector<16xi32>,
        %mul3A_257 = arith.constant 16 : i32
        %mul3A_258 = arith.muli %while3A_248, %mul3A_257 : i32
        %add3A_259 = vector.broadcast %mul3A_258 : i32 to vector<16xi32>
        %add3A_260 = arith.addi %add3A_259, %iota3A : vector<16xi32>
        %lt3A = vector.broadcast %reduce_max3A_206 : i32 to vector<16xi32>
        %lt3A_261 = arith.cmpi slt, %add3A_260, %lt3A : vector<16xi32>
        %jit3A_262 = arith.constant 262144 : i32
        %broadcast_in_dim3A_263 = vector.broadcast %jit3A_262 : i32 to vector<16xi32>
        %select_n3A_264 = arith.select %lt3A_261, %get3A_252, %broadcast_in_dim3A_263 : vector<16xi1>, vector<16xi32>
        %mul3A_265 = arith.constant 16 : i32
        %mul3A_266 = vector.broadcast %mul3A_265 : i32 to vector<16xi32>
        %mul3A_267 = arith.muli %select_n3A_264, %mul3A_266 : vector<16xi32>
        %add3A_268 = arith.addi %mul3A_267, %iota3A : vector<16xi32>
        %masked_sort3A = arith.constant dense<true> : vector<16xi1>
        %masked_sort3A_269 = arith.constant -2147483648 : i32
        %masked_sort3A_270 = vector.broadcast %masked_sort3A_269 : i32 to vector<16xi32>
        %masked_sort3A_271 = arith.xori %add3A_268, %masked_sort3A_270 : vector<16xi32>
        %masked_sort3A_272, %masked_sort3A_273, %masked_sort3A_274 = tpu.sort %masked_sort3A_271, %get3A_256 masked %masked_sort3A : (vector<16xi32>, vector<16xi32>, vector<16xi1>) -> (vector<16xi1>, vector<16xi32>, vector<16xi32>)
        %masked_sort3A_275 = arith.xori %masked_sort3A_273, %masked_sort3A_270 : vector<16xi32>
        %shift_right_logical3A = arith.constant 4 : i32
        %shift_right_logical3A_276 = vector.broadcast %shift_right_logical3A : i32 to vector<16xi32>
        %shift_right_logical3A_277 = arith.shrui %masked_sort3A_275, %shift_right_logical3A_276 : vector<16xi32>
        %broadcast_in_dim3A_278 = vector.shape_cast %min3A_7 : vector<16xi32> to vector<16x1xi32>
        %gather3A = vector.shape_cast %broadcast_in_dim3A_278 : vector<16x1xi32> to vector<16xi32>
        %gather3A_279 = tpu.dynamic_gather %shift_right_logical3A_277[%gather3A] in [0] : vector<16xi32>, vector<16xi32> -> vector<16xi32>
        %ne3A_280 = arith.cmpi ne, %shift_right_logical3A_277, %gather3A_279 : vector<16xi32>
        %eq3A = arith.constant 15 : i32
        %eq3A_281 = vector.broadcast %eq3A : i32 to vector<16xi32>
        %eq3A_282 = arith.cmpi eq, %iota3A, %eq3A_281 : vector<16xi32>
        %or3A = arith.ori %ne3A_280, %eq3A_282 : vector<16xi1>
        %lt3A_283 = arith.constant 262144 : i32
        %lt3A_284 = vector.broadcast %lt3A_283 : i32 to vector<16xi32>
        %lt3A_285 = arith.cmpi slt, %shift_right_logical3A_277, %lt3A_284 : vector<16xi32>
        %sub3A_286 = vector.broadcast %mul3A_2 : i32 to vector<16xi32>
        %sub3A_287 = arith.subi %shift_right_logical3A_277, %sub3A_286 : vector<16xi32>
        %and3A_288 = arith.andi %or3A, %lt3A_285 : vector<16xi1>
        tpu.vector_store_idx %arg5[%sub3A_287], %masked_sort3A_274 masked %and3A_288 : memref<8192xi32, #tpu.memory_space<vmem>>[vector<16xi32>], vector<16xi32>, vector<16xi1>
        %while3A_289 = arith.constant 0 : i32
        scf.yield %while3A_289 : i32
      }
      %while3A_245 = arith.constant 1 : i32
      %while3A_246 = scf.for %while3A_248 = %while3A_242 to %while3A_238 step %while3A_245 iter_args(%while3A_249 = %while3A_244) -> (i32)  : i32 {
        %mul3A_250 = arith.constant 16 : i32
        %mul3A_251 = arith.muli %while3A_248, %mul3A_250 : i32
        %get3A = arith.index_cast %mul3A_251 : i32 to index
        %get3A_252 = tpu.vector_load %arg6[%get3A] {strides = array<i32>} : memref<4096xi32, #tpu.memory_space<vmem>>, vector<16xi32>,
        %mul3A_253 = arith.constant 16 : i32
        %mul3A_254 = arith.muli %while3A_248, %mul3A_253 : i32
        %get3A_255 = arith.index_cast %mul3A_254 : i32 to index
        %get3A_256 = tpu.vector_load %arg7[%get3A_255] {strides = array<i32>} : memref<4096xi32, #tpu.memory_space<vmem>>, vector<16xi32>,
        %mul3A_257 = arith.constant 16 : i32
        %mul3A_258 = arith.muli %while3A_248, %mul3A_257 : i32
        %add3A_259 = vector.broadcast %mul3A_258 : i32 to vector<16xi32>
        %add3A_260 = arith.addi %add3A_259, %iota3A : vector<16xi32>
        %lt3A = vector.broadcast %reduce_max3A_206 : i32 to vector<16xi32>
        %lt3A_261 = arith.cmpi slt, %add3A_260, %lt3A : vector<16xi32>
        %jit3A_262 = arith.constant 262144 : i32
        %broadcast_in_dim3A_263 = vector.broadcast %jit3A_262 : i32 to vector<16xi32>
        %select_n3A_264 = arith.select %lt3A_261, %get3A_252, %broadcast_in_dim3A_263 : vector<16xi1>, vector<16xi32>
        %mul3A_265 = arith.constant 16 : i32
        %mul3A_266 = vector.broadcast %mul3A_265 : i32 to vector<16xi32>
        %mul3A_267 = arith.muli %select_n3A_264, %mul3A_266 : vector<16xi32>
        %add3A_268 = arith.addi %mul3A_267, %iota3A : vector<16xi32>
        %masked_sort3A = arith.constant dense<true> : vector<16xi1>
        %masked_sort3A_269 = arith.constant -2147483648 : i32
        %masked_sort3A_270 = vector.broadcast %masked_sort3A_269 : i32 to vector<16xi32>
        %masked_sort3A_271 = arith.xori %add3A_268, %masked_sort3A_270 : vector<16xi32>
        %masked_sort3A_272, %masked_sort3A_273, %masked_sort3A_274 = tpu.sort %masked_sort3A_271, %get3A_256 masked %masked_sort3A : (vector<16xi32>, vector<16xi32>, vector<16xi1>) -> (vector<16xi1>, vector<16xi32>, vector<16xi32>)
        %masked_sort3A_275 = arith.xori %masked_sort3A_273, %masked_sort3A_270 : vector<16xi32>
        %shift_right_logical3A = arith.constant 4 : i32
        %shift_right_logical3A_276 = vector.broadcast %shift_right_logical3A : i32 to vector<16xi32>
        %shift_right_logical3A_277 = arith.shrui %masked_sort3A_275, %shift_right_logical3A_276 : vector<16xi32>
        %broadcast_in_dim3A_278 = vector.shape_cast %min3A_7 : vector<16xi32> to vector<16x1xi32>
        %gather3A = vector.shape_cast %broadcast_in_dim3A_278 : vector<16x1xi32> to vector<16xi32>
        %gather3A_279 = tpu.dynamic_gather %shift_right_logical3A_277[%gather3A] in [0] : vector<16xi32>, vector<16xi32> -> vector<16xi32>
        %ne3A_280 = arith.cmpi ne, %shift_right_logical3A_277, %gather3A_279 : vector<16xi32>
        %eq3A = arith.constant 15 : i32
        %eq3A_281 = vector.broadcast %eq3A : i32 to vector<16xi32>
        %eq3A_282 = arith.cmpi eq, %iota3A, %eq3A_281 : vector<16xi32>
        %or3A = arith.ori %ne3A_280, %eq3A_282 : vector<16xi1>
        %lt3A_283 = arith.constant 262144 : i32
        %lt3A_284 = vector.broadcast %lt3A_283 : i32 to vector<16xi32>
        %lt3A_285 = arith.cmpi slt, %shift_right_logical3A_277, %lt3A_284 : vector<16xi32>
        %sub3A_286 = vector.broadcast %mul3A_2 : i32 to vector<16xi32>
        %sub3A_287 = arith.subi %shift_right_logical3A_277, %sub3A_286 : vector<16xi32>
        %and3A_288 = arith.andi %or3A, %lt3A_285 : vector<16xi1>
        tpu.vector_store_idx %arg5[%sub3A_287], %masked_sort3A_274 masked %and3A_288 : memref<8192xi32, #tpu.memory_space<vmem>>[vector<16xi32>], vector<16xi32>, vector<16xi1>
        %while3A_289 = arith.constant 0 : i32
        scf.yield %while3A_289 : i32
      }
      %scan3A_247 = arith.constant 0 : i32
      scf.yield %scan3A_247 : i32
    }
    %scan3A_30 = arith.constant 24 : i32
    %dma_wait3A = arith.constant 0 : i32
    %dma_wait3A_31 = arith.constant 0 : i32
    %dma_wait3A_32 = tpu.memref_slice %arg4[%dma_wait3A, %dma_wait3A_31] : memref<2x4096xi32, #tpu.memory_space<vmem>> -> memref<1x4096xi32, #tpu.memory_space<vmem>>
    %dma_wait3A_33 = tpu.memref_squeeze %dma_wait3A_32 : memref<1x4096xi32, #tpu.memory_space<vmem>> -> memref<4096xi32, #tpu.memory_space<vmem>>
    %dma_wait3A_34 = arith.constant 196608 : i32
    %dma_wait3A_35 = tpu.memref_slice %arg2[%dma_wait3A_34] : memref<200704xi32, #tpu.memory_space<hbm>> -> memref<4096xi32, #tpu.memory_space<hbm>>
    %dma_wait3A_36 = arith.constant 0 : i32
    %dma_wait3A_37 = tpu.memref_slice %arg4[%dma_wait3A, %dma_wait3A_36] : memref<2x4096xi32, #tpu.memory_space<vmem>> -> memref<1x4096xi32, #tpu.memory_space<vmem>>
    %dma_wait3A_38 = tpu.memref_squeeze %dma_wait3A_37 : memref<1x4096xi32, #tpu.memory_space<vmem>> -> memref<4096xi32, #tpu.memory_space<vmem>>
    %dma_wait3A_39 = arith.constant 196608 : i32
    %dma_wait3A_40 = tpu.memref_slice %arg2[%dma_wait3A_39] : memref<200704xi32, #tpu.memory_space<hbm>> -> memref<4096xi32, #tpu.memory_space<hbm>>
    tpu.wait_dma2 semaphore(%arg8 : memref<!tpu.dma_semaphore, #tpu.memory_space<semaphore_mem>>) src(%dma_wait3A_40 : memref<4096xi32, #tpu.memory_space<hbm>>) dst(%dma_wait3A_38 : memref<4096xi32, #tpu.memory_space<vmem>>)
    %broadcast_in_dim3A = arith.constant 0 : i32
    %broadcast_in_dim3A_41 = vector.broadcast %broadcast_in_dim3A : i32 to vector<16xi32>
    %parallel_loop3A = arith.constant 0 : i32
    %parallel_loop3A_42 = arith.constant 256 : i32
    %parallel_loop3A_43 = arith.constant 1 : i32
    %parallel_loop3A_44 = scf.for %parallel_loop3A_83 = %parallel_loop3A to %parallel_loop3A_42 step %parallel_loop3A_43 iter_args(%parallel_loop3A_84 = %broadcast_in_dim3A_41) -> (vector<16xi32>)  : i32 {
      %parallel_loop3A_85 = arith.constant 16 : i32
      %parallel_loop3A_86 = arith.muli %parallel_loop3A_83, %parallel_loop3A_85 : i32
      %parallel_loop3A_87 = arith.constant 0 : i32
      %parallel_loop3A_88 = arith.index_cast %parallel_loop3A_87 : i32 to index
      %parallel_loop3A_89 = arith.index_cast %parallel_loop3A_86 : i32 to index
      %parallel_loop3A_90 = tpu.vector_load %arg4[%parallel_loop3A_88, %parallel_loop3A_89] {strides = array<i32>} : memref<2x4096xi32, #tpu.memory_space<vmem>>, vector<16xi32>,
      %parallel_loop3A_91 = vector.broadcast %mul3A_2 : i32 to vector<16xi32>
      %parallel_loop3A_92 = arith.cmpi sge, %parallel_loop3A_90, %parallel_loop3A_91 : vector<16xi32>
      %parallel_loop3A_93 = arith.constant 8192 : i32
      %parallel_loop3A_94 = arith.addi %mul3A_2, %parallel_loop3A_93 : i32
      %parallel_loop3A_95 = vector.broadcast %parallel_loop3A_94 : i32 to vector<16xi32>
      %parallel_loop3A_96 = arith.cmpi slt, %parallel_loop3A_90, %parallel_loop3A_95 : vector<16xi32>
      %parallel_loop3A_97 = arith.andi %parallel_loop3A_92, %parallel_loop3A_96 : vector<16xi1>
      %parallel_loop3A_98 = arith.extui %parallel_loop3A_97 : vector<16xi1> to vector<16xi32>
      %parallel_loop3A_99 = arith.constant true
      %parallel_loop3A_100 = vector.broadcast %parallel_loop3A_99 : i1 to vector<16xi1>
      %parallel_loop3A_101 = tpu.scan <sum>, %parallel_loop3A_98 masked %parallel_loop3A_100 : vector<16xi32>, vector<16xi1> -> vector<16xi32>
      %parallel_loop3A_102 = tpu.all_reduce %parallel_loop3A_97 {dim = 0 : i64, kind = #tpu.reduction_kind<sum>} : vector<16xi1> -> vector<16xi32>
      %parallel_loop3A_103 = arith.addi %parallel_loop3A_84, %parallel_loop3A_101 : vector<16xi32>
      %parallel_loop3A_104 = arith.constant 1 : i32
      %parallel_loop3A_105 = vector.broadcast %parallel_loop3A_104 : i32 to vector<16xi32>
      %parallel_loop3A_106 = arith.subi %parallel_loop3A_103, %parallel_loop3A_105 : vector<16xi32>
      %parallel_loop3A_107 = arith.constant 16 : i32
      %parallel_loop3A_108 = arith.muli %parallel_loop3A_83, %parallel_loop3A_107 : i32
      %parallel_loop3A_109 = arith.constant 196608 : i32
      %parallel_loop3A_110 = arith.addi %parallel_loop3A_109, %parallel_loop3A_108 : i32
      %parallel_loop3A_111 = vector.broadcast %parallel_loop3A_110 : i32 to vector<16xi32>
      %parallel_loop3A_112 = arith.addi %parallel_loop3A_111, %iota3A : vector<16xi32>
      tpu.vector_store_idx %arg6[%parallel_loop3A_106], %parallel_loop3A_90 masked %parallel_loop3A_97 : memref<4096xi32, #tpu.memory_space<vmem>>[vector<16xi32>], vector<16xi32>, vector<16xi1>
      tpu.vector_store_idx %arg7[%parallel_loop3A_106], %parallel_loop3A_112 masked %parallel_loop3A_97 : memref<4096xi32, #tpu.memory_space<vmem>>[vector<16xi32>], vector<16xi32>, vector<16xi1>
      %parallel_loop3A_113 = arith.addi %parallel_loop3A_84, %parallel_loop3A_102 : vector<16xi32>
      scf.yield %parallel_loop3A_113 : vector<16xi32>
    } {sc.loop_unroll_factor = 8 : i64, sc.parallel_access}
    %reduce_max3A = arith.constant true
    %reduce_max3A_45 = vector.broadcast %reduce_max3A : i1 to vector<16xi1>
    %reduce_max3A_46 = arith.constant -2147483648 : i32
    %reduce_max3A_47 = vector.broadcast %reduce_max3A_46 : i32 to vector<16xi32>
    %reduce_max3A_48 = arith.xori %parallel_loop3A_44, %reduce_max3A_47 : vector<16xi32>
    %reduce_max3A_49 = tpu.scan <max>, %reduce_max3A_48 masked %reduce_max3A_45 : vector<16xi32>, vector<16xi1> -> vector<16xi32>
    %reduce_max3A_50 = arith.xori %reduce_max3A_49, %reduce_max3A_47 : vector<16xi32>
    %reduce_max3A_51 = vector.extract %reduce_max3A_50[15] : i32 from vector<16xi32>
    %add3A_52 = arith.constant 16 : i32
    %add3A_53 = arith.addi %reduce_max3A_51, %add3A_52 : i32
    %sub3A = arith.constant 1 : i32
    %sub3A_54 = arith.subi %add3A_53, %sub3A : i32
    %jit3A = arith.constant 16 : i32
    %div3A = arith.divsi %sub3A_54, %jit3A : i32
    %sign3A = arith.constant 0 : i32
    %sign3A_55 = arith.cmpi sgt, %sub3A_54, %sign3A : i32
    %sign3A_56 = arith.extui %sign3A_55 : i1 to i32
    %sign3A_57 = arith.constant 0 : i32
    %sign3A_58 = arith.cmpi slt, %sub3A_54, %sign3A_57 : i32
    %sign3A_59 = arith.extui %sign3A_58 : i1 to i32
    %sign3A_60 = arith.subi %sign3A_56, %sign3A_59 : i32
    %sign3A_61 = arith.constant 0 : i32
    %sign3A_62 = arith.cmpi sgt, %jit3A, %sign3A_61 : i32
    %sign3A_63 = arith.extui %sign3A_62 : i1 to i32
    %sign3A_64 = arith.constant 0 : i32
    %sign3A_65 = arith.cmpi slt, %jit3A, %sign3A_64 : i32
    %sign3A_66 = arith.extui %sign3A_65 : i1 to i32
    %sign3A_67 = arith.subi %sign3A_63, %sign3A_66 : i32
    %ne3A = arith.cmpi ne, %sign3A_60, %sign3A_67 : i32
    %rem3A = arith.remsi %sub3A_54, %jit3A : i32
    %ne3A_68 = arith.constant 0 : i32
    %ne3A_69 = arith.cmpi ne, %rem3A, %ne3A_68 : i32
    %and3A = arith.andi %ne3A, %ne3A_69 : i1
    %sub3A_70 = arith.constant 1 : i32
    %sub3A_71 = arith.subi %div3A, %sub3A_70 : i32
    %select_n3A = arith.select %and3A, %sub3A_71, %div3A : i32
    %while3A = arith.constant 0 : i32
    %while3A_72 = arith.constant 0 : i32
    %while3A_73 = arith.subi %select_n3A, %while3A : i32
    %while3A_74 = arith.addi %while3A, %while3A_73 : i32
    %while3A_75 = arith.constant 1 : i32
    %while3A_76 = arith.divsi %while3A_73, %while3A_75 : i32
    %while3A_77 = arith.muli %while3A_76, %while3A_75 : i32
    %while3A_78 = arith.addi %while3A, %while3A_77 : i32
    %while3A_79 = arith.constant 1 : i32
    %while3A_80 = scf.for %while3A_83 = %while3A to %while3A_78 step %while3A_79 iter_args(%while3A_84 = %while3A_72) -> (i32)  : i32 {
      %mul3A_85 = arith.constant 16 : i32
      %mul3A_86 = arith.muli %while3A_83, %mul3A_85 : i32
      %get3A = arith.index_cast %mul3A_86 : i32 to index
      %get3A_87 = tpu.vector_load %arg6[%get3A] {strides = array<i32>} : memref<4096xi32, #tpu.memory_space<vmem>>, vector<16xi32>,
      %mul3A_88 = arith.constant 16 : i32
      %mul3A_89 = arith.muli %while3A_83, %mul3A_88 : i32
      %get3A_90 = arith.index_cast %mul3A_89 : i32 to index
      %get3A_91 = tpu.vector_load %arg7[%get3A_90] {strides = array<i32>} : memref<4096xi32, #tpu.memory_space<vmem>>, vector<16xi32>,
      %mul3A_92 = arith.constant 16 : i32
      %mul3A_93 = arith.muli %while3A_83, %mul3A_92 : i32
      %add3A_94 = vector.broadcast %mul3A_93 : i32 to vector<16xi32>
      %add3A_95 = arith.addi %add3A_94, %iota3A : vector<16xi32>
      %lt3A = vector.broadcast %reduce_max3A_51 : i32 to vector<16xi32>
      %lt3A_96 = arith.cmpi slt, %add3A_95, %lt3A : vector<16xi32>
      %jit3A_97 = arith.constant 262144 : i32
      %broadcast_in_dim3A_98 = vector.broadcast %jit3A_97 : i32 to vector<16xi32>
      %select_n3A_99 = arith.select %lt3A_96, %get3A_87, %broadcast_in_dim3A_98 : vector<16xi1>, vector<16xi32>
      %mul3A_100 = arith.constant 16 : i32
      %mul3A_101 = vector.broadcast %mul3A_100 : i32 to vector<16xi32>
      %mul3A_102 = arith.muli %select_n3A_99, %mul3A_101 : vector<16xi32>
      %add3A_103 = arith.addi %mul3A_102, %iota3A : vector<16xi32>
      %masked_sort3A = arith.constant dense<true> : vector<16xi1>
      %masked_sort3A_104 = arith.constant -2147483648 : i32
      %masked_sort3A_105 = vector.broadcast %masked_sort3A_104 : i32 to vector<16xi32>
      %masked_sort3A_106 = arith.xori %add3A_103, %masked_sort3A_105 : vector<16xi32>
      %masked_sort3A_107, %masked_sort3A_108, %masked_sort3A_109 = tpu.sort %masked_sort3A_106, %get3A_91 masked %masked_sort3A : (vector<16xi32>, vector<16xi32>, vector<16xi1>) -> (vector<16xi1>, vector<16xi32>, vector<16xi32>)
      %masked_sort3A_110 = arith.xori %masked_sort3A_108, %masked_sort3A_105 : vector<16xi32>
      %shift_right_logical3A = arith.constant 4 : i32
      %shift_right_logical3A_111 = vector.broadcast %shift_right_logical3A : i32 to vector<16xi32>
      %shift_right_logical3A_112 = arith.shrui %masked_sort3A_110, %shift_right_logical3A_111 : vector<16xi32>
      %broadcast_in_dim3A_113 = vector.shape_cast %min3A_7 : vector<16xi32> to vector<16x1xi32>
      %gather3A = vector.shape_cast %broadcast_in_dim3A_113 : vector<16x1xi32> to vector<16xi32>
      %gather3A_114 = tpu.dynamic_gather %shift_right_logical3A_112[%gather3A] in [0] : vector<16xi32>, vector<16xi32> -> vector<16xi32>
      %ne3A_115 = arith.cmpi ne, %shift_right_logical3A_112, %gather3A_114 : vector<16xi32>
      %eq3A = arith.constant 15 : i32
      %eq3A_116 = vector.broadcast %eq3A : i32 to vector<16xi32>
      %eq3A_117 = arith.cmpi eq, %iota3A, %eq3A_116 : vector<16xi32>
      %or3A = arith.ori %ne3A_115, %eq3A_117 : vector<16xi1>
      %lt3A_118 = arith.constant 262144 : i32
      %lt3A_119 = vector.broadcast %lt3A_118 : i32 to vector<16xi32>
      %lt3A_120 = arith.cmpi slt, %shift_right_logical3A_112, %lt3A_119 : vector<16xi32>
      %sub3A_121 = vector.broadcast %mul3A_2 : i32 to vector<16xi32>
      %sub3A_122 = arith.subi %shift_right_logical3A_112, %sub3A_121 : vector<16xi32>
      %and3A_123 = arith.andi %or3A, %lt3A_120 : vector<16xi1>
      tpu.vector_store_idx %arg5[%sub3A_122], %masked_sort3A_109 masked %and3A_123 : memref<8192xi32, #tpu.memory_space<vmem>>[vector<16xi32>], vector<16xi32>, vector<16xi1>
      %while3A_124 = arith.constant 0 : i32
      scf.yield %while3A_124 : i32
    }
    %while3A_81 = arith.constant 1 : i32
    %while3A_82 = scf.for %while3A_83 = %while3A_78 to %while3A_74 step %while3A_81 iter_args(%while3A_84 = %while3A_80) -> (i32)  : i32 {
      %mul3A_85 = arith.constant 16 : i32
      %mul3A_86 = arith.muli %while3A_83, %mul3A_85 : i32
      %get3A = arith.index_cast %mul3A_86 : i32 to index
      %get3A_87 = tpu.vector_load %arg6[%get3A] {strides = array<i32>} : memref<4096xi32, #tpu.memory_space<vmem>>, vector<16xi32>,
      %mul3A_88 = arith.constant 16 : i32
      %mul3A_89 = arith.muli %while3A_83, %mul3A_88 : i32
      %get3A_90 = arith.index_cast %mul3A_89 : i32 to index
      %get3A_91 = tpu.vector_load %arg7[%get3A_90] {strides = array<i32>} : memref<4096xi32, #tpu.memory_space<vmem>>, vector<16xi32>,
      %mul3A_92 = arith.constant 16 : i32
      %mul3A_93 = arith.muli %while3A_83, %mul3A_92 : i32
      %add3A_94 = vector.broadcast %mul3A_93 : i32 to vector<16xi32>
      %add3A_95 = arith.addi %add3A_94, %iota3A : vector<16xi32>
      %lt3A = vector.broadcast %reduce_max3A_51 : i32 to vector<16xi32>
      %lt3A_96 = arith.cmpi slt, %add3A_95, %lt3A : vector<16xi32>
      %jit3A_97 = arith.constant 262144 : i32
      %broadcast_in_dim3A_98 = vector.broadcast %jit3A_97 : i32 to vector<16xi32>
      %select_n3A_99 = arith.select %lt3A_96, %get3A_87, %broadcast_in_dim3A_98 : vector<16xi1>, vector<16xi32>
      %mul3A_100 = arith.constant 16 : i32
      %mul3A_101 = vector.broadcast %mul3A_100 : i32 to vector<16xi32>
      %mul3A_102 = arith.muli %select_n3A_99, %mul3A_101 : vector<16xi32>
      %add3A_103 = arith.addi %mul3A_102, %iota3A : vector<16xi32>
      %masked_sort3A = arith.constant dense<true> : vector<16xi1>
      %masked_sort3A_104 = arith.constant -2147483648 : i32
      %masked_sort3A_105 = vector.broadcast %masked_sort3A_104 : i32 to vector<16xi32>
      %masked_sort3A_106 = arith.xori %add3A_103, %masked_sort3A_105 : vector<16xi32>
      %masked_sort3A_107, %masked_sort3A_108, %masked_sort3A_109 = tpu.sort %masked_sort3A_106, %get3A_91 masked %masked_sort3A : (vector<16xi32>, vector<16xi32>, vector<16xi1>) -> (vector<16xi1>, vector<16xi32>, vector<16xi32>)
      %masked_sort3A_110 = arith.xori %masked_sort3A_108, %masked_sort3A_105 : vector<16xi32>
      %shift_right_logical3A = arith.constant 4 : i32
      %shift_right_logical3A_111 = vector.broadcast %shift_right_logical3A : i32 to vector<16xi32>
      %shift_right_logical3A_112 = arith.shrui %masked_sort3A_110, %shift_right_logical3A_111 : vector<16xi32>
      %broadcast_in_dim3A_113 = vector.shape_cast %min3A_7 : vector<16xi32> to vector<16x1xi32>
      %gather3A = vector.shape_cast %broadcast_in_dim3A_113 : vector<16x1xi32> to vector<16xi32>
      %gather3A_114 = tpu.dynamic_gather %shift_right_logical3A_112[%gather3A] in [0] : vector<16xi32>, vector<16xi32> -> vector<16xi32>
      %ne3A_115 = arith.cmpi ne, %shift_right_logical3A_112, %gather3A_114 : vector<16xi32>
      %eq3A = arith.constant 15 : i32
      %eq3A_116 = vector.broadcast %eq3A : i32 to vector<16xi32>
      %eq3A_117 = arith.cmpi eq, %iota3A, %eq3A_116 : vector<16xi32>
      %or3A = arith.ori %ne3A_115, %eq3A_117 : vector<16xi1>
      %lt3A_118 = arith.constant 262144 : i32
      %lt3A_119 = vector.broadcast %lt3A_118 : i32 to vector<16xi32>
      %lt3A_120 = arith.cmpi slt, %shift_right_logical3A_112, %lt3A_119 : vector<16xi32>
      %sub3A_121 = vector.broadcast %mul3A_2 : i32 to vector<16xi32>
      %sub3A_122 = arith.subi %shift_right_logical3A_112, %sub3A_121 : vector<16xi32>
      %and3A_123 = arith.andi %or3A, %lt3A_120 : vector<16xi1>
      tpu.vector_store_idx %arg5[%sub3A_122], %masked_sort3A_109 masked %and3A_123 : memref<8192xi32, #tpu.memory_space<vmem>>[vector<16xi32>], vector<16xi32>, vector<16xi1>
      %while3A_124 = arith.constant 0 : i32
      scf.yield %while3A_124 : i32
    }
    "tpu.region"() ({
      %run_scoped3A = tpu.sem_alloc : memref<!tpu.dma_semaphore, #tpu.memory_space<semaphore_mem>>
      %dma_start3A_83 = tpu.memref_slice %arg3[%mul3A_2] : memref<262144xi32, #tpu.memory_space<hbm>> -> memref<8192xi32, #tpu.memory_space<hbm>>
      %dma_start3A_84 = tpu.memref_slice %arg3[%mul3A_2] : memref<262144xi32, #tpu.memory_space<hbm>> -> memref<8192xi32, #tpu.memory_space<hbm>>
      tpu.enqueue_dma source(%arg5 : memref<8192xi32, #tpu.memory_space<vmem>>) target(%dma_start3A_84 : memref<8192xi32, #tpu.memory_space<hbm>>) target_semaphore(%run_scoped3A : memref<!tpu.dma_semaphore, #tpu.memory_space<semaphore_mem>>)
      %dma_wait3A_85 = tpu.memref_slice %arg3[%mul3A_2] : memref<262144xi32, #tpu.memory_space<hbm>> -> memref<8192xi32, #tpu.memory_space<hbm>>
      %dma_wait3A_86 = tpu.memref_slice %arg3[%mul3A_2] : memref<262144xi32, #tpu.memory_space<hbm>> -> memref<8192xi32, #tpu.memory_space<hbm>>
      tpu.wait_dma2 semaphore(%run_scoped3A : memref<!tpu.dma_semaphore, #tpu.memory_space<semaphore_mem>>) src(%arg5 : memref<8192xi32, #tpu.memory_space<vmem>>) dst(%dma_wait3A_86 : memref<8192xi32, #tpu.memory_space<hbm>>)
      tpu.yield
    }) : () -> ()
    return
  }
}

#map = affine_map<(d0, d1) -> (0, 0)>
#map1 = affine_map<(d0, d1) -> (0)>
module attributes {stable_mosaic.version = 14 : i64} {
  func.func @_gather_body(%arg0: i32, %arg1: i32, %arg2: memref<200000x128xf32, #tpu.memory_space<hbm>>, %arg3: memref<65536xi32, #tpu.memory_space<hbm>>, %arg4: memref<65536x128xf32, #tpu.memory_space<hbm>>, %arg5: memref<2048xi32, #tpu.memory_space<vmem>>, %arg6: memref<4x128x128xf32, #tpu.memory_space<vmem>>, %arg7: memref<!tpu.dma_semaphore, #tpu.memory_space<semaphore_mem>>, %arg8: memref<!tpu.dma_semaphore, #tpu.memory_space<semaphore_mem>>, %arg9: memref<!tpu.dma_semaphore, #tpu.memory_space<semaphore_mem>>, %arg10: memref<!tpu.dma_semaphore, #tpu.memory_space<semaphore_mem>>, %arg11: memref<!tpu.dma_semaphore, #tpu.memory_space<semaphore_mem>>) attributes {dimension_semantics = [#tpu.dimension_semantics<core_parallel>, #tpu.dimension_semantics<subcore_parallel>], iteration_bounds = array<i64: 2, 16>, scalar_prefetch = 0 : i64, scratch_operands = 7 : i64, tpu.core_type = #tpu.core_type<sc_vector_subcore>, window_params = [{transform_indices = #map}, {transform_indices = #map1}, {transform_indices = #map}]} {
    %mul3A = arith.constant 2 : i32
    %mul3A_0 = arith.muli %arg1, %mul3A : i32
    %add3A = arith.addi %mul3A_0, %arg0 : i32
    %mul3A_1 = arith.constant 2048 : i32
    %mul3A_2 = arith.muli %add3A, %mul3A_1 : i32
    "tpu.region"() ({
      %run_scoped3A = tpu.sem_alloc : memref<!tpu.dma_semaphore, #tpu.memory_space<semaphore_mem>>
      %dma_start3A_206 = tpu.memref_slice %arg3[%mul3A_2] : memref<65536xi32, #tpu.memory_space<hbm>> -> memref<2048xi32, #tpu.memory_space<hbm>>
      %dma_start3A_207 = tpu.memref_slice %arg3[%mul3A_2] : memref<65536xi32, #tpu.memory_space<hbm>> -> memref<2048xi32, #tpu.memory_space<hbm>>
      tpu.enqueue_dma source(%dma_start3A_207 : memref<2048xi32, #tpu.memory_space<hbm>>) target(%arg5 : memref<2048xi32, #tpu.memory_space<vmem>>) target_semaphore(%run_scoped3A : memref<!tpu.dma_semaphore, #tpu.memory_space<semaphore_mem>>)
      %dma_wait3A_208 = tpu.memref_slice %arg3[%mul3A_2] : memref<65536xi32, #tpu.memory_space<hbm>> -> memref<2048xi32, #tpu.memory_space<hbm>>
      %dma_wait3A_209 = tpu.memref_slice %arg3[%mul3A_2] : memref<65536xi32, #tpu.memory_space<hbm>> -> memref<2048xi32, #tpu.memory_space<hbm>>
      tpu.wait_dma2 semaphore(%run_scoped3A : memref<!tpu.dma_semaphore, #tpu.memory_space<semaphore_mem>>) src(%dma_wait3A_209 : memref<2048xi32, #tpu.memory_space<hbm>>) dst(%arg5 : memref<2048xi32, #tpu.memory_space<vmem>>)
      tpu.yield
    }) : () -> ()
    %iota3A = tpu.iota {dimensions = array<i32: 0>} : vector<16xi32>
    %scan3A = arith.constant 0 : i32
    %scan3A_3 = arith.constant 0 : i32
    %scan3A_4 = arith.constant 128 : i32
    %scan3A_5 = arith.addi %scan3A_3, %scan3A_4 : i32
    %scan3A_6 = arith.constant 1 : i32
    %scan3A_7 = scf.for %scan3A_206 = %scan3A_3 to %scan3A_5 step %scan3A_6 iter_args(%scan3A_207 = %scan3A) -> (i32)  : i32 {
      %mul3A_208 = arith.constant 16 : i32
      %mul3A_209 = arith.muli %scan3A_206, %mul3A_208 : i32
      %get3A = arith.index_cast %mul3A_209 : i32 to index
      %get3A_210 = tpu.vector_load %arg5[%get3A] {strides = array<i32>} : memref<2048xi32, #tpu.memory_space<vmem>>, vector<16xi32>,
      %get3A_211 = vector.shape_cast %get3A_210 : vector<16xi32> to vector<16xi32>
      %mul3A_212 = arith.constant 16 : i32
      %mul3A_213 = arith.muli %scan3A_206, %mul3A_212 : i32
      %add3A_214 = arith.addi %mul3A_2, %mul3A_213 : i32
      %add3A_215 = vector.broadcast %add3A_214 : i32 to vector<16xi32>
      %add3A_216 = arith.addi %add3A_215, %iota3A : vector<16xi32>
      %and3A = arith.constant 131071 : i32
      %and3A_217 = vector.broadcast %and3A : i32 to vector<16xi32>
      %and3A_218 = arith.andi %add3A_216, %and3A_217 : vector<16xi32>
      %lt3A = arith.constant 0 : i32
      %lt3A_219 = vector.broadcast %lt3A : i32 to vector<16xi32>
      %lt3A_220 = arith.cmpi slt, %get3A_211, %lt3A_219 : vector<16xi32>
      %select_n3A = arith.select %lt3A_220, %and3A_218, %get3A_211 : vector<16xi1>, vector<16xi32>
      %mul3A_221 = arith.constant 16 : i32
      %mul3A_222 = arith.muli %scan3A_206, %mul3A_221 : i32
      %swap3A = arith.index_cast %mul3A_222 : i32 to index
      %swap3A_223 = tpu.vector_load %arg5[%swap3A] {strides = array<i32>} : memref<2048xi32, #tpu.memory_space<vmem>>, vector<16xi32>,
      %swap3A_224 = vector.shape_cast %swap3A_223 : vector<16xi32> to vector<16xi32>
      %swap3A_225 = vector.shape_cast %select_n3A : vector<16xi32> to vector<16xi32>
      tpu.vector_store %arg5[%swap3A], %swap3A_225 {strides = array<i32>} : memref<2048xi32, #tpu.memory_space<vmem>>, vector<16xi32>,
      %scan3A_226 = arith.constant 0 : i32
      scf.yield %scan3A_226 : i32
    }
    %scan3A_8 = arith.constant 128 : i32
    %dma_start3A = arith.constant 0 : i32
    %dma_start3A_9 = arith.constant 0 : i32
    %dma_start3A_10 = arith.constant 0 : i32
    %dma_start3A_11 = tpu.memref_slice %arg6[%dma_start3A, %dma_start3A_9, %dma_start3A_10] : memref<4x128x128xf32, #tpu.memory_space<vmem>> -> memref<1x128x128xf32, #tpu.memory_space<vmem>>
    %dma_start3A_12 = tpu.memref_squeeze %dma_start3A_11 : memref<1x128x128xf32, #tpu.memory_space<vmem>> -> memref<128x128xf32, #tpu.memory_space<vmem>>
    %dma_start3A_13 = arith.constant 0 : i32
    %dma_start3A_14 = tpu.memref_slice %arg5[%dma_start3A_13] : memref<2048xi32, #tpu.memory_space<vmem>> -> memref<128xi32, #tpu.memory_space<vmem>>
    %dma_start3A_15 = arith.constant 0 : i32
    %dma_start3A_16 = arith.constant 0 : i32
    %dma_start3A_17 = tpu.memref_slice %arg2[%dma_start3A_15, %dma_start3A_16] : memref<200000x128xf32, #tpu.memory_space<hbm>> -> memref<200000x128xf32, #tpu.memory_space<hbm>>
    tpu.enqueue_indirect_dma source(%dma_start3A_17 : memref<200000x128xf32, #tpu.memory_space<hbm>>) target(%dma_start3A_12 : memref<128x128xf32, #tpu.memory_space<vmem>>) offsets(%dma_start3A_14 : memref<128xi32, #tpu.memory_space<vmem>>) semaphore(%arg8 : memref<!tpu.dma_semaphore, #tpu.memory_space<semaphore_mem>>)
    %dma_start3A_18 = arith.constant 1 : i32
    %dma_start3A_19 = arith.constant 0 : i32
    %dma_start3A_20 = arith.constant 0 : i32
    %dma_start3A_21 = tpu.memref_slice %arg6[%dma_start3A_18, %dma_start3A_19, %dma_start3A_20] : memref<4x128x128xf32, #tpu.memory_space<vmem>> -> memref<1x128x128xf32, #tpu.memory_space<vmem>>
    %dma_start3A_22 = tpu.memref_squeeze %dma_start3A_21 : memref<1x128x128xf32, #tpu.memory_space<vmem>> -> memref<128x128xf32, #tpu.memory_space<vmem>>
    %dma_start3A_23 = arith.constant 128 : i32
    %dma_start3A_24 = tpu.memref_slice %arg5[%dma_start3A_23] : memref<2048xi32, #tpu.memory_space<vmem>> -> memref<128xi32, #tpu.memory_space<vmem>>
    %dma_start3A_25 = arith.constant 0 : i32
    %dma_start3A_26 = arith.constant 0 : i32
    %dma_start3A_27 = tpu.memref_slice %arg2[%dma_start3A_25, %dma_start3A_26] : memref<200000x128xf32, #tpu.memory_space<hbm>> -> memref<200000x128xf32, #tpu.memory_space<hbm>>
    tpu.enqueue_indirect_dma source(%dma_start3A_27 : memref<200000x128xf32, #tpu.memory_space<hbm>>) target(%dma_start3A_22 : memref<128x128xf32, #tpu.memory_space<vmem>>) offsets(%dma_start3A_24 : memref<128xi32, #tpu.memory_space<vmem>>) semaphore(%arg9 : memref<!tpu.dma_semaphore, #tpu.memory_space<semaphore_mem>>)
    %dma_start3A_28 = arith.constant 2 : i32
    %dma_start3A_29 = arith.constant 0 : i32
    %dma_start3A_30 = arith.constant 0 : i32
    %dma_start3A_31 = tpu.memref_slice %arg6[%dma_start3A_28, %dma_start3A_29, %dma_start3A_30] : memref<4x128x128xf32, #tpu.memory_space<vmem>> -> memref<1x128x128xf32, #tpu.memory_space<vmem>>
    %dma_start3A_32 = tpu.memref_squeeze %dma_start3A_31 : memref<1x128x128xf32, #tpu.memory_space<vmem>> -> memref<128x128xf32, #tpu.memory_space<vmem>>
    %dma_start3A_33 = arith.constant 256 : i32
    %dma_start3A_34 = tpu.memref_slice %arg5[%dma_start3A_33] : memref<2048xi32, #tpu.memory_space<vmem>> -> memref<128xi32, #tpu.memory_space<vmem>>
    %dma_start3A_35 = arith.constant 0 : i32
    %dma_start3A_36 = arith.constant 0 : i32
    %dma_start3A_37 = tpu.memref_slice %arg2[%dma_start3A_35, %dma_start3A_36] : memref<200000x128xf32, #tpu.memory_space<hbm>> -> memref<200000x128xf32, #tpu.memory_space<hbm>>
    tpu.enqueue_indirect_dma source(%dma_start3A_37 : memref<200000x128xf32, #tpu.memory_space<hbm>>) target(%dma_start3A_32 : memref<128x128xf32, #tpu.memory_space<vmem>>) offsets(%dma_start3A_34 : memref<128xi32, #tpu.memory_space<vmem>>) semaphore(%arg10 : memref<!tpu.dma_semaphore, #tpu.memory_space<semaphore_mem>>)
    %dma_start3A_38 = arith.constant 3 : i32
    %dma_start3A_39 = arith.constant 0 : i32
    %dma_start3A_40 = arith.constant 0 : i32
    %dma_start3A_41 = tpu.memref_slice %arg6[%dma_start3A_38, %dma_start3A_39, %dma_start3A_40] : memref<4x128x128xf32, #tpu.memory_space<vmem>> -> memref<1x128x128xf32, #tpu.memory_space<vmem>>
    %dma_start3A_42 = tpu.memref_squeeze %dma_start3A_41 : memref<1x128x128xf32, #tpu.memory_space<vmem>> -> memref<128x128xf32, #tpu.memory_space<vmem>>
    %dma_start3A_43 = arith.constant 384 : i32
    %dma_start3A_44 = tpu.memref_slice %arg5[%dma_start3A_43] : memref<2048xi32, #tpu.memory_space<vmem>> -> memref<128xi32, #tpu.memory_space<vmem>>
    %dma_start3A_45 = arith.constant 0 : i32
    %dma_start3A_46 = arith.constant 0 : i32
    %dma_start3A_47 = tpu.memref_slice %arg2[%dma_start3A_45, %dma_start3A_46] : memref<200000x128xf32, #tpu.memory_space<hbm>> -> memref<200000x128xf32, #tpu.memory_space<hbm>>
    tpu.enqueue_indirect_dma source(%dma_start3A_47 : memref<200000x128xf32, #tpu.memory_space<hbm>>) target(%dma_start3A_42 : memref<128x128xf32, #tpu.memory_space<vmem>>) offsets(%dma_start3A_44 : memref<128xi32, #tpu.memory_space<vmem>>) semaphore(%arg11 : memref<!tpu.dma_semaphore, #tpu.memory_space<semaphore_mem>>)
    %scan3A_48 = arith.constant 0 : i32
    %scan3A_49 = arith.constant 0 : i32
    %scan3A_50 = arith.constant 3 : i32
    %scan3A_51 = arith.addi %scan3A_49, %scan3A_50 : i32
    %scan3A_52 = arith.constant 1 : i32
    %scan3A_53 = scf.for %scan3A_206 = %scan3A_49 to %scan3A_51 step %scan3A_52 iter_args(%scan3A_207 = %scan3A_48) -> (i32)  : i32 {
      %mul3A_208 = arith.constant 4 : i32
      %mul3A_209 = arith.muli %scan3A_206, %mul3A_208 : i32
      %add3A_210 = arith.constant 0 : i32
      %add3A_211 = arith.addi %mul3A_209, %add3A_210 : i32
      %mul3A_212 = arith.constant 128 : i32
      %mul3A_213 = arith.muli %add3A_211, %mul3A_212 : i32
      %dma_wait3A_214 = arith.constant 0 : i32
      %dma_wait3A_215 = arith.constant 0 : i32
      %dma_wait3A_216 = arith.constant 0 : i32
      %dma_wait3A_217 = tpu.memref_slice %arg6[%dma_wait3A_214, %dma_wait3A_215, %dma_wait3A_216] : memref<4x128x128xf32, #tpu.memory_space<vmem>> -> memref<1x128x128xf32, #tpu.memory_space<vmem>>
      %dma_wait3A_218 = tpu.memref_squeeze %dma_wait3A_217 : memref<1x128x128xf32, #tpu.memory_space<vmem>> -> memref<128x128xf32, #tpu.memory_space<vmem>>
      %dma_wait3A_219 = tpu.memref_slice %arg5[%mul3A_213] : memref<2048xi32, #tpu.memory_space<vmem>> -> memref<128xi32, #tpu.memory_space<vmem>>
      %dma_wait3A_220 = arith.constant 0 : i32
      %dma_wait3A_221 = arith.constant 0 : i32
      %dma_wait3A_222 = tpu.memref_slice %arg2[%dma_wait3A_220, %dma_wait3A_221] : memref<200000x128xf32, #tpu.memory_space<hbm>> -> memref<200000x128xf32, #tpu.memory_space<hbm>>
      tpu.wait_indirect_dma semaphore(%arg8 : memref<!tpu.dma_semaphore, #tpu.memory_space<semaphore_mem>>) src(%dma_wait3A_222 : memref<200000x128xf32, #tpu.memory_space<hbm>>) dst(%dma_wait3A_218 : memref<128x128xf32, #tpu.memory_space<vmem>>)
      %mul3A_223 = arith.constant 128 : i32
      %mul3A_224 = arith.muli %add3A_211, %mul3A_223 : i32
      %add3A_225 = arith.addi %mul3A_2, %mul3A_224 : i32
      %dma_start3A_226 = arith.constant 0 : i32
      %dma_start3A_227 = arith.constant 0 : i32
      %dma_start3A_228 = arith.constant 0 : i32
      %dma_start3A_229 = tpu.memref_slice %arg6[%dma_start3A_226, %dma_start3A_227, %dma_start3A_228] : memref<4x128x128xf32, #tpu.memory_space<vmem>> -> memref<1x128x128xf32, #tpu.memory_space<vmem>>
      %dma_start3A_230 = tpu.memref_squeeze %dma_start3A_229 : memref<1x128x128xf32, #tpu.memory_space<vmem>> -> memref<128x128xf32, #tpu.memory_space<vmem>>
      %dma_start3A_231 = arith.constant 0 : i32
      %dma_start3A_232 = tpu.memref_slice %arg4[%add3A_225, %dma_start3A_231] : memref<65536x128xf32, #tpu.memory_space<hbm>> -> memref<128x128xf32, #tpu.memory_space<hbm>>
      %dma_start3A_233 = arith.constant 0 : i32
      %dma_start3A_234 = tpu.memref_slice %arg4[%add3A_225, %dma_start3A_233] : memref<65536x128xf32, #tpu.memory_space<hbm>> -> memref<128x128xf32, #tpu.memory_space<hbm>>
      %dma_start3A_235 = arith.constant 0 : i32
      %dma_start3A_236 = arith.constant 0 : i32
      %dma_start3A_237 = tpu.memref_slice %arg6[%dma_start3A_226, %dma_start3A_235, %dma_start3A_236] : memref<4x128x128xf32, #tpu.memory_space<vmem>> -> memref<1x128x128xf32, #tpu.memory_space<vmem>>
      %dma_start3A_238 = tpu.memref_squeeze %dma_start3A_237 : memref<1x128x128xf32, #tpu.memory_space<vmem>> -> memref<128x128xf32, #tpu.memory_space<vmem>>
      tpu.enqueue_dma source(%dma_start3A_238 : memref<128x128xf32, #tpu.memory_space<vmem>>) target(%dma_start3A_234 : memref<128x128xf32, #tpu.memory_space<hbm>>) target_semaphore(%arg7 : memref<!tpu.dma_semaphore, #tpu.memory_space<semaphore_mem>>)
      %dma_wait3A_239 = arith.constant 0 : i32
      %dma_wait3A_240 = arith.constant 0 : i32
      %dma_wait3A_241 = arith.constant 0 : i32
      %dma_wait3A_242 = tpu.memref_slice %arg6[%dma_wait3A_239, %dma_wait3A_240, %dma_wait3A_241] : memref<4x128x128xf32, #tpu.memory_space<vmem>> -> memref<1x128x128xf32, #tpu.memory_space<vmem>>
      %dma_wait3A_243 = tpu.memref_squeeze %dma_wait3A_242 : memref<1x128x128xf32, #tpu.memory_space<vmem>> -> memref<128x128xf32, #tpu.memory_space<vmem>>
      %dma_wait3A_244 = arith.constant 0 : i32
      %dma_wait3A_245 = tpu.memref_slice %arg4[%add3A_225, %dma_wait3A_244] : memref<65536x128xf32, #tpu.memory_space<hbm>> -> memref<128x128xf32, #tpu.memory_space<hbm>>
      %dma_wait3A_246 = arith.constant 0 : i32
      %dma_wait3A_247 = tpu.memref_slice %arg4[%add3A_225, %dma_wait3A_246] : memref<65536x128xf32, #tpu.memory_space<hbm>> -> memref<128x128xf32, #tpu.memory_space<hbm>>
      %dma_wait3A_248 = arith.constant 0 : i32
      %dma_wait3A_249 = arith.constant 0 : i32
      %dma_wait3A_250 = tpu.memref_slice %arg6[%dma_wait3A_239, %dma_wait3A_248, %dma_wait3A_249] : memref<4x128x128xf32, #tpu.memory_space<vmem>> -> memref<1x128x128xf32, #tpu.memory_space<vmem>>
      %dma_wait3A_251 = tpu.memref_squeeze %dma_wait3A_250 : memref<1x128x128xf32, #tpu.memory_space<vmem>> -> memref<128x128xf32, #tpu.memory_space<vmem>>
      tpu.wait_dma2 semaphore(%arg7 : memref<!tpu.dma_semaphore, #tpu.memory_space<semaphore_mem>>) src(%dma_wait3A_251 : memref<128x128xf32, #tpu.memory_space<vmem>>) dst(%dma_wait3A_247 : memref<128x128xf32, #tpu.memory_space<hbm>>)
      %add3A_252 = arith.constant 4 : i32
      %add3A_253 = arith.addi %add3A_211, %add3A_252 : i32
      %mul3A_254 = arith.constant 128 : i32
      %mul3A_255 = arith.muli %add3A_253, %mul3A_254 : i32
      %dma_start3A_256 = arith.constant 0 : i32
      %dma_start3A_257 = arith.constant 0 : i32
      %dma_start3A_258 = arith.constant 0 : i32
      %dma_start3A_259 = tpu.memref_slice %arg6[%dma_start3A_256, %dma_start3A_257, %dma_start3A_258] : memref<4x128x128xf32, #tpu.memory_space<vmem>> -> memref<1x128x128xf32, #tpu.memory_space<vmem>>
      %dma_start3A_260 = tpu.memref_squeeze %dma_start3A_259 : memref<1x128x128xf32, #tpu.memory_space<vmem>> -> memref<128x128xf32, #tpu.memory_space<vmem>>
      %dma_start3A_261 = tpu.memref_slice %arg5[%mul3A_255] : memref<2048xi32, #tpu.memory_space<vmem>> -> memref<128xi32, #tpu.memory_space<vmem>>
      %dma_start3A_262 = arith.constant 0 : i32
      %dma_start3A_263 = arith.constant 0 : i32
      %dma_start3A_264 = tpu.memref_slice %arg2[%dma_start3A_262, %dma_start3A_263] : memref<200000x128xf32, #tpu.memory_space<hbm>> -> memref<200000x128xf32, #tpu.memory_space<hbm>>
      tpu.enqueue_indirect_dma source(%dma_start3A_264 : memref<200000x128xf32, #tpu.memory_space<hbm>>) target(%dma_start3A_260 : memref<128x128xf32, #tpu.memory_space<vmem>>) offsets(%dma_start3A_261 : memref<128xi32, #tpu.memory_space<vmem>>) semaphore(%arg8 : memref<!tpu.dma_semaphore, #tpu.memory_space<semaphore_mem>>)
      %mul3A_265 = arith.constant 4 : i32
      %mul3A_266 = arith.muli %scan3A_206, %mul3A_265 : i32
      %add3A_267 = arith.constant 1 : i32
      %add3A_268 = arith.addi %mul3A_266, %add3A_267 : i32
      %mul3A_269 = arith.constant 128 : i32
      %mul3A_270 = arith.muli %add3A_268, %mul3A_269 : i32
      %dma_wait3A_271 = arith.constant 1 : i32
      %dma_wait3A_272 = arith.constant 0 : i32
      %dma_wait3A_273 = arith.constant 0 : i32
      %dma_wait3A_274 = tpu.memref_slice %arg6[%dma_wait3A_271, %dma_wait3A_272, %dma_wait3A_273] : memref<4x128x128xf32, #tpu.memory_space<vmem>> -> memref<1x128x128xf32, #tpu.memory_space<vmem>>
      %dma_wait3A_275 = tpu.memref_squeeze %dma_wait3A_274 : memref<1x128x128xf32, #tpu.memory_space<vmem>> -> memref<128x128xf32, #tpu.memory_space<vmem>>
      %dma_wait3A_276 = tpu.memref_slice %arg5[%mul3A_270] : memref<2048xi32, #tpu.memory_space<vmem>> -> memref<128xi32, #tpu.memory_space<vmem>>
      %dma_wait3A_277 = arith.constant 0 : i32
      %dma_wait3A_278 = arith.constant 0 : i32
      %dma_wait3A_279 = tpu.memref_slice %arg2[%dma_wait3A_277, %dma_wait3A_278] : memref<200000x128xf32, #tpu.memory_space<hbm>> -> memref<200000x128xf32, #tpu.memory_space<hbm>>
      tpu.wait_indirect_dma semaphore(%arg9 : memref<!tpu.dma_semaphore, #tpu.memory_space<semaphore_mem>>) src(%dma_wait3A_279 : memref<200000x128xf32, #tpu.memory_space<hbm>>) dst(%dma_wait3A_275 : memref<128x128xf32, #tpu.memory_space<vmem>>)
      %mul3A_280 = arith.constant 128 : i32
      %mul3A_281 = arith.muli %add3A_268, %mul3A_280 : i32
      %add3A_282 = arith.addi %mul3A_2, %mul3A_281 : i32
      %dma_start3A_283 = arith.constant 1 : i32
      %dma_start3A_284 = arith.constant 0 : i32
      %dma_start3A_285 = arith.constant 0 : i32
      %dma_start3A_286 = tpu.memref_slice %arg6[%dma_start3A_283, %dma_start3A_284, %dma_start3A_285] : memref<4x128x128xf32, #tpu.memory_space<vmem>> -> memref<1x128x128xf32, #tpu.memory_space<vmem>>
      %dma_start3A_287 = tpu.memref_squeeze %dma_start3A_286 : memref<1x128x128xf32, #tpu.memory_space<vmem>> -> memref<128x128xf32, #tpu.memory_space<vmem>>
      %dma_start3A_288 = arith.constant 0 : i32
      %dma_start3A_289 = tpu.memref_slice %arg4[%add3A_282, %dma_start3A_288] : memref<65536x128xf32, #tpu.memory_space<hbm>> -> memref<128x128xf32, #tpu.memory_space<hbm>>
      %dma_start3A_290 = arith.constant 0 : i32
      %dma_start3A_291 = tpu.memref_slice %arg4[%add3A_282, %dma_start3A_290] : memref<65536x128xf32, #tpu.memory_space<hbm>> -> memref<128x128xf32, #tpu.memory_space<hbm>>
      %dma_start3A_292 = arith.constant 0 : i32
      %dma_start3A_293 = arith.constant 0 : i32
      %dma_start3A_294 = tpu.memref_slice %arg6[%dma_start3A_283, %dma_start3A_292, %dma_start3A_293] : memref<4x128x128xf32, #tpu.memory_space<vmem>> -> memref<1x128x128xf32, #tpu.memory_space<vmem>>
      %dma_start3A_295 = tpu.memref_squeeze %dma_start3A_294 : memref<1x128x128xf32, #tpu.memory_space<vmem>> -> memref<128x128xf32, #tpu.memory_space<vmem>>
      tpu.enqueue_dma source(%dma_start3A_295 : memref<128x128xf32, #tpu.memory_space<vmem>>) target(%dma_start3A_291 : memref<128x128xf32, #tpu.memory_space<hbm>>) target_semaphore(%arg7 : memref<!tpu.dma_semaphore, #tpu.memory_space<semaphore_mem>>)
      %dma_wait3A_296 = arith.constant 1 : i32
      %dma_wait3A_297 = arith.constant 0 : i32
      %dma_wait3A_298 = arith.constant 0 : i32
      %dma_wait3A_299 = tpu.memref_slice %arg6[%dma_wait3A_296, %dma_wait3A_297, %dma_wait3A_298] : memref<4x128x128xf32, #tpu.memory_space<vmem>> -> memref<1x128x128xf32, #tpu.memory_space<vmem>>
      %dma_wait3A_300 = tpu.memref_squeeze %dma_wait3A_299 : memref<1x128x128xf32, #tpu.memory_space<vmem>> -> memref<128x128xf32, #tpu.memory_space<vmem>>
      %dma_wait3A_301 = arith.constant 0 : i32
      %dma_wait3A_302 = tpu.memref_slice %arg4[%add3A_282, %dma_wait3A_301] : memref<65536x128xf32, #tpu.memory_space<hbm>> -> memref<128x128xf32, #tpu.memory_space<hbm>>
      %dma_wait3A_303 = arith.constant 0 : i32
      %dma_wait3A_304 = tpu.memref_slice %arg4[%add3A_282, %dma_wait3A_303] : memref<65536x128xf32, #tpu.memory_space<hbm>> -> memref<128x128xf32, #tpu.memory_space<hbm>>
      %dma_wait3A_305 = arith.constant 0 : i32
      %dma_wait3A_306 = arith.constant 0 : i32
      %dma_wait3A_307 = tpu.memref_slice %arg6[%dma_wait3A_296, %dma_wait3A_305, %dma_wait3A_306] : memref<4x128x128xf32, #tpu.memory_space<vmem>> -> memref<1x128x128xf32, #tpu.memory_space<vmem>>
      %dma_wait3A_308 = tpu.memref_squeeze %dma_wait3A_307 : memref<1x128x128xf32, #tpu.memory_space<vmem>> -> memref<128x128xf32, #tpu.memory_space<vmem>>
      tpu.wait_dma2 semaphore(%arg7 : memref<!tpu.dma_semaphore, #tpu.memory_space<semaphore_mem>>) src(%dma_wait3A_308 : memref<128x128xf32, #tpu.memory_space<vmem>>) dst(%dma_wait3A_304 : memref<128x128xf32, #tpu.memory_space<hbm>>)
      %add3A_309 = arith.constant 4 : i32
      %add3A_310 = arith.addi %add3A_268, %add3A_309 : i32
      %mul3A_311 = arith.constant 128 : i32
      %mul3A_312 = arith.muli %add3A_310, %mul3A_311 : i32
      %dma_start3A_313 = arith.constant 1 : i32
      %dma_start3A_314 = arith.constant 0 : i32
      %dma_start3A_315 = arith.constant 0 : i32
      %dma_start3A_316 = tpu.memref_slice %arg6[%dma_start3A_313, %dma_start3A_314, %dma_start3A_315] : memref<4x128x128xf32, #tpu.memory_space<vmem>> -> memref<1x128x128xf32, #tpu.memory_space<vmem>>
      %dma_start3A_317 = tpu.memref_squeeze %dma_start3A_316 : memref<1x128x128xf32, #tpu.memory_space<vmem>> -> memref<128x128xf32, #tpu.memory_space<vmem>>
      %dma_start3A_318 = tpu.memref_slice %arg5[%mul3A_312] : memref<2048xi32, #tpu.memory_space<vmem>> -> memref<128xi32, #tpu.memory_space<vmem>>
      %dma_start3A_319 = arith.constant 0 : i32
      %dma_start3A_320 = arith.constant 0 : i32
      %dma_start3A_321 = tpu.memref_slice %arg2[%dma_start3A_319, %dma_start3A_320] : memref<200000x128xf32, #tpu.memory_space<hbm>> -> memref<200000x128xf32, #tpu.memory_space<hbm>>
      tpu.enqueue_indirect_dma source(%dma_start3A_321 : memref<200000x128xf32, #tpu.memory_space<hbm>>) target(%dma_start3A_317 : memref<128x128xf32, #tpu.memory_space<vmem>>) offsets(%dma_start3A_318 : memref<128xi32, #tpu.memory_space<vmem>>) semaphore(%arg9 : memref<!tpu.dma_semaphore, #tpu.memory_space<semaphore_mem>>)
      %mul3A_322 = arith.constant 4 : i32
      %mul3A_323 = arith.muli %scan3A_206, %mul3A_322 : i32
      %add3A_324 = arith.constant 2 : i32
      %add3A_325 = arith.addi %mul3A_323, %add3A_324 : i32
      %mul3A_326 = arith.constant 128 : i32
      %mul3A_327 = arith.muli %add3A_325, %mul3A_326 : i32
      %dma_wait3A_328 = arith.constant 2 : i32
      %dma_wait3A_329 = arith.constant 0 : i32
      %dma_wait3A_330 = arith.constant 0 : i32
      %dma_wait3A_331 = tpu.memref_slice %arg6[%dma_wait3A_328, %dma_wait3A_329, %dma_wait3A_330] : memref<4x128x128xf32, #tpu.memory_space<vmem>> -> memref<1x128x128xf32, #tpu.memory_space<vmem>>
      %dma_wait3A_332 = tpu.memref_squeeze %dma_wait3A_331 : memref<1x128x128xf32, #tpu.memory_space<vmem>> -> memref<128x128xf32, #tpu.memory_space<vmem>>
      %dma_wait3A_333 = tpu.memref_slice %arg5[%mul3A_327] : memref<2048xi32, #tpu.memory_space<vmem>> -> memref<128xi32, #tpu.memory_space<vmem>>
      %dma_wait3A_334 = arith.constant 0 : i32
      %dma_wait3A_335 = arith.constant 0 : i32
      %dma_wait3A_336 = tpu.memref_slice %arg2[%dma_wait3A_334, %dma_wait3A_335] : memref<200000x128xf32, #tpu.memory_space<hbm>> -> memref<200000x128xf32, #tpu.memory_space<hbm>>
      tpu.wait_indirect_dma semaphore(%arg10 : memref<!tpu.dma_semaphore, #tpu.memory_space<semaphore_mem>>) src(%dma_wait3A_336 : memref<200000x128xf32, #tpu.memory_space<hbm>>) dst(%dma_wait3A_332 : memref<128x128xf32, #tpu.memory_space<vmem>>)
      %mul3A_337 = arith.constant 128 : i32
      %mul3A_338 = arith.muli %add3A_325, %mul3A_337 : i32
      %add3A_339 = arith.addi %mul3A_2, %mul3A_338 : i32
      %dma_start3A_340 = arith.constant 2 : i32
      %dma_start3A_341 = arith.constant 0 : i32
      %dma_start3A_342 = arith.constant 0 : i32
      %dma_start3A_343 = tpu.memref_slice %arg6[%dma_start3A_340, %dma_start3A_341, %dma_start3A_342] : memref<4x128x128xf32, #tpu.memory_space<vmem>> -> memref<1x128x128xf32, #tpu.memory_space<vmem>>
      %dma_start3A_344 = tpu.memref_squeeze %dma_start3A_343 : memref<1x128x128xf32, #tpu.memory_space<vmem>> -> memref<128x128xf32, #tpu.memory_space<vmem>>
      %dma_start3A_345 = arith.constant 0 : i32
      %dma_start3A_346 = tpu.memref_slice %arg4[%add3A_339, %dma_start3A_345] : memref<65536x128xf32, #tpu.memory_space<hbm>> -> memref<128x128xf32, #tpu.memory_space<hbm>>
      %dma_start3A_347 = arith.constant 0 : i32
      %dma_start3A_348 = tpu.memref_slice %arg4[%add3A_339, %dma_start3A_347] : memref<65536x128xf32, #tpu.memory_space<hbm>> -> memref<128x128xf32, #tpu.memory_space<hbm>>
      %dma_start3A_349 = arith.constant 0 : i32
      %dma_start3A_350 = arith.constant 0 : i32
      %dma_start3A_351 = tpu.memref_slice %arg6[%dma_start3A_340, %dma_start3A_349, %dma_start3A_350] : memref<4x128x128xf32, #tpu.memory_space<vmem>> -> memref<1x128x128xf32, #tpu.memory_space<vmem>>
      %dma_start3A_352 = tpu.memref_squeeze %dma_start3A_351 : memref<1x128x128xf32, #tpu.memory_space<vmem>> -> memref<128x128xf32, #tpu.memory_space<vmem>>
      tpu.enqueue_dma source(%dma_start3A_352 : memref<128x128xf32, #tpu.memory_space<vmem>>) target(%dma_start3A_348 : memref<128x128xf32, #tpu.memory_space<hbm>>) target_semaphore(%arg7 : memref<!tpu.dma_semaphore, #tpu.memory_space<semaphore_mem>>)
      %dma_wait3A_353 = arith.constant 2 : i32
      %dma_wait3A_354 = arith.constant 0 : i32
      %dma_wait3A_355 = arith.constant 0 : i32
      %dma_wait3A_356 = tpu.memref_slice %arg6[%dma_wait3A_353, %dma_wait3A_354, %dma_wait3A_355] : memref<4x128x128xf32, #tpu.memory_space<vmem>> -> memref<1x128x128xf32, #tpu.memory_space<vmem>>
      %dma_wait3A_357 = tpu.memref_squeeze %dma_wait3A_356 : memref<1x128x128xf32, #tpu.memory_space<vmem>> -> memref<128x128xf32, #tpu.memory_space<vmem>>
      %dma_wait3A_358 = arith.constant 0 : i32
      %dma_wait3A_359 = tpu.memref_slice %arg4[%add3A_339, %dma_wait3A_358] : memref<65536x128xf32, #tpu.memory_space<hbm>> -> memref<128x128xf32, #tpu.memory_space<hbm>>
      %dma_wait3A_360 = arith.constant 0 : i32
      %dma_wait3A_361 = tpu.memref_slice %arg4[%add3A_339, %dma_wait3A_360] : memref<65536x128xf32, #tpu.memory_space<hbm>> -> memref<128x128xf32, #tpu.memory_space<hbm>>
      %dma_wait3A_362 = arith.constant 0 : i32
      %dma_wait3A_363 = arith.constant 0 : i32
      %dma_wait3A_364 = tpu.memref_slice %arg6[%dma_wait3A_353, %dma_wait3A_362, %dma_wait3A_363] : memref<4x128x128xf32, #tpu.memory_space<vmem>> -> memref<1x128x128xf32, #tpu.memory_space<vmem>>
      %dma_wait3A_365 = tpu.memref_squeeze %dma_wait3A_364 : memref<1x128x128xf32, #tpu.memory_space<vmem>> -> memref<128x128xf32, #tpu.memory_space<vmem>>
      tpu.wait_dma2 semaphore(%arg7 : memref<!tpu.dma_semaphore, #tpu.memory_space<semaphore_mem>>) src(%dma_wait3A_365 : memref<128x128xf32, #tpu.memory_space<vmem>>) dst(%dma_wait3A_361 : memref<128x128xf32, #tpu.memory_space<hbm>>)
      %add3A_366 = arith.constant 4 : i32
      %add3A_367 = arith.addi %add3A_325, %add3A_366 : i32
      %mul3A_368 = arith.constant 128 : i32
      %mul3A_369 = arith.muli %add3A_367, %mul3A_368 : i32
      %dma_start3A_370 = arith.constant 2 : i32
      %dma_start3A_371 = arith.constant 0 : i32
      %dma_start3A_372 = arith.constant 0 : i32
      %dma_start3A_373 = tpu.memref_slice %arg6[%dma_start3A_370, %dma_start3A_371, %dma_start3A_372] : memref<4x128x128xf32, #tpu.memory_space<vmem>> -> memref<1x128x128xf32, #tpu.memory_space<vmem>>
      %dma_start3A_374 = tpu.memref_squeeze %dma_start3A_373 : memref<1x128x128xf32, #tpu.memory_space<vmem>> -> memref<128x128xf32, #tpu.memory_space<vmem>>
      %dma_start3A_375 = tpu.memref_slice %arg5[%mul3A_369] : memref<2048xi32, #tpu.memory_space<vmem>> -> memref<128xi32, #tpu.memory_space<vmem>>
      %dma_start3A_376 = arith.constant 0 : i32
      %dma_start3A_377 = arith.constant 0 : i32
      %dma_start3A_378 = tpu.memref_slice %arg2[%dma_start3A_376, %dma_start3A_377] : memref<200000x128xf32, #tpu.memory_space<hbm>> -> memref<200000x128xf32, #tpu.memory_space<hbm>>
      tpu.enqueue_indirect_dma source(%dma_start3A_378 : memref<200000x128xf32, #tpu.memory_space<hbm>>) target(%dma_start3A_374 : memref<128x128xf32, #tpu.memory_space<vmem>>) offsets(%dma_start3A_375 : memref<128xi32, #tpu.memory_space<vmem>>) semaphore(%arg10 : memref<!tpu.dma_semaphore, #tpu.memory_space<semaphore_mem>>)
      %mul3A_379 = arith.constant 4 : i32
      %mul3A_380 = arith.muli %scan3A_206, %mul3A_379 : i32
      %add3A_381 = arith.constant 3 : i32
      %add3A_382 = arith.addi %mul3A_380, %add3A_381 : i32
      %mul3A_383 = arith.constant 128 : i32
      %mul3A_384 = arith.muli %add3A_382, %mul3A_383 : i32
      %dma_wait3A_385 = arith.constant 3 : i32
      %dma_wait3A_386 = arith.constant 0 : i32
      %dma_wait3A_387 = arith.constant 0 : i32
      %dma_wait3A_388 = tpu.memref_slice %arg6[%dma_wait3A_385, %dma_wait3A_386, %dma_wait3A_387] : memref<4x128x128xf32, #tpu.memory_space<vmem>> -> memref<1x128x128xf32, #tpu.memory_space<vmem>>
      %dma_wait3A_389 = tpu.memref_squeeze %dma_wait3A_388 : memref<1x128x128xf32, #tpu.memory_space<vmem>> -> memref<128x128xf32, #tpu.memory_space<vmem>>
      %dma_wait3A_390 = tpu.memref_slice %arg5[%mul3A_384] : memref<2048xi32, #tpu.memory_space<vmem>> -> memref<128xi32, #tpu.memory_space<vmem>>
      %dma_wait3A_391 = arith.constant 0 : i32
      %dma_wait3A_392 = arith.constant 0 : i32
      %dma_wait3A_393 = tpu.memref_slice %arg2[%dma_wait3A_391, %dma_wait3A_392] : memref<200000x128xf32, #tpu.memory_space<hbm>> -> memref<200000x128xf32, #tpu.memory_space<hbm>>
      tpu.wait_indirect_dma semaphore(%arg11 : memref<!tpu.dma_semaphore, #tpu.memory_space<semaphore_mem>>) src(%dma_wait3A_393 : memref<200000x128xf32, #tpu.memory_space<hbm>>) dst(%dma_wait3A_389 : memref<128x128xf32, #tpu.memory_space<vmem>>)
      %mul3A_394 = arith.constant 128 : i32
      %mul3A_395 = arith.muli %add3A_382, %mul3A_394 : i32
      %add3A_396 = arith.addi %mul3A_2, %mul3A_395 : i32
      %dma_start3A_397 = arith.constant 3 : i32
      %dma_start3A_398 = arith.constant 0 : i32
      %dma_start3A_399 = arith.constant 0 : i32
      %dma_start3A_400 = tpu.memref_slice %arg6[%dma_start3A_397, %dma_start3A_398, %dma_start3A_399] : memref<4x128x128xf32, #tpu.memory_space<vmem>> -> memref<1x128x128xf32, #tpu.memory_space<vmem>>
      %dma_start3A_401 = tpu.memref_squeeze %dma_start3A_400 : memref<1x128x128xf32, #tpu.memory_space<vmem>> -> memref<128x128xf32, #tpu.memory_space<vmem>>
      %dma_start3A_402 = arith.constant 0 : i32
      %dma_start3A_403 = tpu.memref_slice %arg4[%add3A_396, %dma_start3A_402] : memref<65536x128xf32, #tpu.memory_space<hbm>> -> memref<128x128xf32, #tpu.memory_space<hbm>>
      %dma_start3A_404 = arith.constant 0 : i32
      %dma_start3A_405 = tpu.memref_slice %arg4[%add3A_396, %dma_start3A_404] : memref<65536x128xf32, #tpu.memory_space<hbm>> -> memref<128x128xf32, #tpu.memory_space<hbm>>
      %dma_start3A_406 = arith.constant 0 : i32
      %dma_start3A_407 = arith.constant 0 : i32
      %dma_start3A_408 = tpu.memref_slice %arg6[%dma_start3A_397, %dma_start3A_406, %dma_start3A_407] : memref<4x128x128xf32, #tpu.memory_space<vmem>> -> memref<1x128x128xf32, #tpu.memory_space<vmem>>
      %dma_start3A_409 = tpu.memref_squeeze %dma_start3A_408 : memref<1x128x128xf32, #tpu.memory_space<vmem>> -> memref<128x128xf32, #tpu.memory_space<vmem>>
      tpu.enqueue_dma source(%dma_start3A_409 : memref<128x128xf32, #tpu.memory_space<vmem>>) target(%dma_start3A_405 : memref<128x128xf32, #tpu.memory_space<hbm>>) target_semaphore(%arg7 : memref<!tpu.dma_semaphore, #tpu.memory_space<semaphore_mem>>)
      %dma_wait3A_410 = arith.constant 3 : i32
      %dma_wait3A_411 = arith.constant 0 : i32
      %dma_wait3A_412 = arith.constant 0 : i32
      %dma_wait3A_413 = tpu.memref_slice %arg6[%dma_wait3A_410, %dma_wait3A_411, %dma_wait3A_412] : memref<4x128x128xf32, #tpu.memory_space<vmem>> -> memref<1x128x128xf32, #tpu.memory_space<vmem>>
      %dma_wait3A_414 = tpu.memref_squeeze %dma_wait3A_413 : memref<1x128x128xf32, #tpu.memory_space<vmem>> -> memref<128x128xf32, #tpu.memory_space<vmem>>
      %dma_wait3A_415 = arith.constant 0 : i32
      %dma_wait3A_416 = tpu.memref_slice %arg4[%add3A_396, %dma_wait3A_415] : memref<65536x128xf32, #tpu.memory_space<hbm>> -> memref<128x128xf32, #tpu.memory_space<hbm>>
      %dma_wait3A_417 = arith.constant 0 : i32
      %dma_wait3A_418 = tpu.memref_slice %arg4[%add3A_396, %dma_wait3A_417] : memref<65536x128xf32, #tpu.memory_space<hbm>> -> memref<128x128xf32, #tpu.memory_space<hbm>>
      %dma_wait3A_419 = arith.constant 0 : i32
      %dma_wait3A_420 = arith.constant 0 : i32
      %dma_wait3A_421 = tpu.memref_slice %arg6[%dma_wait3A_410, %dma_wait3A_419, %dma_wait3A_420] : memref<4x128x128xf32, #tpu.memory_space<vmem>> -> memref<1x128x128xf32, #tpu.memory_space<vmem>>
      %dma_wait3A_422 = tpu.memref_squeeze %dma_wait3A_421 : memref<1x128x128xf32, #tpu.memory_space<vmem>> -> memref<128x128xf32, #tpu.memory_space<vmem>>
      tpu.wait_dma2 semaphore(%arg7 : memref<!tpu.dma_semaphore, #tpu.memory_space<semaphore_mem>>) src(%dma_wait3A_422 : memref<128x128xf32, #tpu.memory_space<vmem>>) dst(%dma_wait3A_418 : memref<128x128xf32, #tpu.memory_space<hbm>>)
      %add3A_423 = arith.constant 4 : i32
      %add3A_424 = arith.addi %add3A_382, %add3A_423 : i32
      %mul3A_425 = arith.constant 128 : i32
      %mul3A_426 = arith.muli %add3A_424, %mul3A_425 : i32
      %dma_start3A_427 = arith.constant 3 : i32
      %dma_start3A_428 = arith.constant 0 : i32
      %dma_start3A_429 = arith.constant 0 : i32
      %dma_start3A_430 = tpu.memref_slice %arg6[%dma_start3A_427, %dma_start3A_428, %dma_start3A_429] : memref<4x128x128xf32, #tpu.memory_space<vmem>> -> memref<1x128x128xf32, #tpu.memory_space<vmem>>
      %dma_start3A_431 = tpu.memref_squeeze %dma_start3A_430 : memref<1x128x128xf32, #tpu.memory_space<vmem>> -> memref<128x128xf32, #tpu.memory_space<vmem>>
      %dma_start3A_432 = tpu.memref_slice %arg5[%mul3A_426] : memref<2048xi32, #tpu.memory_space<vmem>> -> memref<128xi32, #tpu.memory_space<vmem>>
      %dma_start3A_433 = arith.constant 0 : i32
      %dma_start3A_434 = arith.constant 0 : i32
      %dma_start3A_435 = tpu.memref_slice %arg2[%dma_start3A_433, %dma_start3A_434] : memref<200000x128xf32, #tpu.memory_space<hbm>> -> memref<200000x128xf32, #tpu.memory_space<hbm>>
      tpu.enqueue_indirect_dma source(%dma_start3A_435 : memref<200000x128xf32, #tpu.memory_space<hbm>>) target(%dma_start3A_431 : memref<128x128xf32, #tpu.memory_space<vmem>>) offsets(%dma_start3A_432 : memref<128xi32, #tpu.memory_space<vmem>>) semaphore(%arg11 : memref<!tpu.dma_semaphore, #tpu.memory_space<semaphore_mem>>)
      %scan3A_436 = arith.constant 0 : i32
      scf.yield %scan3A_436 : i32
    }
    %scan3A_54 = arith.constant 3 : i32
    %dma_wait3A = arith.constant 0 : i32
    %dma_wait3A_55 = arith.constant 0 : i32
    %dma_wait3A_56 = arith.constant 0 : i32
    %dma_wait3A_57 = tpu.memref_slice %arg6[%dma_wait3A, %dma_wait3A_55, %dma_wait3A_56] : memref<4x128x128xf32, #tpu.memory_space<vmem>> -> memref<1x128x128xf32, #tpu.memory_space<vmem>>
    %dma_wait3A_58 = tpu.memref_squeeze %dma_wait3A_57 : memref<1x128x128xf32, #tpu.memory_space<vmem>> -> memref<128x128xf32, #tpu.memory_space<vmem>>
    %dma_wait3A_59 = arith.constant 1536 : i32
    %dma_wait3A_60 = tpu.memref_slice %arg5[%dma_wait3A_59] : memref<2048xi32, #tpu.memory_space<vmem>> -> memref<128xi32, #tpu.memory_space<vmem>>
    %dma_wait3A_61 = arith.constant 0 : i32
    %dma_wait3A_62 = arith.constant 0 : i32
    %dma_wait3A_63 = tpu.memref_slice %arg2[%dma_wait3A_61, %dma_wait3A_62] : memref<200000x128xf32, #tpu.memory_space<hbm>> -> memref<200000x128xf32, #tpu.memory_space<hbm>>
    tpu.wait_indirect_dma semaphore(%arg8 : memref<!tpu.dma_semaphore, #tpu.memory_space<semaphore_mem>>) src(%dma_wait3A_63 : memref<200000x128xf32, #tpu.memory_space<hbm>>) dst(%dma_wait3A_58 : memref<128x128xf32, #tpu.memory_space<vmem>>)
    %add3A_64 = arith.constant 1536 : i32
    %add3A_65 = arith.addi %mul3A_2, %add3A_64 : i32
    %dma_start3A_66 = arith.constant 0 : i32
    %dma_start3A_67 = arith.constant 0 : i32
    %dma_start3A_68 = arith.constant 0 : i32
    %dma_start3A_69 = tpu.memref_slice %arg6[%dma_start3A_66, %dma_start3A_67, %dma_start3A_68] : memref<4x128x128xf32, #tpu.memory_space<vmem>> -> memref<1x128x128xf32, #tpu.memory_space<vmem>>
    %dma_start3A_70 = tpu.memref_squeeze %dma_start3A_69 : memref<1x128x128xf32, #tpu.memory_space<vmem>> -> memref<128x128xf32, #tpu.memory_space<vmem>>
    %dma_start3A_71 = arith.constant 0 : i32
    %dma_start3A_72 = tpu.memref_slice %arg4[%add3A_65, %dma_start3A_71] : memref<65536x128xf32, #tpu.memory_space<hbm>> -> memref<128x128xf32, #tpu.memory_space<hbm>>
    %dma_start3A_73 = arith.constant 0 : i32
    %dma_start3A_74 = tpu.memref_slice %arg4[%add3A_65, %dma_start3A_73] : memref<65536x128xf32, #tpu.memory_space<hbm>> -> memref<128x128xf32, #tpu.memory_space<hbm>>
    %dma_start3A_75 = arith.constant 0 : i32
    %dma_start3A_76 = arith.constant 0 : i32
    %dma_start3A_77 = tpu.memref_slice %arg6[%dma_start3A_66, %dma_start3A_75, %dma_start3A_76] : memref<4x128x128xf32, #tpu.memory_space<vmem>> -> memref<1x128x128xf32, #tpu.memory_space<vmem>>
    %dma_start3A_78 = tpu.memref_squeeze %dma_start3A_77 : memref<1x128x128xf32, #tpu.memory_space<vmem>> -> memref<128x128xf32, #tpu.memory_space<vmem>>
    tpu.enqueue_dma source(%dma_start3A_78 : memref<128x128xf32, #tpu.memory_space<vmem>>) target(%dma_start3A_74 : memref<128x128xf32, #tpu.memory_space<hbm>>) target_semaphore(%arg7 : memref<!tpu.dma_semaphore, #tpu.memory_space<semaphore_mem>>)
    %dma_wait3A_79 = arith.constant 0 : i32
    %dma_wait3A_80 = arith.constant 0 : i32
    %dma_wait3A_81 = arith.constant 0 : i32
    %dma_wait3A_82 = tpu.memref_slice %arg6[%dma_wait3A_79, %dma_wait3A_80, %dma_wait3A_81] : memref<4x128x128xf32, #tpu.memory_space<vmem>> -> memref<1x128x128xf32, #tpu.memory_space<vmem>>
    %dma_wait3A_83 = tpu.memref_squeeze %dma_wait3A_82 : memref<1x128x128xf32, #tpu.memory_space<vmem>> -> memref<128x128xf32, #tpu.memory_space<vmem>>
    %dma_wait3A_84 = arith.constant 0 : i32
    %dma_wait3A_85 = tpu.memref_slice %arg4[%add3A_65, %dma_wait3A_84] : memref<65536x128xf32, #tpu.memory_space<hbm>> -> memref<128x128xf32, #tpu.memory_space<hbm>>
    %dma_wait3A_86 = arith.constant 0 : i32
    %dma_wait3A_87 = tpu.memref_slice %arg4[%add3A_65, %dma_wait3A_86] : memref<65536x128xf32, #tpu.memory_space<hbm>> -> memref<128x128xf32, #tpu.memory_space<hbm>>
    %dma_wait3A_88 = arith.constant 0 : i32
    %dma_wait3A_89 = arith.constant 0 : i32
    %dma_wait3A_90 = tpu.memref_slice %arg6[%dma_wait3A_79, %dma_wait3A_88, %dma_wait3A_89] : memref<4x128x128xf32, #tpu.memory_space<vmem>> -> memref<1x128x128xf32, #tpu.memory_space<vmem>>
    %dma_wait3A_91 = tpu.memref_squeeze %dma_wait3A_90 : memref<1x128x128xf32, #tpu.memory_space<vmem>> -> memref<128x128xf32, #tpu.memory_space<vmem>>
    tpu.wait_dma2 semaphore(%arg7 : memref<!tpu.dma_semaphore, #tpu.memory_space<semaphore_mem>>) src(%dma_wait3A_91 : memref<128x128xf32, #tpu.memory_space<vmem>>) dst(%dma_wait3A_87 : memref<128x128xf32, #tpu.memory_space<hbm>>)
    %dma_wait3A_92 = arith.constant 1 : i32
    %dma_wait3A_93 = arith.constant 0 : i32
    %dma_wait3A_94 = arith.constant 0 : i32
    %dma_wait3A_95 = tpu.memref_slice %arg6[%dma_wait3A_92, %dma_wait3A_93, %dma_wait3A_94] : memref<4x128x128xf32, #tpu.memory_space<vmem>> -> memref<1x128x128xf32, #tpu.memory_space<vmem>>
    %dma_wait3A_96 = tpu.memref_squeeze %dma_wait3A_95 : memref<1x128x128xf32, #tpu.memory_space<vmem>> -> memref<128x128xf32, #tpu.memory_space<vmem>>
    %dma_wait3A_97 = arith.constant 1664 : i32
    %dma_wait3A_98 = tpu.memref_slice %arg5[%dma_wait3A_97] : memref<2048xi32, #tpu.memory_space<vmem>> -> memref<128xi32, #tpu.memory_space<vmem>>
    %dma_wait3A_99 = arith.constant 0 : i32
    %dma_wait3A_100 = arith.constant 0 : i32
    %dma_wait3A_101 = tpu.memref_slice %arg2[%dma_wait3A_99, %dma_wait3A_100] : memref<200000x128xf32, #tpu.memory_space<hbm>> -> memref<200000x128xf32, #tpu.memory_space<hbm>>
    tpu.wait_indirect_dma semaphore(%arg9 : memref<!tpu.dma_semaphore, #tpu.memory_space<semaphore_mem>>) src(%dma_wait3A_101 : memref<200000x128xf32, #tpu.memory_space<hbm>>) dst(%dma_wait3A_96 : memref<128x128xf32, #tpu.memory_space<vmem>>)
    %add3A_102 = arith.constant 1664 : i32
    %add3A_103 = arith.addi %mul3A_2, %add3A_102 : i32
    %dma_start3A_104 = arith.constant 1 : i32
    %dma_start3A_105 = arith.constant 0 : i32
    %dma_start3A_106 = arith.constant 0 : i32
    %dma_start3A_107 = tpu.memref_slice %arg6[%dma_start3A_104, %dma_start3A_105, %dma_start3A_106] : memref<4x128x128xf32, #tpu.memory_space<vmem>> -> memref<1x128x128xf32, #tpu.memory_space<vmem>>
    %dma_start3A_108 = tpu.memref_squeeze %dma_start3A_107 : memref<1x128x128xf32, #tpu.memory_space<vmem>> -> memref<128x128xf32, #tpu.memory_space<vmem>>
    %dma_start3A_109 = arith.constant 0 : i32
    %dma_start3A_110 = tpu.memref_slice %arg4[%add3A_103, %dma_start3A_109] : memref<65536x128xf32, #tpu.memory_space<hbm>> -> memref<128x128xf32, #tpu.memory_space<hbm>>
    %dma_start3A_111 = arith.constant 0 : i32
    %dma_start3A_112 = tpu.memref_slice %arg4[%add3A_103, %dma_start3A_111] : memref<65536x128xf32, #tpu.memory_space<hbm>> -> memref<128x128xf32, #tpu.memory_space<hbm>>
    %dma_start3A_113 = arith.constant 0 : i32
    %dma_start3A_114 = arith.constant 0 : i32
    %dma_start3A_115 = tpu.memref_slice %arg6[%dma_start3A_104, %dma_start3A_113, %dma_start3A_114] : memref<4x128x128xf32, #tpu.memory_space<vmem>> -> memref<1x128x128xf32, #tpu.memory_space<vmem>>
    %dma_start3A_116 = tpu.memref_squeeze %dma_start3A_115 : memref<1x128x128xf32, #tpu.memory_space<vmem>> -> memref<128x128xf32, #tpu.memory_space<vmem>>
    tpu.enqueue_dma source(%dma_start3A_116 : memref<128x128xf32, #tpu.memory_space<vmem>>) target(%dma_start3A_112 : memref<128x128xf32, #tpu.memory_space<hbm>>) target_semaphore(%arg7 : memref<!tpu.dma_semaphore, #tpu.memory_space<semaphore_mem>>)
    %dma_wait3A_117 = arith.constant 1 : i32
    %dma_wait3A_118 = arith.constant 0 : i32
    %dma_wait3A_119 = arith.constant 0 : i32
    %dma_wait3A_120 = tpu.memref_slice %arg6[%dma_wait3A_117, %dma_wait3A_118, %dma_wait3A_119] : memref<4x128x128xf32, #tpu.memory_space<vmem>> -> memref<1x128x128xf32, #tpu.memory_space<vmem>>
    %dma_wait3A_121 = tpu.memref_squeeze %dma_wait3A_120 : memref<1x128x128xf32, #tpu.memory_space<vmem>> -> memref<128x128xf32, #tpu.memory_space<vmem>>
    %dma_wait3A_122 = arith.constant 0 : i32
    %dma_wait3A_123 = tpu.memref_slice %arg4[%add3A_103, %dma_wait3A_122] : memref<65536x128xf32, #tpu.memory_space<hbm>> -> memref<128x128xf32, #tpu.memory_space<hbm>>
    %dma_wait3A_124 = arith.constant 0 : i32
    %dma_wait3A_125 = tpu.memref_slice %arg4[%add3A_103, %dma_wait3A_124] : memref<65536x128xf32, #tpu.memory_space<hbm>> -> memref<128x128xf32, #tpu.memory_space<hbm>>
    %dma_wait3A_126 = arith.constant 0 : i32
    %dma_wait3A_127 = arith.constant 0 : i32
    %dma_wait3A_128 = tpu.memref_slice %arg6[%dma_wait3A_117, %dma_wait3A_126, %dma_wait3A_127] : memref<4x128x128xf32, #tpu.memory_space<vmem>> -> memref<1x128x128xf32, #tpu.memory_space<vmem>>
    %dma_wait3A_129 = tpu.memref_squeeze %dma_wait3A_128 : memref<1x128x128xf32, #tpu.memory_space<vmem>> -> memref<128x128xf32, #tpu.memory_space<vmem>>
    tpu.wait_dma2 semaphore(%arg7 : memref<!tpu.dma_semaphore, #tpu.memory_space<semaphore_mem>>) src(%dma_wait3A_129 : memref<128x128xf32, #tpu.memory_space<vmem>>) dst(%dma_wait3A_125 : memref<128x128xf32, #tpu.memory_space<hbm>>)
    %dma_wait3A_130 = arith.constant 2 : i32
    %dma_wait3A_131 = arith.constant 0 : i32
    %dma_wait3A_132 = arith.constant 0 : i32
    %dma_wait3A_133 = tpu.memref_slice %arg6[%dma_wait3A_130, %dma_wait3A_131, %dma_wait3A_132] : memref<4x128x128xf32, #tpu.memory_space<vmem>> -> memref<1x128x128xf32, #tpu.memory_space<vmem>>
    %dma_wait3A_134 = tpu.memref_squeeze %dma_wait3A_133 : memref<1x128x128xf32, #tpu.memory_space<vmem>> -> memref<128x128xf32, #tpu.memory_space<vmem>>
    %dma_wait3A_135 = arith.constant 1792 : i32
    %dma_wait3A_136 = tpu.memref_slice %arg5[%dma_wait3A_135] : memref<2048xi32, #tpu.memory_space<vmem>> -> memref<128xi32, #tpu.memory_space<vmem>>
    %dma_wait3A_137 = arith.constant 0 : i32
    %dma_wait3A_138 = arith.constant 0 : i32
    %dma_wait3A_139 = tpu.memref_slice %arg2[%dma_wait3A_137, %dma_wait3A_138] : memref<200000x128xf32, #tpu.memory_space<hbm>> -> memref<200000x128xf32, #tpu.memory_space<hbm>>
    tpu.wait_indirect_dma semaphore(%arg10 : memref<!tpu.dma_semaphore, #tpu.memory_space<semaphore_mem>>) src(%dma_wait3A_139 : memref<200000x128xf32, #tpu.memory_space<hbm>>) dst(%dma_wait3A_134 : memref<128x128xf32, #tpu.memory_space<vmem>>)
    %add3A_140 = arith.constant 1792 : i32
    %add3A_141 = arith.addi %mul3A_2, %add3A_140 : i32
    %dma_start3A_142 = arith.constant 2 : i32
    %dma_start3A_143 = arith.constant 0 : i32
    %dma_start3A_144 = arith.constant 0 : i32
    %dma_start3A_145 = tpu.memref_slice %arg6[%dma_start3A_142, %dma_start3A_143, %dma_start3A_144] : memref<4x128x128xf32, #tpu.memory_space<vmem>> -> memref<1x128x128xf32, #tpu.memory_space<vmem>>
    %dma_start3A_146 = tpu.memref_squeeze %dma_start3A_145 : memref<1x128x128xf32, #tpu.memory_space<vmem>> -> memref<128x128xf32, #tpu.memory_space<vmem>>
    %dma_start3A_147 = arith.constant 0 : i32
    %dma_start3A_148 = tpu.memref_slice %arg4[%add3A_141, %dma_start3A_147] : memref<65536x128xf32, #tpu.memory_space<hbm>> -> memref<128x128xf32, #tpu.memory_space<hbm>>
    %dma_start3A_149 = arith.constant 0 : i32
    %dma_start3A_150 = tpu.memref_slice %arg4[%add3A_141, %dma_start3A_149] : memref<65536x128xf32, #tpu.memory_space<hbm>> -> memref<128x128xf32, #tpu.memory_space<hbm>>
    %dma_start3A_151 = arith.constant 0 : i32
    %dma_start3A_152 = arith.constant 0 : i32
    %dma_start3A_153 = tpu.memref_slice %arg6[%dma_start3A_142, %dma_start3A_151, %dma_start3A_152] : memref<4x128x128xf32, #tpu.memory_space<vmem>> -> memref<1x128x128xf32, #tpu.memory_space<vmem>>
    %dma_start3A_154 = tpu.memref_squeeze %dma_start3A_153 : memref<1x128x128xf32, #tpu.memory_space<vmem>> -> memref<128x128xf32, #tpu.memory_space<vmem>>
    tpu.enqueue_dma source(%dma_start3A_154 : memref<128x128xf32, #tpu.memory_space<vmem>>) target(%dma_start3A_150 : memref<128x128xf32, #tpu.memory_space<hbm>>) target_semaphore(%arg7 : memref<!tpu.dma_semaphore, #tpu.memory_space<semaphore_mem>>)
    %dma_wait3A_155 = arith.constant 2 : i32
    %dma_wait3A_156 = arith.constant 0 : i32
    %dma_wait3A_157 = arith.constant 0 : i32
    %dma_wait3A_158 = tpu.memref_slice %arg6[%dma_wait3A_155, %dma_wait3A_156, %dma_wait3A_157] : memref<4x128x128xf32, #tpu.memory_space<vmem>> -> memref<1x128x128xf32, #tpu.memory_space<vmem>>
    %dma_wait3A_159 = tpu.memref_squeeze %dma_wait3A_158 : memref<1x128x128xf32, #tpu.memory_space<vmem>> -> memref<128x128xf32, #tpu.memory_space<vmem>>
    %dma_wait3A_160 = arith.constant 0 : i32
    %dma_wait3A_161 = tpu.memref_slice %arg4[%add3A_141, %dma_wait3A_160] : memref<65536x128xf32, #tpu.memory_space<hbm>> -> memref<128x128xf32, #tpu.memory_space<hbm>>
    %dma_wait3A_162 = arith.constant 0 : i32
    %dma_wait3A_163 = tpu.memref_slice %arg4[%add3A_141, %dma_wait3A_162] : memref<65536x128xf32, #tpu.memory_space<hbm>> -> memref<128x128xf32, #tpu.memory_space<hbm>>
    %dma_wait3A_164 = arith.constant 0 : i32
    %dma_wait3A_165 = arith.constant 0 : i32
    %dma_wait3A_166 = tpu.memref_slice %arg6[%dma_wait3A_155, %dma_wait3A_164, %dma_wait3A_165] : memref<4x128x128xf32, #tpu.memory_space<vmem>> -> memref<1x128x128xf32, #tpu.memory_space<vmem>>
    %dma_wait3A_167 = tpu.memref_squeeze %dma_wait3A_166 : memref<1x128x128xf32, #tpu.memory_space<vmem>> -> memref<128x128xf32, #tpu.memory_space<vmem>>
    tpu.wait_dma2 semaphore(%arg7 : memref<!tpu.dma_semaphore, #tpu.memory_space<semaphore_mem>>) src(%dma_wait3A_167 : memref<128x128xf32, #tpu.memory_space<vmem>>) dst(%dma_wait3A_163 : memref<128x128xf32, #tpu.memory_space<hbm>>)
    %dma_wait3A_168 = arith.constant 3 : i32
    %dma_wait3A_169 = arith.constant 0 : i32
    %dma_wait3A_170 = arith.constant 0 : i32
    %dma_wait3A_171 = tpu.memref_slice %arg6[%dma_wait3A_168, %dma_wait3A_169, %dma_wait3A_170] : memref<4x128x128xf32, #tpu.memory_space<vmem>> -> memref<1x128x128xf32, #tpu.memory_space<vmem>>
    %dma_wait3A_172 = tpu.memref_squeeze %dma_wait3A_171 : memref<1x128x128xf32, #tpu.memory_space<vmem>> -> memref<128x128xf32, #tpu.memory_space<vmem>>
    %dma_wait3A_173 = arith.constant 1920 : i32
    %dma_wait3A_174 = tpu.memref_slice %arg5[%dma_wait3A_173] : memref<2048xi32, #tpu.memory_space<vmem>> -> memref<128xi32, #tpu.memory_space<vmem>>
    %dma_wait3A_175 = arith.constant 0 : i32
    %dma_wait3A_176 = arith.constant 0 : i32
    %dma_wait3A_177 = tpu.memref_slice %arg2[%dma_wait3A_175, %dma_wait3A_176] : memref<200000x128xf32, #tpu.memory_space<hbm>> -> memref<200000x128xf32, #tpu.memory_space<hbm>>
    tpu.wait_indirect_dma semaphore(%arg11 : memref<!tpu.dma_semaphore, #tpu.memory_space<semaphore_mem>>) src(%dma_wait3A_177 : memref<200000x128xf32, #tpu.memory_space<hbm>>) dst(%dma_wait3A_172 : memref<128x128xf32, #tpu.memory_space<vmem>>)
    %add3A_178 = arith.constant 1920 : i32
    %add3A_179 = arith.addi %mul3A_2, %add3A_178 : i32
    %dma_start3A_180 = arith.constant 3 : i32
    %dma_start3A_181 = arith.constant 0 : i32
    %dma_start3A_182 = arith.constant 0 : i32
    %dma_start3A_183 = tpu.memref_slice %arg6[%dma_start3A_180, %dma_start3A_181, %dma_start3A_182] : memref<4x128x128xf32, #tpu.memory_space<vmem>> -> memref<1x128x128xf32, #tpu.memory_space<vmem>>
    %dma_start3A_184 = tpu.memref_squeeze %dma_start3A_183 : memref<1x128x128xf32, #tpu.memory_space<vmem>> -> memref<128x128xf32, #tpu.memory_space<vmem>>
    %dma_start3A_185 = arith.constant 0 : i32
    %dma_start3A_186 = tpu.memref_slice %arg4[%add3A_179, %dma_start3A_185] : memref<65536x128xf32, #tpu.memory_space<hbm>> -> memref<128x128xf32, #tpu.memory_space<hbm>>
    %dma_start3A_187 = arith.constant 0 : i32
    %dma_start3A_188 = tpu.memref_slice %arg4[%add3A_179, %dma_start3A_187] : memref<65536x128xf32, #tpu.memory_space<hbm>> -> memref<128x128xf32, #tpu.memory_space<hbm>>
    %dma_start3A_189 = arith.constant 0 : i32
    %dma_start3A_190 = arith.constant 0 : i32
    %dma_start3A_191 = tpu.memref_slice %arg6[%dma_start3A_180, %dma_start3A_189, %dma_start3A_190] : memref<4x128x128xf32, #tpu.memory_space<vmem>> -> memref<1x128x128xf32, #tpu.memory_space<vmem>>
    %dma_start3A_192 = tpu.memref_squeeze %dma_start3A_191 : memref<1x128x128xf32, #tpu.memory_space<vmem>> -> memref<128x128xf32, #tpu.memory_space<vmem>>
    tpu.enqueue_dma source(%dma_start3A_192 : memref<128x128xf32, #tpu.memory_space<vmem>>) target(%dma_start3A_188 : memref<128x128xf32, #tpu.memory_space<hbm>>) target_semaphore(%arg7 : memref<!tpu.dma_semaphore, #tpu.memory_space<semaphore_mem>>)
    %dma_wait3A_193 = arith.constant 3 : i32
    %dma_wait3A_194 = arith.constant 0 : i32
    %dma_wait3A_195 = arith.constant 0 : i32
    %dma_wait3A_196 = tpu.memref_slice %arg6[%dma_wait3A_193, %dma_wait3A_194, %dma_wait3A_195] : memref<4x128x128xf32, #tpu.memory_space<vmem>> -> memref<1x128x128xf32, #tpu.memory_space<vmem>>
    %dma_wait3A_197 = tpu.memref_squeeze %dma_wait3A_196 : memref<1x128x128xf32, #tpu.memory_space<vmem>> -> memref<128x128xf32, #tpu.memory_space<vmem>>
    %dma_wait3A_198 = arith.constant 0 : i32
    %dma_wait3A_199 = tpu.memref_slice %arg4[%add3A_179, %dma_wait3A_198] : memref<65536x128xf32, #tpu.memory_space<hbm>> -> memref<128x128xf32, #tpu.memory_space<hbm>>
    %dma_wait3A_200 = arith.constant 0 : i32
    %dma_wait3A_201 = tpu.memref_slice %arg4[%add3A_179, %dma_wait3A_200] : memref<65536x128xf32, #tpu.memory_space<hbm>> -> memref<128x128xf32, #tpu.memory_space<hbm>>
    %dma_wait3A_202 = arith.constant 0 : i32
    %dma_wait3A_203 = arith.constant 0 : i32
    %dma_wait3A_204 = tpu.memref_slice %arg6[%dma_wait3A_193, %dma_wait3A_202, %dma_wait3A_203] : memref<4x128x128xf32, #tpu.memory_space<vmem>> -> memref<1x128x128xf32, #tpu.memory_space<vmem>>
    %dma_wait3A_205 = tpu.memref_squeeze %dma_wait3A_204 : memref<1x128x128xf32, #tpu.memory_space<vmem>> -> memref<128x128xf32, #tpu.memory_space<vmem>>
    tpu.wait_dma2 semaphore(%arg7 : memref<!tpu.dma_semaphore, #tpu.memory_space<semaphore_mem>>) src(%dma_wait3A_205 : memref<128x128xf32, #tpu.memory_space<vmem>>) dst(%dma_wait3A_201 : memref<128x128xf32, #tpu.memory_space<hbm>>)
    return
  }
}

module attributes {stable_mosaic.version = 14 : i64} {
  func.func @_project_body(%arg0: memref<1568x128xf32, #tpu.memory_space<vmem>>, %arg1: memref<1568x128xf32, #tpu.memory_space<vmem>>, %arg2: memref<1568x128xf32, #tpu.memory_space<vmem>>, %arg3: memref<1568x128xi32, #tpu.memory_space<vmem>>, %arg4: memref<48xf32, #tpu.memory_space<smem>>, %arg5: memref<1568x128xi32, #tpu.memory_space<vmem>>) attributes {dimension_semantics = [], scalar_prefetch = 0 : i64, scratch_operands = 0 : i64, tpu.core_type = #tpu.core_type<tc>} {
    %get3A = arith.constant 0 : index
    %get3A_0 = arith.constant 0 : index
    %get3A_1 = vector.load %arg0[%get3A, %get3A_0] : memref<1568x128xf32, #tpu.memory_space<vmem>>, vector<1568x128xf32>
    %get3A_2 = arith.constant 0 : index
    %get3A_3 = arith.constant 0 : index
    %get3A_4 = vector.load %arg1[%get3A_2, %get3A_3] : memref<1568x128xf32, #tpu.memory_space<vmem>>, vector<1568x128xf32>
    %get3A_5 = arith.constant 0 : index
    %get3A_6 = arith.constant 0 : index
    %get3A_7 = vector.load %arg2[%get3A_5, %get3A_6] : memref<1568x128xf32, #tpu.memory_space<vmem>>, vector<1568x128xf32>
    %get3A_8 = arith.constant 0 : index
    %get3A_9 = arith.constant 0 : index
    %get3A_10 = vector.load %arg3[%get3A_8, %get3A_9] : memref<1568x128xi32, #tpu.memory_space<vmem>>, vector<1568x128xi32>
    %broadcast_in_dim3A = arith.constant 0.000000e+00 : f32
    %broadcast_in_dim3A_11 = vector.broadcast %broadcast_in_dim3A : f32 to vector<1568x128xf32>
    %broadcast_in_dim3A_12 = arith.constant 0.000000e+00 : f32
    %broadcast_in_dim3A_13 = vector.broadcast %broadcast_in_dim3A_12 : f32 to vector<1568x128xf32>
    %broadcast_in_dim3A_14 = arith.constant 0.000000e+00 : f32
    %broadcast_in_dim3A_15 = vector.broadcast %broadcast_in_dim3A_14 : f32 to vector<1568x128xf32>
    %get3A_16 = arith.constant 0 : index
    %get3A_17 = memref.load %arg4[%get3A_16] : memref<48xf32, #tpu.memory_space<smem>>
    %get3A_18 = arith.constant 1 : index
    %get3A_19 = memref.load %arg4[%get3A_18] : memref<48xf32, #tpu.memory_space<smem>>
    %get3A_20 = arith.constant 2 : index
    %get3A_21 = memref.load %arg4[%get3A_20] : memref<48xf32, #tpu.memory_space<smem>>
    %get3A_22 = arith.constant 3 : index
    %get3A_23 = memref.load %arg4[%get3A_22] : memref<48xf32, #tpu.memory_space<smem>>
    %get3A_24 = arith.constant 4 : index
    %get3A_25 = memref.load %arg4[%get3A_24] : memref<48xf32, #tpu.memory_space<smem>>
    %get3A_26 = arith.constant 5 : index
    %get3A_27 = memref.load %arg4[%get3A_26] : memref<48xf32, #tpu.memory_space<smem>>
    %get3A_28 = arith.constant 6 : index
    %get3A_29 = memref.load %arg4[%get3A_28] : memref<48xf32, #tpu.memory_space<smem>>
    %get3A_30 = arith.constant 7 : index
    %get3A_31 = memref.load %arg4[%get3A_30] : memref<48xf32, #tpu.memory_space<smem>>
    %get3A_32 = arith.constant 8 : index
    %get3A_33 = memref.load %arg4[%get3A_32] : memref<48xf32, #tpu.memory_space<smem>>
    %get3A_34 = arith.constant 9 : index
    %get3A_35 = memref.load %arg4[%get3A_34] : memref<48xf32, #tpu.memory_space<smem>>
    %get3A_36 = arith.constant 10 : index
    %get3A_37 = memref.load %arg4[%get3A_36] : memref<48xf32, #tpu.memory_space<smem>>
    %get3A_38 = arith.constant 11 : index
    %get3A_39 = memref.load %arg4[%get3A_38] : memref<48xf32, #tpu.memory_space<smem>>
    %mul3A = vector.broadcast %get3A_17 : f32 to vector<1568x128xf32>
    %mul3A_40 = arith.mulf %get3A_1, %mul3A : vector<1568x128xf32>
    %mul3A_41 = vector.broadcast %get3A_19 : f32 to vector<1568x128xf32>
    %mul3A_42 = arith.mulf %get3A_4, %mul3A_41 : vector<1568x128xf32>
    %add3A = arith.addf %mul3A_40, %mul3A_42 : vector<1568x128xf32>
    %mul3A_43 = vector.broadcast %get3A_21 : f32 to vector<1568x128xf32>
    %mul3A_44 = arith.mulf %get3A_7, %mul3A_43 : vector<1568x128xf32>
    %add3A_45 = arith.addf %add3A, %mul3A_44 : vector<1568x128xf32>
    %add3A_46 = vector.broadcast %get3A_23 : f32 to vector<1568x128xf32>
    %add3A_47 = arith.addf %add3A_45, %add3A_46 : vector<1568x128xf32>
    %mul3A_48 = vector.broadcast %get3A_25 : f32 to vector<1568x128xf32>
    %mul3A_49 = arith.mulf %get3A_1, %mul3A_48 : vector<1568x128xf32>
    %mul3A_50 = vector.broadcast %get3A_27 : f32 to vector<1568x128xf32>
    %mul3A_51 = arith.mulf %get3A_4, %mul3A_50 : vector<1568x128xf32>
    %add3A_52 = arith.addf %mul3A_49, %mul3A_51 : vector<1568x128xf32>
    %mul3A_53 = vector.broadcast %get3A_29 : f32 to vector<1568x128xf32>
    %mul3A_54 = arith.mulf %get3A_7, %mul3A_53 : vector<1568x128xf32>
    %add3A_55 = arith.addf %add3A_52, %mul3A_54 : vector<1568x128xf32>
    %add3A_56 = vector.broadcast %get3A_31 : f32 to vector<1568x128xf32>
    %add3A_57 = arith.addf %add3A_55, %add3A_56 : vector<1568x128xf32>
    %mul3A_58 = vector.broadcast %get3A_33 : f32 to vector<1568x128xf32>
    %mul3A_59 = arith.mulf %get3A_1, %mul3A_58 : vector<1568x128xf32>
    %mul3A_60 = vector.broadcast %get3A_35 : f32 to vector<1568x128xf32>
    %mul3A_61 = arith.mulf %get3A_4, %mul3A_60 : vector<1568x128xf32>
    %add3A_62 = arith.addf %mul3A_59, %mul3A_61 : vector<1568x128xf32>
    %mul3A_63 = vector.broadcast %get3A_37 : f32 to vector<1568x128xf32>
    %mul3A_64 = arith.mulf %get3A_7, %mul3A_63 : vector<1568x128xf32>
    %add3A_65 = arith.addf %add3A_62, %mul3A_64 : vector<1568x128xf32>
    %add3A_66 = vector.broadcast %get3A_39 : f32 to vector<1568x128xf32>
    %add3A_67 = arith.addf %add3A_65, %add3A_66 : vector<1568x128xf32>
    %eq3A = arith.constant 0 : i32
    %eq3A_68 = vector.broadcast %eq3A : i32 to vector<1568x128xi32>
    %eq3A_69 = arith.cmpi eq, %get3A_10, %eq3A_68 : vector<1568x128xi32>
    %select_n3A = arith.select %eq3A_69, %add3A_47, %broadcast_in_dim3A_11 : vector<1568x128xi1>, vector<1568x128xf32>
    %select_n3A_70 = arith.select %eq3A_69, %add3A_57, %broadcast_in_dim3A_13 : vector<1568x128xi1>, vector<1568x128xf32>
    %select_n3A_71 = arith.select %eq3A_69, %add3A_67, %broadcast_in_dim3A_15 : vector<1568x128xi1>, vector<1568x128xf32>
    %get3A_72 = arith.constant 12 : index
    %get3A_73 = memref.load %arg4[%get3A_72] : memref<48xf32, #tpu.memory_space<smem>>
    %get3A_74 = arith.constant 13 : index
    %get3A_75 = memref.load %arg4[%get3A_74] : memref<48xf32, #tpu.memory_space<smem>>
    %get3A_76 = arith.constant 14 : index
    %get3A_77 = memref.load %arg4[%get3A_76] : memref<48xf32, #tpu.memory_space<smem>>
    %get3A_78 = arith.constant 15 : index
    %get3A_79 = memref.load %arg4[%get3A_78] : memref<48xf32, #tpu.memory_space<smem>>
    %get3A_80 = arith.constant 16 : index
    %get3A_81 = memref.load %arg4[%get3A_80] : memref<48xf32, #tpu.memory_space<smem>>
    %get3A_82 = arith.constant 17 : index
    %get3A_83 = memref.load %arg4[%get3A_82] : memref<48xf32, #tpu.memory_space<smem>>
    %get3A_84 = arith.constant 18 : index
    %get3A_85 = memref.load %arg4[%get3A_84] : memref<48xf32, #tpu.memory_space<smem>>
    %get3A_86 = arith.constant 19 : index
    %get3A_87 = memref.load %arg4[%get3A_86] : memref<48xf32, #tpu.memory_space<smem>>
    %get3A_88 = arith.constant 20 : index
    %get3A_89 = memref.load %arg4[%get3A_88] : memref<48xf32, #tpu.memory_space<smem>>
    %get3A_90 = arith.constant 21 : index
    %get3A_91 = memref.load %arg4[%get3A_90] : memref<48xf32, #tpu.memory_space<smem>>
    %get3A_92 = arith.constant 22 : index
    %get3A_93 = memref.load %arg4[%get3A_92] : memref<48xf32, #tpu.memory_space<smem>>
    %get3A_94 = arith.constant 23 : index
    %get3A_95 = memref.load %arg4[%get3A_94] : memref<48xf32, #tpu.memory_space<smem>>
    %mul3A_96 = vector.broadcast %get3A_73 : f32 to vector<1568x128xf32>
    %mul3A_97 = arith.mulf %get3A_1, %mul3A_96 : vector<1568x128xf32>
    %mul3A_98 = vector.broadcast %get3A_75 : f32 to vector<1568x128xf32>
    %mul3A_99 = arith.mulf %get3A_4, %mul3A_98 : vector<1568x128xf32>
    %add3A_100 = arith.addf %mul3A_97, %mul3A_99 : vector<1568x128xf32>
    %mul3A_101 = vector.broadcast %get3A_77 : f32 to vector<1568x128xf32>
    %mul3A_102 = arith.mulf %get3A_7, %mul3A_101 : vector<1568x128xf32>
    %add3A_103 = arith.addf %add3A_100, %mul3A_102 : vector<1568x128xf32>
    %add3A_104 = vector.broadcast %get3A_79 : f32 to vector<1568x128xf32>
    %add3A_105 = arith.addf %add3A_103, %add3A_104 : vector<1568x128xf32>
    %mul3A_106 = vector.broadcast %get3A_81 : f32 to vector<1568x128xf32>
    %mul3A_107 = arith.mulf %get3A_1, %mul3A_106 : vector<1568x128xf32>
    %mul3A_108 = vector.broadcast %get3A_83 : f32 to vector<1568x128xf32>
    %mul3A_109 = arith.mulf %get3A_4, %mul3A_108 : vector<1568x128xf32>
    %add3A_110 = arith.addf %mul3A_107, %mul3A_109 : vector<1568x128xf32>
    %mul3A_111 = vector.broadcast %get3A_85 : f32 to vector<1568x128xf32>
    %mul3A_112 = arith.mulf %get3A_7, %mul3A_111 : vector<1568x128xf32>
    %add3A_113 = arith.addf %add3A_110, %mul3A_112 : vector<1568x128xf32>
    %add3A_114 = vector.broadcast %get3A_87 : f32 to vector<1568x128xf32>
    %add3A_115 = arith.addf %add3A_113, %add3A_114 : vector<1568x128xf32>
    %mul3A_116 = vector.broadcast %get3A_89 : f32 to vector<1568x128xf32>
    %mul3A_117 = arith.mulf %get3A_1, %mul3A_116 : vector<1568x128xf32>
    %mul3A_118 = vector.broadcast %get3A_91 : f32 to vector<1568x128xf32>
    %mul3A_119 = arith.mulf %get3A_4, %mul3A_118 : vector<1568x128xf32>
    %add3A_120 = arith.addf %mul3A_117, %mul3A_119 : vector<1568x128xf32>
    %mul3A_121 = vector.broadcast %get3A_93 : f32 to vector<1568x128xf32>
    %mul3A_122 = arith.mulf %get3A_7, %mul3A_121 : vector<1568x128xf32>
    %add3A_123 = arith.addf %add3A_120, %mul3A_122 : vector<1568x128xf32>
    %add3A_124 = vector.broadcast %get3A_95 : f32 to vector<1568x128xf32>
    %add3A_125 = arith.addf %add3A_123, %add3A_124 : vector<1568x128xf32>
    %eq3A_126 = arith.constant 1 : i32
    %eq3A_127 = vector.broadcast %eq3A_126 : i32 to vector<1568x128xi32>
    %eq3A_128 = arith.cmpi eq, %get3A_10, %eq3A_127 : vector<1568x128xi32>
    %select_n3A_129 = arith.select %eq3A_128, %add3A_105, %select_n3A : vector<1568x128xi1>, vector<1568x128xf32>
    %select_n3A_130 = arith.select %eq3A_128, %add3A_115, %select_n3A_70 : vector<1568x128xi1>, vector<1568x128xf32>
    %select_n3A_131 = arith.select %eq3A_128, %add3A_125, %select_n3A_71 : vector<1568x128xi1>, vector<1568x128xf32>
    %get3A_132 = arith.constant 24 : index
    %get3A_133 = memref.load %arg4[%get3A_132] : memref<48xf32, #tpu.memory_space<smem>>
    %get3A_134 = arith.constant 25 : index
    %get3A_135 = memref.load %arg4[%get3A_134] : memref<48xf32, #tpu.memory_space<smem>>
    %get3A_136 = arith.constant 26 : index
    %get3A_137 = memref.load %arg4[%get3A_136] : memref<48xf32, #tpu.memory_space<smem>>
    %get3A_138 = arith.constant 27 : index
    %get3A_139 = memref.load %arg4[%get3A_138] : memref<48xf32, #tpu.memory_space<smem>>
    %get3A_140 = arith.constant 28 : index
    %get3A_141 = memref.load %arg4[%get3A_140] : memref<48xf32, #tpu.memory_space<smem>>
    %get3A_142 = arith.constant 29 : index
    %get3A_143 = memref.load %arg4[%get3A_142] : memref<48xf32, #tpu.memory_space<smem>>
    %get3A_144 = arith.constant 30 : index
    %get3A_145 = memref.load %arg4[%get3A_144] : memref<48xf32, #tpu.memory_space<smem>>
    %get3A_146 = arith.constant 31 : index
    %get3A_147 = memref.load %arg4[%get3A_146] : memref<48xf32, #tpu.memory_space<smem>>
    %get3A_148 = arith.constant 32 : index
    %get3A_149 = memref.load %arg4[%get3A_148] : memref<48xf32, #tpu.memory_space<smem>>
    %get3A_150 = arith.constant 33 : index
    %get3A_151 = memref.load %arg4[%get3A_150] : memref<48xf32, #tpu.memory_space<smem>>
    %get3A_152 = arith.constant 34 : index
    %get3A_153 = memref.load %arg4[%get3A_152] : memref<48xf32, #tpu.memory_space<smem>>
    %get3A_154 = arith.constant 35 : index
    %get3A_155 = memref.load %arg4[%get3A_154] : memref<48xf32, #tpu.memory_space<smem>>
    %mul3A_156 = vector.broadcast %get3A_133 : f32 to vector<1568x128xf32>
    %mul3A_157 = arith.mulf %get3A_1, %mul3A_156 : vector<1568x128xf32>
    %mul3A_158 = vector.broadcast %get3A_135 : f32 to vector<1568x128xf32>
    %mul3A_159 = arith.mulf %get3A_4, %mul3A_158 : vector<1568x128xf32>
    %add3A_160 = arith.addf %mul3A_157, %mul3A_159 : vector<1568x128xf32>
    %mul3A_161 = vector.broadcast %get3A_137 : f32 to vector<1568x128xf32>
    %mul3A_162 = arith.mulf %get3A_7, %mul3A_161 : vector<1568x128xf32>
    %add3A_163 = arith.addf %add3A_160, %mul3A_162 : vector<1568x128xf32>
    %add3A_164 = vector.broadcast %get3A_139 : f32 to vector<1568x128xf32>
    %add3A_165 = arith.addf %add3A_163, %add3A_164 : vector<1568x128xf32>
    %mul3A_166 = vector.broadcast %get3A_141 : f32 to vector<1568x128xf32>
    %mul3A_167 = arith.mulf %get3A_1, %mul3A_166 : vector<1568x128xf32>
    %mul3A_168 = vector.broadcast %get3A_143 : f32 to vector<1568x128xf32>
    %mul3A_169 = arith.mulf %get3A_4, %mul3A_168 : vector<1568x128xf32>
    %add3A_170 = arith.addf %mul3A_167, %mul3A_169 : vector<1568x128xf32>
    %mul3A_171 = vector.broadcast %get3A_145 : f32 to vector<1568x128xf32>
    %mul3A_172 = arith.mulf %get3A_7, %mul3A_171 : vector<1568x128xf32>
    %add3A_173 = arith.addf %add3A_170, %mul3A_172 : vector<1568x128xf32>
    %add3A_174 = vector.broadcast %get3A_147 : f32 to vector<1568x128xf32>
    %add3A_175 = arith.addf %add3A_173, %add3A_174 : vector<1568x128xf32>
    %mul3A_176 = vector.broadcast %get3A_149 : f32 to vector<1568x128xf32>
    %mul3A_177 = arith.mulf %get3A_1, %mul3A_176 : vector<1568x128xf32>
    %mul3A_178 = vector.broadcast %get3A_151 : f32 to vector<1568x128xf32>
    %mul3A_179 = arith.mulf %get3A_4, %mul3A_178 : vector<1568x128xf32>
    %add3A_180 = arith.addf %mul3A_177, %mul3A_179 : vector<1568x128xf32>
    %mul3A_181 = vector.broadcast %get3A_153 : f32 to vector<1568x128xf32>
    %mul3A_182 = arith.mulf %get3A_7, %mul3A_181 : vector<1568x128xf32>
    %add3A_183 = arith.addf %add3A_180, %mul3A_182 : vector<1568x128xf32>
    %add3A_184 = vector.broadcast %get3A_155 : f32 to vector<1568x128xf32>
    %add3A_185 = arith.addf %add3A_183, %add3A_184 : vector<1568x128xf32>
    %eq3A_186 = arith.constant 2 : i32
    %eq3A_187 = vector.broadcast %eq3A_186 : i32 to vector<1568x128xi32>
    %eq3A_188 = arith.cmpi eq, %get3A_10, %eq3A_187 : vector<1568x128xi32>
    %select_n3A_189 = arith.select %eq3A_188, %add3A_165, %select_n3A_129 : vector<1568x128xi1>, vector<1568x128xf32>
    %select_n3A_190 = arith.select %eq3A_188, %add3A_175, %select_n3A_130 : vector<1568x128xi1>, vector<1568x128xf32>
    %select_n3A_191 = arith.select %eq3A_188, %add3A_185, %select_n3A_131 : vector<1568x128xi1>, vector<1568x128xf32>
    %get3A_192 = arith.constant 36 : index
    %get3A_193 = memref.load %arg4[%get3A_192] : memref<48xf32, #tpu.memory_space<smem>>
    %get3A_194 = arith.constant 37 : index
    %get3A_195 = memref.load %arg4[%get3A_194] : memref<48xf32, #tpu.memory_space<smem>>
    %get3A_196 = arith.constant 38 : index
    %get3A_197 = memref.load %arg4[%get3A_196] : memref<48xf32, #tpu.memory_space<smem>>
    %get3A_198 = arith.constant 39 : index
    %get3A_199 = memref.load %arg4[%get3A_198] : memref<48xf32, #tpu.memory_space<smem>>
    %get3A_200 = arith.constant 40 : index
    %get3A_201 = memref.load %arg4[%get3A_200] : memref<48xf32, #tpu.memory_space<smem>>
    %get3A_202 = arith.constant 41 : index
    %get3A_203 = memref.load %arg4[%get3A_202] : memref<48xf32, #tpu.memory_space<smem>>
    %get3A_204 = arith.constant 42 : index
    %get3A_205 = memref.load %arg4[%get3A_204] : memref<48xf32, #tpu.memory_space<smem>>
    %get3A_206 = arith.constant 43 : index
    %get3A_207 = memref.load %arg4[%get3A_206] : memref<48xf32, #tpu.memory_space<smem>>
    %get3A_208 = arith.constant 44 : index
    %get3A_209 = memref.load %arg4[%get3A_208] : memref<48xf32, #tpu.memory_space<smem>>
    %get3A_210 = arith.constant 45 : index
    %get3A_211 = memref.load %arg4[%get3A_210] : memref<48xf32, #tpu.memory_space<smem>>
    %get3A_212 = arith.constant 46 : index
    %get3A_213 = memref.load %arg4[%get3A_212] : memref<48xf32, #tpu.memory_space<smem>>
    %get3A_214 = arith.constant 47 : index
    %get3A_215 = memref.load %arg4[%get3A_214] : memref<48xf32, #tpu.memory_space<smem>>
    %mul3A_216 = vector.broadcast %get3A_193 : f32 to vector<1568x128xf32>
    %mul3A_217 = arith.mulf %get3A_1, %mul3A_216 : vector<1568x128xf32>
    %mul3A_218 = vector.broadcast %get3A_195 : f32 to vector<1568x128xf32>
    %mul3A_219 = arith.mulf %get3A_4, %mul3A_218 : vector<1568x128xf32>
    %add3A_220 = arith.addf %mul3A_217, %mul3A_219 : vector<1568x128xf32>
    %mul3A_221 = vector.broadcast %get3A_197 : f32 to vector<1568x128xf32>
    %mul3A_222 = arith.mulf %get3A_7, %mul3A_221 : vector<1568x128xf32>
    %add3A_223 = arith.addf %add3A_220, %mul3A_222 : vector<1568x128xf32>
    %add3A_224 = vector.broadcast %get3A_199 : f32 to vector<1568x128xf32>
    %add3A_225 = arith.addf %add3A_223, %add3A_224 : vector<1568x128xf32>
    %mul3A_226 = vector.broadcast %get3A_201 : f32 to vector<1568x128xf32>
    %mul3A_227 = arith.mulf %get3A_1, %mul3A_226 : vector<1568x128xf32>
    %mul3A_228 = vector.broadcast %get3A_203 : f32 to vector<1568x128xf32>
    %mul3A_229 = arith.mulf %get3A_4, %mul3A_228 : vector<1568x128xf32>
    %add3A_230 = arith.addf %mul3A_227, %mul3A_229 : vector<1568x128xf32>
    %mul3A_231 = vector.broadcast %get3A_205 : f32 to vector<1568x128xf32>
    %mul3A_232 = arith.mulf %get3A_7, %mul3A_231 : vector<1568x128xf32>
    %add3A_233 = arith.addf %add3A_230, %mul3A_232 : vector<1568x128xf32>
    %add3A_234 = vector.broadcast %get3A_207 : f32 to vector<1568x128xf32>
    %add3A_235 = arith.addf %add3A_233, %add3A_234 : vector<1568x128xf32>
    %mul3A_236 = vector.broadcast %get3A_209 : f32 to vector<1568x128xf32>
    %mul3A_237 = arith.mulf %get3A_1, %mul3A_236 : vector<1568x128xf32>
    %mul3A_238 = vector.broadcast %get3A_211 : f32 to vector<1568x128xf32>
    %mul3A_239 = arith.mulf %get3A_4, %mul3A_238 : vector<1568x128xf32>
    %add3A_240 = arith.addf %mul3A_237, %mul3A_239 : vector<1568x128xf32>
    %mul3A_241 = vector.broadcast %get3A_213 : f32 to vector<1568x128xf32>
    %mul3A_242 = arith.mulf %get3A_7, %mul3A_241 : vector<1568x128xf32>
    %add3A_243 = arith.addf %add3A_240, %mul3A_242 : vector<1568x128xf32>
    %add3A_244 = vector.broadcast %get3A_215 : f32 to vector<1568x128xf32>
    %add3A_245 = arith.addf %add3A_243, %add3A_244 : vector<1568x128xf32>
    %eq3A_246 = arith.constant 3 : i32
    %eq3A_247 = vector.broadcast %eq3A_246 : i32 to vector<1568x128xi32>
    %eq3A_248 = arith.cmpi eq, %get3A_10, %eq3A_247 : vector<1568x128xi32>
    %select_n3A_249 = arith.select %eq3A_248, %add3A_225, %select_n3A_189 : vector<1568x128xi1>, vector<1568x128xf32>
    %select_n3A_250 = arith.select %eq3A_248, %add3A_235, %select_n3A_190 : vector<1568x128xi1>, vector<1568x128xf32>
    %select_n3A_251 = arith.select %eq3A_248, %add3A_245, %select_n3A_191 : vector<1568x128xi1>, vector<1568x128xf32>
    %abs3A = math.absf %select_n3A_251 : vector<1568x128xf32>
    %add3A_252 = arith.constant 9.99999997E-7 : f32
    %add3A_253 = vector.broadcast %add3A_252 : f32 to vector<1568x128xf32>
    %add3A_254 = arith.addf %abs3A, %add3A_253 : vector<1568x128xf32>
    %div3A = arith.divf %select_n3A_249, %add3A_254 : vector<1568x128xf32>
    %tanh3A = math.tanh %div3A : vector<1568x128xf32>
    %div3A_255 = arith.divf %select_n3A_250, %add3A_254 : vector<1568x128xf32>
    %tanh3A_256 = math.tanh %div3A_255 : vector<1568x128xf32>
    %mul3A_257 = arith.constant 5.000000e-01 : f32
    %mul3A_258 = vector.broadcast %mul3A_257 : f32 to vector<1568x128xf32>
    %mul3A_259 = arith.mulf %tanh3A, %mul3A_258 : vector<1568x128xf32>
    %add3A_260 = arith.constant 5.000000e-01 : f32
    %add3A_261 = vector.broadcast %add3A_260 : f32 to vector<1568x128xf32>
    %add3A_262 = arith.addf %mul3A_259, %add3A_261 : vector<1568x128xf32>
    %mul3A_263 = arith.constant 2.560000e+02 : f32
    %mul3A_264 = vector.broadcast %mul3A_263 : f32 to vector<1568x128xf32>
    %mul3A_265 = arith.mulf %add3A_262, %mul3A_264 : vector<1568x128xf32>
    %floor3A = math.floor %mul3A_265 : vector<1568x128xf32>
    %jit3A = arith.constant 0 : i32
    %jit3A_266 = arith.constant 255 : i32
    %convert_element_type3A = arith.sitofp %jit3A : i32 to f32
    %max3A = vector.broadcast %convert_element_type3A : f32 to vector<1568x128xf32>
    %max3A_267 = arith.maximumf %max3A, %floor3A : vector<1568x128xf32>
    %convert_element_type3A_268 = arith.sitofp %jit3A_266 : i32 to f32
    %min3A = vector.broadcast %convert_element_type3A_268 : f32 to vector<1568x128xf32>
    %min3A_269 = arith.minimumf %min3A, %max3A_267 : vector<1568x128xf32>
    %convert_element_type3A_270 = arith.fptosi %min3A_269 : vector<1568x128xf32> to vector<1568x128xi32>
    %mul3A_271 = arith.constant 5.000000e-01 : f32
    %mul3A_272 = vector.broadcast %mul3A_271 : f32 to vector<1568x128xf32>
    %mul3A_273 = arith.mulf %tanh3A_256, %mul3A_272 : vector<1568x128xf32>
    %add3A_274 = arith.constant 5.000000e-01 : f32
    %add3A_275 = vector.broadcast %add3A_274 : f32 to vector<1568x128xf32>
    %add3A_276 = arith.addf %mul3A_273, %add3A_275 : vector<1568x128xf32>
    %mul3A_277 = arith.constant 2.560000e+02 : f32
    %mul3A_278 = vector.broadcast %mul3A_277 : f32 to vector<1568x128xf32>
    %mul3A_279 = arith.mulf %add3A_276, %mul3A_278 : vector<1568x128xf32>
    %floor3A_280 = math.floor %mul3A_279 : vector<1568x128xf32>
    %jit3A_281 = arith.constant 0 : i32
    %jit3A_282 = arith.constant 255 : i32
    %convert_element_type3A_283 = arith.sitofp %jit3A_281 : i32 to f32
    %max3A_284 = vector.broadcast %convert_element_type3A_283 : f32 to vector<1568x128xf32>
    %max3A_285 = arith.maximumf %max3A_284, %floor3A_280 : vector<1568x128xf32>
    %convert_element_type3A_286 = arith.sitofp %jit3A_282 : i32 to f32
    %min3A_287 = vector.broadcast %convert_element_type3A_286 : f32 to vector<1568x128xf32>
    %min3A_288 = arith.minimumf %min3A_287, %max3A_285 : vector<1568x128xf32>
    %convert_element_type3A_289 = arith.fptosi %min3A_288 : vector<1568x128xf32> to vector<1568x128xi32>
    %mul3A_290 = arith.constant 65536 : i32
    %mul3A_291 = vector.broadcast %mul3A_290 : i32 to vector<1568x128xi32>
    %mul3A_292 = arith.muli %get3A_10, %mul3A_291 : vector<1568x128xi32>
    %mul3A_293 = arith.constant 256 : i32
    %mul3A_294 = vector.broadcast %mul3A_293 : i32 to vector<1568x128xi32>
    %mul3A_295 = arith.muli %convert_element_type3A_289, %mul3A_294 : vector<1568x128xi32>
    %add3A_296 = arith.addi %mul3A_292, %mul3A_295 : vector<1568x128xi32>
    %add3A_297 = arith.addi %add3A_296, %convert_element_type3A_270 : vector<1568x128xi32>
    %ge3A = arith.constant 4 : i32
    %ge3A_298 = vector.broadcast %ge3A : i32 to vector<1568x128xi32>
    %ge3A_299 = arith.cmpi sge, %get3A_10, %ge3A_298 : vector<1568x128xi32>
    %jit3A_300 = arith.constant 262144 : i32
    %broadcast_in_dim3A_301 = vector.broadcast %jit3A_300 : i32 to vector<1568x128xi32>
    %select_n3A_302 = arith.select %ge3A_299, %broadcast_in_dim3A_301, %add3A_297 : vector<1568x128xi1>, vector<1568x128xi32>
    %swap3A = arith.constant 0 : index
    %swap3A_303 = arith.constant 0 : index
    %swap3A_304 = vector.load %arg5[%swap3A, %swap3A_303] : memref<1568x128xi32, #tpu.memory_space<vmem>>, vector<1568x128xi32>
    tpu.vector_store %arg5[%swap3A, %swap3A_303], %select_n3A_302 {strides = array<i32>} : memref<1568x128xi32, #tpu.memory_space<vmem>>, vector<1568x128xi32>,
    return
  }
}

module attributes {stable_mosaic.version = 14 : i64} {
  func.func @_mlp_body(%arg0: i32, %arg1: memref<8192x128xf32, #tpu.memory_space<vmem>>, %arg2: memref<1x1x8192xi32, #tpu.memory_space<vmem>>, %arg3: memref<128x32xf32, #tpu.memory_space<vmem>>, %arg4: memref<1x32xf32, #tpu.memory_space<vmem>>, %arg5: memref<32x128xf32, #tpu.memory_space<vmem>>, %arg6: memref<1x128xf32, #tpu.memory_space<vmem>>, %arg7: memref<128x128xf32, #tpu.memory_space<vmem>>, %arg8: memref<1x128xf32, #tpu.memory_space<vmem>>, %arg9: memref<128x1xf32, #tpu.memory_space<vmem>>, %arg10: memref<1x128x32x256xf32, #tpu.memory_space<vmem>>) attributes {dimension_semantics = [#tpu.dimension_semantics<arbitrary>], iteration_bounds = array<i64: 8>, scalar_prefetch = 0 : i64, scratch_operands = 0 : i64, tpu.core_type = #tpu.core_type<tc>, window_params = [{transform_indices = @transform_0, window_bounds = array<i64: 8192, 128>}, {transform_indices = @transform_1, window_bounds = array<i64: 1, 1, 8192>}, {pipeline_mode = #tpu.pipeline_mode<synchronous>, transform_indices = @transform_2, window_bounds = array<i64: 128, 32>}, {pipeline_mode = #tpu.pipeline_mode<synchronous>, transform_indices = @transform_3, window_bounds = array<i64: 1, 32>}, {pipeline_mode = #tpu.pipeline_mode<synchronous>, transform_indices = @transform_4, window_bounds = array<i64: 32, 128>}, {pipeline_mode = #tpu.pipeline_mode<synchronous>, transform_indices = @transform_5, window_bounds = array<i64: 1, 128>}, {pipeline_mode = #tpu.pipeline_mode<synchronous>, transform_indices = @transform_6, window_bounds = array<i64: 128, 128>}, {pipeline_mode = #tpu.pipeline_mode<synchronous>, transform_indices = @transform_7, window_bounds = array<i64: 1, 128>}, {pipeline_mode = #tpu.pipeline_mode<synchronous>, transform_indices = @transform_8, window_bounds = array<i64: 128, 1>}, {transform_indices = @transform_9, window_bounds = array<i64: 1, 128, 32, 256>}]} {
    %get3A = arith.constant 0 : index
    %get3A_0 = arith.constant 0 : index
    %get3A_1 = vector.load %arg1[%get3A, %get3A_0] : memref<8192x128xf32, #tpu.memory_space<vmem>>, vector<8192x128xf32>
    %get3A_2 = arith.constant 0 : index
    %get3A_3 = arith.constant 0 : index
    %get3A_4 = vector.load %arg3[%get3A_2, %get3A_3] : memref<128x32xf32, #tpu.memory_space<vmem>>, vector<128x32xf32>
    %dot_general3A = arith.constant dense<0.000000e+00> : vector<8192x32xf32>
    %dot_general3A_5 = tpu.matmul %get3A_1, %get3A_4, %dot_general3A {dimension_numbers = #tpu.dot_dimension_numbers<[1], [0], [0], [1], [0, 0, 1, 1], [], []>, transpose_lhs_hint = false} : vector<8192x128xf32>, vector<128x32xf32>, vector<8192x32xf32> -> vector<8192x32xf32>
    %get3A_6 = arith.constant 0 : index
    %get3A_7 = arith.constant 0 : index
    %get3A_8 = vector.load %arg4[%get3A_6, %get3A_7] : memref<1x32xf32, #tpu.memory_space<vmem>>, vector<1x32xf32>
    %add3A = vector.broadcast %get3A_8 : vector<1x32xf32> to vector<8192x32xf32>
    %add3A_9 = arith.addf %dot_general3A_5, %add3A : vector<8192x32xf32>
    %max3A = arith.constant 0.000000e+00 : f32
    %max3A_10 = vector.broadcast %max3A : f32 to vector<8192x32xf32>
    %max3A_11 = arith.maximumf %add3A_9, %max3A_10 : vector<8192x32xf32>
    %get3A_12 = arith.constant 0 : index
    %get3A_13 = arith.constant 0 : index
    %get3A_14 = vector.load %arg5[%get3A_12, %get3A_13] : memref<32x128xf32, #tpu.memory_space<vmem>>, vector<32x128xf32>
    %dot_general3A_15 = arith.constant dense<0.000000e+00> : vector<8192x128xf32>
    %dot_general3A_16 = tpu.matmul %max3A_11, %get3A_14, %dot_general3A_15 {dimension_numbers = #tpu.dot_dimension_numbers<[1], [0], [0], [1], [0, 0, 1, 1], [], []>, transpose_lhs_hint = false} : vector<8192x32xf32>, vector<32x128xf32>, vector<8192x128xf32> -> vector<8192x128xf32>
    %get3A_17 = arith.constant 0 : index
    %get3A_18 = arith.constant 0 : index
    %get3A_19 = vector.load %arg6[%get3A_17, %get3A_18] : memref<1x128xf32, #tpu.memory_space<vmem>>, vector<1x128xf32>
    %add3A_20 = vector.broadcast %get3A_19 : vector<1x128xf32> to vector<8192x128xf32>
    %add3A_21 = arith.addf %dot_general3A_16, %add3A_20 : vector<8192x128xf32>
    %max3A_22 = arith.constant 0.000000e+00 : f32
    %max3A_23 = vector.broadcast %max3A_22 : f32 to vector<8192x128xf32>
    %max3A_24 = arith.maximumf %add3A_21, %max3A_23 : vector<8192x128xf32>
    %get3A_25 = arith.constant 0 : index
    %get3A_26 = arith.constant 0 : index
    %get3A_27 = vector.load %arg7[%get3A_25, %get3A_26] : memref<128x128xf32, #tpu.memory_space<vmem>>, vector<128x128xf32>
    %dot_general3A_28 = arith.constant dense<0.000000e+00> : vector<8192x128xf32>
    %dot_general3A_29 = tpu.matmul %max3A_24, %get3A_27, %dot_general3A_28 {dimension_numbers = #tpu.dot_dimension_numbers<[1], [0], [0], [1], [0, 0, 1, 1], [], []>, transpose_lhs_hint = false} : vector<8192x128xf32>, vector<128x128xf32>, vector<8192x128xf32> -> vector<8192x128xf32>
    %get3A_30 = arith.constant 0 : index
    %get3A_31 = arith.constant 0 : index
    %get3A_32 = vector.load %arg8[%get3A_30, %get3A_31] : memref<1x128xf32, #tpu.memory_space<vmem>>, vector<1x128xf32>
    %add3A_33 = vector.broadcast %get3A_32 : vector<1x128xf32> to vector<8192x128xf32>
    %add3A_34 = arith.addf %dot_general3A_29, %add3A_33 : vector<8192x128xf32>
    %transpose3A = tpu.transpose %add3A_34, [1, 0] : vector<8192x128xf32> -> vector<128x8192xf32>
    %get3A_35 = arith.constant 0 : index
    %get3A_36 = arith.constant 0 : index
    %get3A_37 = arith.constant 0 : index
    %get3A_38 = vector.load %arg2[%get3A_35, %get3A_36, %get3A_37] : memref<1x1x8192xi32, #tpu.memory_space<vmem>>, vector<1x1x8192xi32>
    %get3A_39 = vector.shape_cast %get3A_38 : vector<1x1x8192xi32> to vector<1x8192xi32>
    %ge3A = arith.constant 0 : i32
    %ge3A_40 = vector.broadcast %ge3A : i32 to vector<1x8192xi32>
    %ge3A_41 = arith.cmpi sge, %get3A_39, %ge3A_40 : vector<1x8192xi32>
    %get3A_42 = arith.constant 0 : index
    %get3A_43 = arith.constant 0 : index
    %get3A_44 = vector.load %arg9[%get3A_42, %get3A_43] : memref<128x1xf32, #tpu.memory_space<vmem>>, vector<128x1xf32>
    %broadcast_in_dim3A = vector.shape_cast %ge3A_41 : vector<1x8192xi1> to vector<1x8192xi1>
    %broadcast_in_dim3A_45 = vector.broadcast %broadcast_in_dim3A : vector<1x8192xi1> to vector<128x8192xi1>
    %broadcast_in_dim3A_46 = vector.shape_cast %get3A_44 : vector<128x1xf32> to vector<128x1xf32>
    %broadcast_in_dim3A_47 = vector.broadcast %broadcast_in_dim3A_46 : vector<128x1xf32> to vector<128x8192xf32>
    %select_n3A = arith.select %broadcast_in_dim3A_45, %transpose3A, %broadcast_in_dim3A_47 : vector<128x8192xi1>, vector<128x8192xf32>
    %reshape3A = vector.shape_cast %select_n3A : vector<128x8192xf32> to vector<128x32x256xf32>
    %swap3A = arith.constant 0 : index
    %swap3A_48 = arith.constant 0 : index
    %swap3A_49 = arith.constant 0 : index
    %swap3A_50 = arith.constant 0 : index
    %swap3A_51 = vector.load %arg10[%swap3A, %swap3A_48, %swap3A_49, %swap3A_50] : memref<1x128x32x256xf32, #tpu.memory_space<vmem>>, vector<1x128x32x256xf32>
    %swap3A_52 = vector.shape_cast %swap3A_51 : vector<1x128x32x256xf32> to vector<128x32x256xf32>
    %swap3A_53 = vector.shape_cast %reshape3A : vector<128x32x256xf32> to vector<1x128x32x256xf32>
    tpu.vector_store %arg10[%swap3A, %swap3A_48, %swap3A_49, %swap3A_50], %swap3A_53 {strides = array<i32>} : memref<1x128x32x256xf32, #tpu.memory_space<vmem>>, vector<1x128x32x256xf32>,
    return
  }
  func.func @transform_0(%arg0: i32) -> (i32, i32) {
    %c0_i32 = arith.constant 0 : i32
    %c0_i32_0 = arith.constant 0 : i32
    return %arg0, %c0_i32 : i32, i32
  }
  func.func @transform_1(%arg0: i32) -> (i32, i32, i32) {
    %c0_i32 = arith.constant 0 : i32
    %c0_i32_0 = arith.constant 0 : i32
    %c0_i32_1 = arith.constant 0 : i32
    return %arg0, %c0_i32, %c0_i32_0 : i32, i32, i32
  }
  func.func @transform_2(%arg0: i32) -> (i32, i32) {
    %c0_i32 = arith.constant 0 : i32
    %c0_i32_0 = arith.constant 0 : i32
    %c0_i32_1 = arith.constant 0 : i32
    return %c0_i32, %c0_i32_0 : i32, i32
  }
  func.func @transform_3(%arg0: i32) -> (i32, i32) {
    %c0_i32 = arith.constant 0 : i32
    %c0_i32_0 = arith.constant 0 : i32
    %c0_i32_1 = arith.constant 0 : i32
    return %c0_i32, %c0_i32_0 : i32, i32
  }
  func.func @transform_4(%arg0: i32) -> (i32, i32) {
    %c0_i32 = arith.constant 0 : i32
    %c0_i32_0 = arith.constant 0 : i32
    %c0_i32_1 = arith.constant 0 : i32
    return %c0_i32, %c0_i32_0 : i32, i32
  }
  func.func @transform_5(%arg0: i32) -> (i32, i32) {
    %c0_i32 = arith.constant 0 : i32
    %c0_i32_0 = arith.constant 0 : i32
    %c0_i32_1 = arith.constant 0 : i32
    return %c0_i32, %c0_i32_0 : i32, i32
  }
  func.func @transform_6(%arg0: i32) -> (i32, i32) {
    %c0_i32 = arith.constant 0 : i32
    %c0_i32_0 = arith.constant 0 : i32
    %c0_i32_1 = arith.constant 0 : i32
    return %c0_i32, %c0_i32_0 : i32, i32
  }
  func.func @transform_7(%arg0: i32) -> (i32, i32) {
    %c0_i32 = arith.constant 0 : i32
    %c0_i32_0 = arith.constant 0 : i32
    %c0_i32_1 = arith.constant 0 : i32
    return %c0_i32, %c0_i32_0 : i32, i32
  }
  func.func @transform_8(%arg0: i32) -> (i32, i32) {
    %c0_i32 = arith.constant 0 : i32
    %c0_i32_0 = arith.constant 0 : i32
    %c0_i32_1 = arith.constant 0 : i32
    return %c0_i32, %c0_i32_0 : i32, i32
  }
  func.func @transform_9(%arg0: i32) -> (i32, i32, i32, i32) {
    %c0_i32 = arith.constant 0 : i32
    %c0_i32_0 = arith.constant 0 : i32
    %c0_i32_1 = arith.constant 0 : i32
    %c0_i32_2 = arith.constant 0 : i32
    return %c0_i32, %c0_i32_0, %arg0, %c0_i32_1 : i32, i32, i32, i32
  }
}

module attributes {stable_mosaic.version = 14 : i64} {
  func.func @_mlp_body(%arg0: i32, %arg1: memref<8192x128xf32, #tpu.memory_space<vmem>>, %arg2: memref<1x1x8192xi32, #tpu.memory_space<vmem>>, %arg3: memref<128x32xf32, #tpu.memory_space<vmem>>, %arg4: memref<1x32xf32, #tpu.memory_space<vmem>>, %arg5: memref<32x128xf32, #tpu.memory_space<vmem>>, %arg6: memref<1x128xf32, #tpu.memory_space<vmem>>, %arg7: memref<128x128xf32, #tpu.memory_space<vmem>>, %arg8: memref<1x128xf32, #tpu.memory_space<vmem>>, %arg9: memref<128x1xf32, #tpu.memory_space<vmem>>, %arg10: memref<4x128x256x256xf32, #tpu.memory_space<any>>, %arg11: memref<1x128x32x256xf32, #tpu.memory_space<vmem>>) attributes {dimension_semantics = [#tpu.dimension_semantics<arbitrary>], iteration_bounds = array<i64: 8>, scalar_prefetch = 0 : i64, scratch_operands = 0 : i64, tpu.core_type = #tpu.core_type<tc>, window_params = [{transform_indices = @transform_0, window_bounds = array<i64: 8192, 128>}, {transform_indices = @transform_1, window_bounds = array<i64: 1, 1, 8192>}, {pipeline_mode = #tpu.pipeline_mode<synchronous>, transform_indices = @transform_2, window_bounds = array<i64: 128, 32>}, {pipeline_mode = #tpu.pipeline_mode<synchronous>, transform_indices = @transform_3, window_bounds = array<i64: 1, 32>}, {pipeline_mode = #tpu.pipeline_mode<synchronous>, transform_indices = @transform_4, window_bounds = array<i64: 32, 128>}, {pipeline_mode = #tpu.pipeline_mode<synchronous>, transform_indices = @transform_5, window_bounds = array<i64: 1, 128>}, {pipeline_mode = #tpu.pipeline_mode<synchronous>, transform_indices = @transform_6, window_bounds = array<i64: 128, 128>}, {pipeline_mode = #tpu.pipeline_mode<synchronous>, transform_indices = @transform_7, window_bounds = array<i64: 1, 128>}, {pipeline_mode = #tpu.pipeline_mode<synchronous>, transform_indices = @transform_8, window_bounds = array<i64: 128, 1>}, {}, {transform_indices = @transform_10, window_bounds = array<i64: 1, 128, 32, 256>}]} {
    %get3A = arith.constant 0 : index
    %get3A_0 = arith.constant 0 : index
    %get3A_1 = vector.load %arg1[%get3A, %get3A_0] : memref<8192x128xf32, #tpu.memory_space<vmem>>, vector<8192x128xf32>
    %get3A_2 = arith.constant 0 : index
    %get3A_3 = arith.constant 0 : index
    %get3A_4 = vector.load %arg3[%get3A_2, %get3A_3] : memref<128x32xf32, #tpu.memory_space<vmem>>, vector<128x32xf32>
    %dot_general3A = arith.constant dense<0.000000e+00> : vector<8192x32xf32>
    %dot_general3A_5 = tpu.matmul %get3A_1, %get3A_4, %dot_general3A {dimension_numbers = #tpu.dot_dimension_numbers<[1], [0], [0], [1], [0, 0, 1, 1], [], []>, transpose_lhs_hint = false} : vector<8192x128xf32>, vector<128x32xf32>, vector<8192x32xf32> -> vector<8192x32xf32>
    %get3A_6 = arith.constant 0 : index
    %get3A_7 = arith.constant 0 : index
    %get3A_8 = vector.load %arg4[%get3A_6, %get3A_7] : memref<1x32xf32, #tpu.memory_space<vmem>>, vector<1x32xf32>
    %add3A = vector.broadcast %get3A_8 : vector<1x32xf32> to vector<8192x32xf32>
    %add3A_9 = arith.addf %dot_general3A_5, %add3A : vector<8192x32xf32>
    %max3A = arith.constant 0.000000e+00 : f32
    %max3A_10 = vector.broadcast %max3A : f32 to vector<8192x32xf32>
    %max3A_11 = arith.maximumf %add3A_9, %max3A_10 : vector<8192x32xf32>
    %get3A_12 = arith.constant 0 : index
    %get3A_13 = arith.constant 0 : index
    %get3A_14 = vector.load %arg5[%get3A_12, %get3A_13] : memref<32x128xf32, #tpu.memory_space<vmem>>, vector<32x128xf32>
    %dot_general3A_15 = arith.constant dense<0.000000e+00> : vector<8192x128xf32>
    %dot_general3A_16 = tpu.matmul %max3A_11, %get3A_14, %dot_general3A_15 {dimension_numbers = #tpu.dot_dimension_numbers<[1], [0], [0], [1], [0, 0, 1, 1], [], []>, transpose_lhs_hint = false} : vector<8192x32xf32>, vector<32x128xf32>, vector<8192x128xf32> -> vector<8192x128xf32>
    %get3A_17 = arith.constant 0 : index
    %get3A_18 = arith.constant 0 : index
    %get3A_19 = vector.load %arg6[%get3A_17, %get3A_18] : memref<1x128xf32, #tpu.memory_space<vmem>>, vector<1x128xf32>
    %add3A_20 = vector.broadcast %get3A_19 : vector<1x128xf32> to vector<8192x128xf32>
    %add3A_21 = arith.addf %dot_general3A_16, %add3A_20 : vector<8192x128xf32>
    %max3A_22 = arith.constant 0.000000e+00 : f32
    %max3A_23 = vector.broadcast %max3A_22 : f32 to vector<8192x128xf32>
    %max3A_24 = arith.maximumf %add3A_21, %max3A_23 : vector<8192x128xf32>
    %get3A_25 = arith.constant 0 : index
    %get3A_26 = arith.constant 0 : index
    %get3A_27 = vector.load %arg7[%get3A_25, %get3A_26] : memref<128x128xf32, #tpu.memory_space<vmem>>, vector<128x128xf32>
    %dot_general3A_28 = arith.constant dense<0.000000e+00> : vector<8192x128xf32>
    %dot_general3A_29 = tpu.matmul %max3A_24, %get3A_27, %dot_general3A_28 {dimension_numbers = #tpu.dot_dimension_numbers<[1], [0], [0], [1], [0, 0, 1, 1], [], []>, transpose_lhs_hint = false} : vector<8192x128xf32>, vector<128x128xf32>, vector<8192x128xf32> -> vector<8192x128xf32>
    %get3A_30 = arith.constant 0 : index
    %get3A_31 = arith.constant 0 : index
    %get3A_32 = vector.load %arg8[%get3A_30, %get3A_31] : memref<1x128xf32, #tpu.memory_space<vmem>>, vector<1x128xf32>
    %add3A_33 = vector.broadcast %get3A_32 : vector<1x128xf32> to vector<8192x128xf32>
    %add3A_34 = arith.addf %dot_general3A_29, %add3A_33 : vector<8192x128xf32>
    %transpose3A = tpu.transpose %add3A_34, [1, 0] : vector<8192x128xf32> -> vector<128x8192xf32>
    %get3A_35 = arith.constant 0 : index
    %get3A_36 = arith.constant 0 : index
    %get3A_37 = arith.constant 0 : index
    %get3A_38 = vector.load %arg2[%get3A_35, %get3A_36, %get3A_37] : memref<1x1x8192xi32, #tpu.memory_space<vmem>>, vector<1x1x8192xi32>
    %get3A_39 = vector.shape_cast %get3A_38 : vector<1x1x8192xi32> to vector<1x8192xi32>
    %ge3A = arith.constant 0 : i32
    %ge3A_40 = vector.broadcast %ge3A : i32 to vector<1x8192xi32>
    %ge3A_41 = arith.cmpi sge, %get3A_39, %ge3A_40 : vector<1x8192xi32>
    %get3A_42 = arith.constant 0 : index
    %get3A_43 = arith.constant 0 : index
    %get3A_44 = vector.load %arg9[%get3A_42, %get3A_43] : memref<128x1xf32, #tpu.memory_space<vmem>>, vector<128x1xf32>
    %broadcast_in_dim3A = vector.shape_cast %ge3A_41 : vector<1x8192xi1> to vector<1x8192xi1>
    %broadcast_in_dim3A_45 = vector.broadcast %broadcast_in_dim3A : vector<1x8192xi1> to vector<128x8192xi1>
    %broadcast_in_dim3A_46 = vector.shape_cast %get3A_44 : vector<128x1xf32> to vector<128x1xf32>
    %broadcast_in_dim3A_47 = vector.broadcast %broadcast_in_dim3A_46 : vector<128x1xf32> to vector<128x8192xf32>
    %select_n3A = arith.select %broadcast_in_dim3A_45, %transpose3A, %broadcast_in_dim3A_47 : vector<128x8192xi1>, vector<128x8192xf32>
    %reshape3A = vector.shape_cast %select_n3A : vector<128x8192xf32> to vector<128x32x256xf32>
    %swap3A = arith.constant 0 : index
    %swap3A_48 = arith.constant 0 : index
    %swap3A_49 = arith.constant 0 : index
    %swap3A_50 = arith.constant 0 : index
    %swap3A_51 = vector.load %arg11[%swap3A, %swap3A_48, %swap3A_49, %swap3A_50] : memref<1x128x32x256xf32, #tpu.memory_space<vmem>>, vector<1x128x32x256xf32>
    %swap3A_52 = vector.shape_cast %swap3A_51 : vector<1x128x32x256xf32> to vector<128x32x256xf32>
    %swap3A_53 = vector.shape_cast %reshape3A : vector<128x32x256xf32> to vector<1x128x32x256xf32>
    tpu.vector_store %arg11[%swap3A, %swap3A_48, %swap3A_49, %swap3A_50], %swap3A_53 {strides = array<i32>} : memref<1x128x32x256xf32, #tpu.memory_space<vmem>>, vector<1x128x32x256xf32>,
    return
  }
  func.func @transform_0(%arg0: i32) -> (i32, i32) {
    %c0_i32 = arith.constant 0 : i32
    %c0_i32_0 = arith.constant 0 : i32
    return %arg0, %c0_i32 : i32, i32
  }
  func.func @transform_1(%arg0: i32) -> (i32, i32, i32) {
    %c0_i32 = arith.constant 0 : i32
    %c0_i32_0 = arith.constant 0 : i32
    %c0_i32_1 = arith.constant 0 : i32
    return %arg0, %c0_i32, %c0_i32_0 : i32, i32, i32
  }
  func.func @transform_2(%arg0: i32) -> (i32, i32) {
    %c0_i32 = arith.constant 0 : i32
    %c0_i32_0 = arith.constant 0 : i32
    %c0_i32_1 = arith.constant 0 : i32
    return %c0_i32, %c0_i32_0 : i32, i32
  }
  func.func @transform_3(%arg0: i32) -> (i32, i32) {
    %c0_i32 = arith.constant 0 : i32
    %c0_i32_0 = arith.constant 0 : i32
    %c0_i32_1 = arith.constant 0 : i32
    return %c0_i32, %c0_i32_0 : i32, i32
  }
  func.func @transform_4(%arg0: i32) -> (i32, i32) {
    %c0_i32 = arith.constant 0 : i32
    %c0_i32_0 = arith.constant 0 : i32
    %c0_i32_1 = arith.constant 0 : i32
    return %c0_i32, %c0_i32_0 : i32, i32
  }
  func.func @transform_5(%arg0: i32) -> (i32, i32) {
    %c0_i32 = arith.constant 0 : i32
    %c0_i32_0 = arith.constant 0 : i32
    %c0_i32_1 = arith.constant 0 : i32
    return %c0_i32, %c0_i32_0 : i32, i32
  }
  func.func @transform_6(%arg0: i32) -> (i32, i32) {
    %c0_i32 = arith.constant 0 : i32
    %c0_i32_0 = arith.constant 0 : i32
    %c0_i32_1 = arith.constant 0 : i32
    return %c0_i32, %c0_i32_0 : i32, i32
  }
  func.func @transform_7(%arg0: i32) -> (i32, i32) {
    %c0_i32 = arith.constant 0 : i32
    %c0_i32_0 = arith.constant 0 : i32
    %c0_i32_1 = arith.constant 0 : i32
    return %c0_i32, %c0_i32_0 : i32, i32
  }
  func.func @transform_8(%arg0: i32) -> (i32, i32) {
    %c0_i32 = arith.constant 0 : i32
    %c0_i32_0 = arith.constant 0 : i32
    %c0_i32_1 = arith.constant 0 : i32
    return %c0_i32, %c0_i32_0 : i32, i32
  }
  func.func @transform_10(%arg0: i32) -> (i32, i32, i32, i32) {
    %c1_i32 = arith.constant 1 : i32
    %c0_i32 = arith.constant 0 : i32
    %c0_i32_0 = arith.constant 0 : i32
    %c0_i32_1 = arith.constant 0 : i32
    return %c1_i32, %c0_i32, %arg0, %c0_i32_0 : i32, i32, i32, i32
  }
}

module attributes {stable_mosaic.version = 14 : i64} {
  func.func @_mlp_body(%arg0: i32, %arg1: memref<8192x128xf32, #tpu.memory_space<vmem>>, %arg2: memref<1x1x8192xi32, #tpu.memory_space<vmem>>, %arg3: memref<128x32xf32, #tpu.memory_space<vmem>>, %arg4: memref<1x32xf32, #tpu.memory_space<vmem>>, %arg5: memref<32x128xf32, #tpu.memory_space<vmem>>, %arg6: memref<1x128xf32, #tpu.memory_space<vmem>>, %arg7: memref<128x128xf32, #tpu.memory_space<vmem>>, %arg8: memref<1x128xf32, #tpu.memory_space<vmem>>, %arg9: memref<128x1xf32, #tpu.memory_space<vmem>>, %arg10: memref<4x128x256x256xf32, #tpu.memory_space<any>>, %arg11: memref<1x128x32x256xf32, #tpu.memory_space<vmem>>) attributes {dimension_semantics = [#tpu.dimension_semantics<arbitrary>], iteration_bounds = array<i64: 8>, scalar_prefetch = 0 : i64, scratch_operands = 0 : i64, tpu.core_type = #tpu.core_type<tc>, window_params = [{transform_indices = @transform_0, window_bounds = array<i64: 8192, 128>}, {transform_indices = @transform_1, window_bounds = array<i64: 1, 1, 8192>}, {pipeline_mode = #tpu.pipeline_mode<synchronous>, transform_indices = @transform_2, window_bounds = array<i64: 128, 32>}, {pipeline_mode = #tpu.pipeline_mode<synchronous>, transform_indices = @transform_3, window_bounds = array<i64: 1, 32>}, {pipeline_mode = #tpu.pipeline_mode<synchronous>, transform_indices = @transform_4, window_bounds = array<i64: 32, 128>}, {pipeline_mode = #tpu.pipeline_mode<synchronous>, transform_indices = @transform_5, window_bounds = array<i64: 1, 128>}, {pipeline_mode = #tpu.pipeline_mode<synchronous>, transform_indices = @transform_6, window_bounds = array<i64: 128, 128>}, {pipeline_mode = #tpu.pipeline_mode<synchronous>, transform_indices = @transform_7, window_bounds = array<i64: 1, 128>}, {pipeline_mode = #tpu.pipeline_mode<synchronous>, transform_indices = @transform_8, window_bounds = array<i64: 128, 1>}, {}, {transform_indices = @transform_10, window_bounds = array<i64: 1, 128, 32, 256>}]} {
    %get3A = arith.constant 0 : index
    %get3A_0 = arith.constant 0 : index
    %get3A_1 = vector.load %arg1[%get3A, %get3A_0] : memref<8192x128xf32, #tpu.memory_space<vmem>>, vector<8192x128xf32>
    %get3A_2 = arith.constant 0 : index
    %get3A_3 = arith.constant 0 : index
    %get3A_4 = vector.load %arg3[%get3A_2, %get3A_3] : memref<128x32xf32, #tpu.memory_space<vmem>>, vector<128x32xf32>
    %dot_general3A = arith.constant dense<0.000000e+00> : vector<8192x32xf32>
    %dot_general3A_5 = tpu.matmul %get3A_1, %get3A_4, %dot_general3A {dimension_numbers = #tpu.dot_dimension_numbers<[1], [0], [0], [1], [0, 0, 1, 1], [], []>, transpose_lhs_hint = false} : vector<8192x128xf32>, vector<128x32xf32>, vector<8192x32xf32> -> vector<8192x32xf32>
    %get3A_6 = arith.constant 0 : index
    %get3A_7 = arith.constant 0 : index
    %get3A_8 = vector.load %arg4[%get3A_6, %get3A_7] : memref<1x32xf32, #tpu.memory_space<vmem>>, vector<1x32xf32>
    %add3A = vector.broadcast %get3A_8 : vector<1x32xf32> to vector<8192x32xf32>
    %add3A_9 = arith.addf %dot_general3A_5, %add3A : vector<8192x32xf32>
    %max3A = arith.constant 0.000000e+00 : f32
    %max3A_10 = vector.broadcast %max3A : f32 to vector<8192x32xf32>
    %max3A_11 = arith.maximumf %add3A_9, %max3A_10 : vector<8192x32xf32>
    %get3A_12 = arith.constant 0 : index
    %get3A_13 = arith.constant 0 : index
    %get3A_14 = vector.load %arg5[%get3A_12, %get3A_13] : memref<32x128xf32, #tpu.memory_space<vmem>>, vector<32x128xf32>
    %dot_general3A_15 = arith.constant dense<0.000000e+00> : vector<8192x128xf32>
    %dot_general3A_16 = tpu.matmul %max3A_11, %get3A_14, %dot_general3A_15 {dimension_numbers = #tpu.dot_dimension_numbers<[1], [0], [0], [1], [0, 0, 1, 1], [], []>, transpose_lhs_hint = false} : vector<8192x32xf32>, vector<32x128xf32>, vector<8192x128xf32> -> vector<8192x128xf32>
    %get3A_17 = arith.constant 0 : index
    %get3A_18 = arith.constant 0 : index
    %get3A_19 = vector.load %arg6[%get3A_17, %get3A_18] : memref<1x128xf32, #tpu.memory_space<vmem>>, vector<1x128xf32>
    %add3A_20 = vector.broadcast %get3A_19 : vector<1x128xf32> to vector<8192x128xf32>
    %add3A_21 = arith.addf %dot_general3A_16, %add3A_20 : vector<8192x128xf32>
    %max3A_22 = arith.constant 0.000000e+00 : f32
    %max3A_23 = vector.broadcast %max3A_22 : f32 to vector<8192x128xf32>
    %max3A_24 = arith.maximumf %add3A_21, %max3A_23 : vector<8192x128xf32>
    %get3A_25 = arith.constant 0 : index
    %get3A_26 = arith.constant 0 : index
    %get3A_27 = vector.load %arg7[%get3A_25, %get3A_26] : memref<128x128xf32, #tpu.memory_space<vmem>>, vector<128x128xf32>
    %dot_general3A_28 = arith.constant dense<0.000000e+00> : vector<8192x128xf32>
    %dot_general3A_29 = tpu.matmul %max3A_24, %get3A_27, %dot_general3A_28 {dimension_numbers = #tpu.dot_dimension_numbers<[1], [0], [0], [1], [0, 0, 1, 1], [], []>, transpose_lhs_hint = false} : vector<8192x128xf32>, vector<128x128xf32>, vector<8192x128xf32> -> vector<8192x128xf32>
    %get3A_30 = arith.constant 0 : index
    %get3A_31 = arith.constant 0 : index
    %get3A_32 = vector.load %arg8[%get3A_30, %get3A_31] : memref<1x128xf32, #tpu.memory_space<vmem>>, vector<1x128xf32>
    %add3A_33 = vector.broadcast %get3A_32 : vector<1x128xf32> to vector<8192x128xf32>
    %add3A_34 = arith.addf %dot_general3A_29, %add3A_33 : vector<8192x128xf32>
    %transpose3A = tpu.transpose %add3A_34, [1, 0] : vector<8192x128xf32> -> vector<128x8192xf32>
    %get3A_35 = arith.constant 0 : index
    %get3A_36 = arith.constant 0 : index
    %get3A_37 = arith.constant 0 : index
    %get3A_38 = vector.load %arg2[%get3A_35, %get3A_36, %get3A_37] : memref<1x1x8192xi32, #tpu.memory_space<vmem>>, vector<1x1x8192xi32>
    %get3A_39 = vector.shape_cast %get3A_38 : vector<1x1x8192xi32> to vector<1x8192xi32>
    %ge3A = arith.constant 0 : i32
    %ge3A_40 = vector.broadcast %ge3A : i32 to vector<1x8192xi32>
    %ge3A_41 = arith.cmpi sge, %get3A_39, %ge3A_40 : vector<1x8192xi32>
    %get3A_42 = arith.constant 0 : index
    %get3A_43 = arith.constant 0 : index
    %get3A_44 = vector.load %arg9[%get3A_42, %get3A_43] : memref<128x1xf32, #tpu.memory_space<vmem>>, vector<128x1xf32>
    %broadcast_in_dim3A = vector.shape_cast %ge3A_41 : vector<1x8192xi1> to vector<1x8192xi1>
    %broadcast_in_dim3A_45 = vector.broadcast %broadcast_in_dim3A : vector<1x8192xi1> to vector<128x8192xi1>
    %broadcast_in_dim3A_46 = vector.shape_cast %get3A_44 : vector<128x1xf32> to vector<128x1xf32>
    %broadcast_in_dim3A_47 = vector.broadcast %broadcast_in_dim3A_46 : vector<128x1xf32> to vector<128x8192xf32>
    %select_n3A = arith.select %broadcast_in_dim3A_45, %transpose3A, %broadcast_in_dim3A_47 : vector<128x8192xi1>, vector<128x8192xf32>
    %reshape3A = vector.shape_cast %select_n3A : vector<128x8192xf32> to vector<128x32x256xf32>
    %swap3A = arith.constant 0 : index
    %swap3A_48 = arith.constant 0 : index
    %swap3A_49 = arith.constant 0 : index
    %swap3A_50 = arith.constant 0 : index
    %swap3A_51 = vector.load %arg11[%swap3A, %swap3A_48, %swap3A_49, %swap3A_50] : memref<1x128x32x256xf32, #tpu.memory_space<vmem>>, vector<1x128x32x256xf32>
    %swap3A_52 = vector.shape_cast %swap3A_51 : vector<1x128x32x256xf32> to vector<128x32x256xf32>
    %swap3A_53 = vector.shape_cast %reshape3A : vector<128x32x256xf32> to vector<1x128x32x256xf32>
    tpu.vector_store %arg11[%swap3A, %swap3A_48, %swap3A_49, %swap3A_50], %swap3A_53 {strides = array<i32>} : memref<1x128x32x256xf32, #tpu.memory_space<vmem>>, vector<1x128x32x256xf32>,
    return
  }
  func.func @transform_0(%arg0: i32) -> (i32, i32) {
    %c0_i32 = arith.constant 0 : i32
    %c0_i32_0 = arith.constant 0 : i32
    return %arg0, %c0_i32 : i32, i32
  }
  func.func @transform_1(%arg0: i32) -> (i32, i32, i32) {
    %c0_i32 = arith.constant 0 : i32
    %c0_i32_0 = arith.constant 0 : i32
    %c0_i32_1 = arith.constant 0 : i32
    return %arg0, %c0_i32, %c0_i32_0 : i32, i32, i32
  }
  func.func @transform_2(%arg0: i32) -> (i32, i32) {
    %c0_i32 = arith.constant 0 : i32
    %c0_i32_0 = arith.constant 0 : i32
    %c0_i32_1 = arith.constant 0 : i32
    return %c0_i32, %c0_i32_0 : i32, i32
  }
  func.func @transform_3(%arg0: i32) -> (i32, i32) {
    %c0_i32 = arith.constant 0 : i32
    %c0_i32_0 = arith.constant 0 : i32
    %c0_i32_1 = arith.constant 0 : i32
    return %c0_i32, %c0_i32_0 : i32, i32
  }
  func.func @transform_4(%arg0: i32) -> (i32, i32) {
    %c0_i32 = arith.constant 0 : i32
    %c0_i32_0 = arith.constant 0 : i32
    %c0_i32_1 = arith.constant 0 : i32
    return %c0_i32, %c0_i32_0 : i32, i32
  }
  func.func @transform_5(%arg0: i32) -> (i32, i32) {
    %c0_i32 = arith.constant 0 : i32
    %c0_i32_0 = arith.constant 0 : i32
    %c0_i32_1 = arith.constant 0 : i32
    return %c0_i32, %c0_i32_0 : i32, i32
  }
  func.func @transform_6(%arg0: i32) -> (i32, i32) {
    %c0_i32 = arith.constant 0 : i32
    %c0_i32_0 = arith.constant 0 : i32
    %c0_i32_1 = arith.constant 0 : i32
    return %c0_i32, %c0_i32_0 : i32, i32
  }
  func.func @transform_7(%arg0: i32) -> (i32, i32) {
    %c0_i32 = arith.constant 0 : i32
    %c0_i32_0 = arith.constant 0 : i32
    %c0_i32_1 = arith.constant 0 : i32
    return %c0_i32, %c0_i32_0 : i32, i32
  }
  func.func @transform_8(%arg0: i32) -> (i32, i32) {
    %c0_i32 = arith.constant 0 : i32
    %c0_i32_0 = arith.constant 0 : i32
    %c0_i32_1 = arith.constant 0 : i32
    return %c0_i32, %c0_i32_0 : i32, i32
  }
  func.func @transform_10(%arg0: i32) -> (i32, i32, i32, i32) {
    %c2_i32 = arith.constant 2 : i32
    %c0_i32 = arith.constant 0 : i32
    %c0_i32_0 = arith.constant 0 : i32
    %c0_i32_1 = arith.constant 0 : i32
    return %c2_i32, %c0_i32, %arg0, %c0_i32_0 : i32, i32, i32, i32
  }
}

module attributes {stable_mosaic.version = 14 : i64} {
  func.func @_mlp_body(%arg0: i32, %arg1: memref<8192x128xf32, #tpu.memory_space<vmem>>, %arg2: memref<1x1x8192xi32, #tpu.memory_space<vmem>>, %arg3: memref<128x32xf32, #tpu.memory_space<vmem>>, %arg4: memref<1x32xf32, #tpu.memory_space<vmem>>, %arg5: memref<32x128xf32, #tpu.memory_space<vmem>>, %arg6: memref<1x128xf32, #tpu.memory_space<vmem>>, %arg7: memref<128x128xf32, #tpu.memory_space<vmem>>, %arg8: memref<1x128xf32, #tpu.memory_space<vmem>>, %arg9: memref<128x1xf32, #tpu.memory_space<vmem>>, %arg10: memref<4x128x256x256xf32, #tpu.memory_space<any>>, %arg11: memref<1x128x32x256xf32, #tpu.memory_space<vmem>>) attributes {dimension_semantics = [#tpu.dimension_semantics<arbitrary>], iteration_bounds = array<i64: 8>, scalar_prefetch = 0 : i64, scratch_operands = 0 : i64, tpu.core_type = #tpu.core_type<tc>, window_params = [{transform_indices = @transform_0, window_bounds = array<i64: 8192, 128>}, {transform_indices = @transform_1, window_bounds = array<i64: 1, 1, 8192>}, {pipeline_mode = #tpu.pipeline_mode<synchronous>, transform_indices = @transform_2, window_bounds = array<i64: 128, 32>}, {pipeline_mode = #tpu.pipeline_mode<synchronous>, transform_indices = @transform_3, window_bounds = array<i64: 1, 32>}, {pipeline_mode = #tpu.pipeline_mode<synchronous>, transform_indices = @transform_4, window_bounds = array<i64: 32, 128>}, {pipeline_mode = #tpu.pipeline_mode<synchronous>, transform_indices = @transform_5, window_bounds = array<i64: 1, 128>}, {pipeline_mode = #tpu.pipeline_mode<synchronous>, transform_indices = @transform_6, window_bounds = array<i64: 128, 128>}, {pipeline_mode = #tpu.pipeline_mode<synchronous>, transform_indices = @transform_7, window_bounds = array<i64: 1, 128>}, {pipeline_mode = #tpu.pipeline_mode<synchronous>, transform_indices = @transform_8, window_bounds = array<i64: 128, 1>}, {}, {transform_indices = @transform_10, window_bounds = array<i64: 1, 128, 32, 256>}]} {
    %get3A = arith.constant 0 : index
    %get3A_0 = arith.constant 0 : index
    %get3A_1 = vector.load %arg1[%get3A, %get3A_0] : memref<8192x128xf32, #tpu.memory_space<vmem>>, vector<8192x128xf32>
    %get3A_2 = arith.constant 0 : index
    %get3A_3 = arith.constant 0 : index
    %get3A_4 = vector.load %arg3[%get3A_2, %get3A_3] : memref<128x32xf32, #tpu.memory_space<vmem>>, vector<128x32xf32>
    %dot_general3A = arith.constant dense<0.000000e+00> : vector<8192x32xf32>
    %dot_general3A_5 = tpu.matmul %get3A_1, %get3A_4, %dot_general3A {dimension_numbers = #tpu.dot_dimension_numbers<[1], [0], [0], [1], [0, 0, 1, 1], [], []>, transpose_lhs_hint = false} : vector<8192x128xf32>, vector<128x32xf32>, vector<8192x32xf32> -> vector<8192x32xf32>
    %get3A_6 = arith.constant 0 : index
    %get3A_7 = arith.constant 0 : index
    %get3A_8 = vector.load %arg4[%get3A_6, %get3A_7] : memref<1x32xf32, #tpu.memory_space<vmem>>, vector<1x32xf32>
    %add3A = vector.broadcast %get3A_8 : vector<1x32xf32> to vector<8192x32xf32>
    %add3A_9 = arith.addf %dot_general3A_5, %add3A : vector<8192x32xf32>
    %max3A = arith.constant 0.000000e+00 : f32
    %max3A_10 = vector.broadcast %max3A : f32 to vector<8192x32xf32>
    %max3A_11 = arith.maximumf %add3A_9, %max3A_10 : vector<8192x32xf32>
    %get3A_12 = arith.constant 0 : index
    %get3A_13 = arith.constant 0 : index
    %get3A_14 = vector.load %arg5[%get3A_12, %get3A_13] : memref<32x128xf32, #tpu.memory_space<vmem>>, vector<32x128xf32>
    %dot_general3A_15 = arith.constant dense<0.000000e+00> : vector<8192x128xf32>
    %dot_general3A_16 = tpu.matmul %max3A_11, %get3A_14, %dot_general3A_15 {dimension_numbers = #tpu.dot_dimension_numbers<[1], [0], [0], [1], [0, 0, 1, 1], [], []>, transpose_lhs_hint = false} : vector<8192x32xf32>, vector<32x128xf32>, vector<8192x128xf32> -> vector<8192x128xf32>
    %get3A_17 = arith.constant 0 : index
    %get3A_18 = arith.constant 0 : index
    %get3A_19 = vector.load %arg6[%get3A_17, %get3A_18] : memref<1x128xf32, #tpu.memory_space<vmem>>, vector<1x128xf32>
    %add3A_20 = vector.broadcast %get3A_19 : vector<1x128xf32> to vector<8192x128xf32>
    %add3A_21 = arith.addf %dot_general3A_16, %add3A_20 : vector<8192x128xf32>
    %max3A_22 = arith.constant 0.000000e+00 : f32
    %max3A_23 = vector.broadcast %max3A_22 : f32 to vector<8192x128xf32>
    %max3A_24 = arith.maximumf %add3A_21, %max3A_23 : vector<8192x128xf32>
    %get3A_25 = arith.constant 0 : index
    %get3A_26 = arith.constant 0 : index
    %get3A_27 = vector.load %arg7[%get3A_25, %get3A_26] : memref<128x128xf32, #tpu.memory_space<vmem>>, vector<128x128xf32>
    %dot_general3A_28 = arith.constant dense<0.000000e+00> : vector<8192x128xf32>
    %dot_general3A_29 = tpu.matmul %max3A_24, %get3A_27, %dot_general3A_28 {dimension_numbers = #tpu.dot_dimension_numbers<[1], [0], [0], [1], [0, 0, 1, 1], [], []>, transpose_lhs_hint = false} : vector<8192x128xf32>, vector<128x128xf32>, vector<8192x128xf32> -> vector<8192x128xf32>
    %get3A_30 = arith.constant 0 : index
    %get3A_31 = arith.constant 0 : index
    %get3A_32 = vector.load %arg8[%get3A_30, %get3A_31] : memref<1x128xf32, #tpu.memory_space<vmem>>, vector<1x128xf32>
    %add3A_33 = vector.broadcast %get3A_32 : vector<1x128xf32> to vector<8192x128xf32>
    %add3A_34 = arith.addf %dot_general3A_29, %add3A_33 : vector<8192x128xf32>
    %transpose3A = tpu.transpose %add3A_34, [1, 0] : vector<8192x128xf32> -> vector<128x8192xf32>
    %get3A_35 = arith.constant 0 : index
    %get3A_36 = arith.constant 0 : index
    %get3A_37 = arith.constant 0 : index
    %get3A_38 = vector.load %arg2[%get3A_35, %get3A_36, %get3A_37] : memref<1x1x8192xi32, #tpu.memory_space<vmem>>, vector<1x1x8192xi32>
    %get3A_39 = vector.shape_cast %get3A_38 : vector<1x1x8192xi32> to vector<1x8192xi32>
    %ge3A = arith.constant 0 : i32
    %ge3A_40 = vector.broadcast %ge3A : i32 to vector<1x8192xi32>
    %ge3A_41 = arith.cmpi sge, %get3A_39, %ge3A_40 : vector<1x8192xi32>
    %get3A_42 = arith.constant 0 : index
    %get3A_43 = arith.constant 0 : index
    %get3A_44 = vector.load %arg9[%get3A_42, %get3A_43] : memref<128x1xf32, #tpu.memory_space<vmem>>, vector<128x1xf32>
    %broadcast_in_dim3A = vector.shape_cast %ge3A_41 : vector<1x8192xi1> to vector<1x8192xi1>
    %broadcast_in_dim3A_45 = vector.broadcast %broadcast_in_dim3A : vector<1x8192xi1> to vector<128x8192xi1>
    %broadcast_in_dim3A_46 = vector.shape_cast %get3A_44 : vector<128x1xf32> to vector<128x1xf32>
    %broadcast_in_dim3A_47 = vector.broadcast %broadcast_in_dim3A_46 : vector<128x1xf32> to vector<128x8192xf32>
    %select_n3A = arith.select %broadcast_in_dim3A_45, %transpose3A, %broadcast_in_dim3A_47 : vector<128x8192xi1>, vector<128x8192xf32>
    %reshape3A = vector.shape_cast %select_n3A : vector<128x8192xf32> to vector<128x32x256xf32>
    %swap3A = arith.constant 0 : index
    %swap3A_48 = arith.constant 0 : index
    %swap3A_49 = arith.constant 0 : index
    %swap3A_50 = arith.constant 0 : index
    %swap3A_51 = vector.load %arg11[%swap3A, %swap3A_48, %swap3A_49, %swap3A_50] : memref<1x128x32x256xf32, #tpu.memory_space<vmem>>, vector<1x128x32x256xf32>
    %swap3A_52 = vector.shape_cast %swap3A_51 : vector<1x128x32x256xf32> to vector<128x32x256xf32>
    %swap3A_53 = vector.shape_cast %reshape3A : vector<128x32x256xf32> to vector<1x128x32x256xf32>
    tpu.vector_store %arg11[%swap3A, %swap3A_48, %swap3A_49, %swap3A_50], %swap3A_53 {strides = array<i32>} : memref<1x128x32x256xf32, #tpu.memory_space<vmem>>, vector<1x128x32x256xf32>,
    return
  }
  func.func @transform_0(%arg0: i32) -> (i32, i32) {
    %c0_i32 = arith.constant 0 : i32
    %c0_i32_0 = arith.constant 0 : i32
    return %arg0, %c0_i32 : i32, i32
  }
  func.func @transform_1(%arg0: i32) -> (i32, i32, i32) {
    %c0_i32 = arith.constant 0 : i32
    %c0_i32_0 = arith.constant 0 : i32
    %c0_i32_1 = arith.constant 0 : i32
    return %arg0, %c0_i32, %c0_i32_0 : i32, i32, i32
  }
  func.func @transform_2(%arg0: i32) -> (i32, i32) {
    %c0_i32 = arith.constant 0 : i32
    %c0_i32_0 = arith.constant 0 : i32
    %c0_i32_1 = arith.constant 0 : i32
    return %c0_i32, %c0_i32_0 : i32, i32
  }
  func.func @transform_3(%arg0: i32) -> (i32, i32) {
    %c0_i32 = arith.constant 0 : i32
    %c0_i32_0 = arith.constant 0 : i32
    %c0_i32_1 = arith.constant 0 : i32
    return %c0_i32, %c0_i32_0 : i32, i32
  }
  func.func @transform_4(%arg0: i32) -> (i32, i32) {
    %c0_i32 = arith.constant 0 : i32
    %c0_i32_0 = arith.constant 0 : i32
    %c0_i32_1 = arith.constant 0 : i32
    return %c0_i32, %c0_i32_0 : i32, i32
  }
  func.func @transform_5(%arg0: i32) -> (i32, i32) {
    %c0_i32 = arith.constant 0 : i32
    %c0_i32_0 = arith.constant 0 : i32
    %c0_i32_1 = arith.constant 0 : i32
    return %c0_i32, %c0_i32_0 : i32, i32
  }
  func.func @transform_6(%arg0: i32) -> (i32, i32) {
    %c0_i32 = arith.constant 0 : i32
    %c0_i32_0 = arith.constant 0 : i32
    %c0_i32_1 = arith.constant 0 : i32
    return %c0_i32, %c0_i32_0 : i32, i32
  }
  func.func @transform_7(%arg0: i32) -> (i32, i32) {
    %c0_i32 = arith.constant 0 : i32
    %c0_i32_0 = arith.constant 0 : i32
    %c0_i32_1 = arith.constant 0 : i32
    return %c0_i32, %c0_i32_0 : i32, i32
  }
  func.func @transform_8(%arg0: i32) -> (i32, i32) {
    %c0_i32 = arith.constant 0 : i32
    %c0_i32_0 = arith.constant 0 : i32
    %c0_i32_1 = arith.constant 0 : i32
    return %c0_i32, %c0_i32_0 : i32, i32
  }
  func.func @transform_10(%arg0: i32) -> (i32, i32, i32, i32) {
    %c3_i32 = arith.constant 3 : i32
    %c0_i32 = arith.constant 0 : i32
    %c0_i32_0 = arith.constant 0 : i32
    %c0_i32_1 = arith.constant 0 : i32
    return %c3_i32, %c0_i32, %arg0, %c0_i32_0 : i32, i32, i32, i32
  }
}

</mosaic_0001>

<sc_bundles>
// kernel: kernel.12.cloned.1.call-start
scs
__scs_entry_jumppad:
0x0: {  	(pc) =	sbr.rel $0x88, $3  }
0x1: {  	(tag) =	ssettag $0x0;
	lr =	simm.s32 $0x1  }
0x2: {  	[smem:$0x3F95] =	sst lr;
	_ =	strace $0xD0000000  }
0x3: {  	_ = 	snop  }
0x4: {  	_ = 	snop  }
0x5: {  	_ = 	snop  }
0x6: {  	_ = 	snop  }
0x7: {  	_ = 	snop  }
__scs_overlays_trampoline_lowered:
0x8: {  	[smem:$0x3FA4] =	sst s0  }
0x9: {  	[smem:$0x3FA5] =	sst s1  }
0xa: {  	[smem:$0x3FA6] =	sst s2  }
0xb: {  	[smem:$0x3FA7] =	sst s3  }
0xc: {  	[smem:$0x3FA8] =	sst s4  }
0xd: {  	[smem:$0x3FA9] =	sst s5  }
0xe: {  	[smem:$0x3FAA] =	sst s6  }
0xf: {  	[smem:$0x3FAB] =	sst s7  }
0x10: {  	[smem:$0x3FAC] =	sst s8  }
0x11: {  	[smem:$0x3FAD] =	sst s9;
	s0 =	simm.s32 @!p0 $0x0  }
0x12: {  	s1 =	sld [smem:$0x3F93];
	s0 =	simm.s32 @p0 $0x1  }
0x13: {  	[smem:$0x3FAE] =	sst s0;
	s0 =	simm.s32 @!p1 $0x0  }
0x14: {  	s2 =	sld [smem:$0x3F92];
	s0 =	simm.s32 @p1 $0x1  }
0x15: {  	[smem:$0x3FAF] =	sst s0;
	s0 =	simm.s32 @!p2 $0x0  }
0x16: {  	s3 =	sld [smem:$0x3FDB];
	s0 =	simm.s32 @p2 $0x1  }
0x17: {  	s4 =	simm.s32 $0x1BF5;
	[smem:$0x3FB1] =	sst s0  }
0x18: {  	s0 =	sld [smem:$0x3F94];
	_ =	swait.ge [sflag:s4], $0x0  }
0x19: {  	s7 =	sld [smem:$0x3F95]  }
0x1a: {  	s8 =	sadd.s32 $0xFFFFE003, lr  }
0x1b: {  	s9 =	sadd.s32 $0xFFFFFEF7, lr;
	s5 =	simm.s32 $0xFFFFFFFF;
	p2 =	slt.u32 s8, $0xFFFFF086  }
0x1c: {  	p1 =	slt.u32 s9, $0xF7A;
	s5 =	simm.s32 @!p2 $0x0  }
0x1d: {  	s5 =	simm.s32 @p1 $0x1;
	p0 =	seq.s32 s7, s2  }
0x1e: {  	s7 =	smul.u32 @!p0 $0xF7A, s2;
	p2 =	seq.s32 @!p0 s5, $0x0  }
0x1f: {  	s9 =	smul.u32 $0xF7A, s1;
	s8 =	simm.s32 @!p0 $0x1BF5;
	p2 =	por !p2, p0  }
0x20: {  	[sflag:s8] =	ssyncset.s32 @!p0 $0xFFFFF086;
	s6 =	sadd.s32 @!p0 s3, s7;
	s7 =	simm.s32 @!p0 $0x108  }
0x21: {  	s3 =	sadd.s32 s3, s9;
	s6 =	sadd.s32 @!p0 $0x88, s6;
	s7 =	simm.s32 @p2 $0x1082  }
0x22: {  	[simem:s7], [sflag:s8] =	dma.local @!p0 [hbm:s6], $0xF7A  }
0x23: {  	s9 =	sor.u32 $0xD0000000, s2;
	s6 =	simm.s32 $0x108;
	_ =	swait.ge @!p0 [sflag:s8], $0x0  }
0x24: {  	s3 =	sadd.s32 $0x88, s3;
	s6 =	simm.s32 @!p1 $0x1082;
	[sflag:s4] =	ssyncset.s32 $0xFFFFF086  }
0x25: {  	[simem:s6], [sflag:s4] =	dma.local [hbm:s3], $0xF7A  }
0x26: {  	[smem:$0x3F95] =	sst s1;
	(tag) =	ssettag s2;
	_ =	strace s9  }
0x27: {  	s1 =	sld [smem:$0x3FA5]  }
0x28: {  	s2 =	sld [smem:$0x3FA6]  }
0x29: {  	s4 =	sld [smem:$0x3FA8]  }
0x2a: {  	p0 =	seq.s32 s5, $0x0;
	s5 =	sld [smem:$0x3FA9]  }
0x2b: {  	s6 =	sld [smem:$0x3FAA]  }
0x2c: {  	s7 =	sld [smem:$0x3FAB]  }
0x2d: {  	s3 =	simm.s32 $0x108;
	s8 =	sld [smem:$0x3FAC]  }
0x2e: {  	s3 =	simm.s32 @!p0 $0x1082;
	s9 =	sld [smem:$0x3FAD]  }
0x2f: {  	lr =	sadd.s32 s0, s3;
	s0 =	sld [smem:$0x3FA4]  }
0x30: {  	s3 =	sld [smem:$0x3FA7]  }
0x31: {  	[smem:$0x3FB0] =	sst s10  }
0x32: {  	s10 =	sld [smem:$0x3FAE];
	_ =	sdelay $0x3  }
0x33: {  	p0 =	seq.s32 s10, $0x1;
	s10 =	sld [smem:$0x3FB0];
	_ =	sdelay $0x3  }
0x34: {  	[smem:$0x3FB0] =	sst s10  }
0x35: {  	s10 =	sld [smem:$0x3FAF];
	_ =	sdelay $0x3  }
0x36: {  	p1 =	seq.s32 s10, $0x1;
	s10 =	sld [smem:$0x3FB0];
	_ =	sdelay $0x3  }
0x37: {  	[smem:$0x3FB0] =	sst s10  }
0x38: {  	s10 =	sld [smem:$0x3FB1]  }
0x39: {  	_ = 	snop;
	(pc) =	sbr.ind lr, $3  }
0x3a: {  	_ = 	snop  }
0x3b: {  	_ = 	snop  }
0x3c: {  	p2 =	seq.s32 s10, $0x1;
	s10 =	sld [smem:$0x3FB0]  }
0x3d: {  	_ =	shalt  }
0x3e: {  	_ =	shalt  }
0x3f: {  	_ =	shalt  }
0x40: {  	_ =	shalt  }
0x41: {  	_ =	shalt  }
0x42: {  	_ =	shalt  }
0x43: {  	_ =	shalt  }
0x44: {  	_ =	shalt  }
0x45: {  	_ =	shalt  }
0x46: {  	_ =	shalt  }
0x47: {  	_ =	shalt  }
0x48: {  	_ =	shalt  }
0x49: {  	_ =	shalt  }
0x4a: {  	_ =	shalt  }
0x4b: {  	_ =	shalt  }
0x4c: {  	_ =	shalt  }
0x4d: {  	_ =	shalt  }
0x4e: {  	_ =	shalt  }
0x4f: {  	_ =	shalt  }
0x50: {  	_ =	shalt  }
0x51: {  	_ =	shalt  }
0x52: {  	_ =	shalt  }
0x53: {  	_ =	shalt  }
0x54: {  	_ =	shalt  }
0x55: {  	_ =	shalt  }
0x56: {  	_ =	shalt  }
0x57: {  	_ =	shalt  }
0x58: {  	_ =	shalt  }
0x59: {  	_ =	shalt  }
0x5a: {  	_ =	shalt  }
0x5b: {  	_ =	shalt  }
0x5c: {  	_ =	shalt  }
0x5d: {  	_ =	shalt  }
0x5e: {  	_ =	shalt  }
0x5f: {  	_ =	shalt  }
0x60: {  	_ =	shalt  }
0x61: {  	_ =	shalt  }
0x62: {  	_ =	shalt  }
0x63: {  	_ =	shalt  }
0x64: {  	_ =	shalt  }
0x65: {  	_ =	shalt  }
0x66: {  	_ =	shalt  }
0x67: {  	_ =	shalt  }
0x68: {  	_ =	shalt  }
0x69: {  	_ =	shalt  }
0x6a: {  	_ =	shalt  }
0x6b: {  	_ =	shalt  }
0x6c: {  	_ =	shalt  }
0x6d: {  	_ =	shalt  }
0x6e: {  	_ =	shalt  }
0x6f: {  	_ =	shalt  }
0x70: {  	_ =	shalt  }
0x71: {  	_ =	shalt  }
0x72: {  	_ =	shalt  }
0x73: {  	_ =	shalt  }
0x74: {  	_ =	shalt  }
0x75: {  	_ =	shalt  }
0x76: {  	_ =	shalt  }
0x77: {  	_ =	shalt  }
0x78: {  	_ =	shalt  }
0x79: {  	_ =	shalt  }
0x7a: {  	_ =	shalt  }
0x7b: {  	_ =	shalt  }
0x7c: {  	_ =	shalt  }
0x7d: {  	_ =	shalt  }
0x7e: {  	_ =	shalt  }
0x7f: {  	_ =	shalt  }
0x80: {  	_ =	shalt  }
0x81: {  	_ =	shalt  }
0x82: {  	_ =	shalt  }
0x83: {  	_ =	shalt  }
0x84: {  	_ =	shalt  }
0x85: {  	_ =	shalt  }
0x86: {  	_ =	shalt  }
0x87: {  	_ =	shalt  }
.Lfunc_end0:
.L_simem_size_0:
called_computation_lowered:
.L_overlay_start_0:
0x88: {  	s2 =	sld [smem:$0x3FD9]  }
0x89: {  	s3 =	sld [smem:$0x3FFE];
	_ =	sdelay $0x1  }
0x8a: {  	s1 =	srdreg.scid  }
0x8b: {  	s0 =	sand.u32 $0x1, s1  }
0x8c: {  	s17 =	sshll.u32 s0, $0xA;
	s2 =	sadd.s32 s3, s2  }
0x8d: {  	s2 =	sadd.s32 s2, s17  }
0x8e: {  	[smem:$0x3FBC] =	sst s2  }
0x8f: {  	_ = 	snop  }
0x90: {  	s2 =	sld [smem:$0x3FD0];
	(tm) =	ssettm $0x1  }
0x91: {  	s18 =	sld [smem:$0x3FFB];
	_ =	sdelay $0x3  }
0x92: {  	_ =	strace s18  }
0x93: {  	s3 =	sld [smem:$0x3FFC];
	_ =	sdelay $0x3  }
0x94: {  	_ =	strace s3  }
0x95: {  	s3 =	sld [smem:$0x3FFD];
	_ =	sdelay $0x3  }
0x96: {  	_ =	strace s3  }
0x97: {  	_ =	strace $0x8FFFFFFF  }
0x98: {  	s19 =	sld [smem:$0x3FDB];
	_ =	sdelay $0x1  }
0x99: {  	s4 =	simm.s32 $_scs_section_size  }
0x9a: {  	s5 =	simm.s32 $_size__tile_overlayer_lowered;
	s6 =	simm.s32 $_tile_overlayer_lowered  }
0x9b: {  	s22 =	simm.s32 $0x1BFF;
	s21 =	sshll.u32 s6, $0x1;
	s3 =	sadd.s32 s4, s19  }
0x9c: {  	s7 =	simm.s32 $0x0;
	s20 =	sshll.u32 s5, $0x1;
	s5 =	sadd.s32 s21, s3  }
0x9d: {  	[timem:s7], [sflag:s22] =	dma.local [hbm:s5], s20  }
0x9e: {  	_ =	swait.ge [sflag:s22], s20  }
0x9f: {  	s4 =	ssub.s32 $0x0, s20;
	[sflag:s22] =	ssyncset.done $0x0  }
0xa0: {  	[sflag:s22] =	ssyncadd.s32 s4;
	_ =	sdelay $0x1  }
0xa1: {  	s23 =	simm.s32 $0x1B8B  }
0xa2: {  	_ =	swait.ge [sflag:s23], $0x1  }
0xa3: {  	[sflag:s23] =	ssyncset.done $0x0  }
0xa4: {  	s25 =	simm.s32 $0x1B8E;
	s24 =	sld [smem:$0x3FFE];
	[sflag:s23] =	ssyncadd.s32 $0xFFFFFFFF  }
0xa5: {  	s26 =	simm.s32 $execute0_lowered;
	[smem:$0x3FD2] =	sst s25  }
0xa6: {  	s5 =	sshll.u32 s26, $0x1;
	_ =	strace $0x80000046;
	[dreg:$0x1] =	wrdreg $0xFFFFFFFF  }
0xa7: {  	s28 =	simm.s32 $_size_execute0_lowered;
	s3 =	sadd.s32 s3, s5;
	[dreg:$0x0] =	wrdreg $0x0  }
0xa8: {  	s5 =	sshll.u32 s28, $0x1;
	[dreg:$0x2] =	wrdreg s3  }
0xa9: {  	[dreg:$0x3] =	wrdreg s5  }
0xaa: {  	[dreg:$0x4] =	wrdreg $0xC0  }
0xab: {  	_ =	task [dreg:s7], $0x5FFFF  }
0xac: {  	[dreg:$0x1] =	wrdreg $0xFFFFFFFF  }
0xad: {  	[dreg:$0x0] =	wrdreg $0x60  }
0xae: {  	[dreg:$0x2] =	wrdreg s24  }
0xaf: {  	[dreg:$0x3] =	wrdreg s2  }
0xb0: {  	[dreg:$0x4] =	wrdreg $0x9  }
0xb1: {  	_ =	task.clear_ibuf [dreg:s7], $0x5FFFF;
	_ =	strace $0x90000046  }
0xb2: {  	s29 =	simm.s32 $0x9;
	_ =	strace $0x80000048  }
0xb3: {  	_ =	swait.ge [sflag:s29], $0x1  }
0xb4: {  	[sflag:s29] =	ssyncadd.s32 $0xFFFFFFFF  }
0xb5: {  	_ =	strace $0x90000048  }
0xb6: {  	_ =	sfence  }
0xb7: {  	s30 =	sld [smem:$0x0];
	_ =	sdelay $0x2  }
0xb8: {  	s31 =	sshll.u32 s1, $0xD;
	s1 =	sshrl.u32 s1, $0x2  }
0xb9: {  	s3 =	sand.u32 $0x4000, s31;
	s1 =	sadd.s32 s1, s30  }
0xba: {  	s0 =	sor.u32 s3, s0;
	s1 =	sshll.u32 s1, $0x11  }
0xbb: {  	s0 =	sor.u32 s1, s0  }
0xbc: {  	s0 =	sadd.s32 $0x8F2B, s0  }
0xbd: {  	[sflag:s0] =	ssyncadd.remote.s32 $0x1  }
0xbe: {  	_ =	sfence.sel $0xFFFF  }
0xbf: {  	[dreg:$0x0] =	wrdreg $0xFFFFFFFF;
	(pc) =	sbr.abs _section_cstart, $3  }
0xc0: {  	[dreg:$0x1] =	wrdreg $0xFFFFFFFF  }
0xc1: {  	_ =	task.clear_ibuf [dreg:s7], $0x2FFFF;
	_ =	strace $0x9FFFFFFF  }
0xc2: {  	(tm) =	ssettm $0x7FFFFFFF  }
0xc3: {  	_ =	shalt  }
tec
execute0_lowered:
.L_overlay_start_1:
0x0: {  	(tag) =	ssettag $0x1  }
0x1: {  	s4 =	rddreg [dreg:$0x0]  }
0x2: {  	s5 =	rddreg [dreg:$0x1]  }
0x3: {  	s0 =	rddreg [dreg:$0x2];
	s3 =	srdreg.scid;
	s2 =	simm.s32 $0x0  }
0x4: {  	s1 =	stileid.u32;
	s10 =	simm.s32 $0x2000;
	s11 =	simm.s32 $0x2  }
0x5: {  	v0 =	vimm.s32 $0xFFEDCBA9;
	s12 =	simm.s32 $0x3;
	s13 =	simm.s32 $0x0;
	s3 =	sand.u32 $0x1, s3  }
0x6: {  	v1 =	vimm.s32 $0x87654321;
	[smem:$0x7FF] =	sst s2;
	s6 =	sshll.u32 s1, $0xE;
	s7 =	sshll.u32 s3, $0xD  }
.Ltmp0:
0x7: {  	v3 =	vunpack.c.l.s4.s8 v0;
	v4 =	vunpack.c.l.s4.s8 v1;
	_ =	strace $0x80000047;
	s8 =	ssub.s32 $0x2, s3;
	(pc) =	sbr.rel .LBB2_1-.Ltmp0, $4  }
0x8: {  	v2 =	vlaneseq.u32;
	vm0 =	vcmask $0x3F3C;
	s3 =	sadd.s32 $0x2200, s4;
	s4 =	sadd.s32 $0x2600, s4;
	s6 =	sor.u32 s7, s6  }
0x9: {  	s31 =	sshrl.u32 s8, $0x1;
	v7 =	vunpack.c.0.s8.s32 v3;
	v8 =	vunpack.c.0.s8.s32 v4;
	s9 =	sadd.s32 $0x2000, s6;
	v0 =	vmov s6;
	s6 =	sshrl.u32 s6, $0x3  }
0xa: {  	v5 =	vor.u32 $0x80000000, v2;
	v6 =	vor.u32 $0x80400000, v2;
	v3 =	vimm.s32 $0xFFFFFFFF;
	s7 =	ssub.s32 s8, s31;
	s8 =	simm.s32 $0x4000;
	s5 =	sadd.s32 s5, s6  }
0xb: {  	v4 =	vimm.s32 $0x0;
	v1 =	vmov s9;
	s6 =	smax.u32 s7, $0x1;
	s7 =	simm.s32 $0x1;
	s9 =	simm.s32 $0x5000;
	v7 =	vcombine.low v8, v7  }
.LBB2_33:
0xc: {  	s16 =	simm.s32 $0x5000;
	s17 =	simm.s32 $0x0  }
.LBB2_37:
0xd: {  	s16 =	sadd.s32 @p0 $0x10, s16  }
0xe: {  	s14 =	smov.u32 @p0 s16  }
0xf: {  	v10 =	vld [tilespmem:s14+$0x0];
	s14 =	sadd.s32 @p0 $0x10, s17  }
0x10: {  	s15 =	smov.u32 @p0 s14  }
0x11: {  	v9 =	vshll.u32 v9, $0x4;
	v11 =	vor.u32 s15, v2  }
0x12: {  	vm1 =	vlt.s32 v11, v8;
	v8 =	vxor.u32 v5, v9  }
0x13: {  	v8 =	vsel vm1, v8, v6  }
0x14: {  	(xrf1) =	vsort.ascd.msk.u32 $0xffff, v8, v10;
	_ =	sdelay $0xd  }
0x15: {  	v8, v61, _ =	vpop (xrf1)  }
0x16: {  	v8 =	vshrl.u32 v8, $0x4  }
0x17: {  	v62 =	vxor.u32 $0x8000000, v8  }
0x18: {  	v63 =	vperm.xlane v62, v7;
	_ =	sdelay $0x1  }
0x19: {  	vm1 =	vne.s32 v62, v63  }
0x1a: {  	vm2 =	vlt.u32 v62, $0x40000;
	v10 =	vsub.s32 v62, v0;
	vm1 =	vmor vm1, vm0  }
0x1b: {  	v8 =	vand.u32 $0x7F, v8;
	v10 =	vand.u32 $0xFFFFFF80, v10;
	vm1 =	vmand vm2, vm1  }
0x1c: {  	v8 =	vor.u32 v8, v10;
	_ =	sdelay $0x4  }
0x1d: {  	[tilespmem:v8+s10+$0x0] =	vst.idx.msk vm1, v61  }
.LBB2_38:
0x1e: {  	s13 =	sadd.s32 $0x1, s13  }
0x1f: {  	p0 =	sne.s32 s13, s6  }
.Ltmp1:
0x20: {  	_ = 	snop;
	(pc) =	sbr.rel @!p0 .LBB2_39-.Ltmp1, $4  }
0x21: {  	[hbm4b:s5+s2] =	stream.linear.scatter [tilespmem:s10], [sflag:$0x3], $0x2000, $0x38;
	[tilespmem:$0x6000] =	vst v63  }
0x22: {  	_ =	swait.ge [sflag:s12], $0x2000  }
0x23: {  	[sflag:s12] =	ssyncset.done $0x0  }
0x24: {  	[sflag:s12] =	ssyncadd.s32 $0xFFFFE000  }
.LBB2_1:
0x25: {  	s14 =	simm.s32 $0x40;
	s15 =	simm.s32 $0x0  }
.LBB2_2:
0x26: {  	p0 =	sne.s32 s14, $0x7FC0;
	[tilespmem:s15+$0x2000] =	vst v3;
	s15 =	smov.u32 s14;
	s14 =	sadd.s32 $0x40, s14  }
.Ltmp2:
0x27: {  	(pc) =	sbr.rel @p0 .LBB2_2-.Ltmp2, $2  }
0x28: {  	_ =	sdelay $0x2  }
0x29: {  	s15 =	sshra.s32 s15, $0x2  }
0x2a: {  	[tilespmem:s15+$0x2000] =	vst v3;
	s14 =	simm.s32 $0x0;
	s15 =	simm.s32 $0x0;
	s16 =	simm.s32 $0x0  }
.LBB2_4:
0x2b: {  	p0 =	sne.s32 s16, $0x1F0  }
.Ltmp3:
0x2c: {  	_ = 	snop;
	(pc) =	sbr.rel @p0 .LBB2_4-.Ltmp3, $4  }
0x2d: {  	_ = 	snop  }
0x2e: {  	s17 =	sadd.s32 s16, s3  }
0x2f: {  	[tilespmem:s15], [sflag:$0x1] =	stream.linear.gather [hbm4b:s17+s14], $0x80, $0x38;
	[tilespmem:$0x6000] =	vst v63  }
0x30: {  	s16 =	sadd.s32 $0x10, s16;
	s15 =	sadd.s32 $0x100, s15  }
.Ltmp4:
0x31: {  	(pc) =	sbr.rel .LBB2_6-.Ltmp4, $2  }
0x32: {  	_ =	sdelay $0x2  }
0x33: {  	s15 =	simm.s32 $0x70;
	s16 =	simm.s32 $0x1070  }
.LBB2_23:
0x34: {  	s19 =	simm.s32 $0x5000;
	s20 =	simm.s32 $0x0  }
.LBB2_27:
0x35: {  	s19 =	sadd.s32 @p0 $0x10, s19  }
0x36: {  	s17 =	smov.u32 @p0 s19  }
0x37: {  	v10 =	vld [tilespmem:s17+$0x0];
	s17 =	sadd.s32 @p0 $0x10, s20  }
0x38: {  	s18 =	smov.u32 @p0 s17  }
0x39: {  	v9 =	vshll.u32 v9, $0x4;
	v11 =	vor.u32 s18, v2  }
0x3a: {  	vm1 =	vlt.s32 v11, v8;
	v8 =	vxor.u32 v5, v9  }
0x3b: {  	v8 =	vsel vm1, v8, v6  }
0x3c: {  	(xrf1) =	vsort.ascd.msk.u32 $0xffff, v8, v10;
	_ =	sdelay $0xd  }
0x3d: {  	v8, v61, _ =	vpop (xrf1)  }
0x3e: {  	v8 =	vshrl.u32 v8, $0x4  }
0x3f: {  	v62 =	vxor.u32 $0x8000000, v8  }
0x40: {  	v63 =	vperm.xlane v62, v7;
	_ =	sdelay $0x1  }
0x41: {  	vm1 =	vne.s32 v62, v63  }
0x42: {  	vm2 =	vlt.u32 v62, $0x40000;
	v10 =	vsub.s32 v62, v0;
	vm1 =	vmor vm1, vm0  }
0x43: {  	v8 =	vand.u32 $0x7F, v8;
	v10 =	vand.u32 $0xFFFFFF80, v10;
	vm1 =	vmand vm2, vm1  }
0x44: {  	v8 =	vor.u32 v8, v10;
	_ =	sdelay $0x4  }
0x45: {  	[tilespmem:v8+s10+$0x0] =	vst.idx.msk vm1, v61  }
.LBB2_28:
0x46: {  	s14 =	sadd.s32 $0x1, s14  }
0x47: {  	p0 =	sne.s32 s14, $0x18  }
.Ltmp5:
0x48: {  	_ = 	snop;
	(pc) =	sbr.rel @!p0 .LBB2_29-.Ltmp5, $2  }
0x49: {  	_ =	sdelay $0x2  }
0x4a: {  	s15 =	sadd.s32 $0x2000, s15;
	s16 =	sadd.s32 $0x2000, s16  }
.LBB2_6:
0x4b: {  	s17 =	sshll.u32 s14, $0xA  }
0x4c: {  	_ =	swait.ge [sflag:s7], $0x1000;
	s18 =	sand.u32 $0x1FFFFC00, s17  }
0x4d: {  	s19 =	simm.s32 $0x0;
	[sflag:s7] =	ssyncset.done $0x0;
	s18 =	sadd.s32 s18, s3  }
0x4e: {  	s20 =	simm.s32 $0x80;
	[sflag:s7] =	ssyncadd.s32 $0xFFFFF000;
	s18 =	sadd.s32 $0x200, s18  }
.LBB2_7:
0x4f: {  	p0 =	sne.s32 s19, $0x1F0  }
.Ltmp6:
0x50: {  	_ = 	snop;
	(pc) =	sbr.rel @p0 .LBB2_7-.Ltmp6, $4  }
0x51: {  	_ = 	snop  }
0x52: {  	s21 =	sadd.s32 s19, s18  }
0x53: {  	[tilespmem:s20], [sflag:$0x2] =	stream.linear.gather [hbm4b:s21+s2], $0x80, $0x38;
	[tilespmem:$0x6000] =	vst v63  }
0x54: {  	s19 =	sadd.s32 $0x10, s19;
	s20 =	sadd.s32 $0x100, s20  }
0x55: {  	s18 =	simm.s32 $0x40  }
0x56: {  	v11 =	vld [tilespmem:s18+$0xFFFFFFD0]  }
0x57: {  	v9 =	vld [tilespmem:s18+$0x20]  }
0x58: {  	v14 =	vld [tilespmem:s18+$0xFFFFFFC0];
	_ =	sdelay $0x1  }
0x59: {  	v10 =	vld [tilespmem:s18+$0x0]  }
0x5a: {  	v8 =	vld [tilespmem:s18+$0x10];
	vm1 =	vlt.s32 v11, v1;
	vm2 =	vge.s32 v11, v0  }
0x5b: {  	vm3 =	vge.s32 v9, v0;
	vm2 =	vmand vm2, vm1;
	vm1 =	vlt.s32 v9, v1  }
0x5c: {  	v13 =	vld [tilespmem:s18+$0xFFFFFFF0];
	vm5 =	vmand vm3, vm1;
	vm1 =	vge.s32 v14, v0;
	vm3 =	vlt.s32 v14, v1  }
0x5d: {  	v12 =	vsel vm2, $0x1, v4;
	vm3 =	vmand vm1, vm3  }
0x5e: {  	v15 =	vld [tilespmem:s18+$0xFFFFFFE0];
	vm6 =	vlt.s32 v10, v1;
	(xrf0) =	vadd.scan.msk.s32 $0xffff, v12;
	v12 =	vsel vm3, $0x1, v4  }
0x5f: {  	vm8 =	vge.s32 v8, v0;
	vm7 =	vge.s32 v10, v0;
	vm1 =	vlt.s32 v8, v1;
	(xrf0) =	vadd.scan.msk.s32 $0xffff, v12  }
0x60: {  	vm7 =	vmand vm7, vm6;
	vm6 =	vmand vm8, vm1  }
0x61: {  	v17 =	vimm.s32 $0x0;
	vm4 =	vge.s32 v13, v0;
	v20 =	vsel vm6, $0x1, v4  }
0x62: {  	vm9 =	vlt.s32 v13, v1;
	v19 =	vsel vm7, $0x1, v4;
	v12 =	vmpcnt.ones.xlane vm3  }
0x63: {  	v18 =	vmpcnt.ones.xlane vm2;
	vm1 =	vlt.s32 v15, v1;
	vm8 =	vge.s32 v15, v0;
	(xrf0) =	vadd.scan.msk.s32 $0xffff, v19  }
0x64: {  	vm4 =	vmand vm4, vm9;
	vm1 =	vmand vm8, vm1;
	v19 =	vadd.s32 v17, v12;
	v12 =	vld [tilespmem:s18+$0x30];
	(xrf0) =	vadd.scan.msk.s32 $0xffff, v20;
	v20, _, _ =	vpop (xrf0)  }
0x65: {  	v21 =	vmpcnt.ones.xlane vm1;
	v18 =	vadd.s32 v19, v18;
	v22 =	vadd.s32 v20, v19;
	v25, _, _ =	vpop (xrf0)  }
0x66: {  	v19 =	vsel vm1, $0x1, v4;
	v20 =	vmpcnt.ones.xlane vm4;
	v17 =	vadd.s32 v25, v17  }
0x67: {  	v23 =	vsel vm4, $0x1, v4;
	v24 =	vadd.s32 v18, v21;
	v21 =	vmpcnt.ones.xlane vm7;
	(xrf0) =	vadd.scan.msk.s32 $0xffff, v19  }
0x68: {  	s21 =	sadd.s32 $0xFFFFFFA0, s15;
	s20 =	sadd.s32 $0xFFFFFFD0, s15;
	v16 =	vsel vm5, $0x1, v4;
	v27 =	vmpcnt.ones.xlane vm6;
	v25 =	vadd.s32 v24, v20  }
0x69: {  	s22 =	simm.s32 $0x0;
	s25 =	sadd.s32 $0xFFFFFFE0, s15;
	s23 =	sadd.s32 $0x80, s15;
	vm11 =	vge.s32 v12, v0;
	(xrf0) =	vadd.scan.msk.s32 $0xffff, v23;
	v26 =	vadd.s32 $0xFFFFFFFF, v17;
	v20 =	vadd.s32 v25, v21;
	v17, _, _ =	vpop (xrf0)  }
0x6a: {  	s24 =	simm.s32 $0x140;
	s19 =	smov.u32 s15;
	s18 =	sadd.s32 $0xFFFFFFF0, s15;
	vm13 =	vlt.s32 v12, v1;
	v21 =	vadd.s32 v20, v27;
	v25 =	vadd.s32 v17, v25;
	v23, _, _ =	vpop (xrf0)  }
.LBB2_9:
0x6b: {  	v19 =	vor.u32 s25, v2;
	v17 =	vor.u32 s19, v2;
	vm12 =	vmmov vm2  }
0x6c: {  	v27 =	vld [tilespmem:s24+$0xFFFFFFD0];
	s26 =	sadd.s32 $0xFFFFFFA0, s23;
	s28 =	sadd.s32 $0xFFFFFFD0, s23;
	s22 =	sadd.s32 $0x8, s22;
	vm10 =	vmmov vm5;
	vm8 =	vmmov vm6;
	vm9 =	vmmov vm7  }
0x6d: {  	s25 =	sadd.s32 $0xFFFFFF90, s19;
	v29 =	vor.u32 s21, v2;
	v30 =	vor.u32 s20, v2;
	v31 =	vor.u32 s18, v2;
	s18 =	sadd.s32 $0xFFFFFFF0, s23;
	v28 =	vld [tilespmem:s24+$0x20];
	p0 =	slt.u32 s22, $0xF8;
	v32, _, _ =	vpop (xrf0)  }
0x6e: {  	v22 =	vadd.s32 $0xFFFFFFFF, v22;
	s20 =	sadd.s32 $0xFFFFFFB0, s19;
	s19 =	sadd.s32 $0xFFFFFFC0, s19;
	v34 =	vor.u32 s25, v2;
	s21 =	smov.u32 s26;
	v33 =	vld [tilespmem:s24+$0x10];
	[tilespmem:v26+s8+$0x0] =	vst.idx.msk vm3, v14;
	v35 =	vadd.s32 v32, v18  }
0x6f: {  	v32 =	vld [tilespmem:s24+$0x0];
	[tilespmem:v26+s9+$0x0] =	vst.idx.msk vm3, v34;
	v18 =	vadd.s32 $0xFFFFFFFF, v35;
	v26 =	vor.u32 s20, v2;
	v34 =	vor.u32 s19, v2;
	v14, _, _ =	vpop (xrf0);
	s20 =	smov.u32 s28;
	s19 =	smov.u32 s23  }
0x70: {  	vm11 =	vmand vm11, vm13;
	v36 =	vmpcnt.ones.xlane vm10;
	v35 =	vld [tilespmem:s24+$0xFFFFFFF0];
	v24 =	vadd.s32 v14, v24;
	(xrf0) =	vadd.scan.msk.s32 $0xffff, v16  }
0x71: {  	v14 =	vld [tilespmem:s24+$0xFFFFFFC0];
	vm2 =	vlt.s32 v27, v1;
	v16 =	vadd.s32 $0xFFFFFFFF, v24;
	v24 =	vsel vm11, $0x1, v4  }
0x72: {  	v25 =	vadd.s32 $0xFFFFFFFF, v25;
	vm3 =	vge.s32 v27, v0;
	v37 =	vld [tilespmem:s24+$0xFFFFFFE0];
	vm5 =	vge.s32 v28, v0;
	(xrf0) =	vadd.scan.msk.s32 $0xffff, v24  }
0x73: {  	vm2 =	vmand vm3, vm2;
	vm3 =	vlt.s32 v28, v1;
	v24 =	vadd.s32 v21, v36;
	[tilespmem:v22+s8+$0x0] =	vst.idx.msk vm12, v11  }
0x74: {  	v36 =	vsel vm2, $0x1, v4;
	vm5 =	vmand vm5, vm3;
	v11 =	vmovc v27;
	[tilespmem:v18+s8+$0x0] =	vst.idx.msk vm1, v15;
	v15 =	vadd.s32 v23, v20  }
0x75: {  	vm6 =	vge.s32 v33, v0;
	vm7 =	vlt.s32 v32, v1;
	vm13 =	vge.s32 v35, v0;
	(xrf0) =	vadd.scan.msk.s32 $0xffff, v36  }
0x76: {  	vm14 =	vlt.s32 v33, v1;
	v36 =	vmpcnt.ones.xlane vm11;
	vm3 =	vge.s32 v14, v0;
	[tilespmem:v16+s8+$0x0] =	vst.idx.msk vm4, v13;
	v20, _, _ =	vpop (xrf0)  }
0x77: {  	v23 =	vmpcnt.ones.xlane vm2;
	vm15 =	vlt.s32 v14, v1;
	[tilespmem:v16+s9+$0x0] =	vst.idx.msk vm4, v34;
	v20 =	vadd.s32 v20, v21  }
0x78: {  	vm3 =	vmand vm3, vm15;
	v16 =	vsel vm5, $0x1, v4;
	[tilespmem:v18+s9+$0x0] =	vst.idx.msk vm1, v26;
	v20 =	vadd.s32 $0xFFFFFFFF, v20;
	v18, _, _ =	vpop (xrf0)  }
0x79: {  	v13 =	vmovc v35;
	v27 =	vadd.s32 v24, v36;
	v21 =	vsel vm3, $0x1, v4;
	v34 =	vmpcnt.ones.xlane vm3;
	[tilespmem:v22+s9+$0x0] =	vst.idx.msk vm12, v29  }
0x7a: {  	vm6 =	vmand vm6, vm14;
	vm4 =	vlt.s32 v13, v1;
	(xrf0) =	vadd.scan.msk.s32 $0xffff, v21;
	v21 =	vadd.s32 $0xFFFFFFFF, v15;
	v15 =	vmovc v37  }
0x7b: {  	vm1 =	vge.s32 v32, v0;
	v24 =	vadd.s32 v18, v24;
	v22 =	vadd.s32 v27, v34;
	v26, _, _ =	vpop (xrf0)  }
0x7c: {  	vm7 =	vmand vm1, vm7;
	v18 =	vadd.s32 v22, v23;
	vm12 =	vlt.s32 v15, v1;
	[tilespmem:v25+s8+$0x0] =	vst.idx.msk vm9, v10  }
0x7d: {  	v23 =	vadd.s32 $0xFFFFFFFF, v24;
	v22 =	vadd.s32 v26, v22;
	v26 =	vsel vm7, $0x1, v4;
	[tilespmem:v20+s8+$0x0] =	vst.idx.msk vm10, v9;
	v9 =	vmovc v28  }
0x7e: {  	vm1 =	vge.s32 v15, v0;
	v24 =	vsel vm6, $0x1, v4;
	v10 =	vmovc v32;
	(xrf0) =	vadd.scan.msk.s32 $0xffff, v26;
	[tilespmem:v20+s9+$0x0] =	vst.idx.msk vm10, v31  }
0x7f: {  	vm4 =	vmand vm13, vm4;
	vm1 =	vmand vm1, vm12;
	v28 =	vld [tilespmem:s24+$0x30];
	(xrf0) =	vadd.scan.msk.s32 $0xffff, v24;
	[tilespmem:v25+s9+$0x0] =	vst.idx.msk vm9, v30  }
0x80: {  	v20 =	vsel vm1, $0x1, v4;
	v24 =	vmpcnt.ones.xlane vm1;
	v25 =	vsel vm4, $0x1, v4;
	v26, _, _ =	vpop (xrf0);
	[tilespmem:v21+s8+$0x0] =	vst.idx.msk vm8, v8  }
.Ltmp7:
0x81: {  	v8 =	vmovc v33;
	v26 =	vadd.s32 v26, v27;
	v27 =	vmpcnt.ones.xlane vm4;
	(xrf0) =	vadd.scan.msk.s32 $0xffff, v20;
	[tilespmem:v21+s9+$0x0] =	vst.idx.msk vm8, v19;
	(pc) =	sbr.rel @p0 .LBB2_9-.Ltmp7, $4  }
0x82: {  	v24 =	vadd.s32 v18, v24;
	v19 =	vmpcnt.ones.xlane vm7;
	v26 =	vadd.s32 $0xFFFFFFFF, v26;
	[tilespmem:v23+s8+$0x0] =	vst.idx.msk vm11, v12  }
0x83: {  	v21 =	vmpcnt.ones.xlane vm6;
	v27 =	vadd.s32 v24, v27;
	(xrf0) =	vadd.scan.msk.s32 $0xffff, v25;
	[tilespmem:v23+s9+$0x0] =	vst.idx.msk vm11, v17  }
0x84: {  	v20 =	vadd.s32 v27, v19;
	vm11 =	vge.s32 v28, v0;
	vm13 =	vlt.s32 v28, v1;
	v17, _, _ =	vpop (xrf0)  }
0x85: {  	s23 =	sadd.s32 $0x80, s23;
	s25 =	sadd.s32 $0xFFFFFFE0, s19;
	s24 =	sadd.s32 $0x100, s24;
	v12 =	vmov v28;
	v25 =	vadd.s32 v17, v27;
	v21 =	vadd.s32 v20, v21;
	v23, _, _ =	vpop (xrf0)  }
0x86: {  	vm8 =	vmmov vm5  }
0x87: {  	vm15 =	vmand vm11, vm13;
	v17 =	vmpcnt.ones.xlane vm8  }
0x88: {  	v19 =	vmpcnt.ones.xlane vm15  }
0x89: {  	v17 =	vadd.s32 v21, v17  }
0x8a: {  	(xrf0) =	vadd.scan.msk.s32 $0xffff, v16;
	v45 =	vsel vm15, $0x1, v4;
	v19 =	vadd.s32 v17, v19  }
0x8b: {  	(xrf0) =	vadd.scan.msk.s32 $0xffff, v45;
	v46 =	vxor.u32 $0x80000000, v19  }
0x8c: {  	(xrf0) =	vmax.scan.msk.u32 $0xffff, v46;
	_ =	sdelay $0x1  }
0x8d: {  	v47, _, _ =	vpop (xrf0)  }
0x8e: {  	v48, _, _ =	vpop (xrf0)  }
0x8f: {  	v27, _, _ =	vpop (xrf0)  }
0x90: {  	v28, _, _ =	vpop (xrf0)  }
0x91: {  	v29, _, _ =	vpop (xrf0)  }
0x92: {  	(v2sf) =	vpush v29, $0xF;
	_ =	sdelay $0x9  }
0x93: {  	vm9 =	vmmov vm2;
	v51 =	vadd.s32 $0xFFFFFFFF, v25  }
0x94: {  	v22 =	vadd.s32 $0xFFFFFFFF, v22  }
0x95: {  	s22 =	sadd.s32 $0xFFFFFF90, s19;
	v57 =	vadd.s32 v23, v20  }
0x96: {  	[tilespmem:v26+s8+$0x0] =	vst.idx.msk vm3, v14;
	v50 =	vor.u32 s22, v2;
	v58 =	vadd.s32 $0xFFFFFFFF, v57  }
0x97: {  	[tilespmem:v26+s9+$0x0] =	vst.idx.msk vm3, v50  }
0x98: {  	v56 =	vor.u32 s21, v2;
	v16 =	vadd.s32 v47, v18;
	[tilespmem:v51+s8+$0x0] =	vst.idx.msk vm7, v10;
	s21 =	spop (v2sf)  }
0x99: {  	v62 =	vor.u32 s20, v2;
	v16 =	vadd.s32 $0xFFFFFFFF, v16;
	[tilespmem:v22+s8+$0x0] =	vst.idx.msk vm9, v11;
	s29 =	sadd.s32 $0x8000000F, s21  }
0x9a: {  	v49 =	vadd.s32 v48, v24;
	[tilespmem:v51+s9+$0x0] =	vst.idx.msk vm7, v62;
	s30 =	sand.u32 $0xF, s29  }
0x9b: {  	v18 =	vadd.s32 $0xFFFFFFFF, v49;
	[tilespmem:v58+s8+$0x0] =	vst.idx.msk vm6, v8;
	s31 =	sshra.s32 s29, $0x1F;
	p1 =	slt.s32 s29, $0x1;
	p0 =	sne.s32 s30, $0x0  }
0x9c: {  	s23 =	sadd.s32 $0xFFFFFFB0, s19;
	v60 =	vor.u32 s18, v2;
	v63 =	vor.u32 s25, v2;
	v52 =	vadd.s32 v27, v21;
	[tilespmem:v22+s9+$0x0] =	vst.idx.msk vm9, v56;
	s18 =	sshrl.u32 s31, $0x1C;
	p0 =	por !p1, !p0  }
0x9d: {  	s20 =	simm.s32 $0x1;
	[tilespmem:v58+s9+$0x0] =	vst.idx.msk vm6, v63;
	v54 =	vadd.s32 $0xFFFFFFFF, v52;
	s18 =	sadd.s32 s18, s29;
	p0 =	por !p0, !p0  }
0x9e: {  	v55 =	vor.u32 s23, v2;
	[tilespmem:v16+s8+$0x0] =	vst.idx.msk vm1, v15;
	v59 =	vadd.s32 v28, v17;
	s18 =	sshra.s32 s18, $0x4;
	s20 =	simm.s32 @!p0 $0x0  }
0x9f: {  	s28 =	sadd.s32 $0xFFFFFFC0, s19;
	[tilespmem:v16+s9+$0x0] =	vst.idx.msk vm1, v55;
	v61 =	vadd.s32 $0xFFFFFFFF, v59;
	s20 =	ssub.s32 s18, s20  }
0xa0: {  	v53 =	vor.u32 s28, v2;
	[tilespmem:v18+s8+$0x0] =	vst.idx.msk vm4, v13;
	p0 =	slt.s32 s20, $0x1  }
.Ltmp8:
0xa1: {  	[tilespmem:v18+s9+$0x0] =	vst.idx.msk vm4, v53;
	(pc) =	sbr.rel @p0 .LBB2_17-.Ltmp8, $4  }
0xa2: {  	[tilespmem:v54+s8+$0x0] =	vst.idx.msk vm8, v9  }
0xa3: {  	[tilespmem:v54+s9+$0x0] =	vst.idx.msk vm8, v60  }
0xa4: {  	v8 =	vor.u32 s19, v2;
	[tilespmem:v61+s8+$0x0] =	vst.idx.msk vm15, v12  }
0xa5: {  	vm2 =	vmmov vm7;
	vm3 =	vmmov vm6;
	[tilespmem:v61+s9+$0x0] =	vst.idx.msk vm15, v8  }
0xa6: {  	p1 =	sne.s32 s20, $0x1  }
.Ltmp9:
0xa7: {  	_ = 	snop;
	(pc) =	sbr.rel @!p1 .LBB2_12-.Ltmp9, $3  }
0xa8: {  	_ =	sdelay $0x1  }
0xa9: {  	s19 =	sxor.u32 $0x80000000, s21;
	s31 =	simm.s32 $0x4000;
	s18 =	simm.s32 $0x5000  }
0xaa: {  	s20 =	sadd.s32 $0xFFFFFFFF, s20;
	p0 =	por $0x0, $0x0;
	v8 =	vmov s19;
	s19 =	simm.s32 $0x0;
	v9 =	vld [tilespmem:s31+$0x0]  }
0xab: {  	_ =	sdelay $0x1  }
0xac: {  	v10 =	vld [tilespmem:s18+$0x0];
	_ =	sdelay $0x1  }
0xad: {  	v11 =	vor.u32 s19, v2;
	v9 =	vshll.u32 v9, $0x4  }
0xae: {  	vm1 =	vlt.s32 v11, v8;
	v9 =	vxor.u32 v5, v9  }
0xaf: {  	v9 =	vsel vm1, v9, v6  }
0xb0: {  	(xrf1) =	vsort.ascd.msk.u32 $0xffff, v9, v10;
	_ =	sdelay $0xd  }
0xb1: {  	v9, v10, _ =	vpop (xrf1)  }
0xb2: {  	v9 =	vshrl.u32 v9, $0x4  }
0xb3: {  	v11 =	vxor.u32 $0x8000000, v9  }
0xb4: {  	v12 =	vperm.xlane v11, v7;
	_ =	sdelay $0x1  }
0xb5: {  	vm1 =	vne.s32 v11, v12  }
0xb6: {  	vm2 =	vlt.u32 v11, $0x40000;
	v11 =	vsub.s32 v11, v0;
	vm1 =	vmor vm1, vm0  }
0xb7: {  	v9 =	vand.u32 $0x7F, v9;
	v11 =	vand.u32 $0xFFFFFF80, v11;
	vm1 =	vmand vm2, vm1  }
0xb8: {  	v9 =	vor.u32 v9, v11  }
0xb9: {  	p1 =	sne.s32 s20, $0x1  }
.Ltmp10:
0xba: {  	_ = 	snop;
	(pc) =	sbr.rel @!p1 .LBB2_14-.Ltmp10, $3  }
0xbb: {  	_ =	sdelay $0x1  }
0xbc: {  	s22 =	simm.s32 $0x4010;
	s23 =	sadd.s32 $0xFFFFFFFF, s20;
	[tilespmem:v9+s10+$0x0] =	vst.idx.msk vm1, v10  }
0xbd: {  	p0 =	por $0x1, $0x1;
	s20 =	simm.s32 $0x5000;
	s21 =	simm.s32 $0x0;
	v9 =	vld [tilespmem:s22+$0x0]  }
.LBB2_15:
0xbe: {  	p1 =	sne.s32 s23, $0x1  }
0xbf: {  	s20 =	sadd.s32 $0x10, s20  }
0xc0: {  	v10 =	vld [tilespmem:s20+$0x0]  }
0xc1: {  	s21 =	sadd.s32 $0x10, s21  }
0xc2: {  	v11 =	vor.u32 s21, v2;
	v9 =	vshll.u32 v9, $0x4  }
0xc3: {  	vm1 =	vlt.s32 v11, v8;
	v9 =	vxor.u32 v5, v9  }
0xc4: {  	v9 =	vsel vm1, v9, v6  }
0xc5: {  	(xrf1) =	vsort.ascd.msk.u32 $0xffff, v9, v10;
	_ =	sdelay $0xd  }
0xc6: {  	v9, v10, _ =	vpop (xrf1)  }
0xc7: {  	v9 =	vshrl.u32 v9, $0x4  }
0xc8: {  	v11 =	vxor.u32 $0x8000000, v9  }
0xc9: {  	v12 =	vperm.xlane v11, v7;
	_ =	sdelay $0x1  }
0xca: {  	vm1 =	vne.s32 v11, v12  }
0xcb: {  	vm2 =	vlt.u32 v11, $0x40000;
	v11 =	vsub.s32 v11, v0;
	vm1 =	vmor vm1, vm0  }
0xcc: {  	v9 =	vand.u32 $0x7F, v9;
	v11 =	vand.u32 $0xFFFFFF80, v11;
	vm1 =	vmand vm2, vm1  }
0xcd: {  	v9 =	vor.u32 v9, v11;
	_ =	sdelay $0x1  }
.Ltmp11:
0xce: {  	(pc) =	sbr.rel @p1 .LBB2_15-.Ltmp11, $3  }
0xcf: {  	_ =	sdelay $0x1  }
0xd0: {  	s22 =	sadd.s32 $0x10, s22;
	[tilespmem:v9+s10+$0x0] =	vst.idx.msk vm1, v10  }
0xd1: {  	s23 =	sadd.s32 $0xFFFFFFFF, s23;
	v9 =	vld [tilespmem:s22+$0x0]  }
.LBB2_16:
0xd2: {  	s20 =	sadd.s32 @p0 $0x10, s20  }
0xd3: {  	s18 =	smov.u32 @p0 s20  }
0xd4: {  	v10 =	vld [tilespmem:s18+$0x0];
	s18 =	sadd.s32 @p0 $0x10, s21  }
0xd5: {  	s19 =	smov.u32 @p0 s18  }
0xd6: {  	v11 =	vor.u32 s19, v2;
	v9 =	vshll.u32 v9, $0x4  }
0xd7: {  	vm1 =	vlt.s32 v11, v8;
	v8 =	vxor.u32 v5, v9  }
0xd8: {  	v8 =	vsel vm1, v8, v6  }
0xd9: {  	(xrf1) =	vsort.ascd.msk.u32 $0xffff, v8, v10;
	_ =	sdelay $0xd  }
0xda: {  	v8, v61, _ =	vpop (xrf1)  }
0xdb: {  	v8 =	vshrl.u32 v8, $0x4  }
0xdc: {  	v62 =	vxor.u32 $0x8000000, v8  }
0xdd: {  	v63 =	vperm.xlane v62, v7;
	_ =	sdelay $0x1  }
0xde: {  	vm1 =	vne.s32 v62, v63  }
0xdf: {  	vm2 =	vlt.u32 v62, $0x40000;
	v10 =	vsub.s32 v62, v0;
	vm1 =	vmor vm1, vm0  }
0xe0: {  	v8 =	vand.u32 $0x7F, v8;
	v10 =	vand.u32 $0xFFFFFF80, v10;
	vm1 =	vmand vm2, vm1  }
0xe1: {  	v8 =	vor.u32 v8, v10;
	_ =	sdelay $0x4  }
0xe2: {  	[tilespmem:v8+s10+$0x0] =	vst.idx.msk vm1, v61  }
.LBB2_17:
0xe3: {  	_ =	swait.ge [sflag:s11], $0x1000  }
0xe4: {  	s17 =	sadd.s32 s17, s4;
	[sflag:s11] =	ssyncset.done $0x0  }
0xe5: {  	s18 =	simm.s32 $0x0;
	s19 =	simm.s32 $0x0;
	[sflag:s11] =	ssyncadd.s32 $0xFFFFF000  }
.LBB2_18:
0xe6: {  	p0 =	sne.s32 s19, $0x1F0  }
.Ltmp12:
0xe7: {  	_ = 	snop;
	(pc) =	sbr.rel @p0 .LBB2_18-.Ltmp12, $4  }
0xe8: {  	_ = 	snop  }
0xe9: {  	s20 =	sadd.s32 s19, s17  }
0xea: {  	[tilespmem:s18], [sflag:$0x1] =	stream.linear.gather [hbm4b:s20+s2], $0x80, $0x38;
	[tilespmem:$0x6000] =	vst v63  }
0xeb: {  	s19 =	sadd.s32 $0x10, s19;
	s18 =	sadd.s32 $0x100, s18  }
0xec: {  	s17 =	simm.s32 $0xF0  }
0xed: {  	v11 =	vld [tilespmem:s17+$0xFFFFFFA0]  }
0xee: {  	v9 =	vld [tilespmem:s17+$0xFFFFFFF0]  }
0xef: {  	v14 =	vld [tilespmem:s17+$0xFFFFFF90];
	_ =	sdelay $0x1  }
0xf0: {  	v10 =	vld [tilespmem:s17+$0xFFFFFFD0]  }
0xf1: {  	v8 =	vld [tilespmem:s17+$0xFFFFFFE0];
	vm1 =	vlt.s32 v11, v1;
	vm2 =	vge.s32 v11, v0  }
0xf2: {  	vm3 =	vge.s32 v9, v0;
	vm2 =	vmand vm2, vm1;
	vm1 =	vlt.s32 v9, v1  }
0xf3: {  	v13 =	vld [tilespmem:s17+$0xFFFFFFC0];
	vm5 =	vmand vm3, vm1;
	vm1 =	vge.s32 v14, v0;
	vm3 =	vlt.s32 v14, v1  }
0xf4: {  	v12 =	vsel vm2, $0x1, v4;
	vm3 =	vmand vm1, vm3  }
0xf5: {  	v15 =	vld [tilespmem:s17+$0xFFFFFFB0];
	vm6 =	vlt.s32 v10, v1;
	(xrf0) =	vadd.scan.msk.s32 $0xffff, v12;
	v12 =	vsel vm3, $0x1, v4  }
0xf6: {  	vm8 =	vge.s32 v8, v0;
	vm7 =	vge.s32 v10, v0;
	vm1 =	vlt.s32 v8, v1;
	(xrf0) =	vadd.scan.msk.s32 $0xffff, v12  }
0xf7: {  	vm7 =	vmand vm7, vm6;
	vm6 =	vmand vm8, vm1  }
0xf8: {  	v17 =	vimm.s32 $0x0;
	vm4 =	vge.s32 v13, v0;
	v20 =	vsel vm6, $0x1, v4  }
0xf9: {  	vm9 =	vlt.s32 v13, v1;
	v19 =	vsel vm7, $0x1, v4;
	v12 =	vmpcnt.ones.xlane vm3  }
0xfa: {  	v18 =	vmpcnt.ones.xlane vm2;
	vm1 =	vlt.s32 v15, v1;
	vm8 =	vge.s32 v15, v0;
	(xrf0) =	vadd.scan.msk.s32 $0xffff, v19  }
0xfb: {  	vm4 =	vmand vm4, vm9;
	vm1 =	vmand vm8, vm1;
	v19 =	vadd.s32 v17, v12;
	v12 =	vld [tilespmem:s17+$0x0];
	(xrf0) =	vadd.scan.msk.s32 $0xffff, v20;
	v20, _, _ =	vpop (xrf0)  }
0xfc: {  	v21 =	vmpcnt.ones.xlane vm1;
	v18 =	vadd.s32 v19, v18;
	v22 =	vadd.s32 v20, v19;
	v25, _, _ =	vpop (xrf0)  }
0xfd: {  	v19 =	vsel vm1, $0x1, v4;
	v20 =	vmpcnt.ones.xlane vm4;
	v17 =	vadd.s32 v25, v17  }
0xfe: {  	v23 =	vsel vm4, $0x1, v4;
	v24 =	vadd.s32 v18, v21;
	v21 =	vmpcnt.ones.xlane vm7;
	(xrf0) =	vadd.scan.msk.s32 $0xffff, v19  }
0xff: {  	s20 =	sadd.s32 $0xFFFFFFA0, s16;
	s19 =	sadd.s32 $0xFFFFFFD0, s16;
	v16 =	vsel vm5, $0x1, v4;
	v27 =	vmpcnt.ones.xlane vm6;
	v25 =	vadd.s32 v24, v20  }
0x100: {  	s21 =	simm.s32 $0x0;
	s24 =	sadd.s32 $0xFFFFFFE0, s16;
	s22 =	sadd.s32 $0x80, s16;
	vm11 =	vge.s32 v12, v0;
	(xrf0) =	vadd.scan.msk.s32 $0xffff, v23;
	v26 =	vadd.s32 $0xFFFFFFFF, v17;
	v20 =	vadd.s32 v25, v21;
	v17, _, _ =	vpop (xrf0)  }
0x101: {  	s23 =	simm.s32 $0x1F0;
	s18 =	smov.u32 s16;
	s17 =	sadd.s32 $0xFFFFFFF0, s16;
	vm13 =	vlt.s32 v12, v1;
	v21 =	vadd.s32 v20, v27;
	v25 =	vadd.s32 v17, v25;
	v23, _, _ =	vpop (xrf0)  }
.LBB2_20:
0x102: {  	v19 =	vor.u32 s24, v2;
	v17 =	vor.u32 s18, v2;
	vm12 =	vmmov vm2  }
0x103: {  	v27 =	vld [tilespmem:s23+$0xFFFFFFA0];
	s25 =	sadd.s32 $0xFFFFFFA0, s22;
	s26 =	sadd.s32 $0xFFFFFFD0, s22;
	s21 =	sadd.s32 $0x8, s21;
	vm10 =	vmmov vm5;
	vm8 =	vmmov vm6;
	vm9 =	vmmov vm7  }
0x104: {  	s24 =	sadd.s32 $0xFFFFFF90, s18;
	v29 =	vor.u32 s20, v2;
	v30 =	vor.u32 s19, v2;
	v31 =	vor.u32 s17, v2;
	s17 =	sadd.s32 $0xFFFFFFF0, s22;
	v28 =	vld [tilespmem:s23+$0xFFFFFFF0];
	p0 =	slt.u32 s21, $0xF8;
	v32, _, _ =	vpop (xrf0)  }
0x105: {  	v22 =	vadd.s32 $0xFFFFFFFF, v22;
	s19 =	sadd.s32 $0xFFFFFFB0, s18;
	s18 =	sadd.s32 $0xFFFFFFC0, s18;
	v34 =	vor.u32 s24, v2;
	s20 =	smov.u32 s25;
	v33 =	vld [tilespmem:s23+$0xFFFFFFE0];
	[tilespmem:v26+s8+$0x0] =	vst.idx.msk vm3, v14;
	v35 =	vadd.s32 v32, v18  }
0x106: {  	v32 =	vld [tilespmem:s23+$0xFFFFFFD0];
	[tilespmem:v26+s9+$0x0] =	vst.idx.msk vm3, v34;
	v18 =	vadd.s32 $0xFFFFFFFF, v35;
	v26 =	vor.u32 s19, v2;
	v34 =	vor.u32 s18, v2;
	v14, _, _ =	vpop (xrf0);
	s19 =	smov.u32 s26;
	s18 =	smov.u32 s22  }
0x107: {  	vm11 =	vmand vm11, vm13;
	v36 =	vmpcnt.ones.xlane vm10;
	v35 =	vld [tilespmem:s23+$0xFFFFFFC0];
	v24 =	vadd.s32 v14, v24;
	(xrf0) =	vadd.scan.msk.s32 $0xffff, v16  }
0x108: {  	v14 =	vld [tilespmem:s23+$0xFFFFFF90];
	vm2 =	vlt.s32 v27, v1;
	v16 =	vadd.s32 $0xFFFFFFFF, v24;
	v24 =	vsel vm11, $0x1, v4  }
0x109: {  	v25 =	vadd.s32 $0xFFFFFFFF, v25;
	vm3 =	vge.s32 v27, v0;
	v37 =	vld [tilespmem:s23+$0xFFFFFFB0];
	vm5 =	vge.s32 v28, v0;
	(xrf0) =	vadd.scan.msk.s32 $0xffff, v24  }
0x10a: {  	vm2 =	vmand vm3, vm2;
	vm3 =	vlt.s32 v28, v1;
	v24 =	vadd.s32 v21, v36;
	[tilespmem:v22+s8+$0x0] =	vst.idx.msk vm12, v11  }
0x10b: {  	v36 =	vsel vm2, $0x1, v4;
	vm5 =	vmand vm5, vm3;
	v11 =	vmovc v27;
	[tilespmem:v18+s8+$0x0] =	vst.idx.msk vm1, v15;
	v15 =	vadd.s32 v23, v20  }
0x10c: {  	vm6 =	vge.s32 v33, v0;
	vm7 =	vlt.s32 v32, v1;
	vm13 =	vge.s32 v35, v0;
	(xrf0) =	vadd.scan.msk.s32 $0xffff, v36  }
0x10d: {  	vm14 =	vlt.s32 v33, v1;
	v36 =	vmpcnt.ones.xlane vm11;
	vm3 =	vge.s32 v14, v0;
	[tilespmem:v16+s8+$0x0] =	vst.idx.msk vm4, v13;
	v20, _, _ =	vpop (xrf0)  }
0x10e: {  	v23 =	vmpcnt.ones.xlane vm2;
	vm15 =	vlt.s32 v14, v1;
	[tilespmem:v16+s9+$0x0] =	vst.idx.msk vm4, v34;
	v20 =	vadd.s32 v20, v21  }
0x10f: {  	vm3 =	vmand vm3, vm15;
	v16 =	vsel vm5, $0x1, v4;
	[tilespmem:v18+s9+$0x0] =	vst.idx.msk vm1, v26;
	v20 =	vadd.s32 $0xFFFFFFFF, v20;
	v18, _, _ =	vpop (xrf0)  }
0x110: {  	v13 =	vmovc v35;
	v27 =	vadd.s32 v24, v36;
	v21 =	vsel vm3, $0x1, v4;
	v34 =	vmpcnt.ones.xlane vm3;
	[tilespmem:v22+s9+$0x0] =	vst.idx.msk vm12, v29  }
0x111: {  	vm6 =	vmand vm6, vm14;
	vm4 =	vlt.s32 v13, v1;
	(xrf0) =	vadd.scan.msk.s32 $0xffff, v21;
	v21 =	vadd.s32 $0xFFFFFFFF, v15;
	v15 =	vmovc v37  }
0x112: {  	vm1 =	vge.s32 v32, v0;
	v24 =	vadd.s32 v18, v24;
	v22 =	vadd.s32 v27, v34;
	v26, _, _ =	vpop (xrf0)  }
0x113: {  	vm7 =	vmand vm1, vm7;
	v18 =	vadd.s32 v22, v23;
	vm12 =	vlt.s32 v15, v1;
	[tilespmem:v25+s8+$0x0] =	vst.idx.msk vm9, v10  }
0x114: {  	v23 =	vadd.s32 $0xFFFFFFFF, v24;
	v22 =	vadd.s32 v26, v22;
	v26 =	vsel vm7, $0x1, v4;
	[tilespmem:v20+s8+$0x0] =	vst.idx.msk vm10, v9;
	v9 =	vmovc v28  }
0x115: {  	vm1 =	vge.s32 v15, v0;
	v24 =	vsel vm6, $0x1, v4;
	v10 =	vmovc v32;
	(xrf0) =	vadd.scan.msk.s32 $0xffff, v26;
	[tilespmem:v20+s9+$0x0] =	vst.idx.msk vm10, v31  }
0x116: {  	vm4 =	vmand vm13, vm4;
	vm1 =	vmand vm1, vm12;
	v28 =	vld [tilespmem:s23+$0x0];
	(xrf0) =	vadd.scan.msk.s32 $0xffff, v24;
	[tilespmem:v25+s9+$0x0] =	vst.idx.msk vm9, v30  }
0x117: {  	v20 =	vsel vm1, $0x1, v4;
	v24 =	vmpcnt.ones.xlane vm1;
	v25 =	vsel vm4, $0x1, v4;
	v26, _, _ =	vpop (xrf0);
	[tilespmem:v21+s8+$0x0] =	vst.idx.msk vm8, v8  }
.Ltmp13:
0x118: {  	v8 =	vmovc v33;
	v26 =	vadd.s32 v26, v27;
	v27 =	vmpcnt.ones.xlane vm4;
	(xrf0) =	vadd.scan.msk.s32 $0xffff, v20;
	[tilespmem:v21+s9+$0x0] =	vst.idx.msk vm8, v19;
	(pc) =	sbr.rel @p0 .LBB2_20-.Ltmp13, $4  }
0x119: {  	v24 =	vadd.s32 v18, v24;
	v19 =	vmpcnt.ones.xlane vm7;
	v26 =	vadd.s32 $0xFFFFFFFF, v26;
	[tilespmem:v23+s8+$0x0] =	vst.idx.msk vm11, v12  }
0x11a: {  	v21 =	vmpcnt.ones.xlane vm6;
	v27 =	vadd.s32 v24, v27;
	(xrf0) =	vadd.scan.msk.s32 $0xffff, v25;
	[tilespmem:v23+s9+$0x0] =	vst.idx.msk vm11, v17  }
0x11b: {  	v20 =	vadd.s32 v27, v19;
	vm11 =	vge.s32 v28, v0;
	vm13 =	vlt.s32 v28, v1;
	v17, _, _ =	vpop (xrf0)  }
0x11c: {  	s22 =	sadd.s32 $0x80, s22;
	s24 =	sadd.s32 $0xFFFFFFE0, s18;
	s23 =	sadd.s32 $0x100, s23;
	v12 =	vmov v28;
	v25 =	vadd.s32 v17, v27;
	v21 =	vadd.s32 v20, v21;
	v23, _, _ =	vpop (xrf0)  }
0x11d: {  	vm8 =	vmmov vm5  }
0x11e: {  	vm15 =	vmand vm11, vm13;
	v17 =	vmpcnt.ones.xlane vm8  }
0x11f: {  	v19 =	vmpcnt.ones.xlane vm15  }
0x120: {  	v17 =	vadd.s32 v21, v17  }
0x121: {  	(xrf0) =	vadd.scan.msk.s32 $0xffff, v16;
	v45 =	vsel vm15, $0x1, v4;
	v19 =	vadd.s32 v17, v19  }
0x122: {  	(xrf0) =	vadd.scan.msk.s32 $0xffff, v45;
	v46 =	vxor.u32 $0x80000000, v19  }
0x123: {  	(xrf0) =	vmax.scan.msk.u32 $0xffff, v46;
	_ =	sdelay $0x1  }
0x124: {  	v47, _, _ =	vpop (xrf0)  }
0x125: {  	v48, _, _ =	vpop (xrf0)  }
0x126: {  	v27, _, _ =	vpop (xrf0)  }
0x127: {  	v28, _, _ =	vpop (xrf0)  }
0x128: {  	v29, _, _ =	vpop (xrf0)  }
0x129: {  	(v2sf) =	vpush v29, $0xF;
	_ =	sdelay $0x9  }
0x12a: {  	vm9 =	vmmov vm2;
	v51 =	vadd.s32 $0xFFFFFFFF, v25  }
0x12b: {  	v22 =	vadd.s32 $0xFFFFFFFF, v22  }
0x12c: {  	s21 =	sadd.s32 $0xFFFFFF90, s18;
	v57 =	vadd.s32 v23, v20  }
0x12d: {  	[tilespmem:v26+s8+$0x0] =	vst.idx.msk vm3, v14;
	v50 =	vor.u32 s21, v2;
	v58 =	vadd.s32 $0xFFFFFFFF, v57  }
0x12e: {  	[tilespmem:v26+s9+$0x0] =	vst.idx.msk vm3, v50  }
0x12f: {  	v56 =	vor.u32 s20, v2;
	v16 =	vadd.s32 v47, v18;
	[tilespmem:v51+s8+$0x0] =	vst.idx.msk vm7, v10;
	s20 =	spop (v2sf)  }
0x130: {  	v62 =	vor.u32 s19, v2;
	v16 =	vadd.s32 $0xFFFFFFFF, v16;
	[tilespmem:v22+s8+$0x0] =	vst.idx.msk vm9, v11;
	s29 =	sadd.s32 $0x8000000F, s20  }
0x131: {  	v49 =	vadd.s32 v48, v24;
	[tilespmem:v51+s9+$0x0] =	vst.idx.msk vm7, v62;
	s30 =	sand.u32 $0xF, s29  }
0x132: {  	v18 =	vadd.s32 $0xFFFFFFFF, v49;
	[tilespmem:v58+s8+$0x0] =	vst.idx.msk vm6, v8;
	s31 =	sshra.s32 s29, $0x1F;
	p1 =	slt.s32 s29, $0x1;
	p0 =	sne.s32 s30, $0x0  }
0x133: {  	s22 =	sadd.s32 $0xFFFFFFB0, s18;
	v60 =	vor.u32 s17, v2;
	v63 =	vor.u32 s24, v2;
	v52 =	vadd.s32 v27, v21;
	[tilespmem:v22+s9+$0x0] =	vst.idx.msk vm9, v56;
	s17 =	sshrl.u32 s31, $0x1C;
	p0 =	por !p1, !p0  }
0x134: {  	s19 =	simm.s32 $0x1;
	[tilespmem:v58+s9+$0x0] =	vst.idx.msk vm6, v63;
	v54 =	vadd.s32 $0xFFFFFFFF, v52;
	s17 =	sadd.s32 s17, s29;
	p0 =	por !p0, !p0  }
0x135: {  	v55 =	vor.u32 s22, v2;
	[tilespmem:v16+s8+$0x0] =	vst.idx.msk vm1, v15;
	v59 =	vadd.s32 v28, v17;
	s17 =	sshra.s32 s17, $0x4;
	s19 =	simm.s32 @!p0 $0x0  }
0x136: {  	s28 =	sadd.s32 $0xFFFFFFC0, s18;
	[tilespmem:v16+s9+$0x0] =	vst.idx.msk vm1, v55;
	v61 =	vadd.s32 $0xFFFFFFFF, v59;
	s19 =	ssub.s32 s17, s19  }
0x137: {  	v53 =	vor.u32 s28, v2;
	[tilespmem:v18+s8+$0x0] =	vst.idx.msk vm4, v13;
	p0 =	slt.s32 s19, $0x1  }
.Ltmp14:
0x138: {  	[tilespmem:v18+s9+$0x0] =	vst.idx.msk vm4, v53;
	(pc) =	sbr.rel @p0 .LBB2_28-.Ltmp14, $4  }
0x139: {  	[tilespmem:v54+s8+$0x0] =	vst.idx.msk vm8, v9  }
0x13a: {  	[tilespmem:v54+s9+$0x0] =	vst.idx.msk vm8, v60  }
0x13b: {  	v8 =	vor.u32 s18, v2;
	[tilespmem:v61+s8+$0x0] =	vst.idx.msk vm15, v12  }
0x13c: {  	vm2 =	vmmov vm7;
	vm3 =	vmmov vm6;
	[tilespmem:v61+s9+$0x0] =	vst.idx.msk vm15, v8  }
0x13d: {  	p1 =	sne.s32 s19, $0x1  }
.Ltmp15:
0x13e: {  	_ = 	snop;
	(pc) =	sbr.rel @!p1 .LBB2_23-.Ltmp15, $3  }
0x13f: {  	_ =	sdelay $0x1  }
0x140: {  	s18 =	sxor.u32 $0x80000000, s20;
	s31 =	simm.s32 $0x4000;
	s17 =	simm.s32 $0x5000  }
0x141: {  	s19 =	sadd.s32 $0xFFFFFFFF, s19;
	p0 =	por $0x0, $0x0;
	v8 =	vmov s18;
	s18 =	simm.s32 $0x0;
	v9 =	vld [tilespmem:s31+$0x0]  }
0x142: {  	_ =	sdelay $0x1  }
0x143: {  	v10 =	vld [tilespmem:s17+$0x0];
	_ =	sdelay $0x1  }
0x144: {  	v11 =	vor.u32 s18, v2;
	v9 =	vshll.u32 v9, $0x4  }
0x145: {  	vm1 =	vlt.s32 v11, v8;
	v9 =	vxor.u32 v5, v9  }
0x146: {  	v9 =	vsel vm1, v9, v6  }
0x147: {  	(xrf1) =	vsort.ascd.msk.u32 $0xffff, v9, v10;
	_ =	sdelay $0xd  }
0x148: {  	v9, v10, _ =	vpop (xrf1)  }
0x149: {  	v9 =	vshrl.u32 v9, $0x4  }
0x14a: {  	v11 =	vxor.u32 $0x8000000, v9  }
0x14b: {  	v12 =	vperm.xlane v11, v7;
	_ =	sdelay $0x1  }
0x14c: {  	vm1 =	vne.s32 v11, v12  }
0x14d: {  	vm2 =	vlt.u32 v11, $0x40000;
	v11 =	vsub.s32 v11, v0;
	vm1 =	vmor vm1, vm0  }
0x14e: {  	v9 =	vand.u32 $0x7F, v9;
	v11 =	vand.u32 $0xFFFFFF80, v11;
	vm1 =	vmand vm2, vm1  }
0x14f: {  	v9 =	vor.u32 v9, v11  }
0x150: {  	p1 =	sne.s32 s19, $0x1  }
.Ltmp16:
0x151: {  	_ = 	snop;
	(pc) =	sbr.rel @!p1 .LBB2_25-.Ltmp16, $3  }
0x152: {  	_ =	sdelay $0x1  }
0x153: {  	s21 =	simm.s32 $0x4010;
	s22 =	sadd.s32 $0xFFFFFFFF, s19;
	[tilespmem:v9+s10+$0x0] =	vst.idx.msk vm1, v10  }
0x154: {  	p0 =	por $0x1, $0x1;
	s19 =	simm.s32 $0x5000;
	s20 =	simm.s32 $0x0;
	v9 =	vld [tilespmem:s21+$0x0]  }
.LBB2_26:
0x155: {  	p1 =	sne.s32 s22, $0x1  }
0x156: {  	s19 =	sadd.s32 $0x10, s19  }
0x157: {  	v10 =	vld [tilespmem:s19+$0x0]  }
0x158: {  	s20 =	sadd.s32 $0x10, s20  }
0x159: {  	v9 =	vshll.u32 v9, $0x4;
	v11 =	vor.u32 s20, v2  }
0x15a: {  	v9 =	vxor.u32 v5, v9;
	vm1 =	vlt.s32 v11, v8  }
0x15b: {  	v9 =	vsel vm1, v9, v6  }
0x15c: {  	(xrf1) =	vsort.ascd.msk.u32 $0xffff, v9, v10;
	_ =	sdelay $0xd  }
0x15d: {  	v9, v10, _ =	vpop (xrf1)  }
0x15e: {  	v9 =	vshrl.u32 v9, $0x4  }
0x15f: {  	v11 =	vxor.u32 $0x8000000, v9  }
0x160: {  	v12 =	vperm.xlane v11, v7;
	_ =	sdelay $0x1  }
0x161: {  	vm1 =	vne.s32 v11, v12  }
0x162: {  	vm2 =	vlt.u32 v11, $0x40000;
	v11 =	vsub.s32 v11, v0;
	vm1 =	vmor vm1, vm0  }
0x163: {  	v9 =	vand.u32 $0x7F, v9;
	v11 =	vand.u32 $0xFFFFFF80, v11;
	vm1 =	vmand vm2, vm1  }
0x164: {  	v9 =	vor.u32 v9, v11;
	_ =	sdelay $0x1  }
.Ltmp17:
0x165: {  	(pc) =	sbr.rel @p1 .LBB2_26-.Ltmp17, $3  }
0x166: {  	_ =	sdelay $0x1  }
0x167: {  	s21 =	sadd.s32 $0x10, s21;
	[tilespmem:v9+s10+$0x0] =	vst.idx.msk vm1, v10  }
0x168: {  	s22 =	sadd.s32 $0xFFFFFFFF, s22;
	v9 =	vld [tilespmem:s21+$0x0]  }
.Ltmp18:
0x169: {  	_ = 	snop;
	(pc) =	sbr.rel .LBB2_27-.Ltmp18, $1  }
0x16a: {  	_ =	sdelay $0x3  }
.LBB2_12:
.Ltmp19:
0x16b: {  	(pc) =	sbr.rel .LBB2_16-.Ltmp19, $2  }
0x16c: {  	_ =	sdelay $0x2  }
0x16d: {  	s20 =	simm.s32 $0x5000;
	s21 =	simm.s32 $0x0  }
.LBB2_14:
.Ltmp20:
0x16e: {  	(pc) =	sbr.rel .LBB2_16-.Ltmp20, $2  }
0x16f: {  	_ =	sdelay $0x2  }
0x170: {  	s20 =	simm.s32 $0x5000;
	s21 =	simm.s32 $0x0  }
.LBB2_25:
.Ltmp21:
0x171: {  	(pc) =	sbr.rel .LBB2_27-.Ltmp21, $2  }
0x172: {  	_ =	sdelay $0x2  }
0x173: {  	s19 =	simm.s32 $0x5000;
	s20 =	simm.s32 $0x0  }
.LBB2_29:
0x174: {  	_ =	swait.ge [sflag:s7], $0x1000  }
0x175: {  	[sflag:s7] =	ssyncset.done $0x0  }
0x176: {  	s14 =	simm.s32 $0x40;
	[sflag:s7] =	ssyncadd.s32 $0xFFFFF000  }
0x177: {  	v15 =	vld [tilespmem:s14+$0xFFFFFFD0]  }
0x178: {  	v9 =	vld [tilespmem:s14+$0x30]  }
0x179: {  	v8 =	vld [tilespmem:s14+$0x0]  }
0x17a: {  	v14 =	vld [tilespmem:s14+$0x10]  }
0x17b: {  	v11 =	vld [tilespmem:s14+$0xFFFFFFC0]  }
0x17c: {  	v13 =	vld [tilespmem:s14+$0xFFFFFFE0]  }
0x17d: {  	v12 =	vld [tilespmem:s14+$0xFFFFFFF0];
	_ =	sdelay $0x1  }
0x17e: {  	v16 =	vimm.s32 $0x0;
	vm1 =	vge.s32 v15, v0  }
0x17f: {  	vm2 =	vlt.s32 v15, v1;
	vm3 =	vlt.s32 v9, v1;
	vm5 =	vlt.s32 v8, v1  }
0x180: {  	vm9 =	vlt.s32 v14, v1;
	vm7 =	vlt.s32 v11, v1;
	vm10 =	vlt.s32 v13, v1  }
0x181: {  	vm8 =	vmand vm1, vm2;
	vm1 =	vge.s32 v12, v0;
	vm2 =	vlt.s32 v12, v1  }
0x182: {  	v10 =	vsel vm8, $0x1, v4;
	vm4 =	vmand vm1, vm2;
	vm1 =	vge.s32 v9, v0  }
0x183: {  	vm2 =	vge.s32 v8, v0;
	v18 =	vmpcnt.ones.xlane vm8;
	v17 =	vsel vm4, $0x1, v4;
	(xrf0) =	vadd.scan.msk.s32 $0xffff, v10  }
0x184: {  	v19 =	vmpcnt.ones.xlane vm4;
	v10 =	vld [tilespmem:s14+$0x20];
	vm6 =	vmand vm2, vm5;
	vm2 =	vge.s32 v11, v0  }
0x185: {  	vm1 =	vmand vm1, vm3;
	vm3 =	vge.s32 v14, v0;
	vm7 =	vmand vm2, vm7;
	(xrf0) =	vadd.scan.msk.s32 $0xffff, v17  }
0x186: {  	v17 =	vsel vm1, $0x1, v4;
	vm5 =	vmand vm3, vm9;
	vm2 =	vge.s32 v13, v0  }
0x187: {  	v20 =	vmpcnt.ones.xlane vm7;
	(xrf0) =	vadd.scan.msk.s32 $0xffff, v17;
	v17 =	vsel vm7, $0x1, v4;
	vm2 =	vmand vm2, vm10  }
0x188: {  	v23 =	vsel vm6, $0x1, v4;
	v21 =	vsel vm5, $0x1, v4;
	(xrf0) =	vadd.scan.msk.s32 $0xffff, v17;
	v17 =	vsel vm2, $0x1, v4  }
0x189: {  	v24 =	vadd.s32 v16, v20;
	(xrf0) =	vadd.scan.msk.s32 $0xffff, v21;
	v21 =	vmpcnt.ones.xlane vm2;
	vm3 =	vge.s32 v10, v0;
	v22, _, _ =	vpop (xrf0)  }
0x18a: {  	vm15 =	vlt.s32 v10, v1;
	v18 =	vadd.s32 v24, v18;
	v20 =	vadd.s32 v22, v24  }
0x18b: {  	(xrf0) =	vadd.scan.msk.s32 $0xffff, v17;
	vm3 =	vmand vm3, vm15;
	v25 =	vadd.s32 v18, v21;
	v17, _, _ =	vpop (xrf0);
	v26 =	vadd.s32 $0xFFFFFFFF, v20  }
0x18c: {  	v27 =	vmpcnt.ones.xlane vm6;
	(xrf0) =	vadd.scan.msk.s32 $0xffff, v23;
	v24 =	vsel vm3, $0x1, v4;
	v17 =	vadd.s32 v17, v25  }
0x18d: {  	(xrf0) =	vadd.scan.msk.s32 $0xffff, v24  }
0x18e: {  	s15 =	simm.s32 $0x0;
	vm6 =	vmmov vm6;
	v22 =	vmpcnt.ones.xlane vm3;
	v19 =	vadd.s32 v25, v19;
	v21, _, _ =	vpop (xrf0)  }
0x18f: {  	s16 =	simm.s32 $0x30010;
	s17 =	simm.s32 $0x30060;
	s31 =	simm.s32 $0x30040;
	v20 =	vmpcnt.ones.xlane vm5;
	v25 =	vadd.s32 v19, v27;
	v23 =	vadd.s32 $0xFFFFFFFF, v17;
	v17, _, _ =	vpop (xrf0)  }
0x190: {  	s18 =	simm.s32 $0x30020;
	s20 =	simm.s32 $0x30030;
	s19 =	simm.s32 $0x30070;
	v16 =	vadd.s32 v17, v16;
	v17 =	vor.u32 s16, v2;
	v27, _, _ =	vpop (xrf0);
	[tilespmem:v26+s8+$0x0] =	vst.idx.msk vm8, v15;
	v15 =	vor.u32 s17, v2  }
0x191: {  	s14 =	simm.s32 $0x30000;
	s16 =	simm.s32 $0x30000;
	s17 =	simm.s32 $0x140;
	v24 =	vadd.s32 $0xFFFFFFFF, v16;
	v16 =	vor.u32 s31, v2;
	v27 =	vadd.s32 v27, v25;
	[tilespmem:v26+s9+$0x0] =	vst.idx.msk vm8, v17;
	v26, _, _ =	vpop (xrf0)  }
.LBB2_30:
0x192: {  	v17 =	vld [tilespmem:s17+$0xFFFFFFD0];
	s15 =	sadd.s32 $0x8, s15;
	v28 =	vor.u32 s18, v2;
	v29 =	vor.u32 s20, v2;
	v30 =	vor.u32 s19, v2;
	s14 =	sadd.s32 $0x80, s14;
	v31, _, _ =	vpop (xrf0)  }
0x193: {  	v27 =	vadd.s32 $0xFFFFFFFF, v27;
	s18 =	sadd.s32 $0x50, s16;
	v20 =	vadd.s32 v25, v20;
	v25 =	vmpcnt.ones.xlane vm1;
	v32 =	vld [tilespmem:s17+$0xFFFFFFF0];
	p0 =	slt.u32 s15, $0xF8;
	v33, _, _ =	vpop (xrf0)  }
0x194: {  	v34 =	vld [tilespmem:s17+$0x20];
	[tilespmem:v23+s8+$0x0] =	vst.idx.msk vm4, v12;
	v12 =	vor.u32 s18, v2;
	v33 =	vadd.s32 v33, v20;
	v20 =	vadd.s32 v20, v22  }
0x195: {  	v22 =	vld [tilespmem:s17+$0x30];
	[tilespmem:v23+s9+$0x0] =	vst.idx.msk vm4, v29;
	v23 =	vadd.s32 $0xFFFFFFFF, v33;
	v21 =	vadd.s32 v21, v20;
	v29 =	vadd.s32 v20, v25  }
0x196: {  	v20 =	vor.u32 s16, v2;
	s16 =	smov.u32 s14;
	v25 =	vld [tilespmem:s17+$0x0];
	[tilespmem:v24+s8+$0x0] =	vst.idx.msk vm7, v11;
	v11 =	vadd.s32 v26, v18;
	v18 =	vadd.s32 $0xFFFFFFFF, v21  }
0x197: {  	vm4 =	vge.s32 v17, v0;
	vm8 =	vlt.s32 v17, v1;
	v21 =	vld [tilespmem:s17+$0x10];
	[tilespmem:v24+s9+$0x0] =	vst.idx.msk vm7, v20;
	v20 =	vadd.s32 $0xFFFFFFFF, v11  }
0x198: {  	v11 =	vld [tilespmem:s17+$0xFFFFFFC0];
	vm8 =	vmand vm4, vm8;
	vm4 =	vge.s32 v32, v0;
	vm7 =	vlt.s32 v32, v1;
	[tilespmem:v27+s8+$0x0] =	vst.idx.msk vm5, v14  }
0x199: {  	v19 =	vadd.s32 v31, v19;
	v14 =	vsel vm8, $0x1, v4;
	v24 =	vld [tilespmem:s17+$0xFFFFFFE0];
	vm4 =	vmand vm4, vm7;
	[tilespmem:v27+s9+$0x0] =	vst.idx.msk vm5, v12;
	v12 =	vmovc v32  }
0x19a: {  	v26 =	vsel vm4, $0x1, v4;
	vm5 =	vge.s32 v22, v0;
	(xrf0) =	vadd.scan.msk.s32 $0xffff, v14;
	v14 =	vadd.s32 $0xFFFFFFFF, v19  }
0x19b: {  	vm10 =	vlt.s32 v22, v1;
	vm7 =	vge.s32 v25, v0;
	(xrf0) =	vadd.scan.msk.s32 $0xffff, v26;
	[tilespmem:v18+s8+$0x0] =	vst.idx.msk vm1, v9  }
0x19c: {  	v19 =	vmpcnt.ones.xlane vm8;
	vm9 =	vlt.s32 v25, v1;
	vm11 =	vlt.s32 v21, v1;
	[tilespmem:v20+s8+$0x0] =	vst.idx.msk vm2, v13  }
0x19d: {  	v26 =	vmpcnt.ones.xlane vm4;
	v9 =	vmovc v22;
	vm9 =	vmand vm7, vm9;
	vm12 =	vlt.s32 v11, v1;
	[tilespmem:v18+s9+$0x0] =	vst.idx.msk vm1, v30  }
0x19e: {  	vm7 =	vge.s32 v11, v0;
	vm1 =	vmand vm5, vm10;
	vm13 =	vlt.s32 v24, v1;
	[tilespmem:v20+s9+$0x0] =	vst.idx.msk vm2, v28  }
0x19f: {  	vm5 =	vge.s32 v21, v0;
	vm2 =	vge.s32 v24, v0;
	v13 =	vsel vm1, $0x1, v4;
	[tilespmem:v23+s8+$0x0] =	vst.idx.msk vm3, v10  }
0x1a0: {  	vm7 =	vmand vm7, vm12;
	vm5 =	vmand vm5, vm11;
	v18, _, _ =	vpop (xrf0);
	(xrf0) =	vadd.scan.msk.s32 $0xffff, v13;
	[tilespmem:v14+s8+$0x0] =	vst.idx.msk vm6, v8  }
0x1a1: {  	v28 =	vsel vm7, $0x1, v4;
	v22 =	vsel vm5, $0x1, v4;
	v13 =	vmpcnt.ones.xlane vm7;
	v27, _, _ =	vpop (xrf0);
	[tilespmem:v23+s9+$0x0] =	vst.idx.msk vm3, v15  }
0x1a2: {  	vm2 =	vmand vm2, vm13;
	v10 =	vmovc v34;
	v15 =	vsel vm9, $0x1, v4;
	vm3 =	vge.s32 v34, v0;
	[tilespmem:v14+s9+$0x0] =	vst.idx.msk vm6, v16  }
0x1a3: {  	v20 =	vmpcnt.ones.xlane vm5;
	v8 =	vmovc v25;
	v23 =	vsel vm2, $0x1, v4;
	v13 =	vadd.s32 v29, v13;
	(xrf0) =	vadd.scan.msk.s32 $0xffff, v28  }
0x1a4: {  	vm6 =	vlt.s32 v10, v1;
	v16 =	vadd.s32 v18, v13;
	v18 =	vadd.s32 v13, v19;
	(xrf0) =	vadd.scan.msk.s32 $0xffff, v22  }
0x1a5: {  	v14 =	vmovc v21;
	v19 =	vmpcnt.ones.xlane vm2;
	vm3 =	vmand vm3, vm6;
	v16 =	vadd.s32 $0xFFFFFFFF, v16;
	(xrf0) =	vadd.scan.msk.s32 $0xffff, v23  }
0x1a6: {  	v22 =	vmpcnt.ones.xlane vm3;
	v23 =	vsel vm3, $0x1, v4;
	v13 =	vmov v24;
	(xrf0) =	vadd.scan.msk.s32 $0xffff, v15;
	v21, _, _ =	vpop (xrf0)  }
.Ltmp22:
0x1a7: {  	vm6 =	vmmov vm9;
	v28 =	vadd.s32 v18, v19;
	v24 =	vmpcnt.ones.xlane vm9;
	(xrf0) =	vadd.scan.msk.s32 $0xffff, v23;
	(pc) =	sbr.rel @p0 .LBB2_30-.Ltmp22, $4  }
0x1a8: {  	v19 =	vadd.s32 v28, v26;
	v23 =	vadd.s32 v27, v28  }
0x1a9: {  	s19 =	sadd.s32 $0x60, s14;
	s18 =	sadd.s32 $0x10, s14;
	v25 =	vadd.s32 v19, v24;
	v23 =	vadd.s32 $0xFFFFFFFF, v23;
	v15, _, _ =	vpop (xrf0)  }
0x1aa: {  	s21 =	sadd.s32 $0x40, s14;
	s17 =	sadd.s32 $0x100, s17;
	v28 =	vor.u32 s18, v2;
	v24 =	vadd.s32 v15, v29;
	[tilespmem:v16+s8+$0x0] =	vst.idx.msk vm8, v17;
	v15 =	vor.u32 s19, v2;
	v17, _, _ =	vpop (xrf0)  }
0x1ab: {  	s20 =	sadd.s32 $0x30, s14;
	s18 =	sadd.s32 $0x20, s14;
	s19 =	sadd.s32 $0x70, s14;
	v24 =	vadd.s32 $0xFFFFFFFF, v24;
	[tilespmem:v16+s9+$0x0] =	vst.idx.msk vm8, v28;
	v16 =	vor.u32 s21, v2;
	v27 =	vadd.s32 v17, v25;
	v26, _, _ =	vpop (xrf0)  }
0x1ac: {  	v17 =	vadd.s32 v25, v20;
	v52 =	vmpcnt.ones.xlane vm1  }
0x1ad: {  	v22 =	vadd.s32 v17, v22  }
0x1ae: {  	v20 =	vadd.s32 v22, v52  }
0x1af: {  	v20 =	vxor.u32 $0x80000000, v20  }
0x1b0: {  	(xrf0) =	vmax.scan.msk.u32 $0xffff, v20;
	_ =	sdelay $0x3  }
0x1b1: {  	v53, _, _ =	vpop (xrf0)  }
0x1b2: {  	v54, _, _ =	vpop (xrf0)  }
0x1b3: {  	v28, _, _ =	vpop (xrf0)  }
0x1b4: {  	(v2sf) =	vpush v28, $0xF;
	_ =	sdelay $0xd  }
0x1b5: {  	v27 =	vadd.s32 $0xFFFFFFFF, v27;
	s14 =	sadd.s32 $0x50, s16  }
0x1b6: {  	[tilespmem:v23+s8+$0x0] =	vst.idx.msk vm4, v12;
	v18 =	vadd.s32 v26, v18;
	v59 =	vor.u32 s14, v2;
	s14 =	spop (v2sf)  }
0x1b7: {  	v55 =	vor.u32 s20, v2;
	[tilespmem:v24+s8+$0x0] =	vst.idx.msk vm7, v11;
	v58 =	vadd.s32 $0xFFFFFFFF, v18;
	s15 =	sadd.s32 $0x8000000F, s14  }
0x1b8: {  	v57 =	vor.u32 s16, v2;
	[tilespmem:v23+s9+$0x0] =	vst.idx.msk vm4, v55;
	v56 =	vadd.s32 v21, v22;
	s30 =	sand.u32 $0xF, s15  }
0x1b9: {  	[tilespmem:v24+s9+$0x0] =	vst.idx.msk vm7, v57;
	v17 =	vadd.s32 v54, v17;
	v12 =	vadd.s32 $0xFFFFFFFF, v56;
	s31 =	sshra.s32 s15, $0x1F;
	p1 =	slt.s32 s15, $0x1;
	p0 =	sne.s32 s30, $0x0  }
0x1ba: {  	v61 =	vadd.s32 v53, v19;
	v60 =	vadd.s32 $0xFFFFFFFF, v17;
	[tilespmem:v27+s8+$0x0] =	vst.idx.msk vm5, v14;
	s16 =	sshrl.u32 s31, $0x1C;
	p0 =	por !p1, !p0  }
0x1bb: {  	v17 =	vadd.s32 $0xFFFFFFFF, v61;
	[tilespmem:v27+s9+$0x0] =	vst.idx.msk vm5, v59;
	s15 =	sadd.s32 s16, s15;
	s16 =	simm.s32 $0x1;
	p0 =	por !p0, !p0  }
0x1bc: {  	v63 =	vor.u32 s18, v2;
	[tilespmem:v58+s8+$0x0] =	vst.idx.msk vm2, v13;
	s15 =	sshra.s32 s15, $0x4;
	s16 =	simm.s32 @!p0 $0x0  }
0x1bd: {  	[tilespmem:v58+s9+$0x0] =	vst.idx.msk vm2, v63;
	s16 =	ssub.s32 s15, s16  }
0x1be: {  	[tilespmem:v12+s8+$0x0] =	vst.idx.msk vm1, v9;
	p0 =	slt.s32 s16, $0x1  }
.Ltmp23:
0x1bf: {  	[tilespmem:v60+s8+$0x0] =	vst.idx.msk vm3, v10;
	(pc) =	sbr.rel @p0 .LBB2_38-.Ltmp23, $4  }
0x1c0: {  	v62 =	vor.u32 s19, v2;
	[tilespmem:v17+s8+$0x0] =	vst.idx.msk vm6, v8  }
0x1c1: {  	[tilespmem:v12+s9+$0x0] =	vst.idx.msk vm1, v62  }
0x1c2: {  	[tilespmem:v60+s9+$0x0] =	vst.idx.msk vm3, v15  }
0x1c3: {  	[tilespmem:v17+s9+$0x0] =	vst.idx.msk vm6, v16  }
0x1c4: {  	p1 =	sne.s32 s16, $0x1  }
.Ltmp24:
0x1c5: {  	_ = 	snop;
	(pc) =	sbr.rel @!p1 .LBB2_33-.Ltmp24, $3  }
0x1c6: {  	_ =	sdelay $0x1  }
0x1c7: {  	s15 =	sxor.u32 $0x80000000, s14;
	s17 =	simm.s32 $0x4000;
	s14 =	simm.s32 $0x5000  }
0x1c8: {  	s16 =	sadd.s32 $0xFFFFFFFF, s16;
	p0 =	por $0x0, $0x0;
	v8 =	vmov s15;
	s15 =	simm.s32 $0x0;
	v9 =	vld [tilespmem:s17+$0x0]  }
0x1c9: {  	_ =	sdelay $0x1  }
0x1ca: {  	v10 =	vld [tilespmem:s14+$0x0];
	_ =	sdelay $0x1  }
0x1cb: {  	v11 =	vor.u32 s15, v2;
	v9 =	vshll.u32 v9, $0x4  }
0x1cc: {  	vm1 =	vlt.s32 v11, v8;
	v9 =	vxor.u32 v5, v9  }
0x1cd: {  	v9 =	vsel vm1, v9, v6  }
0x1ce: {  	(xrf1) =	vsort.ascd.msk.u32 $0xffff, v9, v10;
	_ =	sdelay $0xd  }
0x1cf: {  	v9, v10, _ =	vpop (xrf1)  }
0x1d0: {  	v9 =	vshrl.u32 v9, $0x4  }
0x1d1: {  	v11 =	vxor.u32 $0x8000000, v9  }
0x1d2: {  	v12 =	vperm.xlane v11, v7;
	_ =	sdelay $0x1  }
0x1d3: {  	vm1 =	vne.s32 v11, v12  }
0x1d4: {  	vm2 =	vlt.u32 v11, $0x40000;
	v11 =	vsub.s32 v11, v0;
	vm1 =	vmor vm1, vm0  }
0x1d5: {  	v9 =	vand.u32 $0x7F, v9;
	v11 =	vand.u32 $0xFFFFFF80, v11;
	vm1 =	vmand vm2, vm1  }
0x1d6: {  	v9 =	vor.u32 v9, v11  }
0x1d7: {  	p1 =	sne.s32 s16, $0x1  }
.Ltmp25:
0x1d8: {  	_ = 	snop;
	(pc) =	sbr.rel @!p1 .LBB2_35-.Ltmp25, $3  }
0x1d9: {  	_ =	sdelay $0x1  }
0x1da: {  	s18 =	simm.s32 $0x4010;
	s19 =	sadd.s32 $0xFFFFFFFF, s16;
	[tilespmem:v9+s10+$0x0] =	vst.idx.msk vm1, v10  }
0x1db: {  	p0 =	por $0x1, $0x1;
	s16 =	simm.s32 $0x5000;
	s17 =	simm.s32 $0x0;
	v9 =	vld [tilespmem:s18+$0x0]  }
.LBB2_36:
0x1dc: {  	p1 =	sne.s32 s19, $0x1  }
0x1dd: {  	s16 =	sadd.s32 $0x10, s16  }
0x1de: {  	v10 =	vld [tilespmem:s16+$0x0]  }
0x1df: {  	s17 =	sadd.s32 $0x10, s17  }
0x1e0: {  	v9 =	vshll.u32 v9, $0x4;
	v11 =	vor.u32 s17, v2  }
0x1e1: {  	v9 =	vxor.u32 v5, v9;
	vm1 =	vlt.s32 v11, v8  }
0x1e2: {  	v9 =	vsel vm1, v9, v6  }
0x1e3: {  	(xrf1) =	vsort.ascd.msk.u32 $0xffff, v9, v10;
	_ =	sdelay $0xd  }
0x1e4: {  	v9, v10, _ =	vpop (xrf1)  }
0x1e5: {  	v9 =	vshrl.u32 v9, $0x4  }
0x1e6: {  	v11 =	vxor.u32 $0x8000000, v9  }
0x1e7: {  	v12 =	vperm.xlane v11, v7;
	_ =	sdelay $0x1  }
0x1e8: {  	vm1 =	vne.s32 v11, v12  }
0x1e9: {  	vm2 =	vlt.u32 v11, $0x40000;
	v11 =	vsub.s32 v11, v0;
	vm1 =	vmor vm1, vm0  }
0x1ea: {  	v9 =	vand.u32 $0x7F, v9;
	v11 =	vand.u32 $0xFFFFFF80, v11;
	vm1 =	vmand vm2, vm1  }
0x1eb: {  	v9 =	vor.u32 v9, v11;
	_ =	sdelay $0x1  }
.Ltmp26:
0x1ec: {  	(pc) =	sbr.rel @p1 .LBB2_36-.Ltmp26, $3  }
0x1ed: {  	_ =	sdelay $0x1  }
0x1ee: {  	s18 =	sadd.s32 $0x10, s18;
	[tilespmem:v9+s10+$0x0] =	vst.idx.msk vm1, v10  }
0x1ef: {  	s19 =	sadd.s32 $0xFFFFFFFF, s19;
	v9 =	vld [tilespmem:s18+$0x0]  }
.Ltmp27:
0x1f0: {  	_ = 	snop;
	(pc) =	sbr.rel .LBB2_37-.Ltmp27, $1  }
0x1f1: {  	_ =	sdelay $0x3  }
.LBB2_35:
.Ltmp28:
0x1f2: {  	(pc) =	sbr.rel .LBB2_37-.Ltmp28, $2  }
0x1f3: {  	_ =	sdelay $0x2  }
0x1f4: {  	s16 =	simm.s32 $0x5000;
	s17 =	simm.s32 $0x0  }
.LBB2_39:
0x1f5: {  	_ =	sfence.sel $0x180000  }
0x1f6: {  	[bflag:$0x0] =	sbarrier.arrive $0xFFFF  }
0x1f7: {  	p0 =	sne.s32 s1, $0x0;
	_ =	strace $0x90000047  }
0x1f8: {  	s0 =	sadd.s32 @!p0 $0x100000, s0;
	[bflag:$0x2] =	sbarrier.arrive $0xFFFF  }
0x1f9: {  	[sflag:s0] =	ssyncadd.tile.s32 @!p0 $0x1;
	_ =	shalt  }
.Lfunc_end2:
_tile_overlayer_lowered:
.L_overlay_start_2:
0x1fa: {  	(tag) =	ssettag $0x2  }
0x1fb: {  	s0 =	rddreg [dreg:$0x0];
	s2 =	stileid.u32  }
0x1fc: {  	s1 =	rddreg [dreg:$0x1];
	p0 =	sne.s32 s2, $0x0  }
0x1fd: {  	s3 =	rddreg [dreg:$0x2];
	[bflag:$0x3] =	sbarrier.arrive $0xFFFF;
	s2 =	simm.s32 @!p0 $0x1C03  }
0x1fe: {  	[timem:s3], [sflag:s2] =	dma.local @!p0 [hbm:s0], s1  }
0x1ff: {  	s0 =	simm.s32 @!p0 $0x3  }
0x200: {  	_ =	swait.ge @!p0 [sflag:s0], s1  }
0x201: {  	s1 =	ssub.s32 @!p0 $0x0, s1;
	[sflag:s0] =	ssyncset.done @!p0 $0x0  }
0x202: {  	[sflag:s0] =	ssyncadd.s32 @!p0 s1  }
0x203: {  	[bflag:$0x3] =	sbarrier.arrive $0xFFFF  }
0x204: {  	_ =	shalt  }

// kernel: kernel.15.cloned.1.call-start
scs
__scs_entry_jumppad:
0x0: {  	(pc) =	sbr.rel $0x88, $3  }
0x1: {  	(tag) =	ssettag $0x0;
	lr =	simm.s32 $0x1  }
0x2: {  	[smem:$0x3F95] =	sst lr;
	_ =	strace $0xD0000000  }
0x3: {  	_ = 	snop  }
0x4: {  	_ = 	snop  }
0x5: {  	_ = 	snop  }
0x6: {  	_ = 	snop  }
0x7: {  	_ = 	snop  }
__scs_overlays_trampoline_lowered:
0x8: {  	[smem:$0x3FA4] =	sst s0  }
0x9: {  	[smem:$0x3FA5] =	sst s1  }
0xa: {  	[smem:$0x3FA6] =	sst s2  }
0xb: {  	[smem:$0x3FA7] =	sst s3  }
0xc: {  	[smem:$0x3FA8] =	sst s4  }
0xd: {  	[smem:$0x3FA9] =	sst s5  }
0xe: {  	[smem:$0x3FAA] =	sst s6  }
0xf: {  	[smem:$0x3FAB] =	sst s7  }
0x10: {  	[smem:$0x3FAC] =	sst s8  }
0x11: {  	[smem:$0x3FAD] =	sst s9;
	s0 =	simm.s32 @!p0 $0x0  }
0x12: {  	s1 =	sld [smem:$0x3F93];
	s0 =	simm.s32 @p0 $0x1  }
0x13: {  	[smem:$0x3FAE] =	sst s0;
	s0 =	simm.s32 @!p1 $0x0  }
0x14: {  	s2 =	sld [smem:$0x3F92];
	s0 =	simm.s32 @p1 $0x1  }
0x15: {  	[smem:$0x3FAF] =	sst s0;
	s0 =	simm.s32 @!p2 $0x0  }
0x16: {  	s3 =	sld [smem:$0x3FDB];
	s0 =	simm.s32 @p2 $0x1  }
0x17: {  	s4 =	simm.s32 $0x1BF5;
	[smem:$0x3FB1] =	sst s0  }
0x18: {  	s0 =	sld [smem:$0x3F94];
	_ =	swait.ge [sflag:s4], $0x0  }
0x19: {  	s7 =	sld [smem:$0x3F95]  }
0x1a: {  	s8 =	sadd.s32 $0xFFFFE003, lr  }
0x1b: {  	s9 =	sadd.s32 $0xFFFFFEF7, lr;
	s5 =	simm.s32 $0xFFFFFFFF;
	p2 =	slt.u32 s8, $0xFFFFF086  }
0x1c: {  	p1 =	slt.u32 s9, $0xF7A;
	s5 =	simm.s32 @!p2 $0x0  }
0x1d: {  	s5 =	simm.s32 @p1 $0x1;
	p0 =	seq.s32 s7, s2  }
0x1e: {  	s7 =	smul.u32 @!p0 $0xF7A, s2;
	p2 =	seq.s32 @!p0 s5, $0x0  }
0x1f: {  	s9 =	smul.u32 $0xF7A, s1;
	s8 =	simm.s32 @!p0 $0x1BF5;
	p2 =	por !p2, p0  }
0x20: {  	[sflag:s8] =	ssyncset.s32 @!p0 $0xFFFFF086;
	s6 =	sadd.s32 @!p0 s3, s7;
	s7 =	simm.s32 @!p0 $0x108  }
0x21: {  	s3 =	sadd.s32 s3, s9;
	s6 =	sadd.s32 @!p0 $0x88, s6;
	s7 =	simm.s32 @p2 $0x1082  }
0x22: {  	[simem:s7], [sflag:s8] =	dma.local @!p0 [hbm:s6], $0xF7A  }
0x23: {  	s9 =	sor.u32 $0xD0000000, s2;
	s6 =	simm.s32 $0x108;
	_ =	swait.ge @!p0 [sflag:s8], $0x0  }
0x24: {  	s3 =	sadd.s32 $0x88, s3;
	s6 =	simm.s32 @!p1 $0x1082;
	[sflag:s4] =	ssyncset.s32 $0xFFFFF086  }
0x25: {  	[simem:s6], [sflag:s4] =	dma.local [hbm:s3], $0xF7A  }
0x26: {  	[smem:$0x3F95] =	sst s1;
	(tag) =	ssettag s2;
	_ =	strace s9  }
0x27: {  	s1 =	sld [smem:$0x3FA5]  }
0x28: {  	s2 =	sld [smem:$0x3FA6]  }
0x29: {  	s4 =	sld [smem:$0x3FA8]  }
0x2a: {  	p0 =	seq.s32 s5, $0x0;
	s5 =	sld [smem:$0x3FA9]  }
0x2b: {  	s6 =	sld [smem:$0x3FAA]  }
0x2c: {  	s7 =	sld [smem:$0x3FAB]  }
0x2d: {  	s3 =	simm.s32 $0x108;
	s8 =	sld [smem:$0x3FAC]  }
0x2e: {  	s3 =	simm.s32 @!p0 $0x1082;
	s9 =	sld [smem:$0x3FAD]  }
0x2f: {  	lr =	sadd.s32 s0, s3;
	s0 =	sld [smem:$0x3FA4]  }
0x30: {  	s3 =	sld [smem:$0x3FA7]  }
0x31: {  	[smem:$0x3FB0] =	sst s10  }
0x32: {  	s10 =	sld [smem:$0x3FAE];
	_ =	sdelay $0x3  }
0x33: {  	p0 =	seq.s32 s10, $0x1;
	s10 =	sld [smem:$0x3FB0];
	_ =	sdelay $0x3  }
0x34: {  	[smem:$0x3FB0] =	sst s10  }
0x35: {  	s10 =	sld [smem:$0x3FAF];
	_ =	sdelay $0x3  }
0x36: {  	p1 =	seq.s32 s10, $0x1;
	s10 =	sld [smem:$0x3FB0];
	_ =	sdelay $0x3  }
0x37: {  	[smem:$0x3FB0] =	sst s10  }
0x38: {  	s10 =	sld [smem:$0x3FB1]  }
0x39: {  	_ = 	snop;
	(pc) =	sbr.ind lr, $3  }
0x3a: {  	_ = 	snop  }
0x3b: {  	_ = 	snop  }
0x3c: {  	p2 =	seq.s32 s10, $0x1;
	s10 =	sld [smem:$0x3FB0]  }
0x3d: {  	_ =	shalt  }
0x3e: {  	_ =	shalt  }
0x3f: {  	_ =	shalt  }
0x40: {  	_ =	shalt  }
0x41: {  	_ =	shalt  }
0x42: {  	_ =	shalt  }
0x43: {  	_ =	shalt  }
0x44: {  	_ =	shalt  }
0x45: {  	_ =	shalt  }
0x46: {  	_ =	shalt  }
0x47: {  	_ =	shalt  }
0x48: {  	_ =	shalt  }
0x49: {  	_ =	shalt  }
0x4a: {  	_ =	shalt  }
0x4b: {  	_ =	shalt  }
0x4c: {  	_ =	shalt  }
0x4d: {  	_ =	shalt  }
0x4e: {  	_ =	shalt  }
0x4f: {  	_ =	shalt  }
0x50: {  	_ =	shalt  }
0x51: {  	_ =	shalt  }
0x52: {  	_ =	shalt  }
0x53: {  	_ =	shalt  }
0x54: {  	_ =	shalt  }
0x55: {  	_ =	shalt  }
0x56: {  	_ =	shalt  }
0x57: {  	_ =	shalt  }
0x58: {  	_ =	shalt  }
0x59: {  	_ =	shalt  }
0x5a: {  	_ =	shalt  }
0x5b: {  	_ =	shalt  }
0x5c: {  	_ =	shalt  }
0x5d: {  	_ =	shalt  }
0x5e: {  	_ =	shalt  }
0x5f: {  	_ =	shalt  }
0x60: {  	_ =	shalt  }
0x61: {  	_ =	shalt  }
0x62: {  	_ =	shalt  }
0x63: {  	_ =	shalt  }
0x64: {  	_ =	shalt  }
0x65: {  	_ =	shalt  }
0x66: {  	_ =	shalt  }
0x67: {  	_ =	shalt  }
0x68: {  	_ =	shalt  }
0x69: {  	_ =	shalt  }
0x6a: {  	_ =	shalt  }
0x6b: {  	_ =	shalt  }
0x6c: {  	_ =	shalt  }
0x6d: {  	_ =	shalt  }
0x6e: {  	_ =	shalt  }
0x6f: {  	_ =	shalt  }
0x70: {  	_ =	shalt  }
0x71: {  	_ =	shalt  }
0x72: {  	_ =	shalt  }
0x73: {  	_ =	shalt  }
0x74: {  	_ =	shalt  }
0x75: {  	_ =	shalt  }
0x76: {  	_ =	shalt  }
0x77: {  	_ =	shalt  }
0x78: {  	_ =	shalt  }
0x79: {  	_ =	shalt  }
0x7a: {  	_ =	shalt  }
0x7b: {  	_ =	shalt  }
0x7c: {  	_ =	shalt  }
0x7d: {  	_ =	shalt  }
0x7e: {  	_ =	shalt  }
0x7f: {  	_ =	shalt  }
0x80: {  	_ =	shalt  }
0x81: {  	_ =	shalt  }
0x82: {  	_ =	shalt  }
0x83: {  	_ =	shalt  }
0x84: {  	_ =	shalt  }
0x85: {  	_ =	shalt  }
0x86: {  	_ =	shalt  }
0x87: {  	_ =	shalt  }
.Lfunc_end0:
.L_simem_size_0:
called_computation.1_lowered:
.L_overlay_start_0:
0x88: {  	s2 =	sld [smem:$0x3FD9]  }
0x89: {  	s3 =	sld [smem:$0x3FFE];
	_ =	sdelay $0x1  }
0x8a: {  	s1 =	srdreg.scid  }
0x8b: {  	s0 =	sand.u32 $0x1, s1  }
0x8c: {  	s17 =	sshll.u32 s0, $0xA;
	s2 =	sadd.s32 s3, s2  }
0x8d: {  	s2 =	sadd.s32 s2, s17  }
0x8e: {  	[smem:$0x3FBC] =	sst s2  }
0x8f: {  	_ = 	snop  }
0x90: {  	s2 =	sld [smem:$0x3FC9];
	(tm) =	ssettm $0x1  }
0x91: {  	s18 =	sld [smem:$0x3FFB];
	_ =	sdelay $0x3  }
0x92: {  	_ =	strace s18  }
0x93: {  	s3 =	sld [smem:$0x3FFC];
	_ =	sdelay $0x3  }
0x94: {  	_ =	strace s3  }
0x95: {  	s3 =	sld [smem:$0x3FFD];
	_ =	sdelay $0x3  }
0x96: {  	_ =	strace s3  }
0x97: {  	_ =	strace $0x8FFFFFFF  }
0x98: {  	s19 =	sld [smem:$0x3FDB];
	_ =	sdelay $0x1  }
0x99: {  	s4 =	simm.s32 $_scs_section_size  }
0x9a: {  	s5 =	simm.s32 $_size__tile_overlayer_lowered;
	s6 =	simm.s32 $_tile_overlayer_lowered  }
0x9b: {  	s22 =	simm.s32 $0x1BFF;
	s21 =	sshll.u32 s6, $0x1;
	s3 =	sadd.s32 s4, s19  }
0x9c: {  	s7 =	simm.s32 $0x0;
	s20 =	sshll.u32 s5, $0x1;
	s5 =	sadd.s32 s21, s3  }
0x9d: {  	[timem:s7], [sflag:s22] =	dma.local [hbm:s5], s20  }
0x9e: {  	_ =	swait.ge [sflag:s22], s20  }
0x9f: {  	s4 =	ssub.s32 $0x0, s20;
	[sflag:s22] =	ssyncset.done $0x0  }
0xa0: {  	[sflag:s22] =	ssyncadd.s32 s4;
	_ =	sdelay $0x1  }
0xa1: {  	s23 =	simm.s32 $0x1B8B  }
0xa2: {  	_ =	swait.ge [sflag:s23], $0x1  }
0xa3: {  	[sflag:s23] =	ssyncset.done $0x0  }
0xa4: {  	s25 =	simm.s32 $0x1B8E;
	s24 =	sld [smem:$0x3FFE];
	[sflag:s23] =	ssyncadd.s32 $0xFFFFFFFF  }
0xa5: {  	s26 =	simm.s32 $execute0_lowered;
	[smem:$0x3FD2] =	sst s25  }
0xa6: {  	s5 =	sshll.u32 s26, $0x1;
	_ =	strace $0x80000049;
	[dreg:$0x1] =	wrdreg $0xFFFFFFFF  }
0xa7: {  	s28 =	simm.s32 $_size_execute0_lowered;
	s3 =	sadd.s32 s3, s5;
	[dreg:$0x0] =	wrdreg $0x0  }
0xa8: {  	s5 =	sshll.u32 s28, $0x1;
	[dreg:$0x2] =	wrdreg s3  }
0xa9: {  	[dreg:$0x3] =	wrdreg s5  }
0xaa: {  	[dreg:$0x4] =	wrdreg $0xC0  }
0xab: {  	_ =	task [dreg:s7], $0x5FFFF  }
0xac: {  	[dreg:$0x1] =	wrdreg $0xFFFFFFFF  }
0xad: {  	[dreg:$0x0] =	wrdreg $0x60  }
0xae: {  	[dreg:$0x2] =	wrdreg s2  }
0xaf: {  	[dreg:$0x3] =	wrdreg s24  }
0xb0: {  	[dreg:$0x4] =	wrdreg $0x9  }
0xb1: {  	_ =	task.clear_ibuf [dreg:s7], $0x5FFFF;
	_ =	strace $0x90000049  }
0xb2: {  	s29 =	simm.s32 $0x9;
	_ =	strace $0x8000004B  }
0xb3: {  	_ =	swait.ge [sflag:s29], $0x1  }
0xb4: {  	[sflag:s29] =	ssyncadd.s32 $0xFFFFFFFF  }
0xb5: {  	_ =	strace $0x9000004B  }
0xb6: {  	_ =	sfence  }
0xb7: {  	s30 =	sld [smem:$0x0];
	_ =	sdelay $0x2  }
0xb8: {  	s31 =	sshll.u32 s1, $0xD;
	s1 =	sshrl.u32 s1, $0x2  }
0xb9: {  	s3 =	sand.u32 $0x4000, s31;
	s1 =	sadd.s32 s1, s30  }
0xba: {  	s0 =	sor.u32 s3, s0;
	s1 =	sshll.u32 s1, $0x11  }
0xbb: {  	s0 =	sor.u32 s1, s0  }
0xbc: {  	s0 =	sadd.s32 $0x8F2B, s0  }
0xbd: {  	[sflag:s0] =	ssyncadd.remote.s32 $0x1  }
0xbe: {  	_ =	sfence.sel $0xFFFF  }
0xbf: {  	[dreg:$0x0] =	wrdreg $0xFFFFFFFF;
	(pc) =	sbr.abs _section_cstart, $3  }
0xc0: {  	[dreg:$0x1] =	wrdreg $0xFFFFFFFF  }
0xc1: {  	_ =	task.clear_ibuf [dreg:s7], $0x2FFFF;
	_ =	strace $0x9FFFFFFF  }
0xc2: {  	(tm) =	ssettm $0x7FFFFFFF  }
0xc3: {  	_ =	shalt  }
tec
execute0_lowered:
.L_overlay_start_1:
0x0: {  	(tag) =	ssettag $0x1  }
0x1: {  	s1 =	rddreg [dreg:$0x0]  }
0x2: {  	s0 =	rddreg [dreg:$0x1]  }
0x3: {  	s2 =	srdreg.scid;
	s3 =	simm.s32 $0x0;
	s4 =	stileid.u32  }
0x4: {  	s29 =	simm.s32 $0x8800;
	s31 =	simm.s32 $0xC800;
	s30 =	simm.s32 $0x3  }
0x5: {  	s28 =	simm.s32 $0x4;
	s6 =	simm.s32 $0x0;
	s2 =	sand.u32 $0x1, s2  }
0x6: {  	[smem:$0x7FF] =	sst s3;
	s4 =	sshll.u32 s4, $0xC;
	s5 =	sshll.u32 s2, $0xB  }
0x7: {  	_ =	strace $0x8000004A;
	s2 =	ssub.s32 $0x2, s2;
	s8 =	sor.u32 s5, s4  }
0x8: {  	s22 =	sshrl.u32 s2, $0x1;
	s4 =	sshrl.u32 s8, $0x3;
	s5 =	sshll.u32 s8, $0x4  }
0x9: {  	s2 =	ssub.s32 s2, s22;
	s4 =	sadd.s32 s4, s0;
	s0 =	sadd.s32 s5, s0  }
0xa: {  	s11 =	smax.u32 s2, $0x1;
	s2 =	simm.s32 $0x1;
	s5 =	simm.s32 $0x5  }
0xb: {  	s4 =	sadd.s32 $0x2200, s4;
	s23 =	sadd.s32 $0xA200, s0;
	s24 =	sadd.s32 $0x10200, s0  }
0xc: {  	s25 =	sadd.s32 $0x10A00, s0;
	s26 =	sadd.s32 $0x11200, s0;
	s10 =	sadd.s32 $0x11A00, s0  }
0xd: {  	s12 =	sadd.s32 $0xAA00, s0;
	s13 =	sadd.s32 $0xB200, s0;
	s14 =	sadd.s32 $0xBA00, s0  }
0xe: {  	s15 =	sadd.s32 $0xC200, s0;
	s16 =	sadd.s32 $0xCA00, s0;
	[dreg:$0x3] =	wrdreg s4  }
0xf: {  	s17 =	sadd.s32 $0xD200, s0;
	s18 =	sadd.s32 $0xDA00, s0;
	[dreg:$0x4] =	wrdreg s23  }
0x10: {  	s19 =	sadd.s32 $0xE200, s0;
	s20 =	sadd.s32 $0xEA00, s0;
	[dreg:$0x5] =	wrdreg s24  }
0x11: {  	s21 =	sadd.s32 $0xF200, s0;
	s22 =	sadd.s32 $0xFA00, s0;
	[dreg:$0x6] =	wrdreg s25  }
0x12: {  	s0 =	simm.s32 $0x2;
	[dreg:$0x7] =	wrdreg s26;
	s23 =	simm.s32 $0x6  }
0x13: {  	v0 =	vlaneseq.u32;
	s24 =	simm.s32 $0x80;
	s25 =	simm.s32 $0x800;
	s26 =	simm.s32 $0x4800  }
.LBB2_1:
0x14: {  	s4 =	rddreg [dreg:$0x3]  }
0x15: {  	[tilespmem:s3], [sflag:$0x6] =	stream.linear.gather [hbm4b:s4+s3], $0x800, $0x38;
	[tilespmem:$0x10800] =	vst v63  }
0x16: {  	_ =	swait.ge [sflag:s23], $0x800  }
0x17: {  	[sflag:s23] =	ssyncset.done $0x0  }
0x18: {  	s4 =	simm.s32 $0x0;
	[sflag:s23] =	ssyncadd.s32 $0xFFFFF800  }
0x19: {  	v1 =	vld [tilespmem:s4+$0x0];
	_ =	sdelay $0x4  }
0x1a: {  	v2 =	vor.u32 s8, v0;
	vm0 =	vlt.s32 v1, $0x0  }
0x1b: {  	v1 =	vsel vm0, v2, v1  }
0x1c: {  	s7 =	simm.s32 $0x10;
	s9 =	simm.s32 $0x80;
	[tilespmem:s4+$0x0] =	vst v1;
	s4 =	smov.u32 s8  }
.LBB2_2:
0x1d: {  	p0 =	sne.s32 s9, $0x1FC0;
	v1 =	vld [tilespmem:s7+$0x0];
	_ =	sdelay $0x2  }
.Ltmp0:
0x1e: {  	(pc) =	sbr.rel @p0 .LBB2_2-.Ltmp0, $4  }
0x1f: {  	s4 =	sadd.s32 $0x10, s4  }
0x20: {  	v2 =	vor.u32 s4, v0;
	vm0 =	vlt.s32 v1, $0x0  }
0x21: {  	v1 =	vsel vm0, v2, v1  }
0x22: {  	[tilespmem:s7+$0x0] =	vst v1;
	s7 =	sshra.s32 s9, $0x2;
	s9 =	sadd.s32 $0x40, s9  }
0x23: {  	v1 =	vld [tilespmem:s7+$0x0];
	_ =	sdelay $0x3  }
0x24: {  	s4 =	sadd.s32 $0x10, s4  }
0x25: {  	v2 =	vor.u32 s4, v0;
	vm0 =	vlt.s32 v1, $0x0  }
0x26: {  	v1 =	vsel vm0, v2, v1  }
0x27: {  	[tilespmem:s7+$0x0] =	vst v1  }
0x28: {  	[tilespmem:s25], [sflag:$0x2] =	stream.indirect.gather [hbm4b:s1+s24], $0x80, s3, s24, $0xb8;
	[tilespmem:$0x10800] =	vst v63  }
0x29: {  	_ = 	snop  }
0x2a: {  	[tilespmem:s26], [sflag:$0x3] =	stream.indirect.gather [hbm4b:s1+s24], $0x80, s24, s24, $0xb8;
	[tilespmem:$0x10800] =	vst v63  }
0x2b: {  	s7 =	simm.s32 $0x100  }
0x2c: {  	[tilespmem:s29], [sflag:$0x4] =	stream.indirect.gather [hbm4b:s1+s24], $0x80, s7, s24, $0xb8;
	[tilespmem:$0x10800] =	vst v63  }
0x2d: {  	s9 =	simm.s32 $0x180  }
0x2e: {  	[tilespmem:s31], [sflag:$0x5] =	stream.indirect.gather [hbm4b:s1+s24], $0x80, s9, s24, $0xb8;
	[tilespmem:$0x10800] =	vst v63  }
0x2f: {  	_ =	swait.ge [sflag:s0], $0x4000  }
0x30: {  	[sflag:s0] =	ssyncset.done $0x0  }
0x31: {  	s7 =	rddreg [dreg:$0x4];
	[sflag:s0] =	ssyncadd.s32 $0xFFFFC000  }
0x32: {  	[hbm4b:s7+s3] =	stream.linear.scatter [tilespmem:s25], [sflag:$0x1], $0x4000, $0x38;
	[tilespmem:$0x10800] =	vst v63  }
0x33: {  	_ =	swait.ge [sflag:s2], $0x4000  }
0x34: {  	[sflag:s2] =	ssyncset.done $0x0  }
0x35: {  	s9 =	simm.s32 $0x200;
	[sflag:s2] =	ssyncadd.s32 $0xFFFFC000  }
0x36: {  	[tilespmem:s25], [sflag:$0x2] =	stream.indirect.gather [hbm4b:s1+s24], $0x80, s9, s24, $0xb8;
	[tilespmem:$0x10800] =	vst v63  }
0x37: {  	_ =	swait.ge [sflag:s30], $0x4000  }
0x38: {  	[sflag:s30] =	ssyncset.done $0x0  }
0x39: {  	[sflag:s30] =	ssyncadd.s32 $0xFFFFC000  }
0x3a: {  	[hbm4b:s12+s3] =	stream.linear.scatter [tilespmem:s26], [sflag:$0x1], $0x4000, $0x38;
	[tilespmem:$0x10800] =	vst v63  }
0x3b: {  	_ =	swait.ge [sflag:s2], $0x4000  }
0x3c: {  	[sflag:s2] =	ssyncset.done $0x0  }
0x3d: {  	s7 =	simm.s32 $0x280;
	[sflag:s2] =	ssyncadd.s32 $0xFFFFC000  }
0x3e: {  	[tilespmem:s26], [sflag:$0x3] =	stream.indirect.gather [hbm4b:s1+s24], $0x80, s7, s24, $0xb8;
	[tilespmem:$0x10800] =	vst v63  }
0x3f: {  	_ =	swait.ge [sflag:s28], $0x4000  }
0x40: {  	[sflag:s28] =	ssyncset.done $0x0  }
0x41: {  	[sflag:s28] =	ssyncadd.s32 $0xFFFFC000  }
0x42: {  	[hbm4b:s13+s3] =	stream.linear.scatter [tilespmem:s29], [sflag:$0x1], $0x4000, $0x38;
	[tilespmem:$0x10800] =	vst v63  }
0x43: {  	_ =	swait.ge [sflag:s2], $0x4000  }
0x44: {  	[sflag:s2] =	ssyncset.done $0x0  }
0x45: {  	s9 =	simm.s32 $0x300;
	[sflag:s2] =	ssyncadd.s32 $0xFFFFC000  }
0x46: {  	[tilespmem:s29], [sflag:$0x4] =	stream.indirect.gather [hbm4b:s1+s24], $0x80, s9, s24, $0xb8;
	[tilespmem:$0x10800] =	vst v63  }
0x47: {  	_ =	swait.ge [sflag:s5], $0x4000  }
0x48: {  	[sflag:s5] =	ssyncset.done $0x0  }
0x49: {  	[sflag:s5] =	ssyncadd.s32 $0xFFFFC000  }
0x4a: {  	[hbm4b:s14+s3] =	stream.linear.scatter [tilespmem:s31], [sflag:$0x1], $0x4000, $0x38;
	[tilespmem:$0x10800] =	vst v63  }
0x4b: {  	_ =	swait.ge [sflag:s2], $0x4000  }
0x4c: {  	[sflag:s2] =	ssyncset.done $0x0  }
0x4d: {  	s7 =	simm.s32 $0x380;
	[sflag:s2] =	ssyncadd.s32 $0xFFFFC000  }
0x4e: {  	[tilespmem:s31], [sflag:$0x5] =	stream.indirect.gather [hbm4b:s1+s24], $0x80, s7, s24, $0xb8;
	[tilespmem:$0x10800] =	vst v63  }
0x4f: {  	_ =	swait.ge [sflag:s0], $0x4000  }
0x50: {  	[sflag:s0] =	ssyncset.done $0x0  }
0x51: {  	[sflag:s0] =	ssyncadd.s32 $0xFFFFC000  }
0x52: {  	[hbm4b:s15+s3] =	stream.linear.scatter [tilespmem:s25], [sflag:$0x1], $0x4000, $0x38;
	[tilespmem:$0x10800] =	vst v63  }
0x53: {  	_ =	swait.ge [sflag:s2], $0x4000  }
0x54: {  	[sflag:s2] =	ssyncset.done $0x0  }
0x55: {  	s9 =	simm.s32 $0x400;
	[sflag:s2] =	ssyncadd.s32 $0xFFFFC000  }
0x56: {  	[tilespmem:s25], [sflag:$0x2] =	stream.indirect.gather [hbm4b:s1+s24], $0x80, s9, s24, $0xb8;
	[tilespmem:$0x10800] =	vst v63  }
0x57: {  	_ =	swait.ge [sflag:s30], $0x4000  }
0x58: {  	[sflag:s30] =	ssyncset.done $0x0  }
0x59: {  	[sflag:s30] =	ssyncadd.s32 $0xFFFFC000  }
0x5a: {  	[hbm4b:s16+s3] =	stream.linear.scatter [tilespmem:s26], [sflag:$0x1], $0x4000, $0x38;
	[tilespmem:$0x10800] =	vst v63  }
0x5b: {  	_ =	swait.ge [sflag:s2], $0x4000  }
0x5c: {  	[sflag:s2] =	ssyncset.done $0x0  }
0x5d: {  	s7 =	simm.s32 $0x480;
	[sflag:s2] =	ssyncadd.s32 $0xFFFFC000  }
0x5e: {  	[tilespmem:s26], [sflag:$0x3] =	stream.indirect.gather [hbm4b:s1+s24], $0x80, s7, s24, $0xb8;
	[tilespmem:$0x10800] =	vst v63  }
0x5f: {  	_ =	swait.ge [sflag:s28], $0x4000  }
0x60: {  	[sflag:s28] =	ssyncset.done $0x0  }
0x61: {  	[sflag:s28] =	ssyncadd.s32 $0xFFFFC000  }
0x62: {  	[hbm4b:s17+s3] =	stream.linear.scatter [tilespmem:s29], [sflag:$0x1], $0x4000, $0x38;
	[tilespmem:$0x10800] =	vst v63  }
0x63: {  	_ =	swait.ge [sflag:s2], $0x4000  }
0x64: {  	[sflag:s2] =	ssyncset.done $0x0  }
0x65: {  	s9 =	simm.s32 $0x500;
	[sflag:s2] =	ssyncadd.s32 $0xFFFFC000  }
0x66: {  	[tilespmem:s29], [sflag:$0x4] =	stream.indirect.gather [hbm4b:s1+s24], $0x80, s9, s24, $0xb8;
	[tilespmem:$0x10800] =	vst v63  }
0x67: {  	_ =	swait.ge [sflag:s5], $0x4000  }
0x68: {  	[sflag:s5] =	ssyncset.done $0x0  }
0x69: {  	[sflag:s5] =	ssyncadd.s32 $0xFFFFC000  }
0x6a: {  	[hbm4b:s18+s3] =	stream.linear.scatter [tilespmem:s31], [sflag:$0x1], $0x4000, $0x38;
	[tilespmem:$0x10800] =	vst v63  }
0x6b: {  	_ =	swait.ge [sflag:s2], $0x4000  }
0x6c: {  	[sflag:s2] =	ssyncset.done $0x0  }
0x6d: {  	s7 =	simm.s32 $0x580;
	[sflag:s2] =	ssyncadd.s32 $0xFFFFC000  }
0x6e: {  	[tilespmem:s31], [sflag:$0x5] =	stream.indirect.gather [hbm4b:s1+s24], $0x80, s7, s24, $0xb8;
	[tilespmem:$0x10800] =	vst v63  }
0x6f: {  	_ =	swait.ge [sflag:s0], $0x4000  }
0x70: {  	[sflag:s0] =	ssyncset.done $0x0  }
0x71: {  	[sflag:s0] =	ssyncadd.s32 $0xFFFFC000  }
0x72: {  	[hbm4b:s19+s3] =	stream.linear.scatter [tilespmem:s25], [sflag:$0x1], $0x4000, $0x38;
	[tilespmem:$0x10800] =	vst v63  }
0x73: {  	_ =	swait.ge [sflag:s2], $0x4000  }
0x74: {  	[sflag:s2] =	ssyncset.done $0x0  }
0x75: {  	s9 =	simm.s32 $0x600;
	[sflag:s2] =	ssyncadd.s32 $0xFFFFC000  }
0x76: {  	[tilespmem:s25], [sflag:$0x2] =	stream.indirect.gather [hbm4b:s1+s24], $0x80, s9, s24, $0xb8;
	[tilespmem:$0x10800] =	vst v63  }
0x77: {  	_ =	swait.ge [sflag:s30], $0x4000  }
0x78: {  	[sflag:s30] =	ssyncset.done $0x0  }
0x79: {  	[sflag:s30] =	ssyncadd.s32 $0xFFFFC000  }
0x7a: {  	[hbm4b:s20+s3] =	stream.linear.scatter [tilespmem:s26], [sflag:$0x1], $0x4000, $0x38;
	[tilespmem:$0x10800] =	vst v63  }
0x7b: {  	_ =	swait.ge [sflag:s2], $0x4000  }
0x7c: {  	[sflag:s2] =	ssyncset.done $0x0  }
0x7d: {  	s7 =	simm.s32 $0x680;
	[sflag:s2] =	ssyncadd.s32 $0xFFFFC000  }
0x7e: {  	[tilespmem:s26], [sflag:$0x3] =	stream.indirect.gather [hbm4b:s1+s24], $0x80, s7, s24, $0xb8;
	[tilespmem:$0x10800] =	vst v63  }
0x7f: {  	_ =	swait.ge [sflag:s28], $0x4000  }
0x80: {  	[sflag:s28] =	ssyncset.done $0x0  }
0x81: {  	[sflag:s28] =	ssyncadd.s32 $0xFFFFC000  }
0x82: {  	[hbm4b:s21+s3] =	stream.linear.scatter [tilespmem:s29], [sflag:$0x1], $0x4000, $0x38;
	[tilespmem:$0x10800] =	vst v63  }
0x83: {  	_ =	swait.ge [sflag:s2], $0x4000  }
0x84: {  	[sflag:s2] =	ssyncset.done $0x0  }
0x85: {  	s9 =	simm.s32 $0x700;
	[sflag:s2] =	ssyncadd.s32 $0xFFFFC000  }
0x86: {  	[tilespmem:s29], [sflag:$0x4] =	stream.indirect.gather [hbm4b:s1+s24], $0x80, s9, s24, $0xb8;
	[tilespmem:$0x10800] =	vst v63  }
0x87: {  	_ =	swait.ge [sflag:s5], $0x4000  }
0x88: {  	[sflag:s5] =	ssyncset.done $0x0  }
0x89: {  	[sflag:s5] =	ssyncadd.s32 $0xFFFFC000  }
0x8a: {  	[hbm4b:s22+s3] =	stream.linear.scatter [tilespmem:s31], [sflag:$0x1], $0x4000, $0x38;
	[tilespmem:$0x10800] =	vst v63  }
0x8b: {  	_ =	swait.ge [sflag:s2], $0x4000  }
0x8c: {  	[sflag:s2] =	ssyncset.done $0x0  }
0x8d: {  	s7 =	simm.s32 $0x780;
	[sflag:s2] =	ssyncadd.s32 $0xFFFFC000  }
0x8e: {  	[tilespmem:s31], [sflag:$0x5] =	stream.indirect.gather [hbm4b:s1+s24], $0x80, s7, s24, $0xb8;
	[tilespmem:$0x10800] =	vst v63  }
0x8f: {  	_ =	swait.ge [sflag:s0], $0x4000  }
0x90: {  	[sflag:s0] =	ssyncset.done $0x0  }
0x91: {  	s9 =	rddreg [dreg:$0x5];
	[sflag:s0] =	ssyncadd.s32 $0xFFFFC000  }
0x92: {  	[hbm4b:s9+s3] =	stream.linear.scatter [tilespmem:s25], [sflag:$0x1], $0x4000, $0x38;
	[tilespmem:$0x10800] =	vst v63  }
0x93: {  	_ =	swait.ge [sflag:s2], $0x4000  }
0x94: {  	[sflag:s2] =	ssyncset.done $0x0  }
0x95: {  	[sflag:s2] =	ssyncadd.s32 $0xFFFFC000  }
0x96: {  	_ =	swait.ge [sflag:s30], $0x4000  }
0x97: {  	[sflag:s30] =	ssyncset.done $0x0  }
0x98: {  	s7 =	rddreg [dreg:$0x6];
	[sflag:s30] =	ssyncadd.s32 $0xFFFFC000  }
0x99: {  	[hbm4b:s7+s3] =	stream.linear.scatter [tilespmem:s26], [sflag:$0x1], $0x4000, $0x38;
	[tilespmem:$0x10800] =	vst v63  }
0x9a: {  	_ =	swait.ge [sflag:s2], $0x4000  }
0x9b: {  	[sflag:s2] =	ssyncset.done $0x0  }
0x9c: {  	[sflag:s2] =	ssyncadd.s32 $0xFFFFC000  }
0x9d: {  	_ =	swait.ge [sflag:s28], $0x4000  }
0x9e: {  	[sflag:s28] =	ssyncset.done $0x0  }
0x9f: {  	s9 =	rddreg [dreg:$0x7];
	[sflag:s28] =	ssyncadd.s32 $0xFFFFC000  }
0xa0: {  	[hbm4b:s9+s3] =	stream.linear.scatter [tilespmem:s29], [sflag:$0x1], $0x4000, $0x38;
	[tilespmem:$0x10800] =	vst v63  }
0xa1: {  	_ =	swait.ge [sflag:s2], $0x4000  }
0xa2: {  	[sflag:s2] =	ssyncset.done $0x0  }
0xa3: {  	[sflag:s2] =	ssyncadd.s32 $0xFFFFC000  }
0xa4: {  	s6 =	sadd.s32 $0x1, s6;
	_ =	swait.ge [sflag:s5], $0x4000  }
0xa5: {  	p0 =	sne.s32 s6, s11;
	[sflag:s5] =	ssyncset.done $0x0  }
.Ltmp1:
0xa6: {  	[sflag:s5] =	ssyncadd.s32 $0xFFFFC000;
	(pc) =	sbr.rel @p0 .LBB2_1-.Ltmp1, $4  }
0xa7: {  	[hbm4b:s10+s3] =	stream.linear.scatter [tilespmem:s31], [sflag:$0x1], $0x4000, $0x38;
	[tilespmem:$0x10800] =	vst v63  }
0xa8: {  	_ =	swait.ge [sflag:s2], $0x4000  }
0xa9: {  	[sflag:s2] =	ssyncset.done $0x0  }
0xaa: {  	[sflag:s2] =	ssyncadd.s32 $0xFFFFC000  }
0xab: {  	_ =	sfence.sel $0x180000  }
0xac: {  	[bflag:$0x0] =	sbarrier.arrive $0xFFFF  }
0xad: {  	_ =	strace $0x9000004A  }
0xae: {  	s0 =	stileid.u32;
	[bflag:$0x2] =	sbarrier.arrive $0xFFFF  }
0xaf: {  	p0 =	sne.s32 s0, $0x0;
	s0 =	rddreg [dreg:$0x2]  }
0xb0: {  	s0 =	sadd.s32 @!p0 $0x100000, s0  }
0xb1: {  	[sflag:s0] =	ssyncadd.tile.s32 @!p0 $0x1;
	_ =	shalt  }
.Lfunc_end2:
_tile_overlayer_lowered:
.L_overlay_start_2:
0xb2: {  	(tag) =	ssettag $0x2  }
0xb3: {  	s0 =	rddreg [dreg:$0x0];
	s2 =	stileid.u32  }
0xb4: {  	s1 =	rddreg [dreg:$0x1];
	p0 =	sne.s32 s2, $0x0  }
0xb5: {  	s3 =	rddreg [dreg:$0x2];
	[bflag:$0x3] =	sbarrier.arrive $0xFFFF;
	s2 =	simm.s32 @!p0 $0x1C06  }
0xb6: {  	[timem:s3], [sflag:s2] =	dma.local @!p0 [hbm:s0], s1  }
0xb7: {  	s0 =	simm.s32 @!p0 $0x6  }
0xb8: {  	_ =	swait.ge @!p0 [sflag:s0], s1  }
0xb9: {  	s1 =	ssub.s32 @!p0 $0x0, s1;
	[sflag:s0] =	ssyncset.done @!p0 $0x0  }
0xba: {  	[sflag:s0] =	ssyncadd.s32 @!p0 s1  }
0xbb: {  	[bflag:$0x3] =	sbarrier.arrive $0xFFFF  }
0xbc: {  	_ =	shalt  }

// kernel: kernel.18.cloned.1.call-start
scs
__scs_entry_jumppad:
0x0: {  	(pc) =	sbr.rel $0x88, $3  }
0x1: {  	(tag) =	ssettag $0x0;
	lr =	simm.s32 $0x1  }
0x2: {  	[smem:$0x3F95] =	sst lr;
	_ =	strace $0xD0000000  }
0x3: {  	_ = 	snop  }
0x4: {  	_ = 	snop  }
0x5: {  	_ = 	snop  }
0x6: {  	_ = 	snop  }
0x7: {  	_ = 	snop  }
__scs_overlays_trampoline_lowered:
0x8: {  	[smem:$0x3FA4] =	sst s0  }
0x9: {  	[smem:$0x3FA5] =	sst s1  }
0xa: {  	[smem:$0x3FA6] =	sst s2  }
0xb: {  	[smem:$0x3FA7] =	sst s3  }
0xc: {  	[smem:$0x3FA8] =	sst s4  }
0xd: {  	[smem:$0x3FA9] =	sst s5  }
0xe: {  	[smem:$0x3FAA] =	sst s6  }
0xf: {  	[smem:$0x3FAB] =	sst s7  }
0x10: {  	[smem:$0x3FAC] =	sst s8  }
0x11: {  	[smem:$0x3FAD] =	sst s9;
	s0 =	simm.s32 @!p0 $0x0  }
0x12: {  	s1 =	sld [smem:$0x3F93];
	s0 =	simm.s32 @p0 $0x1  }
0x13: {  	[smem:$0x3FAE] =	sst s0;
	s0 =	simm.s32 @!p1 $0x0  }
0x14: {  	s2 =	sld [smem:$0x3F92];
	s0 =	simm.s32 @p1 $0x1  }
0x15: {  	[smem:$0x3FAF] =	sst s0;
	s0 =	simm.s32 @!p2 $0x0  }
0x16: {  	s3 =	sld [smem:$0x3FDB];
	s0 =	simm.s32 @p2 $0x1  }
0x17: {  	s4 =	simm.s32 $0x1BF5;
	[smem:$0x3FB1] =	sst s0  }
0x18: {  	s0 =	sld [smem:$0x3F94];
	_ =	swait.ge [sflag:s4], $0x0  }
0x19: {  	s7 =	sld [smem:$0x3F95]  }
0x1a: {  	s8 =	sadd.s32 $0xFFFFE003, lr  }
0x1b: {  	s9 =	sadd.s32 $0xFFFFFEF7, lr;
	s5 =	simm.s32 $0xFFFFFFFF;
	p2 =	slt.u32 s8, $0xFFFFF086  }
0x1c: {  	p1 =	slt.u32 s9, $0xF7A;
	s5 =	simm.s32 @!p2 $0x0  }
0x1d: {  	s5 =	simm.s32 @p1 $0x1;
	p0 =	seq.s32 s7, s2  }
0x1e: {  	s7 =	smul.u32 @!p0 $0xF7A, s2;
	p2 =	seq.s32 @!p0 s5, $0x0  }
0x1f: {  	s9 =	smul.u32 $0xF7A, s1;
	s8 =	simm.s32 @!p0 $0x1BF5;
	p2 =	por !p2, p0  }
0x20: {  	[sflag:s8] =	ssyncset.s32 @!p0 $0xFFFFF086;
	s6 =	sadd.s32 @!p0 s3, s7;
	s7 =	simm.s32 @!p0 $0x108  }
0x21: {  	s3 =	sadd.s32 s3, s9;
	s6 =	sadd.s32 @!p0 $0x88, s6;
	s7 =	simm.s32 @p2 $0x1082  }
0x22: {  	[simem:s7], [sflag:s8] =	dma.local @!p0 [hbm:s6], $0xF7A  }
0x23: {  	s9 =	sor.u32 $0xD0000000, s2;
	s6 =	simm.s32 $0x108;
	_ =	swait.ge @!p0 [sflag:s8], $0x0  }
0x24: {  	s3 =	sadd.s32 $0x88, s3;
	s6 =	simm.s32 @!p1 $0x1082;
	[sflag:s4] =	ssyncset.s32 $0xFFFFF086  }
0x25: {  	[simem:s6], [sflag:s4] =	dma.local [hbm:s3], $0xF7A  }
0x26: {  	[smem:$0x3F95] =	sst s1;
	(tag) =	ssettag s2;
	_ =	strace s9  }
0x27: {  	s1 =	sld [smem:$0x3FA5]  }
0x28: {  	s2 =	sld [smem:$0x3FA6]  }
0x29: {  	s4 =	sld [smem:$0x3FA8]  }
0x2a: {  	p0 =	seq.s32 s5, $0x0;
	s5 =	sld [smem:$0x3FA9]  }
0x2b: {  	s6 =	sld [smem:$0x3FAA]  }
0x2c: {  	s7 =	sld [smem:$0x3FAB]  }
0x2d: {  	s3 =	simm.s32 $0x108;
	s8 =	sld [smem:$0x3FAC]  }
0x2e: {  	s3 =	simm.s32 @!p0 $0x1082;
	s9 =	sld [smem:$0x3FAD]  }
0x2f: {  	lr =	sadd.s32 s0, s3;
	s0 =	sld [smem:$0x3FA4]  }
0x30: {  	s3 =	sld [smem:$0x3FA7]  }
0x31: {  	[smem:$0x3FB0] =	sst s10  }
0x32: {  	s10 =	sld [smem:$0x3FAE];
	_ =	sdelay $0x3  }
0x33: {  	p0 =	seq.s32 s10, $0x1;
	s10 =	sld [smem:$0x3FB0];
	_ =	sdelay $0x3  }
0x34: {  	[smem:$0x3FB0] =	sst s10  }
0x35: {  	s10 =	sld [smem:$0x3FAF];
	_ =	sdelay $0x3  }
0x36: {  	p1 =	seq.s32 s10, $0x1;
	s10 =	sld [smem:$0x3FB0];
	_ =	sdelay $0x3  }
0x37: {  	[smem:$0x3FB0] =	sst s10  }
0x38: {  	s10 =	sld [smem:$0x3FB1]  }
0x39: {  	_ = 	snop;
	(pc) =	sbr.ind lr, $3  }
0x3a: {  	_ = 	snop  }
0x3b: {  	_ = 	snop  }
0x3c: {  	p2 =	seq.s32 s10, $0x1;
	s10 =	sld [smem:$0x3FB0]  }
0x3d: {  	_ =	shalt  }
0x3e: {  	_ =	shalt  }
0x3f: {  	_ =	shalt  }
0x40: {  	_ =	shalt  }
0x41: {  	_ =	shalt  }
0x42: {  	_ =	shalt  }
0x43: {  	_ =	shalt  }
0x44: {  	_ =	shalt  }
0x45: {  	_ =	shalt  }
0x46: {  	_ =	shalt  }
0x47: {  	_ =	shalt  }
0x48: {  	_ =	shalt  }
0x49: {  	_ =	shalt  }
0x4a: {  	_ =	shalt  }
0x4b: {  	_ =	shalt  }
0x4c: {  	_ =	shalt  }
0x4d: {  	_ =	shalt  }
0x4e: {  	_ =	shalt  }
0x4f: {  	_ =	shalt  }
0x50: {  	_ =	shalt  }
0x51: {  	_ =	shalt  }
0x52: {  	_ =	shalt  }
0x53: {  	_ =	shalt  }
0x54: {  	_ =	shalt  }
0x55: {  	_ =	shalt  }
0x56: {  	_ =	shalt  }
0x57: {  	_ =	shalt  }
0x58: {  	_ =	shalt  }
0x59: {  	_ =	shalt  }
0x5a: {  	_ =	shalt  }
0x5b: {  	_ =	shalt  }
0x5c: {  	_ =	shalt  }
0x5d: {  	_ =	shalt  }
0x5e: {  	_ =	shalt  }
0x5f: {  	_ =	shalt  }
0x60: {  	_ =	shalt  }
0x61: {  	_ =	shalt  }
0x62: {  	_ =	shalt  }
0x63: {  	_ =	shalt  }
0x64: {  	_ =	shalt  }
0x65: {  	_ =	shalt  }
0x66: {  	_ =	shalt  }
0x67: {  	_ =	shalt  }
0x68: {  	_ =	shalt  }
0x69: {  	_ =	shalt  }
0x6a: {  	_ =	shalt  }
0x6b: {  	_ =	shalt  }
0x6c: {  	_ =	shalt  }
0x6d: {  	_ =	shalt  }
0x6e: {  	_ =	shalt  }
0x6f: {  	_ =	shalt  }
0x70: {  	_ =	shalt  }
0x71: {  	_ =	shalt  }
0x72: {  	_ =	shalt  }
0x73: {  	_ =	shalt  }
0x74: {  	_ =	shalt  }
0x75: {  	_ =	shalt  }
0x76: {  	_ =	shalt  }
0x77: {  	_ =	shalt  }
0x78: {  	_ =	shalt  }
0x79: {  	_ =	shalt  }
0x7a: {  	_ =	shalt  }
0x7b: {  	_ =	shalt  }
0x7c: {  	_ =	shalt  }
0x7d: {  	_ =	shalt  }
0x7e: {  	_ =	shalt  }
0x7f: {  	_ =	shalt  }
0x80: {  	_ =	shalt  }
0x81: {  	_ =	shalt  }
0x82: {  	_ =	shalt  }
0x83: {  	_ =	shalt  }
0x84: {  	_ =	shalt  }
0x85: {  	_ =	shalt  }
0x86: {  	_ =	shalt  }
0x87: {  	_ =	shalt  }
.Lfunc_end0:
.L_simem_size_0:
called_computation.2_lowered:
.L_overlay_start_0:
0x88: {  	s2 =	sld [smem:$0x3FD9]  }
0x89: {  	s3 =	sld [smem:$0x3FFE];
	_ =	sdelay $0x1  }
0x8a: {  	s1 =	srdreg.scid  }
0x8b: {  	s0 =	sand.u32 $0x1, s1  }
0x8c: {  	s17 =	sshll.u32 s0, $0xA;
	s2 =	sadd.s32 s3, s2  }
0x8d: {  	s2 =	sadd.s32 s2, s17  }
0x8e: {  	[smem:$0x3FBC] =	sst s2  }
0x8f: {  	_ = 	snop  }
0x90: {  	s18 =	sld [smem:$0x3FC9];
	(tm) =	ssettm $0x1  }
0x91: {  	s19 =	sld [smem:$0x3FFB];
	_ =	sdelay $0x3  }
0x92: {  	_ =	strace s19  }
0x93: {  	s2 =	sld [smem:$0x3FFC];
	_ =	sdelay $0x3  }
0x94: {  	_ =	strace s2  }
0x95: {  	s2 =	sld [smem:$0x3FFD];
	_ =	sdelay $0x3  }
0x96: {  	_ =	strace s2  }
0x97: {  	_ =	strace $0x8FFFFFFF  }
0x98: {  	s20 =	sld [smem:$0x3FDB];
	_ =	sdelay $0x1  }
0x99: {  	s4 =	simm.s32 $_scs_section_size  }
0x9a: {  	s5 =	simm.s32 $_size__tile_overlayer_lowered;
	s6 =	simm.s32 $_tile_overlayer_lowered  }
0x9b: {  	s7 =	simm.s32 $0x1BFF;
	s21 =	sshll.u32 s6, $0x1;
	s4 =	sadd.s32 s4, s20  }
0x9c: {  	s22 =	simm.s32 $0x0;
	s5 =	sshll.u32 s5, $0x1;
	s6 =	sadd.s32 s21, s4  }
0x9d: {  	[timem:s22], [sflag:s7] =	dma.local [hbm:s6], s5  }
0x9e: {  	_ =	swait.ge [sflag:s7], s5  }
0x9f: {  	s5 =	ssub.s32 $0x0, s5;
	[sflag:s7] =	ssyncset.done $0x0  }
0xa0: {  	[sflag:s7] =	ssyncadd.s32 s5;
	_ =	sdelay $0x1  }
0xa1: {  	s23 =	simm.s32 $0x1B8B  }
0xa2: {  	_ =	swait.ge [sflag:s23], $0x1  }
0xa3: {  	[sflag:s23] =	ssyncset.done $0x0  }
0xa4: {  	[sflag:s23] =	ssyncadd.s32 $0xFFFFFFFF  }
0xa5: {  	s5 =	sld [smem:$0x0]  }
0xa6: {  	s6 =	sand.u32 $0xFFFFFFFE, s1  }
0xa7: {  	p0 =	sne.s32 s1, s6  }
0xa8: {  	s6 =	sshll.u32 @p0 s6, $0xE  }
0xa9: {  	s6 =	sadd.s32 @p0 $0x11B8D, s6;
	s7 =	sshll.u32 @p0 s5, $0x11  }
0xaa: {  	s6 =	sor.u32 @p0 s7, s6  }
0xab: {  	[sflag:s6] =	ssyncadd.remote.s32 @p0 $0x1;
	_ =	sdelay $0x1  }
0xac: {  	s6 =	simm.s32 @p0 $0x1B8D  }
0xad: {  	_ =	swait.eq @p0 [sflag:s6], $0x1  }
0xae: {  	[sflag:s6] =	ssyncadd.s32 @p0 $0xFFFFFFFF  }
0xaf: {  	s7 =	sshll.u32 @!p0 s1, $0xE  }
0xb0: {  	s7 =	sor.u32 @!p0 $0x4000, s7;
	s6 =	simm.s32 @!p0 $0x1B8D  }
0xb1: {  	s5 =	sshll.u32 @!p0 s5, $0x11;
	s7 =	sadd.s32 @!p0 $0x11B8D, s7;
	_ =	swait.eq @!p0 [sflag:s6], $0x1  }
0xb2: {  	s5 =	sor.u32 @!p0 s5, s7;
	[sflag:s6] =	ssyncadd.s32 @!p0 $0xFFFFFFFF  }
0xb3: {  	s25 =	simm.s32 $0x1B8E;
	s24 =	sld [smem:$0x3FFE];
	[sflag:s5] =	ssyncadd.remote.s32 @!p0 $0x1  }
0xb4: {  	s26 =	simm.s32 $execute0_lowered;
	[smem:$0x3FD2] =	sst s25  }
0xb5: {  	s6 =	sshll.u32 s26, $0x1;
	_ =	strace $0x8000004C;
	[dreg:$0x1] =	wrdreg $0xFFFFFFFF  }
0xb6: {  	s28 =	simm.s32 $_size_execute0_lowered;
	s4 =	sadd.s32 s4, s6;
	[dreg:$0x0] =	wrdreg $0x0  }
0xb7: {  	s6 =	sshll.u32 s28, $0x1;
	[dreg:$0x2] =	wrdreg s4  }
0xb8: {  	[dreg:$0x3] =	wrdreg s6  }
0xb9: {  	[dreg:$0x4] =	wrdreg $0xC0  }
0xba: {  	_ =	task [dreg:s22], $0x5FFFF  }
0xbb: {  	[dreg:$0x1] =	wrdreg $0xFFFFFFFF  }
0xbc: {  	[dreg:$0x0] =	wrdreg $0x60  }
0xbd: {  	[dreg:$0x2] =	wrdreg s18  }
0xbe: {  	[dreg:$0x3] =	wrdreg s24  }
0xbf: {  	[dreg:$0x4] =	wrdreg $0xA  }
0xc0: {  	_ =	task.clear_ibuf [dreg:s22], $0x5FFFF;
	_ =	strace $0x9000004C  }
0xc1: {  	s29 =	simm.s32 $0xA;
	_ =	strace $0x8000004E  }
0xc2: {  	_ =	swait.ge [sflag:s29], $0x1  }
0xc3: {  	[sflag:s29] =	ssyncadd.s32 $0xFFFFFFFF  }
0xc4: {  	_ =	strace $0x9000004E  }
0xc5: {  	_ =	sfence  }
0xc6: {  	s30 =	sld [smem:$0x0];
	_ =	sdelay $0x2  }
0xc7: {  	s31 =	sshll.u32 s1, $0xD;
	s1 =	sshrl.u32 s1, $0x2  }
0xc8: {  	s4 =	sand.u32 $0x4000, s31;
	s1 =	sadd.s32 s1, s30  }
0xc9: {  	s0 =	sor.u32 s4, s0;
	s1 =	sshll.u32 s1, $0x11  }
0xca: {  	s0 =	sor.u32 s1, s0  }
0xcb: {  	s0 =	sadd.s32 $0x8F2B, s0  }
0xcc: {  	[sflag:s0] =	ssyncadd.remote.s32 $0x1  }
0xcd: {  	_ =	sfence.sel $0xFFFF  }
0xce: {  	[dreg:$0x0] =	wrdreg $0xFFFFFFFF;
	(pc) =	sbr.abs _section_cstart, $3  }
0xcf: {  	[dreg:$0x1] =	wrdreg $0xFFFFFFFF  }
0xd0: {  	_ =	task.clear_ibuf [dreg:s22], $0x2FFFF;
	_ =	strace $0x9FFFFFFF  }
0xd1: {  	(tm) =	ssettm $0x7FFFFFFF  }
tec
execute0_lowered:
.L_overlay_start_1:
0x0: {  	(tag) =	ssettag $0x1  }
0x1: {  	s0 =	srdreg.scid;
	s2 =	rddreg [dreg:$0x0]  }
0x2: {  	s3 =	stileid.u32;
	s1 =	rddreg [dreg:$0x1];
	s29 =	simm.s32 $0x8800  }
0x3: {  	s31 =	simm.s32 $0xC800;
	s30 =	simm.s32 $0x3;
	s28 =	simm.s32 $0x4  }
0x4: {  	s0 =	sand.u32 $0x1, s0;
	s4 =	sshll.u32 s3, $0xC;
	s3 =	simm.s32 $0x0  }
0x5: {  	s6 =	simm.s32 $0x0;
	s5 =	sshll.u32 s0, $0xB;
	[smem:$0x7FF] =	sst s3  }
0x6: {  	s0 =	ssub.s32 $0x2, s0;
	s8 =	sor.u32 s5, s4;
	_ =	strace $0x8000004D  }
0x7: {  	s26 =	sshrl.u32 s0, $0x1;
	s4 =	sshrl.u32 s8, $0x3;
	s5 =	sshll.u32 s8, $0x4  }
0x8: {  	s0 =	ssub.s32 s0, s26;
	s4 =	sadd.s32 s4, s1;
	s1 =	sadd.s32 s5, s1  }
0x9: {  	s26 =	simm.s32 $0x4800;
	s4 =	sadd.s32 $0x4200, s4;
	s22 =	sadd.s32 $0x10A200, s1  }
0xa: {  	s19 =	smax.u32 s0, $0x1;
	s23 =	sadd.s32 $0x110200, s1;
	s24 =	sadd.s32 $0x110A00, s1  }
0xb: {  	s0 =	simm.s32 $0x1;
	s25 =	sadd.s32 $0x111200, s1;
	s10 =	sadd.s32 $0x111A00, s1  }
0xc: {  	s5 =	simm.s32 $0x5;
	s11 =	sadd.s32 $0x10AA00, s1;
	s12 =	sadd.s32 $0x10B200, s1  }
0xd: {  	s13 =	sadd.s32 $0x10BA00, s1;
	s14 =	sadd.s32 $0x10C200, s1;
	[dreg:$0x3] =	wrdreg s4  }
0xe: {  	s15 =	sadd.s32 $0x10CA00, s1;
	s16 =	sadd.s32 $0x10D200, s1;
	[dreg:$0x4] =	wrdreg s22  }
0xf: {  	s17 =	sadd.s32 $0x10DA00, s1;
	s18 =	sadd.s32 $0x10E200, s1;
	[dreg:$0x5] =	wrdreg s23  }
0x10: {  	s20 =	sadd.s32 $0x10EA00, s1;
	s21 =	sadd.s32 $0x10F200, s1;
	[dreg:$0x6] =	wrdreg s24  }
0x11: {  	[dreg:$0x7] =	wrdreg s25;
	s22 =	sadd.s32 $0x10FA00, s1;
	s23 =	simm.s32 $0x6  }
0x12: {  	v0 =	vlaneseq.u32;
	s24 =	simm.s32 $0x80;
	s25 =	simm.s32 $0x800;
	s1 =	simm.s32 $0x2  }
.LBB2_1:
0x13: {  	s4 =	rddreg [dreg:$0x3]  }
0x14: {  	[tilespmem:s3], [sflag:$0x6] =	stream.linear.gather [hbm4b:s4+s3], $0x800, $0x38;
	[tilespmem:$0x10800] =	vst v63  }
0x15: {  	_ =	swait.ge [sflag:s23], $0x800  }
0x16: {  	[sflag:s23] =	ssyncset.done $0x0  }
0x17: {  	s4 =	simm.s32 $0x0;
	[sflag:s23] =	ssyncadd.s32 $0xFFFFF800  }
0x18: {  	v1 =	vld [tilespmem:s4+$0x0];
	_ =	sdelay $0x4  }
0x19: {  	v2 =	vor.u32 s8, v0;
	vm0 =	vlt.s32 v1, $0x0  }
0x1a: {  	v1 =	vsel vm0, v2, v1  }
0x1b: {  	s7 =	simm.s32 $0x10;
	s9 =	simm.s32 $0x80;
	[tilespmem:s4+$0x0] =	vst v1;
	s4 =	smov.u32 s8  }
.LBB2_2:
0x1c: {  	p0 =	sne.s32 s9, $0x1FC0;
	v1 =	vld [tilespmem:s7+$0x0];
	_ =	sdelay $0x2  }
.Ltmp0:
0x1d: {  	(pc) =	sbr.rel @p0 .LBB2_2-.Ltmp0, $4  }
0x1e: {  	s4 =	sadd.s32 $0x10, s4  }
0x1f: {  	v2 =	vor.u32 s4, v0;
	vm0 =	vlt.s32 v1, $0x0  }
0x20: {  	v1 =	vsel vm0, v2, v1  }
0x21: {  	[tilespmem:s7+$0x0] =	vst v1;
	s7 =	sshra.s32 s9, $0x2;
	s9 =	sadd.s32 $0x40, s9  }
0x22: {  	v1 =	vld [tilespmem:s7+$0x0];
	_ =	sdelay $0x3  }
0x23: {  	s4 =	sadd.s32 $0x10, s4  }
0x24: {  	v2 =	vor.u32 s4, v0;
	vm0 =	vlt.s32 v1, $0x0  }
0x25: {  	v1 =	vsel vm0, v2, v1  }
0x26: {  	[tilespmem:s7+$0x0] =	vst v1  }
0x27: {  	[tilespmem:s25], [sflag:$0x2] =	stream.indirect.gather [hbm4b:s2+s24], $0x80, s3, s24, $0xb8;
	[tilespmem:$0x10800] =	vst v63  }
0x28: {  	_ = 	snop  }
0x29: {  	[tilespmem:s26], [sflag:$0x3] =	stream.indirect.gather [hbm4b:s2+s24], $0x80, s24, s24, $0xb8;
	[tilespmem:$0x10800] =	vst v63  }
0x2a: {  	s7 =	simm.s32 $0x100  }
0x2b: {  	[tilespmem:s29], [sflag:$0x4] =	stream.indirect.gather [hbm4b:s2+s24], $0x80, s7, s24, $0xb8;
	[tilespmem:$0x10800] =	vst v63  }
0x2c: {  	s9 =	simm.s32 $0x180  }
0x2d: {  	[tilespmem:s31], [sflag:$0x5] =	stream.indirect.gather [hbm4b:s2+s24], $0x80, s9, s24, $0xb8;
	[tilespmem:$0x10800] =	vst v63  }
0x2e: {  	_ =	swait.ge [sflag:s1], $0x4000  }
0x2f: {  	[sflag:s1] =	ssyncset.done $0x0  }
0x30: {  	s7 =	rddreg [dreg:$0x4];
	[sflag:s1] =	ssyncadd.s32 $0xFFFFC000  }
0x31: {  	[hbm4b:s7+s3] =	stream.linear.scatter [tilespmem:s25], [sflag:$0x1], $0x4000, $0x38;
	[tilespmem:$0x10800] =	vst v63  }
0x32: {  	_ =	swait.ge [sflag:s0], $0x4000  }
0x33: {  	[sflag:s0] =	ssyncset.done $0x0  }
0x34: {  	s9 =	simm.s32 $0x200;
	[sflag:s0] =	ssyncadd.s32 $0xFFFFC000  }
0x35: {  	[tilespmem:s25], [sflag:$0x2] =	stream.indirect.gather [hbm4b:s2+s24], $0x80, s9, s24, $0xb8;
	[tilespmem:$0x10800] =	vst v63  }
0x36: {  	_ =	swait.ge [sflag:s30], $0x4000  }
0x37: {  	[sflag:s30] =	ssyncset.done $0x0  }
0x38: {  	[sflag:s30] =	ssyncadd.s32 $0xFFFFC000  }
0x39: {  	[hbm4b:s11+s3] =	stream.linear.scatter [tilespmem:s26], [sflag:$0x1], $0x4000, $0x38;
	[tilespmem:$0x10800] =	vst v63  }
0x3a: {  	_ =	swait.ge [sflag:s0], $0x4000  }
0x3b: {  	[sflag:s0] =	ssyncset.done $0x0  }
0x3c: {  	s7 =	simm.s32 $0x280;
	[sflag:s0] =	ssyncadd.s32 $0xFFFFC000  }
0x3d: {  	[tilespmem:s26], [sflag:$0x3] =	stream.indirect.gather [hbm4b:s2+s24], $0x80, s7, s24, $0xb8;
	[tilespmem:$0x10800] =	vst v63  }
0x3e: {  	_ =	swait.ge [sflag:s28], $0x4000  }
0x3f: {  	[sflag:s28] =	ssyncset.done $0x0  }
0x40: {  	[sflag:s28] =	ssyncadd.s32 $0xFFFFC000  }
0x41: {  	[hbm4b:s12+s3] =	stream.linear.scatter [tilespmem:s29], [sflag:$0x1], $0x4000, $0x38;
	[tilespmem:$0x10800] =	vst v63  }
0x42: {  	_ =	swait.ge [sflag:s0], $0x4000  }
0x43: {  	[sflag:s0] =	ssyncset.done $0x0  }
0x44: {  	s9 =	simm.s32 $0x300;
	[sflag:s0] =	ssyncadd.s32 $0xFFFFC000  }
0x45: {  	[tilespmem:s29], [sflag:$0x4] =	stream.indirect.gather [hbm4b:s2+s24], $0x80, s9, s24, $0xb8;
	[tilespmem:$0x10800] =	vst v63  }
0x46: {  	_ =	swait.ge [sflag:s5], $0x4000  }
0x47: {  	[sflag:s5] =	ssyncset.done $0x0  }
0x48: {  	[sflag:s5] =	ssyncadd.s32 $0xFFFFC000  }
0x49: {  	[hbm4b:s13+s3] =	stream.linear.scatter [tilespmem:s31], [sflag:$0x1], $0x4000, $0x38;
	[tilespmem:$0x10800] =	vst v63  }
0x4a: {  	_ =	swait.ge [sflag:s0], $0x4000  }
0x4b: {  	[sflag:s0] =	ssyncset.done $0x0  }
0x4c: {  	s7 =	simm.s32 $0x380;
	[sflag:s0] =	ssyncadd.s32 $0xFFFFC000  }
0x4d: {  	[tilespmem:s31], [sflag:$0x5] =	stream.indirect.gather [hbm4b:s2+s24], $0x80, s7, s24, $0xb8;
	[tilespmem:$0x10800] =	vst v63  }
0x4e: {  	_ =	swait.ge [sflag:s1], $0x4000  }
0x4f: {  	[sflag:s1] =	ssyncset.done $0x0  }
0x50: {  	[sflag:s1] =	ssyncadd.s32 $0xFFFFC000  }
0x51: {  	[hbm4b:s14+s3] =	stream.linear.scatter [tilespmem:s25], [sflag:$0x1], $0x4000, $0x38;
	[tilespmem:$0x10800] =	vst v63  }
0x52: {  	_ =	swait.ge [sflag:s0], $0x4000  }
0x53: {  	[sflag:s0] =	ssyncset.done $0x0  }
0x54: {  	s9 =	simm.s32 $0x400;
	[sflag:s0] =	ssyncadd.s32 $0xFFFFC000  }
0x55: {  	[tilespmem:s25], [sflag:$0x2] =	stream.indirect.gather [hbm4b:s2+s24], $0x80, s9, s24, $0xb8;
	[tilespmem:$0x10800] =	vst v63  }
0x56: {  	_ =	swait.ge [sflag:s30], $0x4000  }
0x57: {  	[sflag:s30] =	ssyncset.done $0x0  }
0x58: {  	[sflag:s30] =	ssyncadd.s32 $0xFFFFC000  }
0x59: {  	[hbm4b:s15+s3] =	stream.linear.scatter [tilespmem:s26], [sflag:$0x1], $0x4000, $0x38;
	[tilespmem:$0x10800] =	vst v63  }
0x5a: {  	_ =	swait.ge [sflag:s0], $0x4000  }
0x5b: {  	[sflag:s0] =	ssyncset.done $0x0  }
0x5c: {  	s7 =	simm.s32 $0x480;
	[sflag:s0] =	ssyncadd.s32 $0xFFFFC000  }
0x5d: {  	[tilespmem:s26], [sflag:$0x3] =	stream.indirect.gather [hbm4b:s2+s24], $0x80, s7, s24, $0xb8;
	[tilespmem:$0x10800] =	vst v63  }
0x5e: {  	_ =	swait.ge [sflag:s28], $0x4000  }
0x5f: {  	[sflag:s28] =	ssyncset.done $0x0  }
0x60: {  	[sflag:s28] =	ssyncadd.s32 $0xFFFFC000  }
0x61: {  	[hbm4b:s16+s3] =	stream.linear.scatter [tilespmem:s29], [sflag:$0x1], $0x4000, $0x38;
	[tilespmem:$0x10800] =	vst v63  }
0x62: {  	_ =	swait.ge [sflag:s0], $0x4000  }
0x63: {  	[sflag:s0] =	ssyncset.done $0x0  }
0x64: {  	s9 =	simm.s32 $0x500;
	[sflag:s0] =	ssyncadd.s32 $0xFFFFC000  }
0x65: {  	[tilespmem:s29], [sflag:$0x4] =	stream.indirect.gather [hbm4b:s2+s24], $0x80, s9, s24, $0xb8;
	[tilespmem:$0x10800] =	vst v63  }
0x66: {  	_ =	swait.ge [sflag:s5], $0x4000  }
0x67: {  	[sflag:s5] =	ssyncset.done $0x0  }
0x68: {  	[sflag:s5] =	ssyncadd.s32 $0xFFFFC000  }
0x69: {  	[hbm4b:s17+s3] =	stream.linear.scatter [tilespmem:s31], [sflag:$0x1], $0x4000, $0x38;
	[tilespmem:$0x10800] =	vst v63  }
0x6a: {  	_ =	swait.ge [sflag:s0], $0x4000  }
0x6b: {  	[sflag:s0] =	ssyncset.done $0x0  }
0x6c: {  	s7 =	simm.s32 $0x580;
	[sflag:s0] =	ssyncadd.s32 $0xFFFFC000  }
0x6d: {  	[tilespmem:s31], [sflag:$0x5] =	stream.indirect.gather [hbm4b:s2+s24], $0x80, s7, s24, $0xb8;
	[tilespmem:$0x10800] =	vst v63  }
0x6e: {  	_ =	swait.ge [sflag:s1], $0x4000  }
0x6f: {  	[sflag:s1] =	ssyncset.done $0x0  }
0x70: {  	[sflag:s1] =	ssyncadd.s32 $0xFFFFC000  }
0x71: {  	[hbm4b:s18+s3] =	stream.linear.scatter [tilespmem:s25], [sflag:$0x1], $0x4000, $0x38;
	[tilespmem:$0x10800] =	vst v63  }
0x72: {  	_ =	swait.ge [sflag:s0], $0x4000  }
0x73: {  	[sflag:s0] =	ssyncset.done $0x0  }
0x74: {  	s9 =	simm.s32 $0x600;
	[sflag:s0] =	ssyncadd.s32 $0xFFFFC000  }
0x75: {  	[tilespmem:s25], [sflag:$0x2] =	stream.indirect.gather [hbm4b:s2+s24], $0x80, s9, s24, $0xb8;
	[tilespmem:$0x10800] =	vst v63  }
0x76: {  	_ =	swait.ge [sflag:s30], $0x4000  }
0x77: {  	[sflag:s30] =	ssyncset.done $0x0  }
0x78: {  	[sflag:s30] =	ssyncadd.s32 $0xFFFFC000  }
0x79: {  	[hbm4b:s20+s3] =	stream.linear.scatter [tilespmem:s26], [sflag:$0x1], $0x4000, $0x38;
	[tilespmem:$0x10800] =	vst v63  }
0x7a: {  	_ =	swait.ge [sflag:s0], $0x4000  }
0x7b: {  	[sflag:s0] =	ssyncset.done $0x0  }
0x7c: {  	s7 =	simm.s32 $0x680;
	[sflag:s0] =	ssyncadd.s32 $0xFFFFC000  }
0x7d: {  	[tilespmem:s26], [sflag:$0x3] =	stream.indirect.gather [hbm4b:s2+s24], $0x80, s7, s24, $0xb8;
	[tilespmem:$0x10800] =	vst v63  }
0x7e: {  	_ =	swait.ge [sflag:s28], $0x4000  }
0x7f: {  	[sflag:s28] =	ssyncset.done $0x0  }
0x80: {  	[sflag:s28] =	ssyncadd.s32 $0xFFFFC000  }
0x81: {  	[hbm4b:s21+s3] =	stream.linear.scatter [tilespmem:s29], [sflag:$0x1], $0x4000, $0x38;
	[tilespmem:$0x10800] =	vst v63  }
0x82: {  	_ =	swait.ge [sflag:s0], $0x4000  }
0x83: {  	[sflag:s0] =	ssyncset.done $0x0  }
0x84: {  	s9 =	simm.s32 $0x700;
	[sflag:s0] =	ssyncadd.s32 $0xFFFFC000  }
0x85: {  	[tilespmem:s29], [sflag:$0x4] =	stream.indirect.gather [hbm4b:s2+s24], $0x80, s9, s24, $0xb8;
	[tilespmem:$0x10800] =	vst v63  }
0x86: {  	_ =	swait.ge [sflag:s5], $0x4000  }
0x87: {  	[sflag:s5] =	ssyncset.done $0x0  }
0x88: {  	[sflag:s5] =	ssyncadd.s32 $0xFFFFC000  }
0x89: {  	[hbm4b:s22+s3] =	stream.linear.scatter [tilespmem:s31], [sflag:$0x1], $0x4000, $0x38;
	[tilespmem:$0x10800] =	vst v63  }
0x8a: {  	_ =	swait.ge [sflag:s0], $0x4000  }
0x8b: {  	[sflag:s0] =	ssyncset.done $0x0  }
0x8c: {  	s7 =	simm.s32 $0x780;
	[sflag:s0] =	ssyncadd.s32 $0xFFFFC000  }
0x8d: {  	[tilespmem:s31], [sflag:$0x5] =	stream.indirect.gather [hbm4b:s2+s24], $0x80, s7, s24, $0xb8;
	[tilespmem:$0x10800] =	vst v63  }
0x8e: {  	_ =	swait.ge [sflag:s1], $0x4000  }
0x8f: {  	[sflag:s1] =	ssyncset.done $0x0  }
0x90: {  	s9 =	rddreg [dreg:$0x5];
	[sflag:s1] =	ssyncadd.s32 $0xFFFFC000  }
0x91: {  	[hbm4b:s9+s3] =	stream.linear.scatter [tilespmem:s25], [sflag:$0x1], $0x4000, $0x38;
	[tilespmem:$0x10800] =	vst v63  }
0x92: {  	_ =	swait.ge [sflag:s0], $0x4000  }
0x93: {  	[sflag:s0] =	ssyncset.done $0x0  }
0x94: {  	[sflag:s0] =	ssyncadd.s32 $0xFFFFC000  }
0x95: {  	_ =	swait.ge [sflag:s30], $0x4000  }
0x96: {  	[sflag:s30] =	ssyncset.done $0x0  }
0x97: {  	s7 =	rddreg [dreg:$0x6];
	[sflag:s30] =	ssyncadd.s32 $0xFFFFC000  }
0x98: {  	[hbm4b:s7+s3] =	stream.linear.scatter [tilespmem:s26], [sflag:$0x1], $0x4000, $0x38;
	[tilespmem:$0x10800] =	vst v63  }
0x99: {  	_ =	swait.ge [sflag:s0], $0x4000  }
0x9a: {  	[sflag:s0] =	ssyncset.done $0x0  }
0x9b: {  	[sflag:s0] =	ssyncadd.s32 $0xFFFFC000  }
0x9c: {  	_ =	swait.ge [sflag:s28], $0x4000  }
0x9d: {  	[sflag:s28] =	ssyncset.done $0x0  }
0x9e: {  	s9 =	rddreg [dreg:$0x7];
	[sflag:s28] =	ssyncadd.s32 $0xFFFFC000  }
0x9f: {  	[hbm4b:s9+s3] =	stream.linear.scatter [tilespmem:s29], [sflag:$0x1], $0x4000, $0x38;
	[tilespmem:$0x10800] =	vst v63  }
0xa0: {  	_ =	swait.ge [sflag:s0], $0x4000  }
0xa1: {  	[sflag:s0] =	ssyncset.done $0x0  }
0xa2: {  	[sflag:s0] =	ssyncadd.s32 $0xFFFFC000  }
0xa3: {  	s6 =	sadd.s32 $0x1, s6;
	_ =	swait.ge [sflag:s5], $0x4000  }
0xa4: {  	p0 =	sne.s32 s6, s19;
	[sflag:s5] =	ssyncset.done $0x0  }
.Ltmp1:
0xa5: {  	[sflag:s5] =	ssyncadd.s32 $0xFFFFC000;
	(pc) =	sbr.rel @p0 .LBB2_1-.Ltmp1, $4  }
0xa6: {  	[hbm4b:s10+s3] =	stream.linear.scatter [tilespmem:s31], [sflag:$0x1], $0x4000, $0x38;
	[tilespmem:$0x10800] =	vst v63  }
0xa7: {  	_ =	swait.ge [sflag:s0], $0x4000  }
0xa8: {  	[sflag:s0] =	ssyncset.done $0x0  }
0xa9: {  	[sflag:s0] =	ssyncadd.s32 $0xFFFFC000  }
0xaa: {  	_ =	sfence.sel $0x180000  }
0xab: {  	[bflag:$0x0] =	sbarrier.arrive $0xFFFF  }
0xac: {  	_ =	strace $0x9000004D  }
0xad: {  	s0 =	stileid.u32;
	[bflag:$0x2] =	sbarrier.arrive $0xFFFF  }
0xae: {  	p0 =	sne.s32 s0, $0x0;
	s0 =	rddreg [dreg:$0x2]  }
0xaf: {  	s0 =	sadd.s32 @!p0 $0x100000, s0  }
0xb0: {  	[sflag:s0] =	ssyncadd.tile.s32 @!p0 $0x1;
	_ =	shalt  }
.Lfunc_end2:
_tile_overlayer_lowered:
.L_overlay_start_2:
0xb1: {  	(tag) =	ssettag $0x2  }
0xb2: {  	s0 =	rddreg [dreg:$0x0];
	s2 =	stileid.u32  }
0xb3: {  	s1 =	rddreg [dreg:$0x1];
	p0 =	sne.s32 s2, $0x0  }
0xb4: {  	s3 =	rddreg [dreg:$0x2];
	[bflag:$0x3] =	sbarrier.arrive $0xFFFF;
	s2 =	simm.s32 @!p0 $0x1C06  }
0xb5: {  	[timem:s3], [sflag:s2] =	dma.local @!p0 [hbm:s0], s1  }
0xb6: {  	s0 =	simm.s32 @!p0 $0x6  }
0xb7: {  	_ =	swait.ge @!p0 [sflag:s0], s1  }
0xb8: {  	s1 =	ssub.s32 @!p0 $0x0, s1;
	[sflag:s0] =	ssyncset.done @!p0 $0x0  }
0xb9: {  	[sflag:s0] =	ssyncadd.s32 @!p0 s1  }
0xba: {  	[bflag:$0x3] =	sbarrier.arrive $0xFFFF  }
0xbb: {  	_ =	shalt  }

// kernel: kernel.21.cloned.1.call-start
scs
__scs_entry_jumppad:
0x0: {  	(pc) =	sbr.rel $0x88, $3  }
0x1: {  	(tag) =	ssettag $0x0;
	lr =	simm.s32 $0x1  }
0x2: {  	[smem:$0x3F95] =	sst lr;
	_ =	strace $0xD0000000  }
0x3: {  	_ = 	snop  }
0x4: {  	_ = 	snop  }
0x5: {  	_ = 	snop  }
0x6: {  	_ = 	snop  }
0x7: {  	_ = 	snop  }
__scs_overlays_trampoline_lowered:
0x8: {  	[smem:$0x3FA4] =	sst s0  }
0x9: {  	[smem:$0x3FA5] =	sst s1  }
0xa: {  	[smem:$0x3FA6] =	sst s2  }
0xb: {  	[smem:$0x3FA7] =	sst s3  }
0xc: {  	[smem:$0x3FA8] =	sst s4  }
0xd: {  	[smem:$0x3FA9] =	sst s5  }
0xe: {  	[smem:$0x3FAA] =	sst s6  }
0xf: {  	[smem:$0x3FAB] =	sst s7  }
0x10: {  	[smem:$0x3FAC] =	sst s8  }
0x11: {  	[smem:$0x3FAD] =	sst s9;
	s0 =	simm.s32 @!p0 $0x0  }
0x12: {  	s1 =	sld [smem:$0x3F93];
	s0 =	simm.s32 @p0 $0x1  }
0x13: {  	[smem:$0x3FAE] =	sst s0;
	s0 =	simm.s32 @!p1 $0x0  }
0x14: {  	s2 =	sld [smem:$0x3F92];
	s0 =	simm.s32 @p1 $0x1  }
0x15: {  	[smem:$0x3FAF] =	sst s0;
	s0 =	simm.s32 @!p2 $0x0  }
0x16: {  	s3 =	sld [smem:$0x3FDB];
	s0 =	simm.s32 @p2 $0x1  }
0x17: {  	s4 =	simm.s32 $0x1BF5;
	[smem:$0x3FB1] =	sst s0  }
0x18: {  	s0 =	sld [smem:$0x3F94];
	_ =	swait.ge [sflag:s4], $0x0  }
0x19: {  	s7 =	sld [smem:$0x3F95]  }
0x1a: {  	s8 =	sadd.s32 $0xFFFFE003, lr  }
0x1b: {  	s9 =	sadd.s32 $0xFFFFFEF7, lr;
	s5 =	simm.s32 $0xFFFFFFFF;
	p2 =	slt.u32 s8, $0xFFFFF086  }
0x1c: {  	p1 =	slt.u32 s9, $0xF7A;
	s5 =	simm.s32 @!p2 $0x0  }
0x1d: {  	s5 =	simm.s32 @p1 $0x1;
	p0 =	seq.s32 s7, s2  }
0x1e: {  	s7 =	smul.u32 @!p0 $0xF7A, s2;
	p2 =	seq.s32 @!p0 s5, $0x0  }
0x1f: {  	s9 =	smul.u32 $0xF7A, s1;
	s8 =	simm.s32 @!p0 $0x1BF5;
	p2 =	por !p2, p0  }
0x20: {  	[sflag:s8] =	ssyncset.s32 @!p0 $0xFFFFF086;
	s6 =	sadd.s32 @!p0 s3, s7;
	s7 =	simm.s32 @!p0 $0x108  }
0x21: {  	s3 =	sadd.s32 s3, s9;
	s6 =	sadd.s32 @!p0 $0x88, s6;
	s7 =	simm.s32 @p2 $0x1082  }
0x22: {  	[simem:s7], [sflag:s8] =	dma.local @!p0 [hbm:s6], $0xF7A  }
0x23: {  	s9 =	sor.u32 $0xD0000000, s2;
	s6 =	simm.s32 $0x108;
	_ =	swait.ge @!p0 [sflag:s8], $0x0  }
0x24: {  	s3 =	sadd.s32 $0x88, s3;
	s6 =	simm.s32 @!p1 $0x1082;
	[sflag:s4] =	ssyncset.s32 $0xFFFFF086  }
0x25: {  	[simem:s6], [sflag:s4] =	dma.local [hbm:s3], $0xF7A  }
0x26: {  	[smem:$0x3F95] =	sst s1;
	(tag) =	ssettag s2;
	_ =	strace s9  }
0x27: {  	s1 =	sld [smem:$0x3FA5]  }
0x28: {  	s2 =	sld [smem:$0x3FA6]  }
0x29: {  	s4 =	sld [smem:$0x3FA8]  }
0x2a: {  	p0 =	seq.s32 s5, $0x0;
	s5 =	sld [smem:$0x3FA9]  }
0x2b: {  	s6 =	sld [smem:$0x3FAA]  }
0x2c: {  	s7 =	sld [smem:$0x3FAB]  }
0x2d: {  	s3 =	simm.s32 $0x108;
	s8 =	sld [smem:$0x3FAC]  }
0x2e: {  	s3 =	simm.s32 @!p0 $0x1082;
	s9 =	sld [smem:$0x3FAD]  }
0x2f: {  	lr =	sadd.s32 s0, s3;
	s0 =	sld [smem:$0x3FA4]  }
0x30: {  	s3 =	sld [smem:$0x3FA7]  }
0x31: {  	[smem:$0x3FB0] =	sst s10  }
0x32: {  	s10 =	sld [smem:$0x3FAE];
	_ =	sdelay $0x3  }
0x33: {  	p0 =	seq.s32 s10, $0x1;
	s10 =	sld [smem:$0x3FB0];
	_ =	sdelay $0x3  }
0x34: {  	[smem:$0x3FB0] =	sst s10  }
0x35: {  	s10 =	sld [smem:$0x3FAF];
	_ =	sdelay $0x3  }
0x36: {  	p1 =	seq.s32 s10, $0x1;
	s10 =	sld [smem:$0x3FB0];
	_ =	sdelay $0x3  }
0x37: {  	[smem:$0x3FB0] =	sst s10  }
0x38: {  	s10 =	sld [smem:$0x3FB1]  }
0x39: {  	_ = 	snop;
	(pc) =	sbr.ind lr, $3  }
0x3a: {  	_ = 	snop  }
0x3b: {  	_ = 	snop  }
0x3c: {  	p2 =	seq.s32 s10, $0x1;
	s10 =	sld [smem:$0x3FB0]  }
0x3d: {  	_ =	shalt  }
0x3e: {  	_ =	shalt  }
0x3f: {  	_ =	shalt  }
0x40: {  	_ =	shalt  }
0x41: {  	_ =	shalt  }
0x42: {  	_ =	shalt  }
0x43: {  	_ =	shalt  }
0x44: {  	_ =	shalt  }
0x45: {  	_ =	shalt  }
0x46: {  	_ =	shalt  }
0x47: {  	_ =	shalt  }
0x48: {  	_ =	shalt  }
0x49: {  	_ =	shalt  }
0x4a: {  	_ =	shalt  }
0x4b: {  	_ =	shalt  }
0x4c: {  	_ =	shalt  }
0x4d: {  	_ =	shalt  }
0x4e: {  	_ =	shalt  }
0x4f: {  	_ =	shalt  }
0x50: {  	_ =	shalt  }
0x51: {  	_ =	shalt  }
0x52: {  	_ =	shalt  }
0x53: {  	_ =	shalt  }
0x54: {  	_ =	shalt  }
0x55: {  	_ =	shalt  }
0x56: {  	_ =	shalt  }
0x57: {  	_ =	shalt  }
0x58: {  	_ =	shalt  }
0x59: {  	_ =	shalt  }
0x5a: {  	_ =	shalt  }
0x5b: {  	_ =	shalt  }
0x5c: {  	_ =	shalt  }
0x5d: {  	_ =	shalt  }
0x5e: {  	_ =	shalt  }
0x5f: {  	_ =	shalt  }
0x60: {  	_ =	shalt  }
0x61: {  	_ =	shalt  }
0x62: {  	_ =	shalt  }
0x63: {  	_ =	shalt  }
0x64: {  	_ =	shalt  }
0x65: {  	_ =	shalt  }
0x66: {  	_ =	shalt  }
0x67: {  	_ =	shalt  }
0x68: {  	_ =	shalt  }
0x69: {  	_ =	shalt  }
0x6a: {  	_ =	shalt  }
0x6b: {  	_ =	shalt  }
0x6c: {  	_ =	shalt  }
0x6d: {  	_ =	shalt  }
0x6e: {  	_ =	shalt  }
0x6f: {  	_ =	shalt  }
0x70: {  	_ =	shalt  }
0x71: {  	_ =	shalt  }
0x72: {  	_ =	shalt  }
0x73: {  	_ =	shalt  }
0x74: {  	_ =	shalt  }
0x75: {  	_ =	shalt  }
0x76: {  	_ =	shalt  }
0x77: {  	_ =	shalt  }
0x78: {  	_ =	shalt  }
0x79: {  	_ =	shalt  }
0x7a: {  	_ =	shalt  }
0x7b: {  	_ =	shalt  }
0x7c: {  	_ =	shalt  }
0x7d: {  	_ =	shalt  }
0x7e: {  	_ =	shalt  }
0x7f: {  	_ =	shalt  }
0x80: {  	_ =	shalt  }
0x81: {  	_ =	shalt  }
0x82: {  	_ =	shalt  }
0x83: {  	_ =	shalt  }
0x84: {  	_ =	shalt  }
0x85: {  	_ =	shalt  }
0x86: {  	_ =	shalt  }
0x87: {  	_ =	shalt  }
.Lfunc_end0:
.L_simem_size_0:
called_computation.3_lowered:
.L_overlay_start_0:
0x88: {  	s2 =	sld [smem:$0x3FD9]  }
0x89: {  	s3 =	sld [smem:$0x3FFE];
	_ =	sdelay $0x1  }
0x8a: {  	s1 =	srdreg.scid  }
0x8b: {  	s0 =	sand.u32 $0x1, s1  }
0x8c: {  	s17 =	sshll.u32 s0, $0xA;
	s2 =	sadd.s32 s3, s2  }
0x8d: {  	s2 =	sadd.s32 s2, s17  }
0x8e: {  	[smem:$0x3FBC] =	sst s2  }
0x8f: {  	_ = 	snop  }
0x90: {  	s18 =	sld [smem:$0x3FC9];
	(tm) =	ssettm $0x1  }
0x91: {  	s19 =	sld [smem:$0x3FFB];
	_ =	sdelay $0x3  }
0x92: {  	_ =	strace s19  }
0x93: {  	s2 =	sld [smem:$0x3FFC];
	_ =	sdelay $0x3  }
0x94: {  	_ =	strace s2  }
0x95: {  	s2 =	sld [smem:$0x3FFD];
	_ =	sdelay $0x3  }
0x96: {  	_ =	strace s2  }
0x97: {  	_ =	strace $0x8FFFFFFF  }
0x98: {  	s20 =	sld [smem:$0x3FDB];
	_ =	sdelay $0x1  }
0x99: {  	s4 =	simm.s32 $_scs_section_size  }
0x9a: {  	s5 =	simm.s32 $_size__tile_overlayer_lowered;
	s6 =	simm.s32 $_tile_overlayer_lowered  }
0x9b: {  	s7 =	simm.s32 $0x1BFF;
	s21 =	sshll.u32 s6, $0x1;
	s4 =	sadd.s32 s4, s20  }
0x9c: {  	s22 =	simm.s32 $0x0;
	s5 =	sshll.u32 s5, $0x1;
	s6 =	sadd.s32 s21, s4  }
0x9d: {  	[timem:s22], [sflag:s7] =	dma.local [hbm:s6], s5  }
0x9e: {  	_ =	swait.ge [sflag:s7], s5  }
0x9f: {  	s5 =	ssub.s32 $0x0, s5;
	[sflag:s7] =	ssyncset.done $0x0  }
0xa0: {  	[sflag:s7] =	ssyncadd.s32 s5;
	_ =	sdelay $0x1  }
0xa1: {  	s23 =	simm.s32 $0x1B8B  }
0xa2: {  	_ =	swait.ge [sflag:s23], $0x1  }
0xa3: {  	[sflag:s23] =	ssyncset.done $0x0  }
0xa4: {  	[sflag:s23] =	ssyncadd.s32 $0xFFFFFFFF  }
0xa5: {  	s5 =	sld [smem:$0x0]  }
0xa6: {  	s6 =	sand.u32 $0xFFFFFFFE, s1  }
0xa7: {  	p0 =	sne.s32 s1, s6  }
0xa8: {  	s6 =	sshll.u32 @p0 s6, $0xE  }
0xa9: {  	s6 =	sadd.s32 @p0 $0x11B8D, s6;
	s7 =	sshll.u32 @p0 s5, $0x11  }
0xaa: {  	s6 =	sor.u32 @p0 s7, s6  }
0xab: {  	[sflag:s6] =	ssyncadd.remote.s32 @p0 $0x1;
	_ =	sdelay $0x1  }
0xac: {  	s6 =	simm.s32 @p0 $0x1B8D  }
0xad: {  	_ =	swait.eq @p0 [sflag:s6], $0x1  }
0xae: {  	[sflag:s6] =	ssyncadd.s32 @p0 $0xFFFFFFFF  }
0xaf: {  	s7 =	sshll.u32 @!p0 s1, $0xE  }
0xb0: {  	s7 =	sor.u32 @!p0 $0x4000, s7;
	s6 =	simm.s32 @!p0 $0x1B8D  }
0xb1: {  	s5 =	sshll.u32 @!p0 s5, $0x11;
	s7 =	sadd.s32 @!p0 $0x11B8D, s7;
	_ =	swait.eq @!p0 [sflag:s6], $0x1  }
0xb2: {  	s5 =	sor.u32 @!p0 s5, s7;
	[sflag:s6] =	ssyncadd.s32 @!p0 $0xFFFFFFFF  }
0xb3: {  	s25 =	simm.s32 $0x1B8E;
	s24 =	sld [smem:$0x3FFE];
	[sflag:s5] =	ssyncadd.remote.s32 @!p0 $0x1  }
0xb4: {  	s26 =	simm.s32 $execute0_lowered;
	[smem:$0x3FD2] =	sst s25  }
0xb5: {  	s6 =	sshll.u32 s26, $0x1;
	_ =	strace $0x8000004F;
	[dreg:$0x1] =	wrdreg $0xFFFFFFFF  }
0xb6: {  	s28 =	simm.s32 $_size_execute0_lowered;
	s4 =	sadd.s32 s4, s6;
	[dreg:$0x0] =	wrdreg $0x0  }
0xb7: {  	s6 =	sshll.u32 s28, $0x1;
	[dreg:$0x2] =	wrdreg s4  }
0xb8: {  	[dreg:$0x3] =	wrdreg s6  }
0xb9: {  	[dreg:$0x4] =	wrdreg $0xC0  }
0xba: {  	_ =	task [dreg:s22], $0x5FFFF  }
0xbb: {  	[dreg:$0x1] =	wrdreg $0xFFFFFFFF  }
0xbc: {  	[dreg:$0x0] =	wrdreg $0x60  }
0xbd: {  	[dreg:$0x2] =	wrdreg s18  }
0xbe: {  	[dreg:$0x3] =	wrdreg s24  }
0xbf: {  	[dreg:$0x4] =	wrdreg $0xB  }
0xc0: {  	_ =	task.clear_ibuf [dreg:s22], $0x5FFFF;
	_ =	strace $0x9000004F  }
0xc1: {  	s29 =	simm.s32 $0xB;
	_ =	strace $0x80000051  }
0xc2: {  	_ =	swait.ge [sflag:s29], $0x1  }
0xc3: {  	[sflag:s29] =	ssyncadd.s32 $0xFFFFFFFF  }
0xc4: {  	_ =	strace $0x90000051  }
0xc5: {  	_ =	sfence  }
0xc6: {  	s30 =	sld [smem:$0x0];
	_ =	sdelay $0x2  }
0xc7: {  	s31 =	sshll.u32 s1, $0xD;
	s1 =	sshrl.u32 s1, $0x2  }
0xc8: {  	s4 =	sand.u32 $0x4000, s31;
	s1 =	sadd.s32 s1, s30  }
0xc9: {  	s0 =	sor.u32 s4, s0;
	s1 =	sshll.u32 s1, $0x11  }
0xca: {  	s0 =	sor.u32 s1, s0  }
0xcb: {  	s0 =	sadd.s32 $0x8F2B, s0  }
0xcc: {  	[sflag:s0] =	ssyncadd.remote.s32 $0x1  }
0xcd: {  	_ =	sfence.sel $0xFFFF  }
0xce: {  	[dreg:$0x0] =	wrdreg $0xFFFFFFFF;
	(pc) =	sbr.abs _section_cstart, $3  }
0xcf: {  	[dreg:$0x1] =	wrdreg $0xFFFFFFFF  }
0xd0: {  	_ =	task.clear_ibuf [dreg:s22], $0x2FFFF;
	_ =	strace $0x9FFFFFFF  }
0xd1: {  	(tm) =	ssettm $0x7FFFFFFF  }
tec
execute0_lowered:
.L_overlay_start_1:
0x0: {  	(tag) =	ssettag $0x1  }
0x1: {  	s0 =	srdreg.scid;
	s2 =	rddreg [dreg:$0x0]  }
0x2: {  	s3 =	stileid.u32;
	s1 =	rddreg [dreg:$0x1];
	s29 =	simm.s32 $0x8800  }
0x3: {  	s31 =	simm.s32 $0xC800;
	s30 =	simm.s32 $0x3;
	s28 =	simm.s32 $0x4  }
0x4: {  	s0 =	sand.u32 $0x1, s0;
	s4 =	sshll.u32 s3, $0xC;
	s3 =	simm.s32 $0x0  }
0x5: {  	s6 =	simm.s32 $0x0;
	s5 =	sshll.u32 s0, $0xB;
	[smem:$0x7FF] =	sst s3  }
0x6: {  	s0 =	ssub.s32 $0x2, s0;
	s8 =	sor.u32 s5, s4;
	_ =	strace $0x80000050  }
0x7: {  	s26 =	sshrl.u32 s0, $0x1;
	s4 =	sshrl.u32 s8, $0x3;
	s5 =	sshll.u32 s8, $0x4  }
0x8: {  	s0 =	ssub.s32 s0, s26;
	s4 =	sadd.s32 s4, s1;
	s1 =	sadd.s32 s5, s1  }
0x9: {  	s26 =	simm.s32 $0x4800;
	s4 =	sadd.s32 $0x6200, s4;
	s22 =	sadd.s32 $0x20A200, s1  }
0xa: {  	s19 =	smax.u32 s0, $0x1;
	s23 =	sadd.s32 $0x210200, s1;
	s24 =	sadd.s32 $0x210A00, s1  }
0xb: {  	s0 =	simm.s32 $0x1;
	s25 =	sadd.s32 $0x211200, s1;
	s10 =	sadd.s32 $0x211A00, s1  }
0xc: {  	s5 =	simm.s32 $0x5;
	s11 =	sadd.s32 $0x20AA00, s1;
	s12 =	sadd.s32 $0x20B200, s1  }
0xd: {  	s13 =	sadd.s32 $0x20BA00, s1;
	s14 =	sadd.s32 $0x20C200, s1;
	[dreg:$0x3] =	wrdreg s4  }
0xe: {  	s15 =	sadd.s32 $0x20CA00, s1;
	s16 =	sadd.s32 $0x20D200, s1;
	[dreg:$0x4] =	wrdreg s22  }
0xf: {  	s17 =	sadd.s32 $0x20DA00, s1;
	s18 =	sadd.s32 $0x20E200, s1;
	[dreg:$0x5] =	wrdreg s23  }
0x10: {  	s20 =	sadd.s32 $0x20EA00, s1;
	s21 =	sadd.s32 $0x20F200, s1;
	[dreg:$0x6] =	wrdreg s24  }
0x11: {  	[dreg:$0x7] =	wrdreg s25;
	s22 =	sadd.s32 $0x20FA00, s1;
	s23 =	simm.s32 $0x6  }
0x12: {  	v0 =	vlaneseq.u32;
	s24 =	simm.s32 $0x80;
	s25 =	simm.s32 $0x800;
	s1 =	simm.s32 $0x2  }
.LBB2_1:
0x13: {  	s4 =	rddreg [dreg:$0x3]  }
0x14: {  	[tilespmem:s3], [sflag:$0x6] =	stream.linear.gather [hbm4b:s4+s3], $0x800, $0x38;
	[tilespmem:$0x10800] =	vst v63  }
0x15: {  	_ =	swait.ge [sflag:s23], $0x800  }
0x16: {  	[sflag:s23] =	ssyncset.done $0x0  }
0x17: {  	s4 =	simm.s32 $0x0;
	[sflag:s23] =	ssyncadd.s32 $0xFFFFF800  }
0x18: {  	v1 =	vld [tilespmem:s4+$0x0];
	_ =	sdelay $0x4  }
0x19: {  	v2 =	vor.u32 s8, v0;
	vm0 =	vlt.s32 v1, $0x0  }
0x1a: {  	v1 =	vsel vm0, v2, v1  }
0x1b: {  	s7 =	simm.s32 $0x10;
	s9 =	simm.s32 $0x80;
	[tilespmem:s4+$0x0] =	vst v1;
	s4 =	smov.u32 s8  }
.LBB2_2:
0x1c: {  	p0 =	sne.s32 s9, $0x1FC0;
	v1 =	vld [tilespmem:s7+$0x0];
	_ =	sdelay $0x2  }
.Ltmp0:
0x1d: {  	(pc) =	sbr.rel @p0 .LBB2_2-.Ltmp0, $4  }
0x1e: {  	s4 =	sadd.s32 $0x10, s4  }
0x1f: {  	v2 =	vor.u32 s4, v0;
	vm0 =	vlt.s32 v1, $0x0  }
0x20: {  	v1 =	vsel vm0, v2, v1  }
0x21: {  	[tilespmem:s7+$0x0] =	vst v1;
	s7 =	sshra.s32 s9, $0x2;
	s9 =	sadd.s32 $0x40, s9  }
0x22: {  	v1 =	vld [tilespmem:s7+$0x0];
	_ =	sdelay $0x3  }
0x23: {  	s4 =	sadd.s32 $0x10, s4  }
0x24: {  	v2 =	vor.u32 s4, v0;
	vm0 =	vlt.s32 v1, $0x0  }
0x25: {  	v1 =	vsel vm0, v2, v1  }
0x26: {  	[tilespmem:s7+$0x0] =	vst v1  }
0x27: {  	[tilespmem:s25], [sflag:$0x2] =	stream.indirect.gather [hbm4b:s2+s24], $0x80, s3, s24, $0xb8;
	[tilespmem:$0x10800] =	vst v63  }
0x28: {  	_ = 	snop  }
0x29: {  	[tilespmem:s26], [sflag:$0x3] =	stream.indirect.gather [hbm4b:s2+s24], $0x80, s24, s24, $0xb8;
	[tilespmem:$0x10800] =	vst v63  }
0x2a: {  	s7 =	simm.s32 $0x100  }
0x2b: {  	[tilespmem:s29], [sflag:$0x4] =	stream.indirect.gather [hbm4b:s2+s24], $0x80, s7, s24, $0xb8;
	[tilespmem:$0x10800] =	vst v63  }
0x2c: {  	s9 =	simm.s32 $0x180  }
0x2d: {  	[tilespmem:s31], [sflag:$0x5] =	stream.indirect.gather [hbm4b:s2+s24], $0x80, s9, s24, $0xb8;
	[tilespmem:$0x10800] =	vst v63  }
0x2e: {  	_ =	swait.ge [sflag:s1], $0x4000  }
0x2f: {  	[sflag:s1] =	ssyncset.done $0x0  }
0x30: {  	s7 =	rddreg [dreg:$0x4];
	[sflag:s1] =	ssyncadd.s32 $0xFFFFC000  }
0x31: {  	[hbm4b:s7+s3] =	stream.linear.scatter [tilespmem:s25], [sflag:$0x1], $0x4000, $0x38;
	[tilespmem:$0x10800] =	vst v63  }
0x32: {  	_ =	swait.ge [sflag:s0], $0x4000  }
0x33: {  	[sflag:s0] =	ssyncset.done $0x0  }
0x34: {  	s9 =	simm.s32 $0x200;
	[sflag:s0] =	ssyncadd.s32 $0xFFFFC000  }
0x35: {  	[tilespmem:s25], [sflag:$0x2] =	stream.indirect.gather [hbm4b:s2+s24], $0x80, s9, s24, $0xb8;
	[tilespmem:$0x10800] =	vst v63  }
0x36: {  	_ =	swait.ge [sflag:s30], $0x4000  }
0x37: {  	[sflag:s30] =	ssyncset.done $0x0  }
0x38: {  	[sflag:s30] =	ssyncadd.s32 $0xFFFFC000  }
0x39: {  	[hbm4b:s11+s3] =	stream.linear.scatter [tilespmem:s26], [sflag:$0x1], $0x4000, $0x38;
	[tilespmem:$0x10800] =	vst v63  }
0x3a: {  	_ =	swait.ge [sflag:s0], $0x4000  }
0x3b: {  	[sflag:s0] =	ssyncset.done $0x0  }
0x3c: {  	s7 =	simm.s32 $0x280;
	[sflag:s0] =	ssyncadd.s32 $0xFFFFC000  }
0x3d: {  	[tilespmem:s26], [sflag:$0x3] =	stream.indirect.gather [hbm4b:s2+s24], $0x80, s7, s24, $0xb8;
	[tilespmem:$0x10800] =	vst v63  }
0x3e: {  	_ =	swait.ge [sflag:s28], $0x4000  }
0x3f: {  	[sflag:s28] =	ssyncset.done $0x0  }
0x40: {  	[sflag:s28] =	ssyncadd.s32 $0xFFFFC000  }
0x41: {  	[hbm4b:s12+s3] =	stream.linear.scatter [tilespmem:s29], [sflag:$0x1], $0x4000, $0x38;
	[tilespmem:$0x10800] =	vst v63  }
0x42: {  	_ =	swait.ge [sflag:s0], $0x4000  }
0x43: {  	[sflag:s0] =	ssyncset.done $0x0  }
0x44: {  	s9 =	simm.s32 $0x300;
	[sflag:s0] =	ssyncadd.s32 $0xFFFFC000  }
0x45: {  	[tilespmem:s29], [sflag:$0x4] =	stream.indirect.gather [hbm4b:s2+s24], $0x80, s9, s24, $0xb8;
	[tilespmem:$0x10800] =	vst v63  }
0x46: {  	_ =	swait.ge [sflag:s5], $0x4000  }
0x47: {  	[sflag:s5] =	ssyncset.done $0x0  }
0x48: {  	[sflag:s5] =	ssyncadd.s32 $0xFFFFC000  }
0x49: {  	[hbm4b:s13+s3] =	stream.linear.scatter [tilespmem:s31], [sflag:$0x1], $0x4000, $0x38;
	[tilespmem:$0x10800] =	vst v63  }
0x4a: {  	_ =	swait.ge [sflag:s0], $0x4000  }
0x4b: {  	[sflag:s0] =	ssyncset.done $0x0  }
0x4c: {  	s7 =	simm.s32 $0x380;
	[sflag:s0] =	ssyncadd.s32 $0xFFFFC000  }
0x4d: {  	[tilespmem:s31], [sflag:$0x5] =	stream.indirect.gather [hbm4b:s2+s24], $0x80, s7, s24, $0xb8;
	[tilespmem:$0x10800] =	vst v63  }
0x4e: {  	_ =	swait.ge [sflag:s1], $0x4000  }
0x4f: {  	[sflag:s1] =	ssyncset.done $0x0  }
0x50: {  	[sflag:s1] =	ssyncadd.s32 $0xFFFFC000  }
0x51: {  	[hbm4b:s14+s3] =	stream.linear.scatter [tilespmem:s25], [sflag:$0x1], $0x4000, $0x38;
	[tilespmem:$0x10800] =	vst v63  }
0x52: {  	_ =	swait.ge [sflag:s0], $0x4000  }
0x53: {  	[sflag:s0] =	ssyncset.done $0x0  }
0x54: {  	s9 =	simm.s32 $0x400;
	[sflag:s0] =	ssyncadd.s32 $0xFFFFC000  }
0x55: {  	[tilespmem:s25], [sflag:$0x2] =	stream.indirect.gather [hbm4b:s2+s24], $0x80, s9, s24, $0xb8;
	[tilespmem:$0x10800] =	vst v63  }
0x56: {  	_ =	swait.ge [sflag:s30], $0x4000  }
0x57: {  	[sflag:s30] =	ssyncset.done $0x0  }
0x58: {  	[sflag:s30] =	ssyncadd.s32 $0xFFFFC000  }
0x59: {  	[hbm4b:s15+s3] =	stream.linear.scatter [tilespmem:s26], [sflag:$0x1], $0x4000, $0x38;
	[tilespmem:$0x10800] =	vst v63  }
0x5a: {  	_ =	swait.ge [sflag:s0], $0x4000  }
0x5b: {  	[sflag:s0] =	ssyncset.done $0x0  }
0x5c: {  	s7 =	simm.s32 $0x480;
	[sflag:s0] =	ssyncadd.s32 $0xFFFFC000  }
0x5d: {  	[tilespmem:s26], [sflag:$0x3] =	stream.indirect.gather [hbm4b:s2+s24], $0x80, s7, s24, $0xb8;
	[tilespmem:$0x10800] =	vst v63  }
0x5e: {  	_ =	swait.ge [sflag:s28], $0x4000  }
0x5f: {  	[sflag:s28] =	ssyncset.done $0x0  }
0x60: {  	[sflag:s28] =	ssyncadd.s32 $0xFFFFC000  }
0x61: {  	[hbm4b:s16+s3] =	stream.linear.scatter [tilespmem:s29], [sflag:$0x1], $0x4000, $0x38;
	[tilespmem:$0x10800] =	vst v63  }
0x62: {  	_ =	swait.ge [sflag:s0], $0x4000  }
0x63: {  	[sflag:s0] =	ssyncset.done $0x0  }
0x64: {  	s9 =	simm.s32 $0x500;
	[sflag:s0] =	ssyncadd.s32 $0xFFFFC000  }
0x65: {  	[tilespmem:s29], [sflag:$0x4] =	stream.indirect.gather [hbm4b:s2+s24], $0x80, s9, s24, $0xb8;
	[tilespmem:$0x10800] =	vst v63  }
0x66: {  	_ =	swait.ge [sflag:s5], $0x4000  }
0x67: {  	[sflag:s5] =	ssyncset.done $0x0  }
0x68: {  	[sflag:s5] =	ssyncadd.s32 $0xFFFFC000  }
0x69: {  	[hbm4b:s17+s3] =	stream.linear.scatter [tilespmem:s31], [sflag:$0x1], $0x4000, $0x38;
	[tilespmem:$0x10800] =	vst v63  }
0x6a: {  	_ =	swait.ge [sflag:s0], $0x4000  }
0x6b: {  	[sflag:s0] =	ssyncset.done $0x0  }
0x6c: {  	s7 =	simm.s32 $0x580;
	[sflag:s0] =	ssyncadd.s32 $0xFFFFC000  }
0x6d: {  	[tilespmem:s31], [sflag:$0x5] =	stream.indirect.gather [hbm4b:s2+s24], $0x80, s7, s24, $0xb8;
	[tilespmem:$0x10800] =	vst v63  }
0x6e: {  	_ =	swait.ge [sflag:s1], $0x4000  }
0x6f: {  	[sflag:s1] =	ssyncset.done $0x0  }
0x70: {  	[sflag:s1] =	ssyncadd.s32 $0xFFFFC000  }
0x71: {  	[hbm4b:s18+s3] =	stream.linear.scatter [tilespmem:s25], [sflag:$0x1], $0x4000, $0x38;
	[tilespmem:$0x10800] =	vst v63  }
0x72: {  	_ =	swait.ge [sflag:s0], $0x4000  }
0x73: {  	[sflag:s0] =	ssyncset.done $0x0  }
0x74: {  	s9 =	simm.s32 $0x600;
	[sflag:s0] =	ssyncadd.s32 $0xFFFFC000  }
0x75: {  	[tilespmem:s25], [sflag:$0x2] =	stream.indirect.gather [hbm4b:s2+s24], $0x80, s9, s24, $0xb8;
	[tilespmem:$0x10800] =	vst v63  }
0x76: {  	_ =	swait.ge [sflag:s30], $0x4000  }
0x77: {  	[sflag:s30] =	ssyncset.done $0x0  }
0x78: {  	[sflag:s30] =	ssyncadd.s32 $0xFFFFC000  }
0x79: {  	[hbm4b:s20+s3] =	stream.linear.scatter [tilespmem:s26], [sflag:$0x1], $0x4000, $0x38;
	[tilespmem:$0x10800] =	vst v63  }
0x7a: {  	_ =	swait.ge [sflag:s0], $0x4000  }
0x7b: {  	[sflag:s0] =	ssyncset.done $0x0  }
0x7c: {  	s7 =	simm.s32 $0x680;
	[sflag:s0] =	ssyncadd.s32 $0xFFFFC000  }
0x7d: {  	[tilespmem:s26], [sflag:$0x3] =	stream.indirect.gather [hbm4b:s2+s24], $0x80, s7, s24, $0xb8;
	[tilespmem:$0x10800] =	vst v63  }
0x7e: {  	_ =	swait.ge [sflag:s28], $0x4000  }
0x7f: {  	[sflag:s28] =	ssyncset.done $0x0  }
0x80: {  	[sflag:s28] =	ssyncadd.s32 $0xFFFFC000  }
0x81: {  	[hbm4b:s21+s3] =	stream.linear.scatter [tilespmem:s29], [sflag:$0x1], $0x4000, $0x38;
	[tilespmem:$0x10800] =	vst v63  }
0x82: {  	_ =	swait.ge [sflag:s0], $0x4000  }
0x83: {  	[sflag:s0] =	ssyncset.done $0x0  }
0x84: {  	s9 =	simm.s32 $0x700;
	[sflag:s0] =	ssyncadd.s32 $0xFFFFC000  }
0x85: {  	[tilespmem:s29], [sflag:$0x4] =	stream.indirect.gather [hbm4b:s2+s24], $0x80, s9, s24, $0xb8;
	[tilespmem:$0x10800] =	vst v63  }
0x86: {  	_ =	swait.ge [sflag:s5], $0x4000  }
0x87: {  	[sflag:s5] =	ssyncset.done $0x0  }
0x88: {  	[sflag:s5] =	ssyncadd.s32 $0xFFFFC000  }
0x89: {  	[hbm4b:s22+s3] =	stream.linear.scatter [tilespmem:s31], [sflag:$0x1], $0x4000, $0x38;
	[tilespmem:$0x10800] =	vst v63  }
0x8a: {  	_ =	swait.ge [sflag:s0], $0x4000  }
0x8b: {  	[sflag:s0] =	ssyncset.done $0x0  }
0x8c: {  	s7 =	simm.s32 $0x780;
	[sflag:s0] =	ssyncadd.s32 $0xFFFFC000  }
0x8d: {  	[tilespmem:s31], [sflag:$0x5] =	stream.indirect.gather [hbm4b:s2+s24], $0x80, s7, s24, $0xb8;
	[tilespmem:$0x10800] =	vst v63  }
0x8e: {  	_ =	swait.ge [sflag:s1], $0x4000  }
0x8f: {  	[sflag:s1] =	ssyncset.done $0x0  }
0x90: {  	s9 =	rddreg [dreg:$0x5];
	[sflag:s1] =	ssyncadd.s32 $0xFFFFC000  }
0x91: {  	[hbm4b:s9+s3] =	stream.linear.scatter [tilespmem:s25], [sflag:$0x1], $0x4000, $0x38;
	[tilespmem:$0x10800] =	vst v63  }
0x92: {  	_ =	swait.ge [sflag:s0], $0x4000  }
0x93: {  	[sflag:s0] =	ssyncset.done $0x0  }
0x94: {  	[sflag:s0] =	ssyncadd.s32 $0xFFFFC000  }
0x95: {  	_ =	swait.ge [sflag:s30], $0x4000  }
0x96: {  	[sflag:s30] =	ssyncset.done $0x0  }
0x97: {  	s7 =	rddreg [dreg:$0x6];
	[sflag:s30] =	ssyncadd.s32 $0xFFFFC000  }
0x98: {  	[hbm4b:s7+s3] =	stream.linear.scatter [tilespmem:s26], [sflag:$0x1], $0x4000, $0x38;
	[tilespmem:$0x10800] =	vst v63  }
0x99: {  	_ =	swait.ge [sflag:s0], $0x4000  }
0x9a: {  	[sflag:s0] =	ssyncset.done $0x0  }
0x9b: {  	[sflag:s0] =	ssyncadd.s32 $0xFFFFC000  }
0x9c: {  	_ =	swait.ge [sflag:s28], $0x4000  }
0x9d: {  	[sflag:s28] =	ssyncset.done $0x0  }
0x9e: {  	s9 =	rddreg [dreg:$0x7];
	[sflag:s28] =	ssyncadd.s32 $0xFFFFC000  }
0x9f: {  	[hbm4b:s9+s3] =	stream.linear.scatter [tilespmem:s29], [sflag:$0x1], $0x4000, $0x38;
	[tilespmem:$0x10800] =	vst v63  }
0xa0: {  	_ =	swait.ge [sflag:s0], $0x4000  }
0xa1: {  	[sflag:s0] =	ssyncset.done $0x0  }
0xa2: {  	[sflag:s0] =	ssyncadd.s32 $0xFFFFC000  }
0xa3: {  	s6 =	sadd.s32 $0x1, s6;
	_ =	swait.ge [sflag:s5], $0x4000  }
0xa4: {  	p0 =	sne.s32 s6, s19;
	[sflag:s5] =	ssyncset.done $0x0  }
.Ltmp1:
0xa5: {  	[sflag:s5] =	ssyncadd.s32 $0xFFFFC000;
	(pc) =	sbr.rel @p0 .LBB2_1-.Ltmp1, $4  }
0xa6: {  	[hbm4b:s10+s3] =	stream.linear.scatter [tilespmem:s31], [sflag:$0x1], $0x4000, $0x38;
	[tilespmem:$0x10800] =	vst v63  }
0xa7: {  	_ =	swait.ge [sflag:s0], $0x4000  }
0xa8: {  	[sflag:s0] =	ssyncset.done $0x0  }
0xa9: {  	[sflag:s0] =	ssyncadd.s32 $0xFFFFC000  }
0xaa: {  	_ =	sfence.sel $0x180000  }
0xab: {  	[bflag:$0x0] =	sbarrier.arrive $0xFFFF  }
0xac: {  	_ =	strace $0x90000050  }
0xad: {  	s0 =	stileid.u32;
	[bflag:$0x2] =	sbarrier.arrive $0xFFFF  }
0xae: {  	p0 =	sne.s32 s0, $0x0;
	s0 =	rddreg [dreg:$0x2]  }
0xaf: {  	s0 =	sadd.s32 @!p0 $0x100000, s0  }
0xb0: {  	[sflag:s0] =	ssyncadd.tile.s32 @!p0 $0x1;
	_ =	shalt  }
.Lfunc_end2:
_tile_overlayer_lowered:
.L_overlay_start_2:
0xb1: {  	(tag) =	ssettag $0x2  }
0xb2: {  	s0 =	rddreg [dreg:$0x0];
	s2 =	stileid.u32  }
0xb3: {  	s1 =	rddreg [dreg:$0x1];
	p0 =	sne.s32 s2, $0x0  }
0xb4: {  	s3 =	rddreg [dreg:$0x2];
	[bflag:$0x3] =	sbarrier.arrive $0xFFFF;
	s2 =	simm.s32 @!p0 $0x1C06  }
0xb5: {  	[timem:s3], [sflag:s2] =	dma.local @!p0 [hbm:s0], s1  }
0xb6: {  	s0 =	simm.s32 @!p0 $0x6  }
0xb7: {  	_ =	swait.ge @!p0 [sflag:s0], s1  }
0xb8: {  	s1 =	ssub.s32 @!p0 $0x0, s1;
	[sflag:s0] =	ssyncset.done @!p0 $0x0  }
0xb9: {  	[sflag:s0] =	ssyncadd.s32 @!p0 s1  }
0xba: {  	[bflag:$0x3] =	sbarrier.arrive $0xFFFF  }
0xbb: {  	_ =	shalt  }

// kernel: kernel.24.cloned.1.call-start
scs
__scs_entry_jumppad:
0x0: {  	(pc) =	sbr.rel $0x88, $3  }
0x1: {  	(tag) =	ssettag $0x0;
	lr =	simm.s32 $0x1  }
0x2: {  	[smem:$0x3F95] =	sst lr;
	_ =	strace $0xD0000000  }
0x3: {  	_ = 	snop  }
0x4: {  	_ = 	snop  }
0x5: {  	_ = 	snop  }
0x6: {  	_ = 	snop  }
0x7: {  	_ = 	snop  }
__scs_overlays_trampoline_lowered:
0x8: {  	[smem:$0x3FA4] =	sst s0  }
0x9: {  	[smem:$0x3FA5] =	sst s1  }
0xa: {  	[smem:$0x3FA6] =	sst s2  }
0xb: {  	[smem:$0x3FA7] =	sst s3  }
0xc: {  	[smem:$0x3FA8] =	sst s4  }
0xd: {  	[smem:$0x3FA9] =	sst s5  }
0xe: {  	[smem:$0x3FAA] =	sst s6  }
0xf: {  	[smem:$0x3FAB] =	sst s7  }
0x10: {  	[smem:$0x3FAC] =	sst s8  }
0x11: {  	[smem:$0x3FAD] =	sst s9;
	s0 =	simm.s32 @!p0 $0x0  }
0x12: {  	s1 =	sld [smem:$0x3F93];
	s0 =	simm.s32 @p0 $0x1  }
0x13: {  	[smem:$0x3FAE] =	sst s0;
	s0 =	simm.s32 @!p1 $0x0  }
0x14: {  	s2 =	sld [smem:$0x3F92];
	s0 =	simm.s32 @p1 $0x1  }
0x15: {  	[smem:$0x3FAF] =	sst s0;
	s0 =	simm.s32 @!p2 $0x0  }
0x16: {  	s3 =	sld [smem:$0x3FDB];
	s0 =	simm.s32 @p2 $0x1  }
0x17: {  	s4 =	simm.s32 $0x1BF5;
	[smem:$0x3FB1] =	sst s0  }
0x18: {  	s0 =	sld [smem:$0x3F94];
	_ =	swait.ge [sflag:s4], $0x0  }
0x19: {  	s7 =	sld [smem:$0x3F95]  }
0x1a: {  	s8 =	sadd.s32 $0xFFFFE003, lr  }
0x1b: {  	s9 =	sadd.s32 $0xFFFFFEF7, lr;
	s5 =	simm.s32 $0xFFFFFFFF;
	p2 =	slt.u32 s8, $0xFFFFF086  }
0x1c: {  	p1 =	slt.u32 s9, $0xF7A;
	s5 =	simm.s32 @!p2 $0x0  }
0x1d: {  	s5 =	simm.s32 @p1 $0x1;
	p0 =	seq.s32 s7, s2  }
0x1e: {  	s7 =	smul.u32 @!p0 $0xF7A, s2;
	p2 =	seq.s32 @!p0 s5, $0x0  }
0x1f: {  	s9 =	smul.u32 $0xF7A, s1;
	s8 =	simm.s32 @!p0 $0x1BF5;
	p2 =	por !p2, p0  }
0x20: {  	[sflag:s8] =	ssyncset.s32 @!p0 $0xFFFFF086;
	s6 =	sadd.s32 @!p0 s3, s7;
	s7 =	simm.s32 @!p0 $0x108  }
0x21: {  	s3 =	sadd.s32 s3, s9;
	s6 =	sadd.s32 @!p0 $0x88, s6;
	s7 =	simm.s32 @p2 $0x1082  }
0x22: {  	[simem:s7], [sflag:s8] =	dma.local @!p0 [hbm:s6], $0xF7A  }
0x23: {  	s9 =	sor.u32 $0xD0000000, s2;
	s6 =	simm.s32 $0x108;
	_ =	swait.ge @!p0 [sflag:s8], $0x0  }
0x24: {  	s3 =	sadd.s32 $0x88, s3;
	s6 =	simm.s32 @!p1 $0x1082;
	[sflag:s4] =	ssyncset.s32 $0xFFFFF086  }
0x25: {  	[simem:s6], [sflag:s4] =	dma.local [hbm:s3], $0xF7A  }
0x26: {  	[smem:$0x3F95] =	sst s1;
	(tag) =	ssettag s2;
	_ =	strace s9  }
0x27: {  	s1 =	sld [smem:$0x3FA5]  }
0x28: {  	s2 =	sld [smem:$0x3FA6]  }
0x29: {  	s4 =	sld [smem:$0x3FA8]  }
0x2a: {  	p0 =	seq.s32 s5, $0x0;
	s5 =	sld [smem:$0x3FA9]  }
0x2b: {  	s6 =	sld [smem:$0x3FAA]  }
0x2c: {  	s7 =	sld [smem:$0x3FAB]  }
0x2d: {  	s3 =	simm.s32 $0x108;
	s8 =	sld [smem:$0x3FAC]  }
0x2e: {  	s3 =	simm.s32 @!p0 $0x1082;
	s9 =	sld [smem:$0x3FAD]  }
0x2f: {  	lr =	sadd.s32 s0, s3;
	s0 =	sld [smem:$0x3FA4]  }
0x30: {  	s3 =	sld [smem:$0x3FA7]  }
0x31: {  	[smem:$0x3FB0] =	sst s10  }
0x32: {  	s10 =	sld [smem:$0x3FAE];
	_ =	sdelay $0x3  }
0x33: {  	p0 =	seq.s32 s10, $0x1;
	s10 =	sld [smem:$0x3FB0];
	_ =	sdelay $0x3  }
0x34: {  	[smem:$0x3FB0] =	sst s10  }
0x35: {  	s10 =	sld [smem:$0x3FAF];
	_ =	sdelay $0x3  }
0x36: {  	p1 =	seq.s32 s10, $0x1;
	s10 =	sld [smem:$0x3FB0];
	_ =	sdelay $0x3  }
0x37: {  	[smem:$0x3FB0] =	sst s10  }
0x38: {  	s10 =	sld [smem:$0x3FB1]  }
0x39: {  	_ = 	snop;
	(pc) =	sbr.ind lr, $3  }
0x3a: {  	_ = 	snop  }
0x3b: {  	_ = 	snop  }
0x3c: {  	p2 =	seq.s32 s10, $0x1;
	s10 =	sld [smem:$0x3FB0]  }
0x3d: {  	_ =	shalt  }
0x3e: {  	_ =	shalt  }
0x3f: {  	_ =	shalt  }
0x40: {  	_ =	shalt  }
0x41: {  	_ =	shalt  }
0x42: {  	_ =	shalt  }
0x43: {  	_ =	shalt  }
0x44: {  	_ =	shalt  }
0x45: {  	_ =	shalt  }
0x46: {  	_ =	shalt  }
0x47: {  	_ =	shalt  }
0x48: {  	_ =	shalt  }
0x49: {  	_ =	shalt  }
0x4a: {  	_ =	shalt  }
0x4b: {  	_ =	shalt  }
0x4c: {  	_ =	shalt  }
0x4d: {  	_ =	shalt  }
0x4e: {  	_ =	shalt  }
0x4f: {  	_ =	shalt  }
0x50: {  	_ =	shalt  }
0x51: {  	_ =	shalt  }
0x52: {  	_ =	shalt  }
0x53: {  	_ =	shalt  }
0x54: {  	_ =	shalt  }
0x55: {  	_ =	shalt  }
0x56: {  	_ =	shalt  }
0x57: {  	_ =	shalt  }
0x58: {  	_ =	shalt  }
0x59: {  	_ =	shalt  }
0x5a: {  	_ =	shalt  }
0x5b: {  	_ =	shalt  }
0x5c: {  	_ =	shalt  }
0x5d: {  	_ =	shalt  }
0x5e: {  	_ =	shalt  }
0x5f: {  	_ =	shalt  }
0x60: {  	_ =	shalt  }
0x61: {  	_ =	shalt  }
0x62: {  	_ =	shalt  }
0x63: {  	_ =	shalt  }
0x64: {  	_ =	shalt  }
0x65: {  	_ =	shalt  }
0x66: {  	_ =	shalt  }
0x67: {  	_ =	shalt  }
0x68: {  	_ =	shalt  }
0x69: {  	_ =	shalt  }
0x6a: {  	_ =	shalt  }
0x6b: {  	_ =	shalt  }
0x6c: {  	_ =	shalt  }
0x6d: {  	_ =	shalt  }
0x6e: {  	_ =	shalt  }
0x6f: {  	_ =	shalt  }
0x70: {  	_ =	shalt  }
0x71: {  	_ =	shalt  }
0x72: {  	_ =	shalt  }
0x73: {  	_ =	shalt  }
0x74: {  	_ =	shalt  }
0x75: {  	_ =	shalt  }
0x76: {  	_ =	shalt  }
0x77: {  	_ =	shalt  }
0x78: {  	_ =	shalt  }
0x79: {  	_ =	shalt  }
0x7a: {  	_ =	shalt  }
0x7b: {  	_ =	shalt  }
0x7c: {  	_ =	shalt  }
0x7d: {  	_ =	shalt  }
0x7e: {  	_ =	shalt  }
0x7f: {  	_ =	shalt  }
0x80: {  	_ =	shalt  }
0x81: {  	_ =	shalt  }
0x82: {  	_ =	shalt  }
0x83: {  	_ =	shalt  }
0x84: {  	_ =	shalt  }
0x85: {  	_ =	shalt  }
0x86: {  	_ =	shalt  }
0x87: {  	_ =	shalt  }
.Lfunc_end0:
.L_simem_size_0:
called_computation.4_lowered:
.L_overlay_start_0:
0x88: {  	s2 =	sld [smem:$0x3FD9]  }
0x89: {  	s3 =	sld [smem:$0x3FFE];
	_ =	sdelay $0x1  }
0x8a: {  	s1 =	srdreg.scid  }
0x8b: {  	s0 =	sand.u32 $0x1, s1  }
0x8c: {  	s17 =	sshll.u32 s0, $0xA;
	s2 =	sadd.s32 s3, s2  }
0x8d: {  	s2 =	sadd.s32 s2, s17  }
0x8e: {  	[smem:$0x3FBC] =	sst s2  }
0x8f: {  	_ = 	snop  }
0x90: {  	s18 =	sld [smem:$0x3FC9];
	(tm) =	ssettm $0x1  }
0x91: {  	s19 =	sld [smem:$0x3FFB];
	_ =	sdelay $0x3  }
0x92: {  	_ =	strace s19  }
0x93: {  	s2 =	sld [smem:$0x3FFC];
	_ =	sdelay $0x3  }
0x94: {  	_ =	strace s2  }
0x95: {  	s2 =	sld [smem:$0x3FFD];
	_ =	sdelay $0x3  }
0x96: {  	_ =	strace s2  }
0x97: {  	_ =	strace $0x8FFFFFFF  }
0x98: {  	s20 =	sld [smem:$0x3FDB];
	_ =	sdelay $0x1  }
0x99: {  	s4 =	simm.s32 $_scs_section_size  }
0x9a: {  	s5 =	simm.s32 $_size__tile_overlayer_lowered;
	s6 =	simm.s32 $_tile_overlayer_lowered  }
0x9b: {  	s7 =	simm.s32 $0x1BFF;
	s21 =	sshll.u32 s6, $0x1;
	s4 =	sadd.s32 s4, s20  }
0x9c: {  	s22 =	simm.s32 $0x0;
	s5 =	sshll.u32 s5, $0x1;
	s6 =	sadd.s32 s21, s4  }
0x9d: {  	[timem:s22], [sflag:s7] =	dma.local [hbm:s6], s5  }
0x9e: {  	_ =	swait.ge [sflag:s7], s5  }
0x9f: {  	s5 =	ssub.s32 $0x0, s5;
	[sflag:s7] =	ssyncset.done $0x0  }
0xa0: {  	[sflag:s7] =	ssyncadd.s32 s5;
	_ =	sdelay $0x1  }
0xa1: {  	s23 =	simm.s32 $0x1B8B  }
0xa2: {  	_ =	swait.ge [sflag:s23], $0x1  }
0xa3: {  	[sflag:s23] =	ssyncset.done $0x0  }
0xa4: {  	[sflag:s23] =	ssyncadd.s32 $0xFFFFFFFF  }
0xa5: {  	s5 =	sld [smem:$0x0]  }
0xa6: {  	s6 =	sand.u32 $0xFFFFFFFE, s1  }
0xa7: {  	p0 =	sne.s32 s1, s6  }
0xa8: {  	s6 =	sshll.u32 @p0 s6, $0xE  }
0xa9: {  	s6 =	sadd.s32 @p0 $0x11B8D, s6;
	s7 =	sshll.u32 @p0 s5, $0x11  }
0xaa: {  	s6 =	sor.u32 @p0 s7, s6  }
0xab: {  	[sflag:s6] =	ssyncadd.remote.s32 @p0 $0x1;
	_ =	sdelay $0x1  }
0xac: {  	s6 =	simm.s32 @p0 $0x1B8D  }
0xad: {  	_ =	swait.eq @p0 [sflag:s6], $0x1  }
0xae: {  	[sflag:s6] =	ssyncadd.s32 @p0 $0xFFFFFFFF  }
0xaf: {  	s7 =	sshll.u32 @!p0 s1, $0xE  }
0xb0: {  	s7 =	sor.u32 @!p0 $0x4000, s7;
	s6 =	simm.s32 @!p0 $0x1B8D  }
0xb1: {  	s5 =	sshll.u32 @!p0 s5, $0x11;
	s7 =	sadd.s32 @!p0 $0x11B8D, s7;
	_ =	swait.eq @!p0 [sflag:s6], $0x1  }
0xb2: {  	s5 =	sor.u32 @!p0 s5, s7;
	[sflag:s6] =	ssyncadd.s32 @!p0 $0xFFFFFFFF  }
0xb3: {  	s25 =	simm.s32 $0x1B8E;
	s24 =	sld [smem:$0x3FFE];
	[sflag:s5] =	ssyncadd.remote.s32 @!p0 $0x1  }
0xb4: {  	s26 =	simm.s32 $execute0_lowered;
	[smem:$0x3FD2] =	sst s25  }
0xb5: {  	s6 =	sshll.u32 s26, $0x1;
	_ =	strace $0x80000052;
	[dreg:$0x1] =	wrdreg $0xFFFFFFFF  }
0xb6: {  	s28 =	simm.s32 $_size_execute0_lowered;
	s4 =	sadd.s32 s4, s6;
	[dreg:$0x0] =	wrdreg $0x0  }
0xb7: {  	s6 =	sshll.u32 s28, $0x1;
	[dreg:$0x2] =	wrdreg s4  }
0xb8: {  	[dreg:$0x3] =	wrdreg s6  }
0xb9: {  	[dreg:$0x4] =	wrdreg $0xC0  }
0xba: {  	_ =	task [dreg:s22], $0x5FFFF  }
0xbb: {  	[dreg:$0x1] =	wrdreg $0xFFFFFFFF  }
0xbc: {  	[dreg:$0x0] =	wrdreg $0x60  }
0xbd: {  	[dreg:$0x2] =	wrdreg s18  }
0xbe: {  	[dreg:$0x3] =	wrdreg s24  }
0xbf: {  	[dreg:$0x4] =	wrdreg $0xC  }
0xc0: {  	_ =	task.clear_ibuf [dreg:s22], $0x5FFFF;
	_ =	strace $0x90000052  }
0xc1: {  	s29 =	simm.s32 $0xC;
	_ =	strace $0x80000054  }
0xc2: {  	_ =	swait.ge [sflag:s29], $0x1  }
0xc3: {  	[sflag:s29] =	ssyncadd.s32 $0xFFFFFFFF  }
0xc4: {  	_ =	strace $0x90000054  }
0xc5: {  	_ =	sfence  }
0xc6: {  	s30 =	sld [smem:$0x0];
	_ =	sdelay $0x2  }
0xc7: {  	s31 =	sshll.u32 s1, $0xD;
	s1 =	sshrl.u32 s1, $0x2  }
0xc8: {  	s4 =	sand.u32 $0x4000, s31;
	s1 =	sadd.s32 s1, s30  }
0xc9: {  	s0 =	sor.u32 s4, s0;
	s1 =	sshll.u32 s1, $0x11  }
0xca: {  	s0 =	sor.u32 s1, s0  }
0xcb: {  	s0 =	sadd.s32 $0x8F2B, s0  }
0xcc: {  	[sflag:s0] =	ssyncadd.remote.s32 $0x1  }
0xcd: {  	_ =	sfence.sel $0xFFFF  }
0xce: {  	[dreg:$0x0] =	wrdreg $0xFFFFFFFF;
	(pc) =	sbr.abs _section_cstart, $3  }
0xcf: {  	[dreg:$0x1] =	wrdreg $0xFFFFFFFF  }
0xd0: {  	_ =	task.clear_ibuf [dreg:s22], $0x2FFFF;
	_ =	strace $0x9FFFFFFF  }
0xd1: {  	(tm) =	ssettm $0x7FFFFFFF  }
tec
execute0_lowered:
.L_overlay_start_1:
0x0: {  	(tag) =	ssettag $0x1  }
0x1: {  	s0 =	srdreg.scid;
	s2 =	rddreg [dreg:$0x0]  }
0x2: {  	s3 =	stileid.u32;
	s1 =	rddreg [dreg:$0x1];
	s29 =	simm.s32 $0x8800  }
0x3: {  	s31 =	simm.s32 $0xC800;
	s30 =	simm.s32 $0x3;
	s28 =	simm.s32 $0x4  }
0x4: {  	s0 =	sand.u32 $0x1, s0;
	s4 =	sshll.u32 s3, $0xC;
	s3 =	simm.s32 $0x0  }
0x5: {  	s6 =	simm.s32 $0x0;
	s5 =	sshll.u32 s0, $0xB;
	[smem:$0x7FF] =	sst s3  }
0x6: {  	s0 =	ssub.s32 $0x2, s0;
	s8 =	sor.u32 s5, s4;
	_ =	strace $0x80000053  }
0x7: {  	s26 =	sshrl.u32 s0, $0x1;
	s4 =	sshrl.u32 s8, $0x3;
	s5 =	sshll.u32 s8, $0x4  }
0x8: {  	s0 =	ssub.s32 s0, s26;
	s4 =	sadd.s32 s4, s1;
	s1 =	sadd.s32 s5, s1  }
0x9: {  	s26 =	simm.s32 $0x4800;
	s4 =	sadd.s32 $0x8200, s4;
	s22 =	sadd.s32 $0x30A200, s1  }
0xa: {  	s19 =	smax.u32 s0, $0x1;
	s23 =	sadd.s32 $0x310200, s1;
	s24 =	sadd.s32 $0x310A00, s1  }
0xb: {  	s0 =	simm.s32 $0x1;
	s25 =	sadd.s32 $0x311200, s1;
	s10 =	sadd.s32 $0x311A00, s1  }
0xc: {  	s5 =	simm.s32 $0x5;
	s11 =	sadd.s32 $0x30AA00, s1;
	s12 =	sadd.s32 $0x30B200, s1  }
0xd: {  	s13 =	sadd.s32 $0x30BA00, s1;
	s14 =	sadd.s32 $0x30C200, s1;
	[dreg:$0x3] =	wrdreg s4  }
0xe: {  	s15 =	sadd.s32 $0x30CA00, s1;
	s16 =	sadd.s32 $0x30D200, s1;
	[dreg:$0x4] =	wrdreg s22  }
0xf: {  	s17 =	sadd.s32 $0x30DA00, s1;
	s18 =	sadd.s32 $0x30E200, s1;
	[dreg:$0x5] =	wrdreg s23  }
0x10: {  	s20 =	sadd.s32 $0x30EA00, s1;
	s21 =	sadd.s32 $0x30F200, s1;
	[dreg:$0x6] =	wrdreg s24  }
0x11: {  	[dreg:$0x7] =	wrdreg s25;
	s22 =	sadd.s32 $0x30FA00, s1;
	s23 =	simm.s32 $0x6  }
0x12: {  	v0 =	vlaneseq.u32;
	s24 =	simm.s32 $0x80;
	s25 =	simm.s32 $0x800;
	s1 =	simm.s32 $0x2  }
.LBB2_1:
0x13: {  	s4 =	rddreg [dreg:$0x3]  }
0x14: {  	[tilespmem:s3], [sflag:$0x6] =	stream.linear.gather [hbm4b:s4+s3], $0x800, $0x38;
	[tilespmem:$0x10800] =	vst v63  }
0x15: {  	_ =	swait.ge [sflag:s23], $0x800  }
0x16: {  	[sflag:s23] =	ssyncset.done $0x0  }
0x17: {  	s4 =	simm.s32 $0x0;
	[sflag:s23] =	ssyncadd.s32 $0xFFFFF800  }
0x18: {  	v1 =	vld [tilespmem:s4+$0x0];
	_ =	sdelay $0x4  }
0x19: {  	v2 =	vor.u32 s8, v0;
	vm0 =	vlt.s32 v1, $0x0  }
0x1a: {  	v1 =	vsel vm0, v2, v1  }
0x1b: {  	s7 =	simm.s32 $0x10;
	s9 =	simm.s32 $0x80;
	[tilespmem:s4+$0x0] =	vst v1;
	s4 =	smov.u32 s8  }
.LBB2_2:
0x1c: {  	p0 =	sne.s32 s9, $0x1FC0;
	v1 =	vld [tilespmem:s7+$0x0];
	_ =	sdelay $0x2  }
.Ltmp0:
0x1d: {  	(pc) =	sbr.rel @p0 .LBB2_2-.Ltmp0, $4  }
0x1e: {  	s4 =	sadd.s32 $0x10, s4  }
0x1f: {  	v2 =	vor.u32 s4, v0;
	vm0 =	vlt.s32 v1, $0x0  }
0x20: {  	v1 =	vsel vm0, v2, v1  }
0x21: {  	[tilespmem:s7+$0x0] =	vst v1;
	s7 =	sshra.s32 s9, $0x2;
	s9 =	sadd.s32 $0x40, s9  }
0x22: {  	v1 =	vld [tilespmem:s7+$0x0];
	_ =	sdelay $0x3  }
0x23: {  	s4 =	sadd.s32 $0x10, s4  }
0x24: {  	v2 =	vor.u32 s4, v0;
	vm0 =	vlt.s32 v1, $0x0  }
0x25: {  	v1 =	vsel vm0, v2, v1  }
0x26: {  	[tilespmem:s7+$0x0] =	vst v1  }
0x27: {  	[tilespmem:s25], [sflag:$0x2] =	stream.indirect.gather [hbm4b:s2+s24], $0x80, s3, s24, $0xb8;
	[tilespmem:$0x10800] =	vst v63  }
0x28: {  	_ = 	snop  }
0x29: {  	[tilespmem:s26], [sflag:$0x3] =	stream.indirect.gather [hbm4b:s2+s24], $0x80, s24, s24, $0xb8;
	[tilespmem:$0x10800] =	vst v63  }
0x2a: {  	s7 =	simm.s32 $0x100  }
0x2b: {  	[tilespmem:s29], [sflag:$0x4] =	stream.indirect.gather [hbm4b:s2+s24], $0x80, s7, s24, $0xb8;
	[tilespmem:$0x10800] =	vst v63  }
0x2c: {  	s9 =	simm.s32 $0x180  }
0x2d: {  	[tilespmem:s31], [sflag:$0x5] =	stream.indirect.gather [hbm4b:s2+s24], $0x80, s9, s24, $0xb8;
	[tilespmem:$0x10800] =	vst v63  }
0x2e: {  	_ =	swait.ge [sflag:s1], $0x4000  }
0x2f: {  	[sflag:s1] =	ssyncset.done $0x0  }
0x30: {  	s7 =	rddreg [dreg:$0x4];
	[sflag:s1] =	ssyncadd.s32 $0xFFFFC000  }
0x31: {  	[hbm4b:s7+s3] =	stream.linear.scatter [tilespmem:s25], [sflag:$0x1], $0x4000, $0x38;
	[tilespmem:$0x10800] =	vst v63  }
0x32: {  	_ =	swait.ge [sflag:s0], $0x4000  }
0x33: {  	[sflag:s0] =	ssyncset.done $0x0  }
0x34: {  	s9 =	simm.s32 $0x200;
	[sflag:s0] =	ssyncadd.s32 $0xFFFFC000  }
0x35: {  	[tilespmem:s25], [sflag:$0x2] =	stream.indirect.gather [hbm4b:s2+s24], $0x80, s9, s24, $0xb8;
	[tilespmem:$0x10800] =	vst v63  }
0x36: {  	_ =	swait.ge [sflag:s30], $0x4000  }
0x37: {  	[sflag:s30] =	ssyncset.done $0x0  }
0x38: {  	[sflag:s30] =	ssyncadd.s32 $0xFFFFC000  }
0x39: {  	[hbm4b:s11+s3] =	stream.linear.scatter [tilespmem:s26], [sflag:$0x1], $0x4000, $0x38;
	[tilespmem:$0x10800] =	vst v63  }
0x3a: {  	_ =	swait.ge [sflag:s0], $0x4000  }
0x3b: {  	[sflag:s0] =	ssyncset.done $0x0  }
0x3c: {  	s7 =	simm.s32 $0x280;
	[sflag:s0] =	ssyncadd.s32 $0xFFFFC000  }
0x3d: {  	[tilespmem:s26], [sflag:$0x3] =	stream.indirect.gather [hbm4b:s2+s24], $0x80, s7, s24, $0xb8;
	[tilespmem:$0x10800] =	vst v63  }
0x3e: {  	_ =	swait.ge [sflag:s28], $0x4000  }
0x3f: {  	[sflag:s28] =	ssyncset.done $0x0  }
0x40: {  	[sflag:s28] =	ssyncadd.s32 $0xFFFFC000  }
0x41: {  	[hbm4b:s12+s3] =	stream.linear.scatter [tilespmem:s29], [sflag:$0x1], $0x4000, $0x38;
	[tilespmem:$0x10800] =	vst v63  }
0x42: {  	_ =	swait.ge [sflag:s0], $0x4000  }
0x43: {  	[sflag:s0] =	ssyncset.done $0x0  }
0x44: {  	s9 =	simm.s32 $0x300;
	[sflag:s0] =	ssyncadd.s32 $0xFFFFC000  }
0x45: {  	[tilespmem:s29], [sflag:$0x4] =	stream.indirect.gather [hbm4b:s2+s24], $0x80, s9, s24, $0xb8;
	[tilespmem:$0x10800] =	vst v63  }
0x46: {  	_ =	swait.ge [sflag:s5], $0x4000  }
0x47: {  	[sflag:s5] =	ssyncset.done $0x0  }
0x48: {  	[sflag:s5] =	ssyncadd.s32 $0xFFFFC000  }
0x49: {  	[hbm4b:s13+s3] =	stream.linear.scatter [tilespmem:s31], [sflag:$0x1], $0x4000, $0x38;
	[tilespmem:$0x10800] =	vst v63  }
0x4a: {  	_ =	swait.ge [sflag:s0], $0x4000  }
0x4b: {  	[sflag:s0] =	ssyncset.done $0x0  }
0x4c: {  	s7 =	simm.s32 $0x380;
	[sflag:s0] =	ssyncadd.s32 $0xFFFFC000  }
0x4d: {  	[tilespmem:s31], [sflag:$0x5] =	stream.indirect.gather [hbm4b:s2+s24], $0x80, s7, s24, $0xb8;
	[tilespmem:$0x10800] =	vst v63  }
0x4e: {  	_ =	swait.ge [sflag:s1], $0x4000  }
0x4f: {  	[sflag:s1] =	ssyncset.done $0x0  }
0x50: {  	[sflag:s1] =	ssyncadd.s32 $0xFFFFC000  }
0x51: {  	[hbm4b:s14+s3] =	stream.linear.scatter [tilespmem:s25], [sflag:$0x1], $0x4000, $0x38;
	[tilespmem:$0x10800] =	vst v63  }
0x52: {  	_ =	swait.ge [sflag:s0], $0x4000  }
0x53: {  	[sflag:s0] =	ssyncset.done $0x0  }
0x54: {  	s9 =	simm.s32 $0x400;
	[sflag:s0] =	ssyncadd.s32 $0xFFFFC000  }
0x55: {  	[tilespmem:s25], [sflag:$0x2] =	stream.indirect.gather [hbm4b:s2+s24], $0x80, s9, s24, $0xb8;
	[tilespmem:$0x10800] =	vst v63  }
0x56: {  	_ =	swait.ge [sflag:s30], $0x4000  }
0x57: {  	[sflag:s30] =	ssyncset.done $0x0  }
0x58: {  	[sflag:s30] =	ssyncadd.s32 $0xFFFFC000  }
0x59: {  	[hbm4b:s15+s3] =	stream.linear.scatter [tilespmem:s26], [sflag:$0x1], $0x4000, $0x38;
	[tilespmem:$0x10800] =	vst v63  }
0x5a: {  	_ =	swait.ge [sflag:s0], $0x4000  }
0x5b: {  	[sflag:s0] =	ssyncset.done $0x0  }
0x5c: {  	s7 =	simm.s32 $0x480;
	[sflag:s0] =	ssyncadd.s32 $0xFFFFC000  }
0x5d: {  	[tilespmem:s26], [sflag:$0x3] =	stream.indirect.gather [hbm4b:s2+s24], $0x80, s7, s24, $0xb8;
	[tilespmem:$0x10800] =	vst v63  }
0x5e: {  	_ =	swait.ge [sflag:s28], $0x4000  }
0x5f: {  	[sflag:s28] =	ssyncset.done $0x0  }
0x60: {  	[sflag:s28] =	ssyncadd.s32 $0xFFFFC000  }
0x61: {  	[hbm4b:s16+s3] =	stream.linear.scatter [tilespmem:s29], [sflag:$0x1], $0x4000, $0x38;
	[tilespmem:$0x10800] =	vst v63  }
0x62: {  	_ =	swait.ge [sflag:s0], $0x4000  }
0x63: {  	[sflag:s0] =	ssyncset.done $0x0  }
0x64: {  	s9 =	simm.s32 $0x500;
	[sflag:s0] =	ssyncadd.s32 $0xFFFFC000  }
0x65: {  	[tilespmem:s29], [sflag:$0x4] =	stream.indirect.gather [hbm4b:s2+s24], $0x80, s9, s24, $0xb8;
	[tilespmem:$0x10800] =	vst v63  }
0x66: {  	_ =	swait.ge [sflag:s5], $0x4000  }
0x67: {  	[sflag:s5] =	ssyncset.done $0x0  }
0x68: {  	[sflag:s5] =	ssyncadd.s32 $0xFFFFC000  }
0x69: {  	[hbm4b:s17+s3] =	stream.linear.scatter [tilespmem:s31], [sflag:$0x1], $0x4000, $0x38;
	[tilespmem:$0x10800] =	vst v63  }
0x6a: {  	_ =	swait.ge [sflag:s0], $0x4000  }
0x6b: {  	[sflag:s0] =	ssyncset.done $0x0  }
0x6c: {  	s7 =	simm.s32 $0x580;
	[sflag:s0] =	ssyncadd.s32 $0xFFFFC000  }
0x6d: {  	[tilespmem:s31], [sflag:$0x5] =	stream.indirect.gather [hbm4b:s2+s24], $0x80, s7, s24, $0xb8;
	[tilespmem:$0x10800] =	vst v63  }
0x6e: {  	_ =	swait.ge [sflag:s1], $0x4000  }
0x6f: {  	[sflag:s1] =	ssyncset.done $0x0  }
0x70: {  	[sflag:s1] =	ssyncadd.s32 $0xFFFFC000  }
0x71: {  	[hbm4b:s18+s3] =	stream.linear.scatter [tilespmem:s25], [sflag:$0x1], $0x4000, $0x38;
	[tilespmem:$0x10800] =	vst v63  }
0x72: {  	_ =	swait.ge [sflag:s0], $0x4000  }
0x73: {  	[sflag:s0] =	ssyncset.done $0x0  }
0x74: {  	s9 =	simm.s32 $0x600;
	[sflag:s0] =	ssyncadd.s32 $0xFFFFC000  }
0x75: {  	[tilespmem:s25], [sflag:$0x2] =	stream.indirect.gather [hbm4b:s2+s24], $0x80, s9, s24, $0xb8;
	[tilespmem:$0x10800] =	vst v63  }
0x76: {  	_ =	swait.ge [sflag:s30], $0x4000  }
0x77: {  	[sflag:s30] =	ssyncset.done $0x0  }
0x78: {  	[sflag:s30] =	ssyncadd.s32 $0xFFFFC000  }
0x79: {  	[hbm4b:s20+s3] =	stream.linear.scatter [tilespmem:s26], [sflag:$0x1], $0x4000, $0x38;
	[tilespmem:$0x10800] =	vst v63  }
0x7a: {  	_ =	swait.ge [sflag:s0], $0x4000  }
0x7b: {  	[sflag:s0] =	ssyncset.done $0x0  }
0x7c: {  	s7 =	simm.s32 $0x680;
	[sflag:s0] =	ssyncadd.s32 $0xFFFFC000  }
0x7d: {  	[tilespmem:s26], [sflag:$0x3] =	stream.indirect.gather [hbm4b:s2+s24], $0x80, s7, s24, $0xb8;
	[tilespmem:$0x10800] =	vst v63  }
0x7e: {  	_ =	swait.ge [sflag:s28], $0x4000  }
0x7f: {  	[sflag:s28] =	ssyncset.done $0x0  }
0x80: {  	[sflag:s28] =	ssyncadd.s32 $0xFFFFC000  }
0x81: {  	[hbm4b:s21+s3] =	stream.linear.scatter [tilespmem:s29], [sflag:$0x1], $0x4000, $0x38;
	[tilespmem:$0x10800] =	vst v63  }
0x82: {  	_ =	swait.ge [sflag:s0], $0x4000  }
0x83: {  	[sflag:s0] =	ssyncset.done $0x0  }
0x84: {  	s9 =	simm.s32 $0x700;
	[sflag:s0] =	ssyncadd.s32 $0xFFFFC000  }
0x85: {  	[tilespmem:s29], [sflag:$0x4] =	stream.indirect.gather [hbm4b:s2+s24], $0x80, s9, s24, $0xb8;
	[tilespmem:$0x10800] =	vst v63  }
0x86: {  	_ =	swait.ge [sflag:s5], $0x4000  }
0x87: {  	[sflag:s5] =	ssyncset.done $0x0  }
0x88: {  	[sflag:s5] =	ssyncadd.s32 $0xFFFFC000  }
0x89: {  	[hbm4b:s22+s3] =	stream.linear.scatter [tilespmem:s31], [sflag:$0x1], $0x4000, $0x38;
	[tilespmem:$0x10800] =	vst v63  }
0x8a: {  	_ =	swait.ge [sflag:s0], $0x4000  }
0x8b: {  	[sflag:s0] =	ssyncset.done $0x0  }
0x8c: {  	s7 =	simm.s32 $0x780;
	[sflag:s0] =	ssyncadd.s32 $0xFFFFC000  }
0x8d: {  	[tilespmem:s31], [sflag:$0x5] =	stream.indirect.gather [hbm4b:s2+s24], $0x80, s7, s24, $0xb8;
	[tilespmem:$0x10800] =	vst v63  }
0x8e: {  	_ =	swait.ge [sflag:s1], $0x4000  }
0x8f: {  	[sflag:s1] =	ssyncset.done $0x0  }
0x90: {  	s9 =	rddreg [dreg:$0x5];
	[sflag:s1] =	ssyncadd.s32 $0xFFFFC000  }
0x91: {  	[hbm4b:s9+s3] =	stream.linear.scatter [tilespmem:s25], [sflag:$0x1], $0x4000, $0x38;
	[tilespmem:$0x10800] =	vst v63  }
0x92: {  	_ =	swait.ge [sflag:s0], $0x4000  }
0x93: {  	[sflag:s0] =	ssyncset.done $0x0  }
0x94: {  	[sflag:s0] =	ssyncadd.s32 $0xFFFFC000  }
0x95: {  	_ =	swait.ge [sflag:s30], $0x4000  }
0x96: {  	[sflag:s30] =	ssyncset.done $0x0  }
0x97: {  	s7 =	rddreg [dreg:$0x6];
	[sflag:s30] =	ssyncadd.s32 $0xFFFFC000  }
0x98: {  	[hbm4b:s7+s3] =	stream.linear.scatter [tilespmem:s26], [sflag:$0x1], $0x4000, $0x38;
	[tilespmem:$0x10800] =	vst v63  }
0x99: {  	_ =	swait.ge [sflag:s0], $0x4000  }
0x9a: {  	[sflag:s0] =	ssyncset.done $0x0  }
0x9b: {  	[sflag:s0] =	ssyncadd.s32 $0xFFFFC000  }
0x9c: {  	_ =	swait.ge [sflag:s28], $0x4000  }
0x9d: {  	[sflag:s28] =	ssyncset.done $0x0  }
0x9e: {  	s9 =	rddreg [dreg:$0x7];
	[sflag:s28] =	ssyncadd.s32 $0xFFFFC000  }
0x9f: {  	[hbm4b:s9+s3] =	stream.linear.scatter [tilespmem:s29], [sflag:$0x1], $0x4000, $0x38;
	[tilespmem:$0x10800] =	vst v63  }
0xa0: {  	_ =	swait.ge [sflag:s0], $0x4000  }
0xa1: {  	[sflag:s0] =	ssyncset.done $0x0  }
0xa2: {  	[sflag:s0] =	ssyncadd.s32 $0xFFFFC000  }
0xa3: {  	s6 =	sadd.s32 $0x1, s6;
	_ =	swait.ge [sflag:s5], $0x4000  }
0xa4: {  	p0 =	sne.s32 s6, s19;
	[sflag:s5] =	ssyncset.done $0x0  }
.Ltmp1:
0xa5: {  	[sflag:s5] =	ssyncadd.s32 $0xFFFFC000;
	(pc) =	sbr.rel @p0 .LBB2_1-.Ltmp1, $4  }
0xa6: {  	[hbm4b:s10+s3] =	stream.linear.scatter [tilespmem:s31], [sflag:$0x1], $0x4000, $0x38;
	[tilespmem:$0x10800] =	vst v63  }
0xa7: {  	_ =	swait.ge [sflag:s0], $0x4000  }
0xa8: {  	[sflag:s0] =	ssyncset.done $0x0  }
0xa9: {  	[sflag:s0] =	ssyncadd.s32 $0xFFFFC000  }
0xaa: {  	_ =	sfence.sel $0x180000  }
0xab: {  	[bflag:$0x0] =	sbarrier.arrive $0xFFFF  }
0xac: {  	_ =	strace $0x90000053  }
0xad: {  	s0 =	stileid.u32;
	[bflag:$0x2] =	sbarrier.arrive $0xFFFF  }
0xae: {  	p0 =	sne.s32 s0, $0x0;
	s0 =	rddreg [dreg:$0x2]  }
0xaf: {  	s0 =	sadd.s32 @!p0 $0x100000, s0  }
0xb0: {  	[sflag:s0] =	ssyncadd.tile.s32 @!p0 $0x1;
	_ =	shalt  }
.Lfunc_end2:
_tile_overlayer_lowered:
.L_overlay_start_2:
0xb1: {  	(tag) =	ssettag $0x2  }
0xb2: {  	s0 =	rddreg [dreg:$0x0];
	s2 =	stileid.u32  }
0xb3: {  	s1 =	rddreg [dreg:$0x1];
	p0 =	sne.s32 s2, $0x0  }
0xb4: {  	s3 =	rddreg [dreg:$0x2];
	[bflag:$0x3] =	sbarrier.arrive $0xFFFF;
	s2 =	simm.s32 @!p0 $0x1C06  }
0xb5: {  	[timem:s3], [sflag:s2] =	dma.local @!p0 [hbm:s0], s1  }
0xb6: {  	s0 =	simm.s32 @!p0 $0x6  }
0xb7: {  	_ =	swait.ge @!p0 [sflag:s0], s1  }
0xb8: {  	s1 =	ssub.s32 @!p0 $0x0, s1;
	[sflag:s0] =	ssyncset.done @!p0 $0x0  }
0xb9: {  	[sflag:s0] =	ssyncadd.s32 @!p0 s1  }
0xba: {  	[bflag:$0x3] =	sbarrier.arrive $0xFFFF  }
0xbb: {  	_ =	shalt  }

</sc_bundles>
